<compile_context>
chip_gen: v7x
topology: tpu7x:2x2x1
jax: 0.10.2.dev20260603
libtpu: 0.0.44.dev20260713+nightly
codegen_flags: <defaults>
</compile_context>

<pallas_src>
import functools

import jax
import jax.numpy as jnp
from jax import lax
from jax.experimental import pallas as pl
from jax.experimental.pallas import tpu as pltpu
from jax.experimental.pallas import tpu_sc as plsc

_N = 50000
_CIN = 128
_COUT = 16
_OUTS = (998, 998, 38)
_KVOL = 27
_M = _N * _KVOL
_BIG = _OUTS[0] * _OUTS[1] * _OUTS[2]
_NW = 32
_S = 128
_C = 42240
_EPAD = _NW * _C
_MALLOC = _M + _NW
_FR = 42240
_ROWBLK = 1000


def _mm_body(x_ref, w_ref, o_ref):
    o_ref[...] = jnp.dot(x_ref[...], w_ref[...],
                         preferred_element_type=jnp.float32)


def _matmul(x, wflat):
    return pl.pallas_call(
        _mm_body,
        grid=(_N // _ROWBLK,),
        in_specs=[
            pl.BlockSpec((_ROWBLK, _CIN), lambda i: (i, 0)),
            pl.BlockSpec((_CIN, _KVOL * _COUT), lambda i: (0, 0)),
        ],
        out_specs=pl.BlockSpec((_ROWBLK, _KVOL * _COUT), lambda i: (i, 0)),
        out_shape=jax.ShapeDtypeStruct((_N, _KVOL * _COUT), jnp.float32),
    )(x, wflat)


def _sc_body(nc,
             sk_hbm, rk_hbm, od_hbm, p_hbm, meta_hbm, bias_hbm,
             fillz_hbm, fillb_hbm,
             out_hbm, uniq_hbm,
             meta_v, bias_v, sk_v, rk_v, od_v, rows_v, acc_v, ukeys_v,
             idx_v, fillz_v, fillb_v,
             sem_g, sem_s1, sem_s2, sem_s3, sem_s4):
    wid = lax.axis_index("s") * nc + lax.axis_index("c")
    pltpu.sync_copy(meta_hbm.at[wid], meta_v)
    pltpu.sync_copy(bias_hbm, bias_v)
    pltpu.sync_copy(fillz_hbm, fillz_v)
    pltpu.sync_copy(fillb_hbm, fillb_v)

    mv = meta_v[...]
    j0 = mv[0]
    jend = mv[1]
    rlo = mv[2]
    rhi = mv[3]
    nsub = mv[4]
    u_cnt = mv[5]
    bnz = mv[6]
    dump = _M + wid
    iota = lax.iota(jnp.int32, 16)
    zeros16i = jnp.zeros((16,), jnp.int32)
    zerorow = jnp.zeros((16,), jnp.float32)
    biasvec = bias_v[...]

    def subchunk(k, carry):
        c_row, c_rank, c_key = carry
        jb = pl.multiple_of(j0 + k * _S, 8)
        cp_sk = pltpu.async_copy(sk_hbm.at[pl.ds(jb, _S + 16)], sk_v, sem_s3)
        cp_rk = pltpu.async_copy(rk_hbm.at[pl.ds(jb, _S + 16)], rk_v, sem_s4)
        pltpu.sync_copy(od_hbm.at[pl.ds(jb, _S)], od_v)
        cp_g = pltpu.async_copy(p_hbm.at[od_v], rows_v, sem_g)
        cp_sk.wait()
        cp_rk.wait()
        cp_g.wait()
        rbase = rk_v[pl.ds(0, 16)][0]

        @pl.when(k > 0)
        def _():
            pltpu.make_async_copy(acc_v, out_hbm.at[idx_v], sem_s1).wait()
            pltpu.make_async_copy(ukeys_v, uniq_hbm.at[idx_v], sem_s2).wait()

        @plsc.parallel_loop(0, _S // 16, unroll=2)
        def _(g):
            for lane in range(16):
                plsc.store_scatter(
                    acc_v, [jnp.broadcast_to(g * 16 + lane, (16,)), iota],
                    zerorow)

        cmv = jnp.broadcast_to(c_rank == rbase, (16,))
        plsc.store_scatter(acc_v, [zeros16i, iota], c_row, mask=cmv)
        plsc.store_scatter(ukeys_v, [zeros16i],
                           jnp.broadcast_to(c_key, (16,)), mask=cmv)

        @plsc.parallel_loop(0, _S // 16, unroll=4)
        def _(g):
            rk16 = rk_v[pl.ds(g * 16, 16)]
            sk16 = sk_v[pl.ds(g * 16, 16)]
            for lane in range(16):
                r = rk16[lane]
                key = sk16[lane]
                base_m = ((jb + g * 16 + lane) < jend) & (r >= rlo)
                lv = jnp.broadcast_to(r - rbase, (16,))
                rowvals = plsc.load_gather(
                    rows_v, [jnp.broadcast_to(g * 16 + lane, (16,)), iota])
                am = jnp.broadcast_to(base_m & (key < _BIG), (16,))
                um = jnp.broadcast_to(base_m, (16,))
                plsc.addupdate_scatter(acc_v, [lv, iota], rowvals, mask=am)
                plsc.store_scatter(ukeys_v, [lv],
                                   jnp.broadcast_to(key, (16,)), mask=um)

        tailr = rk_v[pl.ds(_S - 1, 16)]
        r_last = tailr[0]
        r_next = tailr[1]
        hi = jnp.where(k == nsub - 1, rhi,
                       jnp.where(r_next != r_last, r_last + 1, r_last))

        c_row2 = plsc.load_gather(
            acc_v, [jnp.broadcast_to(r_last - rbase, (16,)), iota])

        def bidx(i16, _):
            vals = rbase + i16 * 16 + iota
            m = (vals >= rlo) & (vals < hi)
            plsc.store_scatter(idx_v, [i16 * 16 + iota],
                               jnp.where(m, vals, dump))
            return 0

        lax.fori_loop(0, 8, bidx, 0)

        @pl.when(bnz != 0)
        def _():
            @plsc.parallel_loop(0, _S // 16, unroll=2)
            def _(g):
                for lane in range(16):
                    plsc.addupdate_scatter(
                        acc_v, [jnp.broadcast_to(g * 16 + lane, (16,)), iota],
                        biasvec)

        pltpu.async_copy(acc_v, out_hbm.at[idx_v], sem_s1)
        pltpu.async_copy(ukeys_v, uniq_hbm.at[idx_v], sem_s2)

        return (c_row2, r_last, sk_v[pl.ds(_S - 1, 16)][0])

    init = (jnp.zeros((16,), jnp.float32), jnp.int32(-1), jnp.int32(-1))
    lax.fori_loop(0, nsub, subchunk, init)

    @pl.when(nsub > 0)
    def _():
        pltpu.make_async_copy(acc_v, out_hbm.at[idx_v], sem_s1).wait()
        pltpu.make_async_copy(ukeys_v, uniq_hbm.at[idx_v], sem_s2).wait()

    fbase = wid * _FR

    def fill(u, _):
        base = fbase + u * _S

        @pl.when(~((base + _S <= u_cnt) | (base >= _M)))
        def _():
            def fidx(i16, _2):
                vals = base + i16 * 16 + iota
                m = (vals >= u_cnt) & (vals < _M)
                plsc.store_scatter(idx_v, [i16 * 16 + iota],
                                   jnp.where(m, vals, dump))
                return 0

            lax.fori_loop(0, 8, fidx, 0)
            cp_o = pltpu.async_copy(fillz_v, out_hbm.at[idx_v], sem_s1)
            cp_u = pltpu.async_copy(fillb_v, uniq_hbm.at[idx_v], sem_s2)
            cp_o.wait()
            cp_u.wait()

        return 0

    lax.fori_loop(0, _FR // _S, fill, 0)


def kernel(input, coords, W, bias):
    x = input.astype(jnp.float32)
    wflat = jnp.transpose(W.astype(jnp.float32), (1, 0, 2)).reshape(
        _CIN, _KVOL * _COUT)
    p = _matmul(x, wflat).reshape(_M, _COUT)

    sp = coords[:, 1:4].astype(jnp.int32)
    ar = jnp.arange(3, dtype=jnp.int32)
    offs = jnp.stack(jnp.meshgrid(ar, ar, ar, indexing="ij"),
                     axis=-1).reshape(_KVOL, 3)
    cand = sp[:, None, :] - offs[None, :, :]
    valid = jnp.all((cand >= 0) & (cand < jnp.array(_OUTS, jnp.int32)),
                    axis=-1)
    keys = (cand[..., 0] * _OUTS[1] + cand[..., 1]) * _OUTS[2] + cand[..., 2]
    keys = jnp.where(valid, keys, _BIG).reshape(-1).astype(jnp.int32)

    keys_p = jnp.concatenate(
        [keys, jnp.full((_EPAD - _M,), _BIG, jnp.int32)])
    pay = jnp.concatenate(
        [jnp.arange(_M, dtype=jnp.int32), jnp.zeros((_EPAD - _M,), jnp.int32)])
    sk, od = lax.sort((keys_p, pay), num_keys=1)
    ns = jnp.concatenate(
        [jnp.ones((1,), jnp.int32), (sk[1:] != sk[:-1]).astype(jnp.int32)])
    rk = jnp.cumsum(ns).astype(jnp.int32) - 1
    u_cnt = rk[-1]

    st = jnp.arange(_NW, dtype=jnp.int32) * _C
    cont = (st > 0) & (sk[st] == sk[jnp.maximum(st - 1, 0)])
    rlo = jnp.minimum(rk[st] + cont.astype(jnp.int32), u_cnt)
    rhi = jnp.minimum(jnp.concatenate([rlo[1:], u_cnt[None] + 1]), u_cnt)
    jskip = jnp.searchsorted(rk, rlo, side="left").astype(jnp.int32)
    jendx = jnp.searchsorted(rk, rhi, side="left").astype(jnp.int32)
    j0 = jskip & ~jnp.int32(7)
    nsub = jnp.where(rlo < rhi, (jendx - j0 + _S - 1) // _S, 0)

    meta = jnp.zeros((_NW, 16), jnp.int32)
    meta = meta.at[:, 0].set(j0)
    meta = meta.at[:, 1].set(jendx)
    meta = meta.at[:, 2].set(rlo)
    meta = meta.at[:, 3].set(rhi)
    meta = meta.at[:, 4].set(nsub)
    meta = meta.at[:, 5].set(u_cnt)
    meta = meta.at[:, 6].set(jnp.any(bias != 0).astype(jnp.int32))

    ske = jnp.concatenate([sk, jnp.full((_S + 16,), _BIG, jnp.int32)])
    rke = jnp.concatenate([rk, jnp.broadcast_to(u_cnt, (_S + 16,))])
    ode = jnp.concatenate([od, jnp.zeros((_S + 16,), jnp.int32)])

    fillz = jnp.zeros((_S, _COUT), jnp.float32)
    fillb = jnp.full((_S,), _BIG, jnp.int32)

    info = plsc.get_sparse_core_info()
    nc = info.num_cores
    mesh = plsc.VectorSubcoreMesh(core_axis_name="c", subcore_axis_name="s")
    sc = pl.kernel(
        functools.partial(_sc_body, nc),
        out_type=[
            jax.ShapeDtypeStruct((_MALLOC, _COUT), jnp.float32),
            jax.ShapeDtypeStruct((_MALLOC,), jnp.int32),
        ],
        mesh=mesh,
        compiler_params=pltpu.CompilerParams(needs_layout_passes=False,
                                             use_tc_tiling_on_sc=False),
        scratch_types=[
            pltpu.VMEM((16,), jnp.int32),
            pltpu.VMEM((16,), jnp.float32),
            pltpu.VMEM((_S + 16,), jnp.int32),
            pltpu.VMEM((_S + 16,), jnp.int32),
            pltpu.VMEM((_S,), jnp.int32),
            pltpu.VMEM((_S, _COUT), jnp.float32),
            pltpu.VMEM((_S, _COUT), jnp.float32),
            pltpu.VMEM((_S,), jnp.int32),
            pltpu.VMEM((_S,), jnp.int32),
            pltpu.VMEM((_S, _COUT), jnp.float32),
            pltpu.VMEM((_S,), jnp.int32),
            pltpu.SemaphoreType.DMA,
            pltpu.SemaphoreType.DMA,
            pltpu.SemaphoreType.DMA,
            pltpu.SemaphoreType.DMA,
            pltpu.SemaphoreType.DMA,
        ],
    )
    out_full, uniq_full = sc(ske, rke, ode, p, meta,
                             bias.astype(jnp.float32), fillz, fillb)
    return out_full[:_M], uniq_full[:_M]

# --- scband reference (transcript-rebuilt; emitter-appended) ---
"""Pipeline reference for scband-net-16896401343212 (READ-ONLY COPY).

The authoritative reference and input builder live on the scoring server;
editing this copy changes nothing except your own understanding.
"""

import jax, jax.numpy as jnp
import numpy as np

N = 50000
CIN = 128
COUT = 16
SPATIAL = (1000, 1000, 40)
OUT = (998, 998, 38)  # stride 1, padding 0, kernel 3 per spatial dim (the size-1 4th kernel dim is trivial)
KVOL = 27
M = N * KVOL
BIG = OUT[0] * OUT[1] * OUT[2]  # sentinel key larger than any valid linearized output coord


def setup_inputs(seed: int = 0) -> dict:
    key = jax.random.key(seed)
    k1, k2, k3, k4, k5 = jax.random.split(key, 5)
    feats = jax.random.normal(k1, (N, CIN), dtype=jnp.float32)
    b = jnp.zeros((N, 1), dtype=jnp.int32)
    x = jax.random.randint(k2, (N, 1), 0, SPATIAL[0], dtype=jnp.int32)
    y = jax.random.randint(k3, (N, 1), 0, SPATIAL[1], dtype=jnp.int32)
    z = jax.random.randint(k4, (N, 1), 0, SPATIAL[2], dtype=jnp.int32)
    coords = jnp.concatenate([b, x, y, z], axis=1)  # [N, 4]: (batch, d0, d1, d2)
    # spconv weight: (*kernel_size, in_channels, out_channels) = (1,3,3,3,CIN,COUT) -> flatten kernel to 27
    W = jax.random.normal(k5, (KVOL, CIN, COUT), dtype=jnp.float32) * 0.05
    bias = jnp.zeros((COUT,), dtype=jnp.float32)
    return {"input": feats, "coords": coords, "W": W, "bias": bias}


def reference(input, coords, W, bias):
    # Regular (non-submanifold) sparse 3D convolution, stride=1, padding=0.
    # Output active site o exists iff some input site i = o + k for a kernel offset k.
    sp = coords[:, 1:4].astype(jnp.int64)  # [N, 3]
    offs = jnp.stack(
        jnp.meshgrid(jnp.arange(3), jnp.arange(3), jnp.arange(3), indexing="ij"), axis=-1
    ).reshape(KVOL, 3).astype(jnp.int64)
    cand = sp[:, None, :] - offs[None, :, :]  # [N, 27, 3] candidate output coords
    out_shape = jnp.array(OUT, dtype=jnp.int64)
    valid = jnp.all((cand >= 0) & (cand < out_shape), axis=-1)  # [N, 27]
    keys = (cand[..., 0] * OUT[1] + cand[..., 1]) * OUT[2] + cand[..., 2]  # [N, 27]
    keys = jnp.where(valid, keys, BIG)
    uniq = jnp.unique(keys.reshape(-1), size=M, fill_value=BIG)  # sorted unique output keys, padded
    idx = jnp.searchsorted(uniq, keys)  # [N, 27] -> row in output table
    scatter_idx = jnp.where(valid, idx, M)  # route invalid contributions to dump row
    out = jnp.zeros((M + 1, COUT), dtype=jnp.float32)
    for k in range(KVOL):
        contrib = input @ W[k]  # [N, COUT]
        out = out.at[scatter_idx[:, k]].add(contrib)
    out = out[:M]
    mask = (uniq < BIG).astype(jnp.float32)  # real output rows
    feats_out = out + bias[None, :] * mask[:, None]
    return feats_out, uniq

if __name__ == "__main__":
    import jax
    _d = setup_inputs()
    print(jax.jit(kernel)(*tuple(_d.values())))

</pallas_src>

<mosaic_0001>
#map = affine_map<(d0, d1) -> (0)>
#map1 = affine_map<(d0, d1) -> (0, 0)>
module attributes {stable_mosaic.version = 14 : i64} {
  func.func @_sc_body(%arg0: i32, %arg1: i32, %arg2: memref<1351824xi32, #tpu.memory_space<hbm>>, %arg3: memref<1351824xi32, #tpu.memory_space<hbm>>, %arg4: memref<1351824xi32, #tpu.memory_space<hbm>>, %arg5: memref<1350000x16xf32, #tpu.memory_space<hbm>>, %arg6: memref<32x16xi32, #tpu.memory_space<hbm>>, %arg7: memref<16xf32, #tpu.memory_space<hbm>>, %arg8: memref<128x16xf32, #tpu.memory_space<hbm>>, %arg9: memref<128xi32, #tpu.memory_space<hbm>>, %arg10: memref<1350032x16xf32, #tpu.memory_space<hbm>>, %arg11: memref<1350032xi32, #tpu.memory_space<hbm>>, %arg12: memref<16xi32, #tpu.memory_space<vmem>>, %arg13: memref<16xf32, #tpu.memory_space<vmem>>, %arg14: memref<144xi32, #tpu.memory_space<vmem>>, %arg15: memref<144xi32, #tpu.memory_space<vmem>>, %arg16: memref<128xi32, #tpu.memory_space<vmem>>, %arg17: memref<128x16xf32, #tpu.memory_space<vmem>>, %arg18: memref<128x16xf32, #tpu.memory_space<vmem>>, %arg19: memref<128xi32, #tpu.memory_space<vmem>>, %arg20: memref<128xi32, #tpu.memory_space<vmem>>, %arg21: memref<128x16xf32, #tpu.memory_space<vmem>>, %arg22: memref<128xi32, #tpu.memory_space<vmem>>, %arg23: memref<!tpu.dma_semaphore, #tpu.memory_space<semaphore_mem>>, %arg24: memref<!tpu.dma_semaphore, #tpu.memory_space<semaphore_mem>>, %arg25: memref<!tpu.dma_semaphore, #tpu.memory_space<semaphore_mem>>, %arg26: memref<!tpu.dma_semaphore, #tpu.memory_space<semaphore_mem>>, %arg27: memref<!tpu.dma_semaphore, #tpu.memory_space<semaphore_mem>>) attributes {dimension_semantics = [#tpu.dimension_semantics<core_parallel>, #tpu.dimension_semantics<subcore_parallel>], iteration_bounds = array<i64: 2, 16>, scalar_prefetch = 0 : i64, scratch_operands = 16 : i64, tpu.core_type = #tpu.core_type<sc_vector_subcore>, window_params = [{transform_indices = #map}, {transform_indices = #map}, {transform_indices = #map}, {transform_indices = #map1}, {transform_indices = #map1}, {transform_indices = #map}, {transform_indices = #map1}, {transform_indices = #map}, {transform_indices = #map1}, {transform_indices = #map}]} {
    %mul3A = arith.constant 2 : i32
    %mul3A_0 = arith.muli %arg1, %mul3A : i32
    %add3A = arith.addi %mul3A_0, %arg0 : i32
    "tpu.region"() ({
      %run_scoped3A = tpu.sem_alloc : memref<!tpu.dma_semaphore, #tpu.memory_space<semaphore_mem>>
      %dma_start3A = arith.constant 0 : i32
      %dma_start3A_45 = tpu.memref_slice %arg6[%add3A, %dma_start3A] : memref<32x16xi32, #tpu.memory_space<hbm>> -> memref<1x16xi32, #tpu.memory_space<hbm>>
      %dma_start3A_46 = tpu.memref_squeeze %dma_start3A_45 : memref<1x16xi32, #tpu.memory_space<hbm>> -> memref<16xi32, #tpu.memory_space<hbm>>
      %dma_start3A_47 = arith.constant 0 : i32
      %dma_start3A_48 = tpu.memref_slice %arg6[%add3A, %dma_start3A_47] : memref<32x16xi32, #tpu.memory_space<hbm>> -> memref<1x16xi32, #tpu.memory_space<hbm>>
      %dma_start3A_49 = tpu.memref_squeeze %dma_start3A_48 : memref<1x16xi32, #tpu.memory_space<hbm>> -> memref<16xi32, #tpu.memory_space<hbm>>
      tpu.enqueue_dma source(%dma_start3A_49 : memref<16xi32, #tpu.memory_space<hbm>>) target(%arg12 : memref<16xi32, #tpu.memory_space<vmem>>) target_semaphore(%run_scoped3A : memref<!tpu.dma_semaphore, #tpu.memory_space<semaphore_mem>>)
      %dma_wait3A = arith.constant 0 : i32
      %dma_wait3A_50 = tpu.memref_slice %arg6[%add3A, %dma_wait3A] : memref<32x16xi32, #tpu.memory_space<hbm>> -> memref<1x16xi32, #tpu.memory_space<hbm>>
      %dma_wait3A_51 = tpu.memref_squeeze %dma_wait3A_50 : memref<1x16xi32, #tpu.memory_space<hbm>> -> memref<16xi32, #tpu.memory_space<hbm>>
      %dma_wait3A_52 = arith.constant 0 : i32
      %dma_wait3A_53 = tpu.memref_slice %arg6[%add3A, %dma_wait3A_52] : memref<32x16xi32, #tpu.memory_space<hbm>> -> memref<1x16xi32, #tpu.memory_space<hbm>>
      %dma_wait3A_54 = tpu.memref_squeeze %dma_wait3A_53 : memref<1x16xi32, #tpu.memory_space<hbm>> -> memref<16xi32, #tpu.memory_space<hbm>>
      tpu.wait_dma2 semaphore(%run_scoped3A : memref<!tpu.dma_semaphore, #tpu.memory_space<semaphore_mem>>) src(%dma_wait3A_54 : memref<16xi32, #tpu.memory_space<hbm>>) dst(%arg12 : memref<16xi32, #tpu.memory_space<vmem>>)
      tpu.yield
    }) : () -> ()
    "tpu.region"() ({
      %run_scoped3A = tpu.sem_alloc : memref<!tpu.dma_semaphore, #tpu.memory_space<semaphore_mem>>
      tpu.enqueue_dma source(%arg7 : memref<16xf32, #tpu.memory_space<hbm>>) target(%arg13 : memref<16xf32, #tpu.memory_space<vmem>>) target_semaphore(%run_scoped3A : memref<!tpu.dma_semaphore, #tpu.memory_space<semaphore_mem>>)
      tpu.wait_dma2 semaphore(%run_scoped3A : memref<!tpu.dma_semaphore, #tpu.memory_space<semaphore_mem>>) src(%arg7 : memref<16xf32, #tpu.memory_space<hbm>>) dst(%arg13 : memref<16xf32, #tpu.memory_space<vmem>>)
      tpu.yield
    }) : () -> ()
    "tpu.region"() ({
      %run_scoped3A = tpu.sem_alloc : memref<!tpu.dma_semaphore, #tpu.memory_space<semaphore_mem>>
      tpu.enqueue_dma source(%arg8 : memref<128x16xf32, #tpu.memory_space<hbm>>) target(%arg21 : memref<128x16xf32, #tpu.memory_space<vmem>>) target_semaphore(%run_scoped3A : memref<!tpu.dma_semaphore, #tpu.memory_space<semaphore_mem>>)
      tpu.wait_dma2 semaphore(%run_scoped3A : memref<!tpu.dma_semaphore, #tpu.memory_space<semaphore_mem>>) src(%arg8 : memref<128x16xf32, #tpu.memory_space<hbm>>) dst(%arg21 : memref<128x16xf32, #tpu.memory_space<vmem>>)
      tpu.yield
    }) : () -> ()
    "tpu.region"() ({
      %run_scoped3A = tpu.sem_alloc : memref<!tpu.dma_semaphore, #tpu.memory_space<semaphore_mem>>
      tpu.enqueue_dma source(%arg9 : memref<128xi32, #tpu.memory_space<hbm>>) target(%arg22 : memref<128xi32, #tpu.memory_space<vmem>>) target_semaphore(%run_scoped3A : memref<!tpu.dma_semaphore, #tpu.memory_space<semaphore_mem>>)
      tpu.wait_dma2 semaphore(%run_scoped3A : memref<!tpu.dma_semaphore, #tpu.memory_space<semaphore_mem>>) src(%arg9 : memref<128xi32, #tpu.memory_space<hbm>>) dst(%arg22 : memref<128xi32, #tpu.memory_space<vmem>>)
      tpu.yield
    }) : () -> ()
    %get3A = arith.constant 0 : index
    %get3A_1 = tpu.vector_load %arg12[%get3A] {strides = array<i32>} : memref<16xi32, #tpu.memory_space<vmem>>, vector<16xi32>,
    %slice3A = vector.extract_strided_slice %get3A_1 {offsets = [0], sizes = [1], strides = [1]} : vector<16xi32> to vector<1xi32>
    %squeeze3A = vector.extract %slice3A[0] : i32 from vector<1xi32>
    %slice3A_2 = vector.extract_strided_slice %get3A_1 {offsets = [1], sizes = [1], strides = [1]} : vector<16xi32> to vector<1xi32>
    %squeeze3A_3 = vector.extract %slice3A_2[0] : i32 from vector<1xi32>
    %slice3A_4 = vector.extract_strided_slice %get3A_1 {offsets = [2], sizes = [1], strides = [1]} : vector<16xi32> to vector<1xi32>
    %squeeze3A_5 = vector.extract %slice3A_4[0] : i32 from vector<1xi32>
    %slice3A_6 = vector.extract_strided_slice %get3A_1 {offsets = [3], sizes = [1], strides = [1]} : vector<16xi32> to vector<1xi32>
    %squeeze3A_7 = vector.extract %slice3A_6[0] : i32 from vector<1xi32>
    %slice3A_8 = vector.extract_strided_slice %get3A_1 {offsets = [4], sizes = [1], strides = [1]} : vector<16xi32> to vector<1xi32>
    %squeeze3A_9 = vector.extract %slice3A_8[0] : i32 from vector<1xi32>
    %slice3A_10 = vector.extract_strided_slice %get3A_1 {offsets = [5], sizes = [1], strides = [1]} : vector<16xi32> to vector<1xi32>
    %squeeze3A_11 = vector.extract %slice3A_10[0] : i32 from vector<1xi32>
    %slice3A_12 = vector.extract_strided_slice %get3A_1 {offsets = [6], sizes = [1], strides = [1]} : vector<16xi32> to vector<1xi32>
    %squeeze3A_13 = vector.extract %slice3A_12[0] : i32 from vector<1xi32>
    %add3A_14 = arith.constant 1350000 : i32
    %add3A_15 = arith.addi %add3A_14, %add3A : i32
    %iota3A = tpu.iota {dimensions = array<i32: 0>} : vector<16xi32>
    %broadcast_in_dim3A = arith.constant 0 : i32
    %broadcast_in_dim3A_16 = vector.broadcast %broadcast_in_dim3A : i32 to vector<16xi32>
    %broadcast_in_dim3A_17 = arith.constant 0.000000e+00 : f32
    %broadcast_in_dim3A_18 = vector.broadcast %broadcast_in_dim3A_17 : f32 to vector<16xf32>
    %get3A_19 = arith.constant 0 : index
    %get3A_20 = tpu.vector_load %arg13[%get3A_19] {strides = array<i32>} : memref<16xf32, #tpu.memory_space<vmem>>, vector<16xf32>,
    %broadcast_in_dim3A_21 = arith.constant 0.000000e+00 : f32
    %broadcast_in_dim3A_22 = vector.broadcast %broadcast_in_dim3A_21 : f32 to vector<16xf32>
    %while3A = arith.constant 0 : i32
    %while3A_23 = arith.constant -1 : i32
    %while3A_24 = arith.constant -1 : i32
    %while3A_25 = arith.subi %squeeze3A_9, %while3A : i32
    %while3A_26 = arith.addi %while3A, %while3A_25 : i32
    %while3A_27 = arith.constant 1 : i32
    %while3A_28 = arith.divsi %while3A_25, %while3A_27 : i32
    %while3A_29 = arith.muli %while3A_28, %while3A_27 : i32
    %while3A_30 = arith.addi %while3A, %while3A_29 : i32
    %while3A_31 = arith.constant 1 : i32
    %while3A_32:3 = scf.for %while3A_45 = %while3A to %while3A_30 step %while3A_31 iter_args(%while3A_46 = %broadcast_in_dim3A_22, %while3A_47 = %while3A_23, %while3A_48 = %while3A_24) -> (vector<16xf32>, i32, i32)  : i32 {
      %mul3A_49 = arith.constant 128 : i32
      %mul3A_50 = arith.muli %while3A_45, %mul3A_49 : i32
      %add3A_51 = arith.addi %squeeze3A, %mul3A_50 : i32
      %multiple_of3A = tpu.assume_multiple %add3A_51, 8 : i32
      %dma_start3A = tpu.memref_slice %arg2[%multiple_of3A] : memref<1351824xi32, #tpu.memory_space<hbm>> -> memref<144xi32, #tpu.memory_space<hbm>>
      %dma_start3A_52 = tpu.memref_slice %arg2[%multiple_of3A] : memref<1351824xi32, #tpu.memory_space<hbm>> -> memref<144xi32, #tpu.memory_space<hbm>>
      tpu.enqueue_dma source(%dma_start3A_52 : memref<144xi32, #tpu.memory_space<hbm>>) target(%arg14 : memref<144xi32, #tpu.memory_space<vmem>>) target_semaphore(%arg26 : memref<!tpu.dma_semaphore, #tpu.memory_space<semaphore_mem>>)
      %dma_start3A_53 = tpu.memref_slice %arg3[%multiple_of3A] : memref<1351824xi32, #tpu.memory_space<hbm>> -> memref<144xi32, #tpu.memory_space<hbm>>
      %dma_start3A_54 = tpu.memref_slice %arg3[%multiple_of3A] : memref<1351824xi32, #tpu.memory_space<hbm>> -> memref<144xi32, #tpu.memory_space<hbm>>
      tpu.enqueue_dma source(%dma_start3A_54 : memref<144xi32, #tpu.memory_space<hbm>>) target(%arg15 : memref<144xi32, #tpu.memory_space<vmem>>) target_semaphore(%arg27 : memref<!tpu.dma_semaphore, #tpu.memory_space<semaphore_mem>>)
      "tpu.region"() ({
        %run_scoped3A = tpu.sem_alloc : memref<!tpu.dma_semaphore, #tpu.memory_space<semaphore_mem>>
        %dma_start3A_114 = tpu.memref_slice %arg4[%multiple_of3A] : memref<1351824xi32, #tpu.memory_space<hbm>> -> memref<128xi32, #tpu.memory_space<hbm>>
        %dma_start3A_115 = tpu.memref_slice %arg4[%multiple_of3A] : memref<1351824xi32, #tpu.memory_space<hbm>> -> memref<128xi32, #tpu.memory_space<hbm>>
        tpu.enqueue_dma source(%dma_start3A_115 : memref<128xi32, #tpu.memory_space<hbm>>) target(%arg16 : memref<128xi32, #tpu.memory_space<vmem>>) target_semaphore(%run_scoped3A : memref<!tpu.dma_semaphore, #tpu.memory_space<semaphore_mem>>)
        %dma_wait3A_116 = tpu.memref_slice %arg4[%multiple_of3A] : memref<1351824xi32, #tpu.memory_space<hbm>> -> memref<128xi32, #tpu.memory_space<hbm>>
        %dma_wait3A_117 = tpu.memref_slice %arg4[%multiple_of3A] : memref<1351824xi32, #tpu.memory_space<hbm>> -> memref<128xi32, #tpu.memory_space<hbm>>
        tpu.wait_dma2 semaphore(%run_scoped3A : memref<!tpu.dma_semaphore, #tpu.memory_space<semaphore_mem>>) src(%dma_wait3A_117 : memref<128xi32, #tpu.memory_space<hbm>>) dst(%arg16 : memref<128xi32, #tpu.memory_space<vmem>>)
        tpu.yield
      }) : () -> ()
      %dma_start3A_55 = arith.constant 0 : i32
      %dma_start3A_56 = arith.constant 0 : i32
      %dma_start3A_57 = tpu.memref_slice %arg5[%dma_start3A_55, %dma_start3A_56] : memref<1350000x16xf32, #tpu.memory_space<hbm>> -> memref<1350000x16xf32, #tpu.memory_space<hbm>>
      tpu.enqueue_indirect_dma source(%dma_start3A_57 : memref<1350000x16xf32, #tpu.memory_space<hbm>>) target(%arg17 : memref<128x16xf32, #tpu.memory_space<vmem>>) offsets(%arg16 : memref<128xi32, #tpu.memory_space<vmem>>) semaphore(%arg23 : memref<!tpu.dma_semaphore, #tpu.memory_space<semaphore_mem>>)
      %dma_wait3A = tpu.memref_slice %arg2[%multiple_of3A] : memref<1351824xi32, #tpu.memory_space<hbm>> -> memref<144xi32, #tpu.memory_space<hbm>>
      %dma_wait3A_58 = tpu.memref_slice %arg2[%multiple_of3A] : memref<1351824xi32, #tpu.memory_space<hbm>> -> memref<144xi32, #tpu.memory_space<hbm>>
      tpu.wait_dma2 semaphore(%arg26 : memref<!tpu.dma_semaphore, #tpu.memory_space<semaphore_mem>>) src(%dma_wait3A_58 : memref<144xi32, #tpu.memory_space<hbm>>) dst(%arg14 : memref<144xi32, #tpu.memory_space<vmem>>)
      %dma_wait3A_59 = tpu.memref_slice %arg3[%multiple_of3A] : memref<1351824xi32, #tpu.memory_space<hbm>> -> memref<144xi32, #tpu.memory_space<hbm>>
      %dma_wait3A_60 = tpu.memref_slice %arg3[%multiple_of3A] : memref<1351824xi32, #tpu.memory_space<hbm>> -> memref<144xi32, #tpu.memory_space<hbm>>
      tpu.wait_dma2 semaphore(%arg27 : memref<!tpu.dma_semaphore, #tpu.memory_space<semaphore_mem>>) src(%dma_wait3A_60 : memref<144xi32, #tpu.memory_space<hbm>>) dst(%arg15 : memref<144xi32, #tpu.memory_space<vmem>>)
      %dma_wait3A_61 = arith.constant 0 : i32
      %dma_wait3A_62 = arith.constant 0 : i32
      %dma_wait3A_63 = tpu.memref_slice %arg5[%dma_wait3A_61, %dma_wait3A_62] : memref<1350000x16xf32, #tpu.memory_space<hbm>> -> memref<1350000x16xf32, #tpu.memory_space<hbm>>
      tpu.wait_indirect_dma semaphore(%arg23 : memref<!tpu.dma_semaphore, #tpu.memory_space<semaphore_mem>>) src(%dma_wait3A_63 : memref<1350000x16xf32, #tpu.memory_space<hbm>>) dst(%arg17 : memref<128x16xf32, #tpu.memory_space<vmem>>)
      %get3A_64 = arith.constant 0 : index
      %get3A_65 = tpu.vector_load %arg15[%get3A_64] {strides = array<i32>} : memref<144xi32, #tpu.memory_space<vmem>>, vector<16xi32>,
      %slice3A_66 = vector.extract_strided_slice %get3A_65 {offsets = [0], sizes = [1], strides = [1]} : vector<16xi32> to vector<1xi32>
      %squeeze3A_67 = vector.extract %slice3A_66[0] : i32 from vector<1xi32>
      %gt3A_68 = arith.constant 0 : i32
      %gt3A_69 = arith.cmpi sgt, %while3A_45, %gt3A_68 : i32
      %convert_element_type3A_70 = arith.extui %gt3A_69 : i1 to i32
      %cond3A_71 = arith.constant 0 : i32
      %cond3A_72 = arith.cmpi ne, %convert_element_type3A_70, %cond3A_71 : i32
      scf.if %cond3A_72 {
        %dma_wait3A_114 = arith.constant 0 : i32
        %dma_wait3A_115 = arith.constant 0 : i32
        %dma_wait3A_116 = tpu.memref_slice %arg10[%dma_wait3A_114, %dma_wait3A_115] : memref<1350032x16xf32, #tpu.memory_space<hbm>> -> memref<1350032x16xf32, #tpu.memory_space<hbm>>
        tpu.wait_indirect_dma semaphore(%arg24 : memref<!tpu.dma_semaphore, #tpu.memory_space<semaphore_mem>>) src(%arg18 : memref<128x16xf32, #tpu.memory_space<vmem>>) dst(%dma_wait3A_116 : memref<1350032x16xf32, #tpu.memory_space<hbm>>)
        %dma_wait3A_117 = arith.constant 0 : i32
        %dma_wait3A_118 = tpu.memref_slice %arg11[%dma_wait3A_117] : memref<1350032xi32, #tpu.memory_space<hbm>> -> memref<1350032xi32, #tpu.memory_space<hbm>>
        tpu.wait_indirect_dma semaphore(%arg25 : memref<!tpu.dma_semaphore, #tpu.memory_space<semaphore_mem>>) src(%arg19 : memref<128xi32, #tpu.memory_space<vmem>>) dst(%dma_wait3A_118 : memref<1350032xi32, #tpu.memory_space<hbm>>)
      } else {
      }
      %parallel_loop3A = arith.constant 0 : i32
      %parallel_loop3A_73 = arith.constant 8 : i32
      %parallel_loop3A_74 = arith.constant 1 : i32
      scf.for %parallel_loop3A_114 = %parallel_loop3A to %parallel_loop3A_73 step %parallel_loop3A_74  : i32 {
        %parallel_loop3A_115 = arith.constant 16 : i32
        %parallel_loop3A_116 = arith.muli %parallel_loop3A_114, %parallel_loop3A_115 : i32
        %parallel_loop3A_117 = arith.constant 0 : i32
        %parallel_loop3A_118 = arith.addi %parallel_loop3A_116, %parallel_loop3A_117 : i32
        %parallel_loop3A_119 = vector.broadcast %parallel_loop3A_118 : i32 to vector<16xi32>
        tpu.vector_store_idx %arg18[%parallel_loop3A_119, %iota3A], %broadcast_in_dim3A_18 : memref<128x16xf32, #tpu.memory_space<vmem>>[vector<16xi32>, vector<16xi32>], vector<16xf32>,
        %parallel_loop3A_120 = arith.constant 16 : i32
        %parallel_loop3A_121 = arith.muli %parallel_loop3A_114, %parallel_loop3A_120 : i32
        %parallel_loop3A_122 = arith.constant 1 : i32
        %parallel_loop3A_123 = arith.addi %parallel_loop3A_121, %parallel_loop3A_122 : i32
        %parallel_loop3A_124 = vector.broadcast %parallel_loop3A_123 : i32 to vector<16xi32>
        tpu.vector_store_idx %arg18[%parallel_loop3A_124, %iota3A], %broadcast_in_dim3A_18 : memref<128x16xf32, #tpu.memory_space<vmem>>[vector<16xi32>, vector<16xi32>], vector<16xf32>,
        %parallel_loop3A_125 = arith.constant 16 : i32
        %parallel_loop3A_126 = arith.muli %parallel_loop3A_114, %parallel_loop3A_125 : i32
        %parallel_loop3A_127 = arith.constant 2 : i32
        %parallel_loop3A_128 = arith.addi %parallel_loop3A_126, %parallel_loop3A_127 : i32
        %parallel_loop3A_129 = vector.broadcast %parallel_loop3A_128 : i32 to vector<16xi32>
        tpu.vector_store_idx %arg18[%parallel_loop3A_129, %iota3A], %broadcast_in_dim3A_18 : memref<128x16xf32, #tpu.memory_space<vmem>>[vector<16xi32>, vector<16xi32>], vector<16xf32>,
        %parallel_loop3A_130 = arith.constant 16 : i32
        %parallel_loop3A_131 = arith.muli %parallel_loop3A_114, %parallel_loop3A_130 : i32
        %parallel_loop3A_132 = arith.constant 3 : i32
        %parallel_loop3A_133 = arith.addi %parallel_loop3A_131, %parallel_loop3A_132 : i32
        %parallel_loop3A_134 = vector.broadcast %parallel_loop3A_133 : i32 to vector<16xi32>
        tpu.vector_store_idx %arg18[%parallel_loop3A_134, %iota3A], %broadcast_in_dim3A_18 : memref<128x16xf32, #tpu.memory_space<vmem>>[vector<16xi32>, vector<16xi32>], vector<16xf32>,
        %parallel_loop3A_135 = arith.constant 16 : i32
        %parallel_loop3A_136 = arith.muli %parallel_loop3A_114, %parallel_loop3A_135 : i32
        %parallel_loop3A_137 = arith.constant 4 : i32
        %parallel_loop3A_138 = arith.addi %parallel_loop3A_136, %parallel_loop3A_137 : i32
        %parallel_loop3A_139 = vector.broadcast %parallel_loop3A_138 : i32 to vector<16xi32>
        tpu.vector_store_idx %arg18[%parallel_loop3A_139, %iota3A], %broadcast_in_dim3A_18 : memref<128x16xf32, #tpu.memory_space<vmem>>[vector<16xi32>, vector<16xi32>], vector<16xf32>,
        %parallel_loop3A_140 = arith.constant 16 : i32
        %parallel_loop3A_141 = arith.muli %parallel_loop3A_114, %parallel_loop3A_140 : i32
        %parallel_loop3A_142 = arith.constant 5 : i32
        %parallel_loop3A_143 = arith.addi %parallel_loop3A_141, %parallel_loop3A_142 : i32
        %parallel_loop3A_144 = vector.broadcast %parallel_loop3A_143 : i32 to vector<16xi32>
        tpu.vector_store_idx %arg18[%parallel_loop3A_144, %iota3A], %broadcast_in_dim3A_18 : memref<128x16xf32, #tpu.memory_space<vmem>>[vector<16xi32>, vector<16xi32>], vector<16xf32>,
        %parallel_loop3A_145 = arith.constant 16 : i32
        %parallel_loop3A_146 = arith.muli %parallel_loop3A_114, %parallel_loop3A_145 : i32
        %parallel_loop3A_147 = arith.constant 6 : i32
        %parallel_loop3A_148 = arith.addi %parallel_loop3A_146, %parallel_loop3A_147 : i32
        %parallel_loop3A_149 = vector.broadcast %parallel_loop3A_148 : i32 to vector<16xi32>
        tpu.vector_store_idx %arg18[%parallel_loop3A_149, %iota3A], %broadcast_in_dim3A_18 : memref<128x16xf32, #tpu.memory_space<vmem>>[vector<16xi32>, vector<16xi32>], vector<16xf32>,
        %parallel_loop3A_150 = arith.constant 16 : i32
        %parallel_loop3A_151 = arith.muli %parallel_loop3A_114, %parallel_loop3A_150 : i32
        %parallel_loop3A_152 = arith.constant 7 : i32
        %parallel_loop3A_153 = arith.addi %parallel_loop3A_151, %parallel_loop3A_152 : i32
        %parallel_loop3A_154 = vector.broadcast %parallel_loop3A_153 : i32 to vector<16xi32>
        tpu.vector_store_idx %arg18[%parallel_loop3A_154, %iota3A], %broadcast_in_dim3A_18 : memref<128x16xf32, #tpu.memory_space<vmem>>[vector<16xi32>, vector<16xi32>], vector<16xf32>,
        %parallel_loop3A_155 = arith.constant 16 : i32
        %parallel_loop3A_156 = arith.muli %parallel_loop3A_114, %parallel_loop3A_155 : i32
        %parallel_loop3A_157 = arith.constant 8 : i32
        %parallel_loop3A_158 = arith.addi %parallel_loop3A_156, %parallel_loop3A_157 : i32
        %parallel_loop3A_159 = vector.broadcast %parallel_loop3A_158 : i32 to vector<16xi32>
        tpu.vector_store_idx %arg18[%parallel_loop3A_159, %iota3A], %broadcast_in_dim3A_18 : memref<128x16xf32, #tpu.memory_space<vmem>>[vector<16xi32>, vector<16xi32>], vector<16xf32>,
        %parallel_loop3A_160 = arith.constant 16 : i32
        %parallel_loop3A_161 = arith.muli %parallel_loop3A_114, %parallel_loop3A_160 : i32
        %parallel_loop3A_162 = arith.constant 9 : i32
        %parallel_loop3A_163 = arith.addi %parallel_loop3A_161, %parallel_loop3A_162 : i32
        %parallel_loop3A_164 = vector.broadcast %parallel_loop3A_163 : i32 to vector<16xi32>
        tpu.vector_store_idx %arg18[%parallel_loop3A_164, %iota3A], %broadcast_in_dim3A_18 : memref<128x16xf32, #tpu.memory_space<vmem>>[vector<16xi32>, vector<16xi32>], vector<16xf32>,
        %parallel_loop3A_165 = arith.constant 16 : i32
        %parallel_loop3A_166 = arith.muli %parallel_loop3A_114, %parallel_loop3A_165 : i32
        %parallel_loop3A_167 = arith.constant 10 : i32
        %parallel_loop3A_168 = arith.addi %parallel_loop3A_166, %parallel_loop3A_167 : i32
        %parallel_loop3A_169 = vector.broadcast %parallel_loop3A_168 : i32 to vector<16xi32>
        tpu.vector_store_idx %arg18[%parallel_loop3A_169, %iota3A], %broadcast_in_dim3A_18 : memref<128x16xf32, #tpu.memory_space<vmem>>[vector<16xi32>, vector<16xi32>], vector<16xf32>,
        %parallel_loop3A_170 = arith.constant 16 : i32
        %parallel_loop3A_171 = arith.muli %parallel_loop3A_114, %parallel_loop3A_170 : i32
        %parallel_loop3A_172 = arith.constant 11 : i32
        %parallel_loop3A_173 = arith.addi %parallel_loop3A_171, %parallel_loop3A_172 : i32
        %parallel_loop3A_174 = vector.broadcast %parallel_loop3A_173 : i32 to vector<16xi32>
        tpu.vector_store_idx %arg18[%parallel_loop3A_174, %iota3A], %broadcast_in_dim3A_18 : memref<128x16xf32, #tpu.memory_space<vmem>>[vector<16xi32>, vector<16xi32>], vector<16xf32>,
        %parallel_loop3A_175 = arith.constant 16 : i32
        %parallel_loop3A_176 = arith.muli %parallel_loop3A_114, %parallel_loop3A_175 : i32
        %parallel_loop3A_177 = arith.constant 12 : i32
        %parallel_loop3A_178 = arith.addi %parallel_loop3A_176, %parallel_loop3A_177 : i32
        %parallel_loop3A_179 = vector.broadcast %parallel_loop3A_178 : i32 to vector<16xi32>
        tpu.vector_store_idx %arg18[%parallel_loop3A_179, %iota3A], %broadcast_in_dim3A_18 : memref<128x16xf32, #tpu.memory_space<vmem>>[vector<16xi32>, vector<16xi32>], vector<16xf32>,
        %parallel_loop3A_180 = arith.constant 16 : i32
        %parallel_loop3A_181 = arith.muli %parallel_loop3A_114, %parallel_loop3A_180 : i32
        %parallel_loop3A_182 = arith.constant 13 : i32
        %parallel_loop3A_183 = arith.addi %parallel_loop3A_181, %parallel_loop3A_182 : i32
        %parallel_loop3A_184 = vector.broadcast %parallel_loop3A_183 : i32 to vector<16xi32>
        tpu.vector_store_idx %arg18[%parallel_loop3A_184, %iota3A], %broadcast_in_dim3A_18 : memref<128x16xf32, #tpu.memory_space<vmem>>[vector<16xi32>, vector<16xi32>], vector<16xf32>,
        %parallel_loop3A_185 = arith.constant 16 : i32
        %parallel_loop3A_186 = arith.muli %parallel_loop3A_114, %parallel_loop3A_185 : i32
        %parallel_loop3A_187 = arith.constant 14 : i32
        %parallel_loop3A_188 = arith.addi %parallel_loop3A_186, %parallel_loop3A_187 : i32
        %parallel_loop3A_189 = vector.broadcast %parallel_loop3A_188 : i32 to vector<16xi32>
        tpu.vector_store_idx %arg18[%parallel_loop3A_189, %iota3A], %broadcast_in_dim3A_18 : memref<128x16xf32, #tpu.memory_space<vmem>>[vector<16xi32>, vector<16xi32>], vector<16xf32>,
        %parallel_loop3A_190 = arith.constant 16 : i32
        %parallel_loop3A_191 = arith.muli %parallel_loop3A_114, %parallel_loop3A_190 : i32
        %parallel_loop3A_192 = arith.constant 15 : i32
        %parallel_loop3A_193 = arith.addi %parallel_loop3A_191, %parallel_loop3A_192 : i32
        %parallel_loop3A_194 = vector.broadcast %parallel_loop3A_193 : i32 to vector<16xi32>
        tpu.vector_store_idx %arg18[%parallel_loop3A_194, %iota3A], %broadcast_in_dim3A_18 : memref<128x16xf32, #tpu.memory_space<vmem>>[vector<16xi32>, vector<16xi32>], vector<16xf32>,
      } {sc.loop_unroll_factor = 2 : i64, sc.parallel_access}
      %eq3A = arith.cmpi eq, %while3A_47, %squeeze3A_67 : i32
      %broadcast_in_dim3A_75 = vector.broadcast %eq3A : i1 to vector<16xi1>
      tpu.vector_store_idx %arg18[%broadcast_in_dim3A_16, %iota3A], %while3A_46 masked %broadcast_in_dim3A_75 : memref<128x16xf32, #tpu.memory_space<vmem>>[vector<16xi32>, vector<16xi32>], vector<16xf32>, vector<16xi1>
      %broadcast_in_dim3A_76 = vector.broadcast %while3A_48 : i32 to vector<16xi32>
      tpu.vector_store_idx %arg19[%broadcast_in_dim3A_16], %broadcast_in_dim3A_76 masked %broadcast_in_dim3A_75 : memref<128xi32, #tpu.memory_space<vmem>>[vector<16xi32>], vector<16xi32>, vector<16xi1>
      %parallel_loop3A_77 = arith.constant 0 : i32
      %parallel_loop3A_78 = arith.constant 8 : i32
      %parallel_loop3A_79 = arith.constant 1 : i32
      scf.for %parallel_loop3A_114 = %parallel_loop3A_77 to %parallel_loop3A_78 step %parallel_loop3A_79  : i32 {
        %parallel_loop3A_115 = arith.constant 16 : i32
        %parallel_loop3A_116 = arith.muli %parallel_loop3A_114, %parallel_loop3A_115 : i32
        %parallel_loop3A_117 = arith.index_cast %parallel_loop3A_116 : i32 to index
        %parallel_loop3A_118 = tpu.vector_load %arg15[%parallel_loop3A_117] {strides = array<i32>} : memref<144xi32, #tpu.memory_space<vmem>>, vector<16xi32>,
        %parallel_loop3A_119 = arith.constant 16 : i32
        %parallel_loop3A_120 = arith.muli %parallel_loop3A_114, %parallel_loop3A_119 : i32
        %parallel_loop3A_121 = arith.index_cast %parallel_loop3A_120 : i32 to index
        %parallel_loop3A_122 = tpu.vector_load %arg14[%parallel_loop3A_121] {strides = array<i32>} : memref<144xi32, #tpu.memory_space<vmem>>, vector<16xi32>,
        %parallel_loop3A_123 = vector.extract_strided_slice %parallel_loop3A_118 {offsets = [0], sizes = [1], strides = [1]} : vector<16xi32> to vector<1xi32>
        %parallel_loop3A_124 = vector.extract %parallel_loop3A_123[0] : i32 from vector<1xi32>
        %parallel_loop3A_125 = vector.extract_strided_slice %parallel_loop3A_122 {offsets = [0], sizes = [1], strides = [1]} : vector<16xi32> to vector<1xi32>
        %parallel_loop3A_126 = vector.extract %parallel_loop3A_125[0] : i32 from vector<1xi32>
        %parallel_loop3A_127 = arith.constant 16 : i32
        %parallel_loop3A_128 = arith.muli %parallel_loop3A_114, %parallel_loop3A_127 : i32
        %parallel_loop3A_129 = arith.addi %multiple_of3A, %parallel_loop3A_128 : i32
        %parallel_loop3A_130 = arith.constant 0 : i32
        %parallel_loop3A_131 = arith.addi %parallel_loop3A_129, %parallel_loop3A_130 : i32
        %parallel_loop3A_132 = arith.cmpi slt, %parallel_loop3A_131, %squeeze3A_3 : i32
        %parallel_loop3A_133 = arith.cmpi sge, %parallel_loop3A_124, %squeeze3A_5 : i32
        %parallel_loop3A_134 = arith.andi %parallel_loop3A_132, %parallel_loop3A_133 : i1
        %parallel_loop3A_135 = arith.subi %parallel_loop3A_124, %squeeze3A_67 : i32
        %parallel_loop3A_136 = vector.broadcast %parallel_loop3A_135 : i32 to vector<16xi32>
        %parallel_loop3A_137 = arith.constant 16 : i32
        %parallel_loop3A_138 = arith.muli %parallel_loop3A_114, %parallel_loop3A_137 : i32
        %parallel_loop3A_139 = arith.constant 0 : i32
        %parallel_loop3A_140 = arith.addi %parallel_loop3A_138, %parallel_loop3A_139 : i32
        %parallel_loop3A_141 = vector.broadcast %parallel_loop3A_140 : i32 to vector<16xi32>
        %parallel_loop3A_142 = tpu.vector_load_idx %arg17[%parallel_loop3A_141, %iota3A] : memref<128x16xf32, #tpu.memory_space<vmem>>[vector<16xi32>, vector<16xi32>], vector<16xf32>,
        %parallel_loop3A_143 = arith.constant 37848152 : i32
        %parallel_loop3A_144 = arith.cmpi slt, %parallel_loop3A_126, %parallel_loop3A_143 : i32
        %parallel_loop3A_145 = arith.andi %parallel_loop3A_134, %parallel_loop3A_144 : i1
        %parallel_loop3A_146 = vector.broadcast %parallel_loop3A_145 : i1 to vector<16xi1>
        %parallel_loop3A_147 = vector.broadcast %parallel_loop3A_134 : i1 to vector<16xi1>
        tpu.vector_store_idx %arg18[%parallel_loop3A_136, %iota3A], %parallel_loop3A_142 masked %parallel_loop3A_146 {add = true} : memref<128x16xf32, #tpu.memory_space<vmem>>[vector<16xi32>, vector<16xi32>], vector<16xf32>, vector<16xi1>
        %parallel_loop3A_148 = vector.broadcast %parallel_loop3A_126 : i32 to vector<16xi32>
        tpu.vector_store_idx %arg19[%parallel_loop3A_136], %parallel_loop3A_148 masked %parallel_loop3A_147 : memref<128xi32, #tpu.memory_space<vmem>>[vector<16xi32>], vector<16xi32>, vector<16xi1>
        %parallel_loop3A_149 = vector.extract_strided_slice %parallel_loop3A_118 {offsets = [1], sizes = [1], strides = [1]} : vector<16xi32> to vector<1xi32>
        %parallel_loop3A_150 = vector.extract %parallel_loop3A_149[0] : i32 from vector<1xi32>
        %parallel_loop3A_151 = vector.extract_strided_slice %parallel_loop3A_122 {offsets = [1], sizes = [1], strides = [1]} : vector<16xi32> to vector<1xi32>
        %parallel_loop3A_152 = vector.extract %parallel_loop3A_151[0] : i32 from vector<1xi32>
        %parallel_loop3A_153 = arith.constant 16 : i32
        %parallel_loop3A_154 = arith.muli %parallel_loop3A_114, %parallel_loop3A_153 : i32
        %parallel_loop3A_155 = arith.addi %multiple_of3A, %parallel_loop3A_154 : i32
        %parallel_loop3A_156 = arith.constant 1 : i32
        %parallel_loop3A_157 = arith.addi %parallel_loop3A_155, %parallel_loop3A_156 : i32
        %parallel_loop3A_158 = arith.cmpi slt, %parallel_loop3A_157, %squeeze3A_3 : i32
        %parallel_loop3A_159 = arith.cmpi sge, %parallel_loop3A_150, %squeeze3A_5 : i32
        %parallel_loop3A_160 = arith.andi %parallel_loop3A_158, %parallel_loop3A_159 : i1
        %parallel_loop3A_161 = arith.subi %parallel_loop3A_150, %squeeze3A_67 : i32
        %parallel_loop3A_162 = vector.broadcast %parallel_loop3A_161 : i32 to vector<16xi32>
        %parallel_loop3A_163 = arith.constant 16 : i32
        %parallel_loop3A_164 = arith.muli %parallel_loop3A_114, %parallel_loop3A_163 : i32
        %parallel_loop3A_165 = arith.constant 1 : i32
        %parallel_loop3A_166 = arith.addi %parallel_loop3A_164, %parallel_loop3A_165 : i32
        %parallel_loop3A_167 = vector.broadcast %parallel_loop3A_166 : i32 to vector<16xi32>
        %parallel_loop3A_168 = tpu.vector_load_idx %arg17[%parallel_loop3A_167, %iota3A] : memref<128x16xf32, #tpu.memory_space<vmem>>[vector<16xi32>, vector<16xi32>], vector<16xf32>,
        %parallel_loop3A_169 = arith.constant 37848152 : i32
        %parallel_loop3A_170 = arith.cmpi slt, %parallel_loop3A_152, %parallel_loop3A_169 : i32
        %parallel_loop3A_171 = arith.andi %parallel_loop3A_160, %parallel_loop3A_170 : i1
        %parallel_loop3A_172 = vector.broadcast %parallel_loop3A_171 : i1 to vector<16xi1>
        %parallel_loop3A_173 = vector.broadcast %parallel_loop3A_160 : i1 to vector<16xi1>
        tpu.vector_store_idx %arg18[%parallel_loop3A_162, %iota3A], %parallel_loop3A_168 masked %parallel_loop3A_172 {add = true} : memref<128x16xf32, #tpu.memory_space<vmem>>[vector<16xi32>, vector<16xi32>], vector<16xf32>, vector<16xi1>
        %parallel_loop3A_174 = vector.broadcast %parallel_loop3A_152 : i32 to vector<16xi32>
        tpu.vector_store_idx %arg19[%parallel_loop3A_162], %parallel_loop3A_174 masked %parallel_loop3A_173 : memref<128xi32, #tpu.memory_space<vmem>>[vector<16xi32>], vector<16xi32>, vector<16xi1>
        %parallel_loop3A_175 = vector.extract_strided_slice %parallel_loop3A_118 {offsets = [2], sizes = [1], strides = [1]} : vector<16xi32> to vector<1xi32>
        %parallel_loop3A_176 = vector.extract %parallel_loop3A_175[0] : i32 from vector<1xi32>
        %parallel_loop3A_177 = vector.extract_strided_slice %parallel_loop3A_122 {offsets = [2], sizes = [1], strides = [1]} : vector<16xi32> to vector<1xi32>
        %parallel_loop3A_178 = vector.extract %parallel_loop3A_177[0] : i32 from vector<1xi32>
        %parallel_loop3A_179 = arith.constant 16 : i32
        %parallel_loop3A_180 = arith.muli %parallel_loop3A_114, %parallel_loop3A_179 : i32
        %parallel_loop3A_181 = arith.addi %multiple_of3A, %parallel_loop3A_180 : i32
        %parallel_loop3A_182 = arith.constant 2 : i32
        %parallel_loop3A_183 = arith.addi %parallel_loop3A_181, %parallel_loop3A_182 : i32
        %parallel_loop3A_184 = arith.cmpi slt, %parallel_loop3A_183, %squeeze3A_3 : i32
        %parallel_loop3A_185 = arith.cmpi sge, %parallel_loop3A_176, %squeeze3A_5 : i32
        %parallel_loop3A_186 = arith.andi %parallel_loop3A_184, %parallel_loop3A_185 : i1
        %parallel_loop3A_187 = arith.subi %parallel_loop3A_176, %squeeze3A_67 : i32
        %parallel_loop3A_188 = vector.broadcast %parallel_loop3A_187 : i32 to vector<16xi32>
        %parallel_loop3A_189 = arith.constant 16 : i32
        %parallel_loop3A_190 = arith.muli %parallel_loop3A_114, %parallel_loop3A_189 : i32
        %parallel_loop3A_191 = arith.constant 2 : i32
        %parallel_loop3A_192 = arith.addi %parallel_loop3A_190, %parallel_loop3A_191 : i32
        %parallel_loop3A_193 = vector.broadcast %parallel_loop3A_192 : i32 to vector<16xi32>
        %parallel_loop3A_194 = tpu.vector_load_idx %arg17[%parallel_loop3A_193, %iota3A] : memref<128x16xf32, #tpu.memory_space<vmem>>[vector<16xi32>, vector<16xi32>], vector<16xf32>,
        %parallel_loop3A_195 = arith.constant 37848152 : i32
        %parallel_loop3A_196 = arith.cmpi slt, %parallel_loop3A_178, %parallel_loop3A_195 : i32
        %parallel_loop3A_197 = arith.andi %parallel_loop3A_186, %parallel_loop3A_196 : i1
        %parallel_loop3A_198 = vector.broadcast %parallel_loop3A_197 : i1 to vector<16xi1>
        %parallel_loop3A_199 = vector.broadcast %parallel_loop3A_186 : i1 to vector<16xi1>
        tpu.vector_store_idx %arg18[%parallel_loop3A_188, %iota3A], %parallel_loop3A_194 masked %parallel_loop3A_198 {add = true} : memref<128x16xf32, #tpu.memory_space<vmem>>[vector<16xi32>, vector<16xi32>], vector<16xf32>, vector<16xi1>
        %parallel_loop3A_200 = vector.broadcast %parallel_loop3A_178 : i32 to vector<16xi32>
        tpu.vector_store_idx %arg19[%parallel_loop3A_188], %parallel_loop3A_200 masked %parallel_loop3A_199 : memref<128xi32, #tpu.memory_space<vmem>>[vector<16xi32>], vector<16xi32>, vector<16xi1>
        %parallel_loop3A_201 = vector.extract_strided_slice %parallel_loop3A_118 {offsets = [3], sizes = [1], strides = [1]} : vector<16xi32> to vector<1xi32>
        %parallel_loop3A_202 = vector.extract %parallel_loop3A_201[0] : i32 from vector<1xi32>
        %parallel_loop3A_203 = vector.extract_strided_slice %parallel_loop3A_122 {offsets = [3], sizes = [1], strides = [1]} : vector<16xi32> to vector<1xi32>
        %parallel_loop3A_204 = vector.extract %parallel_loop3A_203[0] : i32 from vector<1xi32>
        %parallel_loop3A_205 = arith.constant 16 : i32
        %parallel_loop3A_206 = arith.muli %parallel_loop3A_114, %parallel_loop3A_205 : i32
        %parallel_loop3A_207 = arith.addi %multiple_of3A, %parallel_loop3A_206 : i32
        %parallel_loop3A_208 = arith.constant 3 : i32
        %parallel_loop3A_209 = arith.addi %parallel_loop3A_207, %parallel_loop3A_208 : i32
        %parallel_loop3A_210 = arith.cmpi slt, %parallel_loop3A_209, %squeeze3A_3 : i32
        %parallel_loop3A_211 = arith.cmpi sge, %parallel_loop3A_202, %squeeze3A_5 : i32
        %parallel_loop3A_212 = arith.andi %parallel_loop3A_210, %parallel_loop3A_211 : i1
        %parallel_loop3A_213 = arith.subi %parallel_loop3A_202, %squeeze3A_67 : i32
        %parallel_loop3A_214 = vector.broadcast %parallel_loop3A_213 : i32 to vector<16xi32>
        %parallel_loop3A_215 = arith.constant 16 : i32
        %parallel_loop3A_216 = arith.muli %parallel_loop3A_114, %parallel_loop3A_215 : i32
        %parallel_loop3A_217 = arith.constant 3 : i32
        %parallel_loop3A_218 = arith.addi %parallel_loop3A_216, %parallel_loop3A_217 : i32
        %parallel_loop3A_219 = vector.broadcast %parallel_loop3A_218 : i32 to vector<16xi32>
        %parallel_loop3A_220 = tpu.vector_load_idx %arg17[%parallel_loop3A_219, %iota3A] : memref<128x16xf32, #tpu.memory_space<vmem>>[vector<16xi32>, vector<16xi32>], vector<16xf32>,
        %parallel_loop3A_221 = arith.constant 37848152 : i32
        %parallel_loop3A_222 = arith.cmpi slt, %parallel_loop3A_204, %parallel_loop3A_221 : i32
        %parallel_loop3A_223 = arith.andi %parallel_loop3A_212, %parallel_loop3A_222 : i1
        %parallel_loop3A_224 = vector.broadcast %parallel_loop3A_223 : i1 to vector<16xi1>
        %parallel_loop3A_225 = vector.broadcast %parallel_loop3A_212 : i1 to vector<16xi1>
        tpu.vector_store_idx %arg18[%parallel_loop3A_214, %iota3A], %parallel_loop3A_220 masked %parallel_loop3A_224 {add = true} : memref<128x16xf32, #tpu.memory_space<vmem>>[vector<16xi32>, vector<16xi32>], vector<16xf32>, vector<16xi1>
        %parallel_loop3A_226 = vector.broadcast %parallel_loop3A_204 : i32 to vector<16xi32>
        tpu.vector_store_idx %arg19[%parallel_loop3A_214], %parallel_loop3A_226 masked %parallel_loop3A_225 : memref<128xi32, #tpu.memory_space<vmem>>[vector<16xi32>], vector<16xi32>, vector<16xi1>
        %parallel_loop3A_227 = vector.extract_strided_slice %parallel_loop3A_118 {offsets = [4], sizes = [1], strides = [1]} : vector<16xi32> to vector<1xi32>
        %parallel_loop3A_228 = vector.extract %parallel_loop3A_227[0] : i32 from vector<1xi32>
        %parallel_loop3A_229 = vector.extract_strided_slice %parallel_loop3A_122 {offsets = [4], sizes = [1], strides = [1]} : vector<16xi32> to vector<1xi32>
        %parallel_loop3A_230 = vector.extract %parallel_loop3A_229[0] : i32 from vector<1xi32>
        %parallel_loop3A_231 = arith.constant 16 : i32
        %parallel_loop3A_232 = arith.muli %parallel_loop3A_114, %parallel_loop3A_231 : i32
        %parallel_loop3A_233 = arith.addi %multiple_of3A, %parallel_loop3A_232 : i32
        %parallel_loop3A_234 = arith.constant 4 : i32
        %parallel_loop3A_235 = arith.addi %parallel_loop3A_233, %parallel_loop3A_234 : i32
        %parallel_loop3A_236 = arith.cmpi slt, %parallel_loop3A_235, %squeeze3A_3 : i32
        %parallel_loop3A_237 = arith.cmpi sge, %parallel_loop3A_228, %squeeze3A_5 : i32
        %parallel_loop3A_238 = arith.andi %parallel_loop3A_236, %parallel_loop3A_237 : i1
        %parallel_loop3A_239 = arith.subi %parallel_loop3A_228, %squeeze3A_67 : i32
        %parallel_loop3A_240 = vector.broadcast %parallel_loop3A_239 : i32 to vector<16xi32>
        %parallel_loop3A_241 = arith.constant 16 : i32
        %parallel_loop3A_242 = arith.muli %parallel_loop3A_114, %parallel_loop3A_241 : i32
        %parallel_loop3A_243 = arith.constant 4 : i32
        %parallel_loop3A_244 = arith.addi %parallel_loop3A_242, %parallel_loop3A_243 : i32
        %parallel_loop3A_245 = vector.broadcast %parallel_loop3A_244 : i32 to vector<16xi32>
        %parallel_loop3A_246 = tpu.vector_load_idx %arg17[%parallel_loop3A_245, %iota3A] : memref<128x16xf32, #tpu.memory_space<vmem>>[vector<16xi32>, vector<16xi32>], vector<16xf32>,
        %parallel_loop3A_247 = arith.constant 37848152 : i32
        %parallel_loop3A_248 = arith.cmpi slt, %parallel_loop3A_230, %parallel_loop3A_247 : i32
        %parallel_loop3A_249 = arith.andi %parallel_loop3A_238, %parallel_loop3A_248 : i1
        %parallel_loop3A_250 = vector.broadcast %parallel_loop3A_249 : i1 to vector<16xi1>
        %parallel_loop3A_251 = vector.broadcast %parallel_loop3A_238 : i1 to vector<16xi1>
        tpu.vector_store_idx %arg18[%parallel_loop3A_240, %iota3A], %parallel_loop3A_246 masked %parallel_loop3A_250 {add = true} : memref<128x16xf32, #tpu.memory_space<vmem>>[vector<16xi32>, vector<16xi32>], vector<16xf32>, vector<16xi1>
        %parallel_loop3A_252 = vector.broadcast %parallel_loop3A_230 : i32 to vector<16xi32>
        tpu.vector_store_idx %arg19[%parallel_loop3A_240], %parallel_loop3A_252 masked %parallel_loop3A_251 : memref<128xi32, #tpu.memory_space<vmem>>[vector<16xi32>], vector<16xi32>, vector<16xi1>
        %parallel_loop3A_253 = vector.extract_strided_slice %parallel_loop3A_118 {offsets = [5], sizes = [1], strides = [1]} : vector<16xi32> to vector<1xi32>
        %parallel_loop3A_254 = vector.extract %parallel_loop3A_253[0] : i32 from vector<1xi32>
        %parallel_loop3A_255 = vector.extract_strided_slice %parallel_loop3A_122 {offsets = [5], sizes = [1], strides = [1]} : vector<16xi32> to vector<1xi32>
        %parallel_loop3A_256 = vector.extract %parallel_loop3A_255[0] : i32 from vector<1xi32>
        %parallel_loop3A_257 = arith.constant 16 : i32
        %parallel_loop3A_258 = arith.muli %parallel_loop3A_114, %parallel_loop3A_257 : i32
        %parallel_loop3A_259 = arith.addi %multiple_of3A, %parallel_loop3A_258 : i32
        %parallel_loop3A_260 = arith.constant 5 : i32
        %parallel_loop3A_261 = arith.addi %parallel_loop3A_259, %parallel_loop3A_260 : i32
        %parallel_loop3A_262 = arith.cmpi slt, %parallel_loop3A_261, %squeeze3A_3 : i32
        %parallel_loop3A_263 = arith.cmpi sge, %parallel_loop3A_254, %squeeze3A_5 : i32
        %parallel_loop3A_264 = arith.andi %parallel_loop3A_262, %parallel_loop3A_263 : i1
        %parallel_loop3A_265 = arith.subi %parallel_loop3A_254, %squeeze3A_67 : i32
        %parallel_loop3A_266 = vector.broadcast %parallel_loop3A_265 : i32 to vector<16xi32>
        %parallel_loop3A_267 = arith.constant 16 : i32
        %parallel_loop3A_268 = arith.muli %parallel_loop3A_114, %parallel_loop3A_267 : i32
        %parallel_loop3A_269 = arith.constant 5 : i32
        %parallel_loop3A_270 = arith.addi %parallel_loop3A_268, %parallel_loop3A_269 : i32
        %parallel_loop3A_271 = vector.broadcast %parallel_loop3A_270 : i32 to vector<16xi32>
        %parallel_loop3A_272 = tpu.vector_load_idx %arg17[%parallel_loop3A_271, %iota3A] : memref<128x16xf32, #tpu.memory_space<vmem>>[vector<16xi32>, vector<16xi32>], vector<16xf32>,
        %parallel_loop3A_273 = arith.constant 37848152 : i32
        %parallel_loop3A_274 = arith.cmpi slt, %parallel_loop3A_256, %parallel_loop3A_273 : i32
        %parallel_loop3A_275 = arith.andi %parallel_loop3A_264, %parallel_loop3A_274 : i1
        %parallel_loop3A_276 = vector.broadcast %parallel_loop3A_275 : i1 to vector<16xi1>
        %parallel_loop3A_277 = vector.broadcast %parallel_loop3A_264 : i1 to vector<16xi1>
        tpu.vector_store_idx %arg18[%parallel_loop3A_266, %iota3A], %parallel_loop3A_272 masked %parallel_loop3A_276 {add = true} : memref<128x16xf32, #tpu.memory_space<vmem>>[vector<16xi32>, vector<16xi32>], vector<16xf32>, vector<16xi1>
        %parallel_loop3A_278 = vector.broadcast %parallel_loop3A_256 : i32 to vector<16xi32>
        tpu.vector_store_idx %arg19[%parallel_loop3A_266], %parallel_loop3A_278 masked %parallel_loop3A_277 : memref<128xi32, #tpu.memory_space<vmem>>[vector<16xi32>], vector<16xi32>, vector<16xi1>
        %parallel_loop3A_279 = vector.extract_strided_slice %parallel_loop3A_118 {offsets = [6], sizes = [1], strides = [1]} : vector<16xi32> to vector<1xi32>
        %parallel_loop3A_280 = vector.extract %parallel_loop3A_279[0] : i32 from vector<1xi32>
        %parallel_loop3A_281 = vector.extract_strided_slice %parallel_loop3A_122 {offsets = [6], sizes = [1], strides = [1]} : vector<16xi32> to vector<1xi32>
        %parallel_loop3A_282 = vector.extract %parallel_loop3A_281[0] : i32 from vector<1xi32>
        %parallel_loop3A_283 = arith.constant 16 : i32
        %parallel_loop3A_284 = arith.muli %parallel_loop3A_114, %parallel_loop3A_283 : i32
        %parallel_loop3A_285 = arith.addi %multiple_of3A, %parallel_loop3A_284 : i32
        %parallel_loop3A_286 = arith.constant 6 : i32
        %parallel_loop3A_287 = arith.addi %parallel_loop3A_285, %parallel_loop3A_286 : i32
        %parallel_loop3A_288 = arith.cmpi slt, %parallel_loop3A_287, %squeeze3A_3 : i32
        %parallel_loop3A_289 = arith.cmpi sge, %parallel_loop3A_280, %squeeze3A_5 : i32
        %parallel_loop3A_290 = arith.andi %parallel_loop3A_288, %parallel_loop3A_289 : i1
        %parallel_loop3A_291 = arith.subi %parallel_loop3A_280, %squeeze3A_67 : i32
        %parallel_loop3A_292 = vector.broadcast %parallel_loop3A_291 : i32 to vector<16xi32>
        %parallel_loop3A_293 = arith.constant 16 : i32
        %parallel_loop3A_294 = arith.muli %parallel_loop3A_114, %parallel_loop3A_293 : i32
        %parallel_loop3A_295 = arith.constant 6 : i32
        %parallel_loop3A_296 = arith.addi %parallel_loop3A_294, %parallel_loop3A_295 : i32
        %parallel_loop3A_297 = vector.broadcast %parallel_loop3A_296 : i32 to vector<16xi32>
        %parallel_loop3A_298 = tpu.vector_load_idx %arg17[%parallel_loop3A_297, %iota3A] : memref<128x16xf32, #tpu.memory_space<vmem>>[vector<16xi32>, vector<16xi32>], vector<16xf32>,
        %parallel_loop3A_299 = arith.constant 37848152 : i32
        %parallel_loop3A_300 = arith.cmpi slt, %parallel_loop3A_282, %parallel_loop3A_299 : i32
        %parallel_loop3A_301 = arith.andi %parallel_loop3A_290, %parallel_loop3A_300 : i1
        %parallel_loop3A_302 = vector.broadcast %parallel_loop3A_301 : i1 to vector<16xi1>
        %parallel_loop3A_303 = vector.broadcast %parallel_loop3A_290 : i1 to vector<16xi1>
        tpu.vector_store_idx %arg18[%parallel_loop3A_292, %iota3A], %parallel_loop3A_298 masked %parallel_loop3A_302 {add = true} : memref<128x16xf32, #tpu.memory_space<vmem>>[vector<16xi32>, vector<16xi32>], vector<16xf32>, vector<16xi1>
        %parallel_loop3A_304 = vector.broadcast %parallel_loop3A_282 : i32 to vector<16xi32>
        tpu.vector_store_idx %arg19[%parallel_loop3A_292], %parallel_loop3A_304 masked %parallel_loop3A_303 : memref<128xi32, #tpu.memory_space<vmem>>[vector<16xi32>], vector<16xi32>, vector<16xi1>
        %parallel_loop3A_305 = vector.extract_strided_slice %parallel_loop3A_118 {offsets = [7], sizes = [1], strides = [1]} : vector<16xi32> to vector<1xi32>
        %parallel_loop3A_306 = vector.extract %parallel_loop3A_305[0] : i32 from vector<1xi32>
        %parallel_loop3A_307 = vector.extract_strided_slice %parallel_loop3A_122 {offsets = [7], sizes = [1], strides = [1]} : vector<16xi32> to vector<1xi32>
        %parallel_loop3A_308 = vector.extract %parallel_loop3A_307[0] : i32 from vector<1xi32>
        %parallel_loop3A_309 = arith.constant 16 : i32
        %parallel_loop3A_310 = arith.muli %parallel_loop3A_114, %parallel_loop3A_309 : i32
        %parallel_loop3A_311 = arith.addi %multiple_of3A, %parallel_loop3A_310 : i32
        %parallel_loop3A_312 = arith.constant 7 : i32
        %parallel_loop3A_313 = arith.addi %parallel_loop3A_311, %parallel_loop3A_312 : i32
        %parallel_loop3A_314 = arith.cmpi slt, %parallel_loop3A_313, %squeeze3A_3 : i32
        %parallel_loop3A_315 = arith.cmpi sge, %parallel_loop3A_306, %squeeze3A_5 : i32
        %parallel_loop3A_316 = arith.andi %parallel_loop3A_314, %parallel_loop3A_315 : i1
        %parallel_loop3A_317 = arith.subi %parallel_loop3A_306, %squeeze3A_67 : i32
        %parallel_loop3A_318 = vector.broadcast %parallel_loop3A_317 : i32 to vector<16xi32>
        %parallel_loop3A_319 = arith.constant 16 : i32
        %parallel_loop3A_320 = arith.muli %parallel_loop3A_114, %parallel_loop3A_319 : i32
        %parallel_loop3A_321 = arith.constant 7 : i32
        %parallel_loop3A_322 = arith.addi %parallel_loop3A_320, %parallel_loop3A_321 : i32
        %parallel_loop3A_323 = vector.broadcast %parallel_loop3A_322 : i32 to vector<16xi32>
        %parallel_loop3A_324 = tpu.vector_load_idx %arg17[%parallel_loop3A_323, %iota3A] : memref<128x16xf32, #tpu.memory_space<vmem>>[vector<16xi32>, vector<16xi32>], vector<16xf32>,
        %parallel_loop3A_325 = arith.constant 37848152 : i32
        %parallel_loop3A_326 = arith.cmpi slt, %parallel_loop3A_308, %parallel_loop3A_325 : i32
        %parallel_loop3A_327 = arith.andi %parallel_loop3A_316, %parallel_loop3A_326 : i1
        %parallel_loop3A_328 = vector.broadcast %parallel_loop3A_327 : i1 to vector<16xi1>
        %parallel_loop3A_329 = vector.broadcast %parallel_loop3A_316 : i1 to vector<16xi1>
        tpu.vector_store_idx %arg18[%parallel_loop3A_318, %iota3A], %parallel_loop3A_324 masked %parallel_loop3A_328 {add = true} : memref<128x16xf32, #tpu.memory_space<vmem>>[vector<16xi32>, vector<16xi32>], vector<16xf32>, vector<16xi1>
        %parallel_loop3A_330 = vector.broadcast %parallel_loop3A_308 : i32 to vector<16xi32>
        tpu.vector_store_idx %arg19[%parallel_loop3A_318], %parallel_loop3A_330 masked %parallel_loop3A_329 : memref<128xi32, #tpu.memory_space<vmem>>[vector<16xi32>], vector<16xi32>, vector<16xi1>
        %parallel_loop3A_331 = vector.extract_strided_slice %parallel_loop3A_118 {offsets = [8], sizes = [1], strides = [1]} : vector<16xi32> to vector<1xi32>
        %parallel_loop3A_332 = vector.extract %parallel_loop3A_331[0] : i32 from vector<1xi32>
        %parallel_loop3A_333 = vector.extract_strided_slice %parallel_loop3A_122 {offsets = [8], sizes = [1], strides = [1]} : vector<16xi32> to vector<1xi32>
        %parallel_loop3A_334 = vector.extract %parallel_loop3A_333[0] : i32 from vector<1xi32>
        %parallel_loop3A_335 = arith.constant 16 : i32
        %parallel_loop3A_336 = arith.muli %parallel_loop3A_114, %parallel_loop3A_335 : i32
        %parallel_loop3A_337 = arith.addi %multiple_of3A, %parallel_loop3A_336 : i32
        %parallel_loop3A_338 = arith.constant 8 : i32
        %parallel_loop3A_339 = arith.addi %parallel_loop3A_337, %parallel_loop3A_338 : i32
        %parallel_loop3A_340 = arith.cmpi slt, %parallel_loop3A_339, %squeeze3A_3 : i32
        %parallel_loop3A_341 = arith.cmpi sge, %parallel_loop3A_332, %squeeze3A_5 : i32
        %parallel_loop3A_342 = arith.andi %parallel_loop3A_340, %parallel_loop3A_341 : i1
        %parallel_loop3A_343 = arith.subi %parallel_loop3A_332, %squeeze3A_67 : i32
        %parallel_loop3A_344 = vector.broadcast %parallel_loop3A_343 : i32 to vector<16xi32>
        %parallel_loop3A_345 = arith.constant 16 : i32
        %parallel_loop3A_346 = arith.muli %parallel_loop3A_114, %parallel_loop3A_345 : i32
        %parallel_loop3A_347 = arith.constant 8 : i32
        %parallel_loop3A_348 = arith.addi %parallel_loop3A_346, %parallel_loop3A_347 : i32
        %parallel_loop3A_349 = vector.broadcast %parallel_loop3A_348 : i32 to vector<16xi32>
        %parallel_loop3A_350 = tpu.vector_load_idx %arg17[%parallel_loop3A_349, %iota3A] : memref<128x16xf32, #tpu.memory_space<vmem>>[vector<16xi32>, vector<16xi32>], vector<16xf32>,
        %parallel_loop3A_351 = arith.constant 37848152 : i32
        %parallel_loop3A_352 = arith.cmpi slt, %parallel_loop3A_334, %parallel_loop3A_351 : i32
        %parallel_loop3A_353 = arith.andi %parallel_loop3A_342, %parallel_loop3A_352 : i1
        %parallel_loop3A_354 = vector.broadcast %parallel_loop3A_353 : i1 to vector<16xi1>
        %parallel_loop3A_355 = vector.broadcast %parallel_loop3A_342 : i1 to vector<16xi1>
        tpu.vector_store_idx %arg18[%parallel_loop3A_344, %iota3A], %parallel_loop3A_350 masked %parallel_loop3A_354 {add = true} : memref<128x16xf32, #tpu.memory_space<vmem>>[vector<16xi32>, vector<16xi32>], vector<16xf32>, vector<16xi1>
        %parallel_loop3A_356 = vector.broadcast %parallel_loop3A_334 : i32 to vector<16xi32>
        tpu.vector_store_idx %arg19[%parallel_loop3A_344], %parallel_loop3A_356 masked %parallel_loop3A_355 : memref<128xi32, #tpu.memory_space<vmem>>[vector<16xi32>], vector<16xi32>, vector<16xi1>
        %parallel_loop3A_357 = vector.extract_strided_slice %parallel_loop3A_118 {offsets = [9], sizes = [1], strides = [1]} : vector<16xi32> to vector<1xi32>
        %parallel_loop3A_358 = vector.extract %parallel_loop3A_357[0] : i32 from vector<1xi32>
        %parallel_loop3A_359 = vector.extract_strided_slice %parallel_loop3A_122 {offsets = [9], sizes = [1], strides = [1]} : vector<16xi32> to vector<1xi32>
        %parallel_loop3A_360 = vector.extract %parallel_loop3A_359[0] : i32 from vector<1xi32>
        %parallel_loop3A_361 = arith.constant 16 : i32
        %parallel_loop3A_362 = arith.muli %parallel_loop3A_114, %parallel_loop3A_361 : i32
        %parallel_loop3A_363 = arith.addi %multiple_of3A, %parallel_loop3A_362 : i32
        %parallel_loop3A_364 = arith.constant 9 : i32
        %parallel_loop3A_365 = arith.addi %parallel_loop3A_363, %parallel_loop3A_364 : i32
        %parallel_loop3A_366 = arith.cmpi slt, %parallel_loop3A_365, %squeeze3A_3 : i32
        %parallel_loop3A_367 = arith.cmpi sge, %parallel_loop3A_358, %squeeze3A_5 : i32
        %parallel_loop3A_368 = arith.andi %parallel_loop3A_366, %parallel_loop3A_367 : i1
        %parallel_loop3A_369 = arith.subi %parallel_loop3A_358, %squeeze3A_67 : i32
        %parallel_loop3A_370 = vector.broadcast %parallel_loop3A_369 : i32 to vector<16xi32>
        %parallel_loop3A_371 = arith.constant 16 : i32
        %parallel_loop3A_372 = arith.muli %parallel_loop3A_114, %parallel_loop3A_371 : i32
        %parallel_loop3A_373 = arith.constant 9 : i32
        %parallel_loop3A_374 = arith.addi %parallel_loop3A_372, %parallel_loop3A_373 : i32
        %parallel_loop3A_375 = vector.broadcast %parallel_loop3A_374 : i32 to vector<16xi32>
        %parallel_loop3A_376 = tpu.vector_load_idx %arg17[%parallel_loop3A_375, %iota3A] : memref<128x16xf32, #tpu.memory_space<vmem>>[vector<16xi32>, vector<16xi32>], vector<16xf32>,
        %parallel_loop3A_377 = arith.constant 37848152 : i32
        %parallel_loop3A_378 = arith.cmpi slt, %parallel_loop3A_360, %parallel_loop3A_377 : i32
        %parallel_loop3A_379 = arith.andi %parallel_loop3A_368, %parallel_loop3A_378 : i1
        %parallel_loop3A_380 = vector.broadcast %parallel_loop3A_379 : i1 to vector<16xi1>
        %parallel_loop3A_381 = vector.broadcast %parallel_loop3A_368 : i1 to vector<16xi1>
        tpu.vector_store_idx %arg18[%parallel_loop3A_370, %iota3A], %parallel_loop3A_376 masked %parallel_loop3A_380 {add = true} : memref<128x16xf32, #tpu.memory_space<vmem>>[vector<16xi32>, vector<16xi32>], vector<16xf32>, vector<16xi1>
        %parallel_loop3A_382 = vector.broadcast %parallel_loop3A_360 : i32 to vector<16xi32>
        tpu.vector_store_idx %arg19[%parallel_loop3A_370], %parallel_loop3A_382 masked %parallel_loop3A_381 : memref<128xi32, #tpu.memory_space<vmem>>[vector<16xi32>], vector<16xi32>, vector<16xi1>
        %parallel_loop3A_383 = vector.extract_strided_slice %parallel_loop3A_118 {offsets = [10], sizes = [1], strides = [1]} : vector<16xi32> to vector<1xi32>
        %parallel_loop3A_384 = vector.extract %parallel_loop3A_383[0] : i32 from vector<1xi32>
        %parallel_loop3A_385 = vector.extract_strided_slice %parallel_loop3A_122 {offsets = [10], sizes = [1], strides = [1]} : vector<16xi32> to vector<1xi32>
        %parallel_loop3A_386 = vector.extract %parallel_loop3A_385[0] : i32 from vector<1xi32>
        %parallel_loop3A_387 = arith.constant 16 : i32
        %parallel_loop3A_388 = arith.muli %parallel_loop3A_114, %parallel_loop3A_387 : i32
        %parallel_loop3A_389 = arith.addi %multiple_of3A, %parallel_loop3A_388 : i32
        %parallel_loop3A_390 = arith.constant 10 : i32
        %parallel_loop3A_391 = arith.addi %parallel_loop3A_389, %parallel_loop3A_390 : i32
        %parallel_loop3A_392 = arith.cmpi slt, %parallel_loop3A_391, %squeeze3A_3 : i32
        %parallel_loop3A_393 = arith.cmpi sge, %parallel_loop3A_384, %squeeze3A_5 : i32
        %parallel_loop3A_394 = arith.andi %parallel_loop3A_392, %parallel_loop3A_393 : i1
        %parallel_loop3A_395 = arith.subi %parallel_loop3A_384, %squeeze3A_67 : i32
        %parallel_loop3A_396 = vector.broadcast %parallel_loop3A_395 : i32 to vector<16xi32>
        %parallel_loop3A_397 = arith.constant 16 : i32
        %parallel_loop3A_398 = arith.muli %parallel_loop3A_114, %parallel_loop3A_397 : i32
        %parallel_loop3A_399 = arith.constant 10 : i32
        %parallel_loop3A_400 = arith.addi %parallel_loop3A_398, %parallel_loop3A_399 : i32
        %parallel_loop3A_401 = vector.broadcast %parallel_loop3A_400 : i32 to vector<16xi32>
        %parallel_loop3A_402 = tpu.vector_load_idx %arg17[%parallel_loop3A_401, %iota3A] : memref<128x16xf32, #tpu.memory_space<vmem>>[vector<16xi32>, vector<16xi32>], vector<16xf32>,
        %parallel_loop3A_403 = arith.constant 37848152 : i32
        %parallel_loop3A_404 = arith.cmpi slt, %parallel_loop3A_386, %parallel_loop3A_403 : i32
        %parallel_loop3A_405 = arith.andi %parallel_loop3A_394, %parallel_loop3A_404 : i1
        %parallel_loop3A_406 = vector.broadcast %parallel_loop3A_405 : i1 to vector<16xi1>
        %parallel_loop3A_407 = vector.broadcast %parallel_loop3A_394 : i1 to vector<16xi1>
        tpu.vector_store_idx %arg18[%parallel_loop3A_396, %iota3A], %parallel_loop3A_402 masked %parallel_loop3A_406 {add = true} : memref<128x16xf32, #tpu.memory_space<vmem>>[vector<16xi32>, vector<16xi32>], vector<16xf32>, vector<16xi1>
        %parallel_loop3A_408 = vector.broadcast %parallel_loop3A_386 : i32 to vector<16xi32>
        tpu.vector_store_idx %arg19[%parallel_loop3A_396], %parallel_loop3A_408 masked %parallel_loop3A_407 : memref<128xi32, #tpu.memory_space<vmem>>[vector<16xi32>], vector<16xi32>, vector<16xi1>
        %parallel_loop3A_409 = vector.extract_strided_slice %parallel_loop3A_118 {offsets = [11], sizes = [1], strides = [1]} : vector<16xi32> to vector<1xi32>
        %parallel_loop3A_410 = vector.extract %parallel_loop3A_409[0] : i32 from vector<1xi32>
        %parallel_loop3A_411 = vector.extract_strided_slice %parallel_loop3A_122 {offsets = [11], sizes = [1], strides = [1]} : vector<16xi32> to vector<1xi32>
        %parallel_loop3A_412 = vector.extract %parallel_loop3A_411[0] : i32 from vector<1xi32>
        %parallel_loop3A_413 = arith.constant 16 : i32
        %parallel_loop3A_414 = arith.muli %parallel_loop3A_114, %parallel_loop3A_413 : i32
        %parallel_loop3A_415 = arith.addi %multiple_of3A, %parallel_loop3A_414 : i32
        %parallel_loop3A_416 = arith.constant 11 : i32
        %parallel_loop3A_417 = arith.addi %parallel_loop3A_415, %parallel_loop3A_416 : i32
        %parallel_loop3A_418 = arith.cmpi slt, %parallel_loop3A_417, %squeeze3A_3 : i32
        %parallel_loop3A_419 = arith.cmpi sge, %parallel_loop3A_410, %squeeze3A_5 : i32
        %parallel_loop3A_420 = arith.andi %parallel_loop3A_418, %parallel_loop3A_419 : i1
        %parallel_loop3A_421 = arith.subi %parallel_loop3A_410, %squeeze3A_67 : i32
        %parallel_loop3A_422 = vector.broadcast %parallel_loop3A_421 : i32 to vector<16xi32>
        %parallel_loop3A_423 = arith.constant 16 : i32
        %parallel_loop3A_424 = arith.muli %parallel_loop3A_114, %parallel_loop3A_423 : i32
        %parallel_loop3A_425 = arith.constant 11 : i32
        %parallel_loop3A_426 = arith.addi %parallel_loop3A_424, %parallel_loop3A_425 : i32
        %parallel_loop3A_427 = vector.broadcast %parallel_loop3A_426 : i32 to vector<16xi32>
        %parallel_loop3A_428 = tpu.vector_load_idx %arg17[%parallel_loop3A_427, %iota3A] : memref<128x16xf32, #tpu.memory_space<vmem>>[vector<16xi32>, vector<16xi32>], vector<16xf32>,
        %parallel_loop3A_429 = arith.constant 37848152 : i32
        %parallel_loop3A_430 = arith.cmpi slt, %parallel_loop3A_412, %parallel_loop3A_429 : i32
        %parallel_loop3A_431 = arith.andi %parallel_loop3A_420, %parallel_loop3A_430 : i1
        %parallel_loop3A_432 = vector.broadcast %parallel_loop3A_431 : i1 to vector<16xi1>
        %parallel_loop3A_433 = vector.broadcast %parallel_loop3A_420 : i1 to vector<16xi1>
        tpu.vector_store_idx %arg18[%parallel_loop3A_422, %iota3A], %parallel_loop3A_428 masked %parallel_loop3A_432 {add = true} : memref<128x16xf32, #tpu.memory_space<vmem>>[vector<16xi32>, vector<16xi32>], vector<16xf32>, vector<16xi1>
        %parallel_loop3A_434 = vector.broadcast %parallel_loop3A_412 : i32 to vector<16xi32>
        tpu.vector_store_idx %arg19[%parallel_loop3A_422], %parallel_loop3A_434 masked %parallel_loop3A_433 : memref<128xi32, #tpu.memory_space<vmem>>[vector<16xi32>], vector<16xi32>, vector<16xi1>
        %parallel_loop3A_435 = vector.extract_strided_slice %parallel_loop3A_118 {offsets = [12], sizes = [1], strides = [1]} : vector<16xi32> to vector<1xi32>
        %parallel_loop3A_436 = vector.extract %parallel_loop3A_435[0] : i32 from vector<1xi32>
        %parallel_loop3A_437 = vector.extract_strided_slice %parallel_loop3A_122 {offsets = [12], sizes = [1], strides = [1]} : vector<16xi32> to vector<1xi32>
        %parallel_loop3A_438 = vector.extract %parallel_loop3A_437[0] : i32 from vector<1xi32>
        %parallel_loop3A_439 = arith.constant 16 : i32
        %parallel_loop3A_440 = arith.muli %parallel_loop3A_114, %parallel_loop3A_439 : i32
        %parallel_loop3A_441 = arith.addi %multiple_of3A, %parallel_loop3A_440 : i32
        %parallel_loop3A_442 = arith.constant 12 : i32
        %parallel_loop3A_443 = arith.addi %parallel_loop3A_441, %parallel_loop3A_442 : i32
        %parallel_loop3A_444 = arith.cmpi slt, %parallel_loop3A_443, %squeeze3A_3 : i32
        %parallel_loop3A_445 = arith.cmpi sge, %parallel_loop3A_436, %squeeze3A_5 : i32
        %parallel_loop3A_446 = arith.andi %parallel_loop3A_444, %parallel_loop3A_445 : i1
        %parallel_loop3A_447 = arith.subi %parallel_loop3A_436, %squeeze3A_67 : i32
        %parallel_loop3A_448 = vector.broadcast %parallel_loop3A_447 : i32 to vector<16xi32>
        %parallel_loop3A_449 = arith.constant 16 : i32
        %parallel_loop3A_450 = arith.muli %parallel_loop3A_114, %parallel_loop3A_449 : i32
        %parallel_loop3A_451 = arith.constant 12 : i32
        %parallel_loop3A_452 = arith.addi %parallel_loop3A_450, %parallel_loop3A_451 : i32
        %parallel_loop3A_453 = vector.broadcast %parallel_loop3A_452 : i32 to vector<16xi32>
        %parallel_loop3A_454 = tpu.vector_load_idx %arg17[%parallel_loop3A_453, %iota3A] : memref<128x16xf32, #tpu.memory_space<vmem>>[vector<16xi32>, vector<16xi32>], vector<16xf32>,
        %parallel_loop3A_455 = arith.constant 37848152 : i32
        %parallel_loop3A_456 = arith.cmpi slt, %parallel_loop3A_438, %parallel_loop3A_455 : i32
        %parallel_loop3A_457 = arith.andi %parallel_loop3A_446, %parallel_loop3A_456 : i1
        %parallel_loop3A_458 = vector.broadcast %parallel_loop3A_457 : i1 to vector<16xi1>
        %parallel_loop3A_459 = vector.broadcast %parallel_loop3A_446 : i1 to vector<16xi1>
        tpu.vector_store_idx %arg18[%parallel_loop3A_448, %iota3A], %parallel_loop3A_454 masked %parallel_loop3A_458 {add = true} : memref<128x16xf32, #tpu.memory_space<vmem>>[vector<16xi32>, vector<16xi32>], vector<16xf32>, vector<16xi1>
        %parallel_loop3A_460 = vector.broadcast %parallel_loop3A_438 : i32 to vector<16xi32>
        tpu.vector_store_idx %arg19[%parallel_loop3A_448], %parallel_loop3A_460 masked %parallel_loop3A_459 : memref<128xi32, #tpu.memory_space<vmem>>[vector<16xi32>], vector<16xi32>, vector<16xi1>
        %parallel_loop3A_461 = vector.extract_strided_slice %parallel_loop3A_118 {offsets = [13], sizes = [1], strides = [1]} : vector<16xi32> to vector<1xi32>
        %parallel_loop3A_462 = vector.extract %parallel_loop3A_461[0] : i32 from vector<1xi32>
        %parallel_loop3A_463 = vector.extract_strided_slice %parallel_loop3A_122 {offsets = [13], sizes = [1], strides = [1]} : vector<16xi32> to vector<1xi32>
        %parallel_loop3A_464 = vector.extract %parallel_loop3A_463[0] : i32 from vector<1xi32>
        %parallel_loop3A_465 = arith.constant 16 : i32
        %parallel_loop3A_466 = arith.muli %parallel_loop3A_114, %parallel_loop3A_465 : i32
        %parallel_loop3A_467 = arith.addi %multiple_of3A, %parallel_loop3A_466 : i32
        %parallel_loop3A_468 = arith.constant 13 : i32
        %parallel_loop3A_469 = arith.addi %parallel_loop3A_467, %parallel_loop3A_468 : i32
        %parallel_loop3A_470 = arith.cmpi slt, %parallel_loop3A_469, %squeeze3A_3 : i32
        %parallel_loop3A_471 = arith.cmpi sge, %parallel_loop3A_462, %squeeze3A_5 : i32
        %parallel_loop3A_472 = arith.andi %parallel_loop3A_470, %parallel_loop3A_471 : i1
        %parallel_loop3A_473 = arith.subi %parallel_loop3A_462, %squeeze3A_67 : i32
        %parallel_loop3A_474 = vector.broadcast %parallel_loop3A_473 : i32 to vector<16xi32>
        %parallel_loop3A_475 = arith.constant 16 : i32
        %parallel_loop3A_476 = arith.muli %parallel_loop3A_114, %parallel_loop3A_475 : i32
        %parallel_loop3A_477 = arith.constant 13 : i32
        %parallel_loop3A_478 = arith.addi %parallel_loop3A_476, %parallel_loop3A_477 : i32
        %parallel_loop3A_479 = vector.broadcast %parallel_loop3A_478 : i32 to vector<16xi32>
        %parallel_loop3A_480 = tpu.vector_load_idx %arg17[%parallel_loop3A_479, %iota3A] : memref<128x16xf32, #tpu.memory_space<vmem>>[vector<16xi32>, vector<16xi32>], vector<16xf32>,
        %parallel_loop3A_481 = arith.constant 37848152 : i32
        %parallel_loop3A_482 = arith.cmpi slt, %parallel_loop3A_464, %parallel_loop3A_481 : i32
        %parallel_loop3A_483 = arith.andi %parallel_loop3A_472, %parallel_loop3A_482 : i1
        %parallel_loop3A_484 = vector.broadcast %parallel_loop3A_483 : i1 to vector<16xi1>
        %parallel_loop3A_485 = vector.broadcast %parallel_loop3A_472 : i1 to vector<16xi1>
        tpu.vector_store_idx %arg18[%parallel_loop3A_474, %iota3A], %parallel_loop3A_480 masked %parallel_loop3A_484 {add = true} : memref<128x16xf32, #tpu.memory_space<vmem>>[vector<16xi32>, vector<16xi32>], vector<16xf32>, vector<16xi1>
        %parallel_loop3A_486 = vector.broadcast %parallel_loop3A_464 : i32 to vector<16xi32>
        tpu.vector_store_idx %arg19[%parallel_loop3A_474], %parallel_loop3A_486 masked %parallel_loop3A_485 : memref<128xi32, #tpu.memory_space<vmem>>[vector<16xi32>], vector<16xi32>, vector<16xi1>
        %parallel_loop3A_487 = vector.extract_strided_slice %parallel_loop3A_118 {offsets = [14], sizes = [1], strides = [1]} : vector<16xi32> to vector<1xi32>
        %parallel_loop3A_488 = vector.extract %parallel_loop3A_487[0] : i32 from vector<1xi32>
        %parallel_loop3A_489 = vector.extract_strided_slice %parallel_loop3A_122 {offsets = [14], sizes = [1], strides = [1]} : vector<16xi32> to vector<1xi32>
        %parallel_loop3A_490 = vector.extract %parallel_loop3A_489[0] : i32 from vector<1xi32>
        %parallel_loop3A_491 = arith.constant 16 : i32
        %parallel_loop3A_492 = arith.muli %parallel_loop3A_114, %parallel_loop3A_491 : i32
        %parallel_loop3A_493 = arith.addi %multiple_of3A, %parallel_loop3A_492 : i32
        %parallel_loop3A_494 = arith.constant 14 : i32
        %parallel_loop3A_495 = arith.addi %parallel_loop3A_493, %parallel_loop3A_494 : i32
        %parallel_loop3A_496 = arith.cmpi slt, %parallel_loop3A_495, %squeeze3A_3 : i32
        %parallel_loop3A_497 = arith.cmpi sge, %parallel_loop3A_488, %squeeze3A_5 : i32
        %parallel_loop3A_498 = arith.andi %parallel_loop3A_496, %parallel_loop3A_497 : i1
        %parallel_loop3A_499 = arith.subi %parallel_loop3A_488, %squeeze3A_67 : i32
        %parallel_loop3A_500 = vector.broadcast %parallel_loop3A_499 : i32 to vector<16xi32>
        %parallel_loop3A_501 = arith.constant 16 : i32
        %parallel_loop3A_502 = arith.muli %parallel_loop3A_114, %parallel_loop3A_501 : i32
        %parallel_loop3A_503 = arith.constant 14 : i32
        %parallel_loop3A_504 = arith.addi %parallel_loop3A_502, %parallel_loop3A_503 : i32
        %parallel_loop3A_505 = vector.broadcast %parallel_loop3A_504 : i32 to vector<16xi32>
        %parallel_loop3A_506 = tpu.vector_load_idx %arg17[%parallel_loop3A_505, %iota3A] : memref<128x16xf32, #tpu.memory_space<vmem>>[vector<16xi32>, vector<16xi32>], vector<16xf32>,
        %parallel_loop3A_507 = arith.constant 37848152 : i32
        %parallel_loop3A_508 = arith.cmpi slt, %parallel_loop3A_490, %parallel_loop3A_507 : i32
        %parallel_loop3A_509 = arith.andi %parallel_loop3A_498, %parallel_loop3A_508 : i1
        %parallel_loop3A_510 = vector.broadcast %parallel_loop3A_509 : i1 to vector<16xi1>
        %parallel_loop3A_511 = vector.broadcast %parallel_loop3A_498 : i1 to vector<16xi1>
        tpu.vector_store_idx %arg18[%parallel_loop3A_500, %iota3A], %parallel_loop3A_506 masked %parallel_loop3A_510 {add = true} : memref<128x16xf32, #tpu.memory_space<vmem>>[vector<16xi32>, vector<16xi32>], vector<16xf32>, vector<16xi1>
        %parallel_loop3A_512 = vector.broadcast %parallel_loop3A_490 : i32 to vector<16xi32>
        tpu.vector_store_idx %arg19[%parallel_loop3A_500], %parallel_loop3A_512 masked %parallel_loop3A_511 : memref<128xi32, #tpu.memory_space<vmem>>[vector<16xi32>], vector<16xi32>, vector<16xi1>
        %parallel_loop3A_513 = vector.extract_strided_slice %parallel_loop3A_118 {offsets = [15], sizes = [1], strides = [1]} : vector<16xi32> to vector<1xi32>
        %parallel_loop3A_514 = vector.extract %parallel_loop3A_513[0] : i32 from vector<1xi32>
        %parallel_loop3A_515 = vector.extract_strided_slice %parallel_loop3A_122 {offsets = [15], sizes = [1], strides = [1]} : vector<16xi32> to vector<1xi32>
        %parallel_loop3A_516 = vector.extract %parallel_loop3A_515[0] : i32 from vector<1xi32>
        %parallel_loop3A_517 = arith.constant 16 : i32
        %parallel_loop3A_518 = arith.muli %parallel_loop3A_114, %parallel_loop3A_517 : i32
        %parallel_loop3A_519 = arith.addi %multiple_of3A, %parallel_loop3A_518 : i32
        %parallel_loop3A_520 = arith.constant 15 : i32
        %parallel_loop3A_521 = arith.addi %parallel_loop3A_519, %parallel_loop3A_520 : i32
        %parallel_loop3A_522 = arith.cmpi slt, %parallel_loop3A_521, %squeeze3A_3 : i32
        %parallel_loop3A_523 = arith.cmpi sge, %parallel_loop3A_514, %squeeze3A_5 : i32
        %parallel_loop3A_524 = arith.andi %parallel_loop3A_522, %parallel_loop3A_523 : i1
        %parallel_loop3A_525 = arith.subi %parallel_loop3A_514, %squeeze3A_67 : i32
        %parallel_loop3A_526 = vector.broadcast %parallel_loop3A_525 : i32 to vector<16xi32>
        %parallel_loop3A_527 = arith.constant 16 : i32
        %parallel_loop3A_528 = arith.muli %parallel_loop3A_114, %parallel_loop3A_527 : i32
        %parallel_loop3A_529 = arith.constant 15 : i32
        %parallel_loop3A_530 = arith.addi %parallel_loop3A_528, %parallel_loop3A_529 : i32
        %parallel_loop3A_531 = vector.broadcast %parallel_loop3A_530 : i32 to vector<16xi32>
        %parallel_loop3A_532 = tpu.vector_load_idx %arg17[%parallel_loop3A_531, %iota3A] : memref<128x16xf32, #tpu.memory_space<vmem>>[vector<16xi32>, vector<16xi32>], vector<16xf32>,
        %parallel_loop3A_533 = arith.constant 37848152 : i32
        %parallel_loop3A_534 = arith.cmpi slt, %parallel_loop3A_516, %parallel_loop3A_533 : i32
        %parallel_loop3A_535 = arith.andi %parallel_loop3A_524, %parallel_loop3A_534 : i1
        %parallel_loop3A_536 = vector.broadcast %parallel_loop3A_535 : i1 to vector<16xi1>
        %parallel_loop3A_537 = vector.broadcast %parallel_loop3A_524 : i1 to vector<16xi1>
        tpu.vector_store_idx %arg18[%parallel_loop3A_526, %iota3A], %parallel_loop3A_532 masked %parallel_loop3A_536 {add = true} : memref<128x16xf32, #tpu.memory_space<vmem>>[vector<16xi32>, vector<16xi32>], vector<16xf32>, vector<16xi1>
        %parallel_loop3A_538 = vector.broadcast %parallel_loop3A_516 : i32 to vector<16xi32>
        tpu.vector_store_idx %arg19[%parallel_loop3A_526], %parallel_loop3A_538 masked %parallel_loop3A_537 : memref<128xi32, #tpu.memory_space<vmem>>[vector<16xi32>], vector<16xi32>, vector<16xi1>
      } {sc.loop_unroll_factor = 4 : i64, sc.parallel_access}
      %get3A_80 = arith.constant 127 : index
      %get3A_81 = tpu.vector_load %arg15[%get3A_80] {strides = array<i32>} : memref<144xi32, #tpu.memory_space<vmem>>, vector<16xi32>,
      %slice3A_82 = vector.extract_strided_slice %get3A_81 {offsets = [0], sizes = [1], strides = [1]} : vector<16xi32> to vector<1xi32>
      %squeeze3A_83 = vector.extract %slice3A_82[0] : i32 from vector<1xi32>
      %slice3A_84 = vector.extract_strided_slice %get3A_81 {offsets = [1], sizes = [1], strides = [1]} : vector<16xi32> to vector<1xi32>
      %squeeze3A_85 = vector.extract %slice3A_84[0] : i32 from vector<1xi32>
      %sub3A = arith.constant 1 : i32
      %sub3A_86 = arith.subi %squeeze3A_9, %sub3A : i32
      %eq3A_87 = arith.cmpi eq, %while3A_45, %sub3A_86 : i32
      %ne3A = arith.cmpi ne, %squeeze3A_85, %squeeze3A_83 : i32
      %add3A_88 = arith.constant 1 : i32
      %add3A_89 = arith.addi %squeeze3A_83, %add3A_88 : i32
      %select_n3A = arith.select %ne3A, %add3A_89, %squeeze3A_83 : i32
      %select_n3A_90 = arith.select %eq3A_87, %squeeze3A_7, %select_n3A : i32
      %sub3A_91 = arith.subi %squeeze3A_83, %squeeze3A_67 : i32
      %broadcast_in_dim3A_92 = vector.broadcast %sub3A_91 : i32 to vector<16xi32>
      %gather3A = tpu.vector_load_idx %arg18[%broadcast_in_dim3A_92, %iota3A] : memref<128x16xf32, #tpu.memory_space<vmem>>[vector<16xi32>, vector<16xi32>], vector<16xf32>,
      %scan3A_93 = arith.constant 0 : i32
      %scan3A_94 = arith.constant 0 : i32
      %scan3A_95 = arith.constant 8 : i32
      %scan3A_96 = arith.addi %scan3A_94, %scan3A_95 : i32
      %scan3A_97 = arith.constant 1 : i32
      %scan3A_98 = scf.for %scan3A_114 = %scan3A_94 to %scan3A_96 step %scan3A_97 iter_args(%scan3A_115 = %scan3A_93) -> (i32)  : i32 {
        %mul3A_116 = arith.constant 16 : i32
        %mul3A_117 = arith.muli %scan3A_114, %mul3A_116 : i32
        %add3A_118 = arith.addi %squeeze3A_67, %mul3A_117 : i32
        %add3A_119 = vector.broadcast %add3A_118 : i32 to vector<16xi32>
        %add3A_120 = arith.addi %add3A_119, %iota3A : vector<16xi32>
        %ge3A = vector.broadcast %squeeze3A_5 : i32 to vector<16xi32>
        %ge3A_121 = arith.cmpi sge, %add3A_120, %ge3A : vector<16xi32>
        %lt3A = vector.broadcast %select_n3A_90 : i32 to vector<16xi32>
        %lt3A_122 = arith.cmpi slt, %add3A_120, %lt3A : vector<16xi32>
        %and3A = arith.andi %ge3A_121, %lt3A_122 : vector<16xi1>
        %mul3A_123 = arith.constant 16 : i32
        %mul3A_124 = arith.muli %scan3A_114, %mul3A_123 : i32
        %add3A_125 = vector.broadcast %mul3A_124 : i32 to vector<16xi32>
        %add3A_126 = arith.addi %add3A_125, %iota3A : vector<16xi32>
        %broadcast_in_dim3A_127 = vector.broadcast %add3A_15 : i32 to vector<16xi32>
        %select_n3A_128 = arith.select %and3A, %add3A_120, %broadcast_in_dim3A_127 : vector<16xi1>, vector<16xi32>
        tpu.vector_store_idx %arg20[%add3A_126], %select_n3A_128 : memref<128xi32, #tpu.memory_space<vmem>>[vector<16xi32>], vector<16xi32>,
        %scan3A_129 = arith.constant 0 : i32
        scf.yield %scan3A_129 : i32
      }
      %scan3A_99 = arith.constant 8 : i32
      %ne3A_100 = arith.constant 0 : i32
      %ne3A_101 = arith.cmpi ne, %squeeze3A_13, %ne3A_100 : i32
      %convert_element_type3A_102 = arith.extui %ne3A_101 : i1 to i32
      %cond3A_103 = arith.constant 0 : i32
      %cond3A_104 = arith.cmpi ne, %convert_element_type3A_102, %cond3A_103 : i32
      scf.if %cond3A_104 {
        %parallel_loop3A_114 = arith.constant 0 : i32
        %parallel_loop3A_115 = arith.constant 8 : i32
        %parallel_loop3A_116 = arith.constant 1 : i32
        scf.for %parallel_loop3A_117 = %parallel_loop3A_114 to %parallel_loop3A_115 step %parallel_loop3A_116  : i32 {
          %parallel_loop3A_118 = arith.constant 16 : i32
          %parallel_loop3A_119 = arith.muli %parallel_loop3A_117, %parallel_loop3A_118 : i32
          %parallel_loop3A_120 = arith.constant 0 : i32
          %parallel_loop3A_121 = arith.addi %parallel_loop3A_119, %parallel_loop3A_120 : i32
          %parallel_loop3A_122 = vector.broadcast %parallel_loop3A_121 : i32 to vector<16xi32>
          tpu.vector_store_idx %arg18[%parallel_loop3A_122, %iota3A], %get3A_20 {add = true} : memref<128x16xf32, #tpu.memory_space<vmem>>[vector<16xi32>, vector<16xi32>], vector<16xf32>,
          %parallel_loop3A_123 = arith.constant 16 : i32
          %parallel_loop3A_124 = arith.muli %parallel_loop3A_117, %parallel_loop3A_123 : i32
          %parallel_loop3A_125 = arith.constant 1 : i32
          %parallel_loop3A_126 = arith.addi %parallel_loop3A_124, %parallel_loop3A_125 : i32
          %parallel_loop3A_127 = vector.broadcast %parallel_loop3A_126 : i32 to vector<16xi32>
          tpu.vector_store_idx %arg18[%parallel_loop3A_127, %iota3A], %get3A_20 {add = true} : memref<128x16xf32, #tpu.memory_space<vmem>>[vector<16xi32>, vector<16xi32>], vector<16xf32>,
          %parallel_loop3A_128 = arith.constant 16 : i32
          %parallel_loop3A_129 = arith.muli %parallel_loop3A_117, %parallel_loop3A_128 : i32
          %parallel_loop3A_130 = arith.constant 2 : i32
          %parallel_loop3A_131 = arith.addi %parallel_loop3A_129, %parallel_loop3A_130 : i32
          %parallel_loop3A_132 = vector.broadcast %parallel_loop3A_131 : i32 to vector<16xi32>
          tpu.vector_store_idx %arg18[%parallel_loop3A_132, %iota3A], %get3A_20 {add = true} : memref<128x16xf32, #tpu.memory_space<vmem>>[vector<16xi32>, vector<16xi32>], vector<16xf32>,
          %parallel_loop3A_133 = arith.constant 16 : i32
          %parallel_loop3A_134 = arith.muli %parallel_loop3A_117, %parallel_loop3A_133 : i32
          %parallel_loop3A_135 = arith.constant 3 : i32
          %parallel_loop3A_136 = arith.addi %parallel_loop3A_134, %parallel_loop3A_135 : i32
          %parallel_loop3A_137 = vector.broadcast %parallel_loop3A_136 : i32 to vector<16xi32>
          tpu.vector_store_idx %arg18[%parallel_loop3A_137, %iota3A], %get3A_20 {add = true} : memref<128x16xf32, #tpu.memory_space<vmem>>[vector<16xi32>, vector<16xi32>], vector<16xf32>,
          %parallel_loop3A_138 = arith.constant 16 : i32
          %parallel_loop3A_139 = arith.muli %parallel_loop3A_117, %parallel_loop3A_138 : i32
          %parallel_loop3A_140 = arith.constant 4 : i32
          %parallel_loop3A_141 = arith.addi %parallel_loop3A_139, %parallel_loop3A_140 : i32
          %parallel_loop3A_142 = vector.broadcast %parallel_loop3A_141 : i32 to vector<16xi32>
          tpu.vector_store_idx %arg18[%parallel_loop3A_142, %iota3A], %get3A_20 {add = true} : memref<128x16xf32, #tpu.memory_space<vmem>>[vector<16xi32>, vector<16xi32>], vector<16xf32>,
          %parallel_loop3A_143 = arith.constant 16 : i32
          %parallel_loop3A_144 = arith.muli %parallel_loop3A_117, %parallel_loop3A_143 : i32
          %parallel_loop3A_145 = arith.constant 5 : i32
          %parallel_loop3A_146 = arith.addi %parallel_loop3A_144, %parallel_loop3A_145 : i32
          %parallel_loop3A_147 = vector.broadcast %parallel_loop3A_146 : i32 to vector<16xi32>
          tpu.vector_store_idx %arg18[%parallel_loop3A_147, %iota3A], %get3A_20 {add = true} : memref<128x16xf32, #tpu.memory_space<vmem>>[vector<16xi32>, vector<16xi32>], vector<16xf32>,
          %parallel_loop3A_148 = arith.constant 16 : i32
          %parallel_loop3A_149 = arith.muli %parallel_loop3A_117, %parallel_loop3A_148 : i32
          %parallel_loop3A_150 = arith.constant 6 : i32
          %parallel_loop3A_151 = arith.addi %parallel_loop3A_149, %parallel_loop3A_150 : i32
          %parallel_loop3A_152 = vector.broadcast %parallel_loop3A_151 : i32 to vector<16xi32>
          tpu.vector_store_idx %arg18[%parallel_loop3A_152, %iota3A], %get3A_20 {add = true} : memref<128x16xf32, #tpu.memory_space<vmem>>[vector<16xi32>, vector<16xi32>], vector<16xf32>,
          %parallel_loop3A_153 = arith.constant 16 : i32
          %parallel_loop3A_154 = arith.muli %parallel_loop3A_117, %parallel_loop3A_153 : i32
          %parallel_loop3A_155 = arith.constant 7 : i32
          %parallel_loop3A_156 = arith.addi %parallel_loop3A_154, %parallel_loop3A_155 : i32
          %parallel_loop3A_157 = vector.broadcast %parallel_loop3A_156 : i32 to vector<16xi32>
          tpu.vector_store_idx %arg18[%parallel_loop3A_157, %iota3A], %get3A_20 {add = true} : memref<128x16xf32, #tpu.memory_space<vmem>>[vector<16xi32>, vector<16xi32>], vector<16xf32>,
          %parallel_loop3A_158 = arith.constant 16 : i32
          %parallel_loop3A_159 = arith.muli %parallel_loop3A_117, %parallel_loop3A_158 : i32
          %parallel_loop3A_160 = arith.constant 8 : i32
          %parallel_loop3A_161 = arith.addi %parallel_loop3A_159, %parallel_loop3A_160 : i32
          %parallel_loop3A_162 = vector.broadcast %parallel_loop3A_161 : i32 to vector<16xi32>
          tpu.vector_store_idx %arg18[%parallel_loop3A_162, %iota3A], %get3A_20 {add = true} : memref<128x16xf32, #tpu.memory_space<vmem>>[vector<16xi32>, vector<16xi32>], vector<16xf32>,
          %parallel_loop3A_163 = arith.constant 16 : i32
          %parallel_loop3A_164 = arith.muli %parallel_loop3A_117, %parallel_loop3A_163 : i32
          %parallel_loop3A_165 = arith.constant 9 : i32
          %parallel_loop3A_166 = arith.addi %parallel_loop3A_164, %parallel_loop3A_165 : i32
          %parallel_loop3A_167 = vector.broadcast %parallel_loop3A_166 : i32 to vector<16xi32>
          tpu.vector_store_idx %arg18[%parallel_loop3A_167, %iota3A], %get3A_20 {add = true} : memref<128x16xf32, #tpu.memory_space<vmem>>[vector<16xi32>, vector<16xi32>], vector<16xf32>,
          %parallel_loop3A_168 = arith.constant 16 : i32
          %parallel_loop3A_169 = arith.muli %parallel_loop3A_117, %parallel_loop3A_168 : i32
          %parallel_loop3A_170 = arith.constant 10 : i32
          %parallel_loop3A_171 = arith.addi %parallel_loop3A_169, %parallel_loop3A_170 : i32
          %parallel_loop3A_172 = vector.broadcast %parallel_loop3A_171 : i32 to vector<16xi32>
          tpu.vector_store_idx %arg18[%parallel_loop3A_172, %iota3A], %get3A_20 {add = true} : memref<128x16xf32, #tpu.memory_space<vmem>>[vector<16xi32>, vector<16xi32>], vector<16xf32>,
          %parallel_loop3A_173 = arith.constant 16 : i32
          %parallel_loop3A_174 = arith.muli %parallel_loop3A_117, %parallel_loop3A_173 : i32
          %parallel_loop3A_175 = arith.constant 11 : i32
          %parallel_loop3A_176 = arith.addi %parallel_loop3A_174, %parallel_loop3A_175 : i32
          %parallel_loop3A_177 = vector.broadcast %parallel_loop3A_176 : i32 to vector<16xi32>
          tpu.vector_store_idx %arg18[%parallel_loop3A_177, %iota3A], %get3A_20 {add = true} : memref<128x16xf32, #tpu.memory_space<vmem>>[vector<16xi32>, vector<16xi32>], vector<16xf32>,
          %parallel_loop3A_178 = arith.constant 16 : i32
          %parallel_loop3A_179 = arith.muli %parallel_loop3A_117, %parallel_loop3A_178 : i32
          %parallel_loop3A_180 = arith.constant 12 : i32
          %parallel_loop3A_181 = arith.addi %parallel_loop3A_179, %parallel_loop3A_180 : i32
          %parallel_loop3A_182 = vector.broadcast %parallel_loop3A_181 : i32 to vector<16xi32>
          tpu.vector_store_idx %arg18[%parallel_loop3A_182, %iota3A], %get3A_20 {add = true} : memref<128x16xf32, #tpu.memory_space<vmem>>[vector<16xi32>, vector<16xi32>], vector<16xf32>,
          %parallel_loop3A_183 = arith.constant 16 : i32
          %parallel_loop3A_184 = arith.muli %parallel_loop3A_117, %parallel_loop3A_183 : i32
          %parallel_loop3A_185 = arith.constant 13 : i32
          %parallel_loop3A_186 = arith.addi %parallel_loop3A_184, %parallel_loop3A_185 : i32
          %parallel_loop3A_187 = vector.broadcast %parallel_loop3A_186 : i32 to vector<16xi32>
          tpu.vector_store_idx %arg18[%parallel_loop3A_187, %iota3A], %get3A_20 {add = true} : memref<128x16xf32, #tpu.memory_space<vmem>>[vector<16xi32>, vector<16xi32>], vector<16xf32>,
          %parallel_loop3A_188 = arith.constant 16 : i32
          %parallel_loop3A_189 = arith.muli %parallel_loop3A_117, %parallel_loop3A_188 : i32
          %parallel_loop3A_190 = arith.constant 14 : i32
          %parallel_loop3A_191 = arith.addi %parallel_loop3A_189, %parallel_loop3A_190 : i32
          %parallel_loop3A_192 = vector.broadcast %parallel_loop3A_191 : i32 to vector<16xi32>
          tpu.vector_store_idx %arg18[%parallel_loop3A_192, %iota3A], %get3A_20 {add = true} : memref<128x16xf32, #tpu.memory_space<vmem>>[vector<16xi32>, vector<16xi32>], vector<16xf32>,
          %parallel_loop3A_193 = arith.constant 16 : i32
          %parallel_loop3A_194 = arith.muli %parallel_loop3A_117, %parallel_loop3A_193 : i32
          %parallel_loop3A_195 = arith.constant 15 : i32
          %parallel_loop3A_196 = arith.addi %parallel_loop3A_194, %parallel_loop3A_195 : i32
          %parallel_loop3A_197 = vector.broadcast %parallel_loop3A_196 : i32 to vector<16xi32>
          tpu.vector_store_idx %arg18[%parallel_loop3A_197, %iota3A], %get3A_20 {add = true} : memref<128x16xf32, #tpu.memory_space<vmem>>[vector<16xi32>, vector<16xi32>], vector<16xf32>,
        } {sc.loop_unroll_factor = 2 : i64, sc.parallel_access}
      } else {
      }
      %dma_start3A_105 = arith.constant 0 : i32
      %dma_start3A_106 = arith.constant 0 : i32
      %dma_start3A_107 = tpu.memref_slice %arg10[%dma_start3A_105, %dma_start3A_106] : memref<1350032x16xf32, #tpu.memory_space<hbm>> -> memref<1350032x16xf32, #tpu.memory_space<hbm>>
      tpu.enqueue_indirect_dma source(%arg18 : memref<128x16xf32, #tpu.memory_space<vmem>>) target(%dma_start3A_107 : memref<1350032x16xf32, #tpu.memory_space<hbm>>) offsets(%arg20 : memref<128xi32, #tpu.memory_space<vmem>>) semaphore(%arg24 : memref<!tpu.dma_semaphore, #tpu.memory_space<semaphore_mem>>)
      %dma_start3A_108 = arith.constant 0 : i32
      %dma_start3A_109 = tpu.memref_slice %arg11[%dma_start3A_108] : memref<1350032xi32, #tpu.memory_space<hbm>> -> memref<1350032xi32, #tpu.memory_space<hbm>>
      tpu.enqueue_indirect_dma source(%arg19 : memref<128xi32, #tpu.memory_space<vmem>>) target(%dma_start3A_109 : memref<1350032xi32, #tpu.memory_space<hbm>>) offsets(%arg20 : memref<128xi32, #tpu.memory_space<vmem>>) semaphore(%arg25 : memref<!tpu.dma_semaphore, #tpu.memory_space<semaphore_mem>>)
      %get3A_110 = arith.constant 127 : index
      %get3A_111 = tpu.vector_load %arg14[%get3A_110] {strides = array<i32>} : memref<144xi32, #tpu.memory_space<vmem>>, vector<16xi32>,
      %slice3A_112 = vector.extract_strided_slice %get3A_111 {offsets = [0], sizes = [1], strides = [1]} : vector<16xi32> to vector<1xi32>
      %squeeze3A_113 = vector.extract %slice3A_112[0] : i32 from vector<1xi32>
      scf.yield %gather3A, %squeeze3A_83, %squeeze3A_113 : vector<16xf32>, i32, i32
    }
    %while3A_33 = arith.constant 1 : i32
    %while3A_34:3 = scf.for %while3A_45 = %while3A_30 to %while3A_26 step %while3A_33 iter_args(%while3A_46 = %while3A_32#0, %while3A_47 = %while3A_32#1, %while3A_48 = %while3A_32#2) -> (vector<16xf32>, i32, i32)  : i32 {
      %mul3A_49 = arith.constant 128 : i32
      %mul3A_50 = arith.muli %while3A_45, %mul3A_49 : i32
      %add3A_51 = arith.addi %squeeze3A, %mul3A_50 : i32
      %multiple_of3A = tpu.assume_multiple %add3A_51, 8 : i32
      %dma_start3A = tpu.memref_slice %arg2[%multiple_of3A] : memref<1351824xi32, #tpu.memory_space<hbm>> -> memref<144xi32, #tpu.memory_space<hbm>>
      %dma_start3A_52 = tpu.memref_slice %arg2[%multiple_of3A] : memref<1351824xi32, #tpu.memory_space<hbm>> -> memref<144xi32, #tpu.memory_space<hbm>>
      tpu.enqueue_dma source(%dma_start3A_52 : memref<144xi32, #tpu.memory_space<hbm>>) target(%arg14 : memref<144xi32, #tpu.memory_space<vmem>>) target_semaphore(%arg26 : memref<!tpu.dma_semaphore, #tpu.memory_space<semaphore_mem>>)
      %dma_start3A_53 = tpu.memref_slice %arg3[%multiple_of3A] : memref<1351824xi32, #tpu.memory_space<hbm>> -> memref<144xi32, #tpu.memory_space<hbm>>
      %dma_start3A_54 = tpu.memref_slice %arg3[%multiple_of3A] : memref<1351824xi32, #tpu.memory_space<hbm>> -> memref<144xi32, #tpu.memory_space<hbm>>
      tpu.enqueue_dma source(%dma_start3A_54 : memref<144xi32, #tpu.memory_space<hbm>>) target(%arg15 : memref<144xi32, #tpu.memory_space<vmem>>) target_semaphore(%arg27 : memref<!tpu.dma_semaphore, #tpu.memory_space<semaphore_mem>>)
      "tpu.region"() ({
        %run_scoped3A = tpu.sem_alloc : memref<!tpu.dma_semaphore, #tpu.memory_space<semaphore_mem>>
        %dma_start3A_114 = tpu.memref_slice %arg4[%multiple_of3A] : memref<1351824xi32, #tpu.memory_space<hbm>> -> memref<128xi32, #tpu.memory_space<hbm>>
        %dma_start3A_115 = tpu.memref_slice %arg4[%multiple_of3A] : memref<1351824xi32, #tpu.memory_space<hbm>> -> memref<128xi32, #tpu.memory_space<hbm>>
        tpu.enqueue_dma source(%dma_start3A_115 : memref<128xi32, #tpu.memory_space<hbm>>) target(%arg16 : memref<128xi32, #tpu.memory_space<vmem>>) target_semaphore(%run_scoped3A : memref<!tpu.dma_semaphore, #tpu.memory_space<semaphore_mem>>)
        %dma_wait3A_116 = tpu.memref_slice %arg4[%multiple_of3A] : memref<1351824xi32, #tpu.memory_space<hbm>> -> memref<128xi32, #tpu.memory_space<hbm>>
        %dma_wait3A_117 = tpu.memref_slice %arg4[%multiple_of3A] : memref<1351824xi32, #tpu.memory_space<hbm>> -> memref<128xi32, #tpu.memory_space<hbm>>
        tpu.wait_dma2 semaphore(%run_scoped3A : memref<!tpu.dma_semaphore, #tpu.memory_space<semaphore_mem>>) src(%dma_wait3A_117 : memref<128xi32, #tpu.memory_space<hbm>>) dst(%arg16 : memref<128xi32, #tpu.memory_space<vmem>>)
        tpu.yield
      }) : () -> ()
      %dma_start3A_55 = arith.constant 0 : i32
      %dma_start3A_56 = arith.constant 0 : i32
      %dma_start3A_57 = tpu.memref_slice %arg5[%dma_start3A_55, %dma_start3A_56] : memref<1350000x16xf32, #tpu.memory_space<hbm>> -> memref<1350000x16xf32, #tpu.memory_space<hbm>>
      tpu.enqueue_indirect_dma source(%dma_start3A_57 : memref<1350000x16xf32, #tpu.memory_space<hbm>>) target(%arg17 : memref<128x16xf32, #tpu.memory_space<vmem>>) offsets(%arg16 : memref<128xi32, #tpu.memory_space<vmem>>) semaphore(%arg23 : memref<!tpu.dma_semaphore, #tpu.memory_space<semaphore_mem>>)
      %dma_wait3A = tpu.memref_slice %arg2[%multiple_of3A] : memref<1351824xi32, #tpu.memory_space<hbm>> -> memref<144xi32, #tpu.memory_space<hbm>>
      %dma_wait3A_58 = tpu.memref_slice %arg2[%multiple_of3A] : memref<1351824xi32, #tpu.memory_space<hbm>> -> memref<144xi32, #tpu.memory_space<hbm>>
      tpu.wait_dma2 semaphore(%arg26 : memref<!tpu.dma_semaphore, #tpu.memory_space<semaphore_mem>>) src(%dma_wait3A_58 : memref<144xi32, #tpu.memory_space<hbm>>) dst(%arg14 : memref<144xi32, #tpu.memory_space<vmem>>)
      %dma_wait3A_59 = tpu.memref_slice %arg3[%multiple_of3A] : memref<1351824xi32, #tpu.memory_space<hbm>> -> memref<144xi32, #tpu.memory_space<hbm>>
      %dma_wait3A_60 = tpu.memref_slice %arg3[%multiple_of3A] : memref<1351824xi32, #tpu.memory_space<hbm>> -> memref<144xi32, #tpu.memory_space<hbm>>
      tpu.wait_dma2 semaphore(%arg27 : memref<!tpu.dma_semaphore, #tpu.memory_space<semaphore_mem>>) src(%dma_wait3A_60 : memref<144xi32, #tpu.memory_space<hbm>>) dst(%arg15 : memref<144xi32, #tpu.memory_space<vmem>>)
      %dma_wait3A_61 = arith.constant 0 : i32
      %dma_wait3A_62 = arith.constant 0 : i32
      %dma_wait3A_63 = tpu.memref_slice %arg5[%dma_wait3A_61, %dma_wait3A_62] : memref<1350000x16xf32, #tpu.memory_space<hbm>> -> memref<1350000x16xf32, #tpu.memory_space<hbm>>
      tpu.wait_indirect_dma semaphore(%arg23 : memref<!tpu.dma_semaphore, #tpu.memory_space<semaphore_mem>>) src(%dma_wait3A_63 : memref<1350000x16xf32, #tpu.memory_space<hbm>>) dst(%arg17 : memref<128x16xf32, #tpu.memory_space<vmem>>)
      %get3A_64 = arith.constant 0 : index
      %get3A_65 = tpu.vector_load %arg15[%get3A_64] {strides = array<i32>} : memref<144xi32, #tpu.memory_space<vmem>>, vector<16xi32>,
      %slice3A_66 = vector.extract_strided_slice %get3A_65 {offsets = [0], sizes = [1], strides = [1]} : vector<16xi32> to vector<1xi32>
      %squeeze3A_67 = vector.extract %slice3A_66[0] : i32 from vector<1xi32>
      %gt3A_68 = arith.constant 0 : i32
      %gt3A_69 = arith.cmpi sgt, %while3A_45, %gt3A_68 : i32
      %convert_element_type3A_70 = arith.extui %gt3A_69 : i1 to i32
      %cond3A_71 = arith.constant 0 : i32
      %cond3A_72 = arith.cmpi ne, %convert_element_type3A_70, %cond3A_71 : i32
      scf.if %cond3A_72 {
        %dma_wait3A_114 = arith.constant 0 : i32
        %dma_wait3A_115 = arith.constant 0 : i32
        %dma_wait3A_116 = tpu.memref_slice %arg10[%dma_wait3A_114, %dma_wait3A_115] : memref<1350032x16xf32, #tpu.memory_space<hbm>> -> memref<1350032x16xf32, #tpu.memory_space<hbm>>
        tpu.wait_indirect_dma semaphore(%arg24 : memref<!tpu.dma_semaphore, #tpu.memory_space<semaphore_mem>>) src(%arg18 : memref<128x16xf32, #tpu.memory_space<vmem>>) dst(%dma_wait3A_116 : memref<1350032x16xf32, #tpu.memory_space<hbm>>)
        %dma_wait3A_117 = arith.constant 0 : i32
        %dma_wait3A_118 = tpu.memref_slice %arg11[%dma_wait3A_117] : memref<1350032xi32, #tpu.memory_space<hbm>> -> memref<1350032xi32, #tpu.memory_space<hbm>>
        tpu.wait_indirect_dma semaphore(%arg25 : memref<!tpu.dma_semaphore, #tpu.memory_space<semaphore_mem>>) src(%arg19 : memref<128xi32, #tpu.memory_space<vmem>>) dst(%dma_wait3A_118 : memref<1350032xi32, #tpu.memory_space<hbm>>)
      } else {
      }
      %parallel_loop3A = arith.constant 0 : i32
      %parallel_loop3A_73 = arith.constant 8 : i32
      %parallel_loop3A_74 = arith.constant 1 : i32
      scf.for %parallel_loop3A_114 = %parallel_loop3A to %parallel_loop3A_73 step %parallel_loop3A_74  : i32 {
        %parallel_loop3A_115 = arith.constant 16 : i32
        %parallel_loop3A_116 = arith.muli %parallel_loop3A_114, %parallel_loop3A_115 : i32
        %parallel_loop3A_117 = arith.constant 0 : i32
        %parallel_loop3A_118 = arith.addi %parallel_loop3A_116, %parallel_loop3A_117 : i32
        %parallel_loop3A_119 = vector.broadcast %parallel_loop3A_118 : i32 to vector<16xi32>
        tpu.vector_store_idx %arg18[%parallel_loop3A_119, %iota3A], %broadcast_in_dim3A_18 : memref<128x16xf32, #tpu.memory_space<vmem>>[vector<16xi32>, vector<16xi32>], vector<16xf32>,
        %parallel_loop3A_120 = arith.constant 16 : i32
        %parallel_loop3A_121 = arith.muli %parallel_loop3A_114, %parallel_loop3A_120 : i32
        %parallel_loop3A_122 = arith.constant 1 : i32
        %parallel_loop3A_123 = arith.addi %parallel_loop3A_121, %parallel_loop3A_122 : i32
        %parallel_loop3A_124 = vector.broadcast %parallel_loop3A_123 : i32 to vector<16xi32>
        tpu.vector_store_idx %arg18[%parallel_loop3A_124, %iota3A], %broadcast_in_dim3A_18 : memref<128x16xf32, #tpu.memory_space<vmem>>[vector<16xi32>, vector<16xi32>], vector<16xf32>,
        %parallel_loop3A_125 = arith.constant 16 : i32
        %parallel_loop3A_126 = arith.muli %parallel_loop3A_114, %parallel_loop3A_125 : i32
        %parallel_loop3A_127 = arith.constant 2 : i32
        %parallel_loop3A_128 = arith.addi %parallel_loop3A_126, %parallel_loop3A_127 : i32
        %parallel_loop3A_129 = vector.broadcast %parallel_loop3A_128 : i32 to vector<16xi32>
        tpu.vector_store_idx %arg18[%parallel_loop3A_129, %iota3A], %broadcast_in_dim3A_18 : memref<128x16xf32, #tpu.memory_space<vmem>>[vector<16xi32>, vector<16xi32>], vector<16xf32>,
        %parallel_loop3A_130 = arith.constant 16 : i32
        %parallel_loop3A_131 = arith.muli %parallel_loop3A_114, %parallel_loop3A_130 : i32
        %parallel_loop3A_132 = arith.constant 3 : i32
        %parallel_loop3A_133 = arith.addi %parallel_loop3A_131, %parallel_loop3A_132 : i32
        %parallel_loop3A_134 = vector.broadcast %parallel_loop3A_133 : i32 to vector<16xi32>
        tpu.vector_store_idx %arg18[%parallel_loop3A_134, %iota3A], %broadcast_in_dim3A_18 : memref<128x16xf32, #tpu.memory_space<vmem>>[vector<16xi32>, vector<16xi32>], vector<16xf32>,
        %parallel_loop3A_135 = arith.constant 16 : i32
        %parallel_loop3A_136 = arith.muli %parallel_loop3A_114, %parallel_loop3A_135 : i32
        %parallel_loop3A_137 = arith.constant 4 : i32
        %parallel_loop3A_138 = arith.addi %parallel_loop3A_136, %parallel_loop3A_137 : i32
        %parallel_loop3A_139 = vector.broadcast %parallel_loop3A_138 : i32 to vector<16xi32>
        tpu.vector_store_idx %arg18[%parallel_loop3A_139, %iota3A], %broadcast_in_dim3A_18 : memref<128x16xf32, #tpu.memory_space<vmem>>[vector<16xi32>, vector<16xi32>], vector<16xf32>,
        %parallel_loop3A_140 = arith.constant 16 : i32
        %parallel_loop3A_141 = arith.muli %parallel_loop3A_114, %parallel_loop3A_140 : i32
        %parallel_loop3A_142 = arith.constant 5 : i32
        %parallel_loop3A_143 = arith.addi %parallel_loop3A_141, %parallel_loop3A_142 : i32
        %parallel_loop3A_144 = vector.broadcast %parallel_loop3A_143 : i32 to vector<16xi32>
        tpu.vector_store_idx %arg18[%parallel_loop3A_144, %iota3A], %broadcast_in_dim3A_18 : memref<128x16xf32, #tpu.memory_space<vmem>>[vector<16xi32>, vector<16xi32>], vector<16xf32>,
        %parallel_loop3A_145 = arith.constant 16 : i32
        %parallel_loop3A_146 = arith.muli %parallel_loop3A_114, %parallel_loop3A_145 : i32
        %parallel_loop3A_147 = arith.constant 6 : i32
        %parallel_loop3A_148 = arith.addi %parallel_loop3A_146, %parallel_loop3A_147 : i32
        %parallel_loop3A_149 = vector.broadcast %parallel_loop3A_148 : i32 to vector<16xi32>
        tpu.vector_store_idx %arg18[%parallel_loop3A_149, %iota3A], %broadcast_in_dim3A_18 : memref<128x16xf32, #tpu.memory_space<vmem>>[vector<16xi32>, vector<16xi32>], vector<16xf32>,
        %parallel_loop3A_150 = arith.constant 16 : i32
        %parallel_loop3A_151 = arith.muli %parallel_loop3A_114, %parallel_loop3A_150 : i32
        %parallel_loop3A_152 = arith.constant 7 : i32
        %parallel_loop3A_153 = arith.addi %parallel_loop3A_151, %parallel_loop3A_152 : i32
        %parallel_loop3A_154 = vector.broadcast %parallel_loop3A_153 : i32 to vector<16xi32>
        tpu.vector_store_idx %arg18[%parallel_loop3A_154, %iota3A], %broadcast_in_dim3A_18 : memref<128x16xf32, #tpu.memory_space<vmem>>[vector<16xi32>, vector<16xi32>], vector<16xf32>,
        %parallel_loop3A_155 = arith.constant 16 : i32
        %parallel_loop3A_156 = arith.muli %parallel_loop3A_114, %parallel_loop3A_155 : i32
        %parallel_loop3A_157 = arith.constant 8 : i32
        %parallel_loop3A_158 = arith.addi %parallel_loop3A_156, %parallel_loop3A_157 : i32
        %parallel_loop3A_159 = vector.broadcast %parallel_loop3A_158 : i32 to vector<16xi32>
        tpu.vector_store_idx %arg18[%parallel_loop3A_159, %iota3A], %broadcast_in_dim3A_18 : memref<128x16xf32, #tpu.memory_space<vmem>>[vector<16xi32>, vector<16xi32>], vector<16xf32>,
        %parallel_loop3A_160 = arith.constant 16 : i32
        %parallel_loop3A_161 = arith.muli %parallel_loop3A_114, %parallel_loop3A_160 : i32
        %parallel_loop3A_162 = arith.constant 9 : i32
        %parallel_loop3A_163 = arith.addi %parallel_loop3A_161, %parallel_loop3A_162 : i32
        %parallel_loop3A_164 = vector.broadcast %parallel_loop3A_163 : i32 to vector<16xi32>
        tpu.vector_store_idx %arg18[%parallel_loop3A_164, %iota3A], %broadcast_in_dim3A_18 : memref<128x16xf32, #tpu.memory_space<vmem>>[vector<16xi32>, vector<16xi32>], vector<16xf32>,
        %parallel_loop3A_165 = arith.constant 16 : i32
        %parallel_loop3A_166 = arith.muli %parallel_loop3A_114, %parallel_loop3A_165 : i32
        %parallel_loop3A_167 = arith.constant 10 : i32
        %parallel_loop3A_168 = arith.addi %parallel_loop3A_166, %parallel_loop3A_167 : i32
        %parallel_loop3A_169 = vector.broadcast %parallel_loop3A_168 : i32 to vector<16xi32>
        tpu.vector_store_idx %arg18[%parallel_loop3A_169, %iota3A], %broadcast_in_dim3A_18 : memref<128x16xf32, #tpu.memory_space<vmem>>[vector<16xi32>, vector<16xi32>], vector<16xf32>,
        %parallel_loop3A_170 = arith.constant 16 : i32
        %parallel_loop3A_171 = arith.muli %parallel_loop3A_114, %parallel_loop3A_170 : i32
        %parallel_loop3A_172 = arith.constant 11 : i32
        %parallel_loop3A_173 = arith.addi %parallel_loop3A_171, %parallel_loop3A_172 : i32
        %parallel_loop3A_174 = vector.broadcast %parallel_loop3A_173 : i32 to vector<16xi32>
        tpu.vector_store_idx %arg18[%parallel_loop3A_174, %iota3A], %broadcast_in_dim3A_18 : memref<128x16xf32, #tpu.memory_space<vmem>>[vector<16xi32>, vector<16xi32>], vector<16xf32>,
        %parallel_loop3A_175 = arith.constant 16 : i32
        %parallel_loop3A_176 = arith.muli %parallel_loop3A_114, %parallel_loop3A_175 : i32
        %parallel_loop3A_177 = arith.constant 12 : i32
        %parallel_loop3A_178 = arith.addi %parallel_loop3A_176, %parallel_loop3A_177 : i32
        %parallel_loop3A_179 = vector.broadcast %parallel_loop3A_178 : i32 to vector<16xi32>
        tpu.vector_store_idx %arg18[%parallel_loop3A_179, %iota3A], %broadcast_in_dim3A_18 : memref<128x16xf32, #tpu.memory_space<vmem>>[vector<16xi32>, vector<16xi32>], vector<16xf32>,
        %parallel_loop3A_180 = arith.constant 16 : i32
        %parallel_loop3A_181 = arith.muli %parallel_loop3A_114, %parallel_loop3A_180 : i32
        %parallel_loop3A_182 = arith.constant 13 : i32
        %parallel_loop3A_183 = arith.addi %parallel_loop3A_181, %parallel_loop3A_182 : i32
        %parallel_loop3A_184 = vector.broadcast %parallel_loop3A_183 : i32 to vector<16xi32>
        tpu.vector_store_idx %arg18[%parallel_loop3A_184, %iota3A], %broadcast_in_dim3A_18 : memref<128x16xf32, #tpu.memory_space<vmem>>[vector<16xi32>, vector<16xi32>], vector<16xf32>,
        %parallel_loop3A_185 = arith.constant 16 : i32
        %parallel_loop3A_186 = arith.muli %parallel_loop3A_114, %parallel_loop3A_185 : i32
        %parallel_loop3A_187 = arith.constant 14 : i32
        %parallel_loop3A_188 = arith.addi %parallel_loop3A_186, %parallel_loop3A_187 : i32
        %parallel_loop3A_189 = vector.broadcast %parallel_loop3A_188 : i32 to vector<16xi32>
        tpu.vector_store_idx %arg18[%parallel_loop3A_189, %iota3A], %broadcast_in_dim3A_18 : memref<128x16xf32, #tpu.memory_space<vmem>>[vector<16xi32>, vector<16xi32>], vector<16xf32>,
        %parallel_loop3A_190 = arith.constant 16 : i32
        %parallel_loop3A_191 = arith.muli %parallel_loop3A_114, %parallel_loop3A_190 : i32
        %parallel_loop3A_192 = arith.constant 15 : i32
        %parallel_loop3A_193 = arith.addi %parallel_loop3A_191, %parallel_loop3A_192 : i32
        %parallel_loop3A_194 = vector.broadcast %parallel_loop3A_193 : i32 to vector<16xi32>
        tpu.vector_store_idx %arg18[%parallel_loop3A_194, %iota3A], %broadcast_in_dim3A_18 : memref<128x16xf32, #tpu.memory_space<vmem>>[vector<16xi32>, vector<16xi32>], vector<16xf32>,
      } {sc.loop_unroll_factor = 2 : i64, sc.parallel_access}
      %eq3A = arith.cmpi eq, %while3A_47, %squeeze3A_67 : i32
      %broadcast_in_dim3A_75 = vector.broadcast %eq3A : i1 to vector<16xi1>
      tpu.vector_store_idx %arg18[%broadcast_in_dim3A_16, %iota3A], %while3A_46 masked %broadcast_in_dim3A_75 : memref<128x16xf32, #tpu.memory_space<vmem>>[vector<16xi32>, vector<16xi32>], vector<16xf32>, vector<16xi1>
      %broadcast_in_dim3A_76 = vector.broadcast %while3A_48 : i32 to vector<16xi32>
      tpu.vector_store_idx %arg19[%broadcast_in_dim3A_16], %broadcast_in_dim3A_76 masked %broadcast_in_dim3A_75 : memref<128xi32, #tpu.memory_space<vmem>>[vector<16xi32>], vector<16xi32>, vector<16xi1>
      %parallel_loop3A_77 = arith.constant 0 : i32
      %parallel_loop3A_78 = arith.constant 8 : i32
      %parallel_loop3A_79 = arith.constant 1 : i32
      scf.for %parallel_loop3A_114 = %parallel_loop3A_77 to %parallel_loop3A_78 step %parallel_loop3A_79  : i32 {
        %parallel_loop3A_115 = arith.constant 16 : i32
        %parallel_loop3A_116 = arith.muli %parallel_loop3A_114, %parallel_loop3A_115 : i32
        %parallel_loop3A_117 = arith.index_cast %parallel_loop3A_116 : i32 to index
        %parallel_loop3A_118 = tpu.vector_load %arg15[%parallel_loop3A_117] {strides = array<i32>} : memref<144xi32, #tpu.memory_space<vmem>>, vector<16xi32>,
        %parallel_loop3A_119 = arith.constant 16 : i32
        %parallel_loop3A_120 = arith.muli %parallel_loop3A_114, %parallel_loop3A_119 : i32
        %parallel_loop3A_121 = arith.index_cast %parallel_loop3A_120 : i32 to index
        %parallel_loop3A_122 = tpu.vector_load %arg14[%parallel_loop3A_121] {strides = array<i32>} : memref<144xi32, #tpu.memory_space<vmem>>, vector<16xi32>,
        %parallel_loop3A_123 = vector.extract_strided_slice %parallel_loop3A_118 {offsets = [0], sizes = [1], strides = [1]} : vector<16xi32> to vector<1xi32>
        %parallel_loop3A_124 = vector.extract %parallel_loop3A_123[0] : i32 from vector<1xi32>
        %parallel_loop3A_125 = vector.extract_strided_slice %parallel_loop3A_122 {offsets = [0], sizes = [1], strides = [1]} : vector<16xi32> to vector<1xi32>
        %parallel_loop3A_126 = vector.extract %parallel_loop3A_125[0] : i32 from vector<1xi32>
        %parallel_loop3A_127 = arith.constant 16 : i32
        %parallel_loop3A_128 = arith.muli %parallel_loop3A_114, %parallel_loop3A_127 : i32
        %parallel_loop3A_129 = arith.addi %multiple_of3A, %parallel_loop3A_128 : i32
        %parallel_loop3A_130 = arith.constant 0 : i32
        %parallel_loop3A_131 = arith.addi %parallel_loop3A_129, %parallel_loop3A_130 : i32
        %parallel_loop3A_132 = arith.cmpi slt, %parallel_loop3A_131, %squeeze3A_3 : i32
        %parallel_loop3A_133 = arith.cmpi sge, %parallel_loop3A_124, %squeeze3A_5 : i32
        %parallel_loop3A_134 = arith.andi %parallel_loop3A_132, %parallel_loop3A_133 : i1
        %parallel_loop3A_135 = arith.subi %parallel_loop3A_124, %squeeze3A_67 : i32
        %parallel_loop3A_136 = vector.broadcast %parallel_loop3A_135 : i32 to vector<16xi32>
        %parallel_loop3A_137 = arith.constant 16 : i32
        %parallel_loop3A_138 = arith.muli %parallel_loop3A_114, %parallel_loop3A_137 : i32
        %parallel_loop3A_139 = arith.constant 0 : i32
        %parallel_loop3A_140 = arith.addi %parallel_loop3A_138, %parallel_loop3A_139 : i32
        %parallel_loop3A_141 = vector.broadcast %parallel_loop3A_140 : i32 to vector<16xi32>
        %parallel_loop3A_142 = tpu.vector_load_idx %arg17[%parallel_loop3A_141, %iota3A] : memref<128x16xf32, #tpu.memory_space<vmem>>[vector<16xi32>, vector<16xi32>], vector<16xf32>,
        %parallel_loop3A_143 = arith.constant 37848152 : i32
        %parallel_loop3A_144 = arith.cmpi slt, %parallel_loop3A_126, %parallel_loop3A_143 : i32
        %parallel_loop3A_145 = arith.andi %parallel_loop3A_134, %parallel_loop3A_144 : i1
        %parallel_loop3A_146 = vector.broadcast %parallel_loop3A_145 : i1 to vector<16xi1>
        %parallel_loop3A_147 = vector.broadcast %parallel_loop3A_134 : i1 to vector<16xi1>
        tpu.vector_store_idx %arg18[%parallel_loop3A_136, %iota3A], %parallel_loop3A_142 masked %parallel_loop3A_146 {add = true} : memref<128x16xf32, #tpu.memory_space<vmem>>[vector<16xi32>, vector<16xi32>], vector<16xf32>, vector<16xi1>
        %parallel_loop3A_148 = vector.broadcast %parallel_loop3A_126 : i32 to vector<16xi32>
        tpu.vector_store_idx %arg19[%parallel_loop3A_136], %parallel_loop3A_148 masked %parallel_loop3A_147 : memref<128xi32, #tpu.memory_space<vmem>>[vector<16xi32>], vector<16xi32>, vector<16xi1>
        %parallel_loop3A_149 = vector.extract_strided_slice %parallel_loop3A_118 {offsets = [1], sizes = [1], strides = [1]} : vector<16xi32> to vector<1xi32>
        %parallel_loop3A_150 = vector.extract %parallel_loop3A_149[0] : i32 from vector<1xi32>
        %parallel_loop3A_151 = vector.extract_strided_slice %parallel_loop3A_122 {offsets = [1], sizes = [1], strides = [1]} : vector<16xi32> to vector<1xi32>
        %parallel_loop3A_152 = vector.extract %parallel_loop3A_151[0] : i32 from vector<1xi32>
        %parallel_loop3A_153 = arith.constant 16 : i32
        %parallel_loop3A_154 = arith.muli %parallel_loop3A_114, %parallel_loop3A_153 : i32
        %parallel_loop3A_155 = arith.addi %multiple_of3A, %parallel_loop3A_154 : i32
        %parallel_loop3A_156 = arith.constant 1 : i32
        %parallel_loop3A_157 = arith.addi %parallel_loop3A_155, %parallel_loop3A_156 : i32
        %parallel_loop3A_158 = arith.cmpi slt, %parallel_loop3A_157, %squeeze3A_3 : i32
        %parallel_loop3A_159 = arith.cmpi sge, %parallel_loop3A_150, %squeeze3A_5 : i32
        %parallel_loop3A_160 = arith.andi %parallel_loop3A_158, %parallel_loop3A_159 : i1
        %parallel_loop3A_161 = arith.subi %parallel_loop3A_150, %squeeze3A_67 : i32
        %parallel_loop3A_162 = vector.broadcast %parallel_loop3A_161 : i32 to vector<16xi32>
        %parallel_loop3A_163 = arith.constant 16 : i32
        %parallel_loop3A_164 = arith.muli %parallel_loop3A_114, %parallel_loop3A_163 : i32
        %parallel_loop3A_165 = arith.constant 1 : i32
        %parallel_loop3A_166 = arith.addi %parallel_loop3A_164, %parallel_loop3A_165 : i32
        %parallel_loop3A_167 = vector.broadcast %parallel_loop3A_166 : i32 to vector<16xi32>
        %parallel_loop3A_168 = tpu.vector_load_idx %arg17[%parallel_loop3A_167, %iota3A] : memref<128x16xf32, #tpu.memory_space<vmem>>[vector<16xi32>, vector<16xi32>], vector<16xf32>,
        %parallel_loop3A_169 = arith.constant 37848152 : i32
        %parallel_loop3A_170 = arith.cmpi slt, %parallel_loop3A_152, %parallel_loop3A_169 : i32
        %parallel_loop3A_171 = arith.andi %parallel_loop3A_160, %parallel_loop3A_170 : i1
        %parallel_loop3A_172 = vector.broadcast %parallel_loop3A_171 : i1 to vector<16xi1>
        %parallel_loop3A_173 = vector.broadcast %parallel_loop3A_160 : i1 to vector<16xi1>
        tpu.vector_store_idx %arg18[%parallel_loop3A_162, %iota3A], %parallel_loop3A_168 masked %parallel_loop3A_172 {add = true} : memref<128x16xf32, #tpu.memory_space<vmem>>[vector<16xi32>, vector<16xi32>], vector<16xf32>, vector<16xi1>
        %parallel_loop3A_174 = vector.broadcast %parallel_loop3A_152 : i32 to vector<16xi32>
        tpu.vector_store_idx %arg19[%parallel_loop3A_162], %parallel_loop3A_174 masked %parallel_loop3A_173 : memref<128xi32, #tpu.memory_space<vmem>>[vector<16xi32>], vector<16xi32>, vector<16xi1>
        %parallel_loop3A_175 = vector.extract_strided_slice %parallel_loop3A_118 {offsets = [2], sizes = [1], strides = [1]} : vector<16xi32> to vector<1xi32>
        %parallel_loop3A_176 = vector.extract %parallel_loop3A_175[0] : i32 from vector<1xi32>
        %parallel_loop3A_177 = vector.extract_strided_slice %parallel_loop3A_122 {offsets = [2], sizes = [1], strides = [1]} : vector<16xi32> to vector<1xi32>
        %parallel_loop3A_178 = vector.extract %parallel_loop3A_177[0] : i32 from vector<1xi32>
        %parallel_loop3A_179 = arith.constant 16 : i32
        %parallel_loop3A_180 = arith.muli %parallel_loop3A_114, %parallel_loop3A_179 : i32
        %parallel_loop3A_181 = arith.addi %multiple_of3A, %parallel_loop3A_180 : i32
        %parallel_loop3A_182 = arith.constant 2 : i32
        %parallel_loop3A_183 = arith.addi %parallel_loop3A_181, %parallel_loop3A_182 : i32
        %parallel_loop3A_184 = arith.cmpi slt, %parallel_loop3A_183, %squeeze3A_3 : i32
        %parallel_loop3A_185 = arith.cmpi sge, %parallel_loop3A_176, %squeeze3A_5 : i32
        %parallel_loop3A_186 = arith.andi %parallel_loop3A_184, %parallel_loop3A_185 : i1
        %parallel_loop3A_187 = arith.subi %parallel_loop3A_176, %squeeze3A_67 : i32
        %parallel_loop3A_188 = vector.broadcast %parallel_loop3A_187 : i32 to vector<16xi32>
        %parallel_loop3A_189 = arith.constant 16 : i32
        %parallel_loop3A_190 = arith.muli %parallel_loop3A_114, %parallel_loop3A_189 : i32
        %parallel_loop3A_191 = arith.constant 2 : i32
        %parallel_loop3A_192 = arith.addi %parallel_loop3A_190, %parallel_loop3A_191 : i32
        %parallel_loop3A_193 = vector.broadcast %parallel_loop3A_192 : i32 to vector<16xi32>
        %parallel_loop3A_194 = tpu.vector_load_idx %arg17[%parallel_loop3A_193, %iota3A] : memref<128x16xf32, #tpu.memory_space<vmem>>[vector<16xi32>, vector<16xi32>], vector<16xf32>,
        %parallel_loop3A_195 = arith.constant 37848152 : i32
        %parallel_loop3A_196 = arith.cmpi slt, %parallel_loop3A_178, %parallel_loop3A_195 : i32
        %parallel_loop3A_197 = arith.andi %parallel_loop3A_186, %parallel_loop3A_196 : i1
        %parallel_loop3A_198 = vector.broadcast %parallel_loop3A_197 : i1 to vector<16xi1>
        %parallel_loop3A_199 = vector.broadcast %parallel_loop3A_186 : i1 to vector<16xi1>
        tpu.vector_store_idx %arg18[%parallel_loop3A_188, %iota3A], %parallel_loop3A_194 masked %parallel_loop3A_198 {add = true} : memref<128x16xf32, #tpu.memory_space<vmem>>[vector<16xi32>, vector<16xi32>], vector<16xf32>, vector<16xi1>
        %parallel_loop3A_200 = vector.broadcast %parallel_loop3A_178 : i32 to vector<16xi32>
        tpu.vector_store_idx %arg19[%parallel_loop3A_188], %parallel_loop3A_200 masked %parallel_loop3A_199 : memref<128xi32, #tpu.memory_space<vmem>>[vector<16xi32>], vector<16xi32>, vector<16xi1>
        %parallel_loop3A_201 = vector.extract_strided_slice %parallel_loop3A_118 {offsets = [3], sizes = [1], strides = [1]} : vector<16xi32> to vector<1xi32>
        %parallel_loop3A_202 = vector.extract %parallel_loop3A_201[0] : i32 from vector<1xi32>
        %parallel_loop3A_203 = vector.extract_strided_slice %parallel_loop3A_122 {offsets = [3], sizes = [1], strides = [1]} : vector<16xi32> to vector<1xi32>
        %parallel_loop3A_204 = vector.extract %parallel_loop3A_203[0] : i32 from vector<1xi32>
        %parallel_loop3A_205 = arith.constant 16 : i32
        %parallel_loop3A_206 = arith.muli %parallel_loop3A_114, %parallel_loop3A_205 : i32
        %parallel_loop3A_207 = arith.addi %multiple_of3A, %parallel_loop3A_206 : i32
        %parallel_loop3A_208 = arith.constant 3 : i32
        %parallel_loop3A_209 = arith.addi %parallel_loop3A_207, %parallel_loop3A_208 : i32
        %parallel_loop3A_210 = arith.cmpi slt, %parallel_loop3A_209, %squeeze3A_3 : i32
        %parallel_loop3A_211 = arith.cmpi sge, %parallel_loop3A_202, %squeeze3A_5 : i32
        %parallel_loop3A_212 = arith.andi %parallel_loop3A_210, %parallel_loop3A_211 : i1
        %parallel_loop3A_213 = arith.subi %parallel_loop3A_202, %squeeze3A_67 : i32
        %parallel_loop3A_214 = vector.broadcast %parallel_loop3A_213 : i32 to vector<16xi32>
        %parallel_loop3A_215 = arith.constant 16 : i32
        %parallel_loop3A_216 = arith.muli %parallel_loop3A_114, %parallel_loop3A_215 : i32
        %parallel_loop3A_217 = arith.constant 3 : i32
        %parallel_loop3A_218 = arith.addi %parallel_loop3A_216, %parallel_loop3A_217 : i32
        %parallel_loop3A_219 = vector.broadcast %parallel_loop3A_218 : i32 to vector<16xi32>
        %parallel_loop3A_220 = tpu.vector_load_idx %arg17[%parallel_loop3A_219, %iota3A] : memref<128x16xf32, #tpu.memory_space<vmem>>[vector<16xi32>, vector<16xi32>], vector<16xf32>,
        %parallel_loop3A_221 = arith.constant 37848152 : i32
        %parallel_loop3A_222 = arith.cmpi slt, %parallel_loop3A_204, %parallel_loop3A_221 : i32
        %parallel_loop3A_223 = arith.andi %parallel_loop3A_212, %parallel_loop3A_222 : i1
        %parallel_loop3A_224 = vector.broadcast %parallel_loop3A_223 : i1 to vector<16xi1>
        %parallel_loop3A_225 = vector.broadcast %parallel_loop3A_212 : i1 to vector<16xi1>
        tpu.vector_store_idx %arg18[%parallel_loop3A_214, %iota3A], %parallel_loop3A_220 masked %parallel_loop3A_224 {add = true} : memref<128x16xf32, #tpu.memory_space<vmem>>[vector<16xi32>, vector<16xi32>], vector<16xf32>, vector<16xi1>
        %parallel_loop3A_226 = vector.broadcast %parallel_loop3A_204 : i32 to vector<16xi32>
        tpu.vector_store_idx %arg19[%parallel_loop3A_214], %parallel_loop3A_226 masked %parallel_loop3A_225 : memref<128xi32, #tpu.memory_space<vmem>>[vector<16xi32>], vector<16xi32>, vector<16xi1>
        %parallel_loop3A_227 = vector.extract_strided_slice %parallel_loop3A_118 {offsets = [4], sizes = [1], strides = [1]} : vector<16xi32> to vector<1xi32>
        %parallel_loop3A_228 = vector.extract %parallel_loop3A_227[0] : i32 from vector<1xi32>
        %parallel_loop3A_229 = vector.extract_strided_slice %parallel_loop3A_122 {offsets = [4], sizes = [1], strides = [1]} : vector<16xi32> to vector<1xi32>
        %parallel_loop3A_230 = vector.extract %parallel_loop3A_229[0] : i32 from vector<1xi32>
        %parallel_loop3A_231 = arith.constant 16 : i32
        %parallel_loop3A_232 = arith.muli %parallel_loop3A_114, %parallel_loop3A_231 : i32
        %parallel_loop3A_233 = arith.addi %multiple_of3A, %parallel_loop3A_232 : i32
        %parallel_loop3A_234 = arith.constant 4 : i32
        %parallel_loop3A_235 = arith.addi %parallel_loop3A_233, %parallel_loop3A_234 : i32
        %parallel_loop3A_236 = arith.cmpi slt, %parallel_loop3A_235, %squeeze3A_3 : i32
        %parallel_loop3A_237 = arith.cmpi sge, %parallel_loop3A_228, %squeeze3A_5 : i32
        %parallel_loop3A_238 = arith.andi %parallel_loop3A_236, %parallel_loop3A_237 : i1
        %parallel_loop3A_239 = arith.subi %parallel_loop3A_228, %squeeze3A_67 : i32
        %parallel_loop3A_240 = vector.broadcast %parallel_loop3A_239 : i32 to vector<16xi32>
        %parallel_loop3A_241 = arith.constant 16 : i32
        %parallel_loop3A_242 = arith.muli %parallel_loop3A_114, %parallel_loop3A_241 : i32
        %parallel_loop3A_243 = arith.constant 4 : i32
        %parallel_loop3A_244 = arith.addi %parallel_loop3A_242, %parallel_loop3A_243 : i32
        %parallel_loop3A_245 = vector.broadcast %parallel_loop3A_244 : i32 to vector<16xi32>
        %parallel_loop3A_246 = tpu.vector_load_idx %arg17[%parallel_loop3A_245, %iota3A] : memref<128x16xf32, #tpu.memory_space<vmem>>[vector<16xi32>, vector<16xi32>], vector<16xf32>,
        %parallel_loop3A_247 = arith.constant 37848152 : i32
        %parallel_loop3A_248 = arith.cmpi slt, %parallel_loop3A_230, %parallel_loop3A_247 : i32
        %parallel_loop3A_249 = arith.andi %parallel_loop3A_238, %parallel_loop3A_248 : i1
        %parallel_loop3A_250 = vector.broadcast %parallel_loop3A_249 : i1 to vector<16xi1>
        %parallel_loop3A_251 = vector.broadcast %parallel_loop3A_238 : i1 to vector<16xi1>
        tpu.vector_store_idx %arg18[%parallel_loop3A_240, %iota3A], %parallel_loop3A_246 masked %parallel_loop3A_250 {add = true} : memref<128x16xf32, #tpu.memory_space<vmem>>[vector<16xi32>, vector<16xi32>], vector<16xf32>, vector<16xi1>
        %parallel_loop3A_252 = vector.broadcast %parallel_loop3A_230 : i32 to vector<16xi32>
        tpu.vector_store_idx %arg19[%parallel_loop3A_240], %parallel_loop3A_252 masked %parallel_loop3A_251 : memref<128xi32, #tpu.memory_space<vmem>>[vector<16xi32>], vector<16xi32>, vector<16xi1>
        %parallel_loop3A_253 = vector.extract_strided_slice %parallel_loop3A_118 {offsets = [5], sizes = [1], strides = [1]} : vector<16xi32> to vector<1xi32>
        %parallel_loop3A_254 = vector.extract %parallel_loop3A_253[0] : i32 from vector<1xi32>
        %parallel_loop3A_255 = vector.extract_strided_slice %parallel_loop3A_122 {offsets = [5], sizes = [1], strides = [1]} : vector<16xi32> to vector<1xi32>
        %parallel_loop3A_256 = vector.extract %parallel_loop3A_255[0] : i32 from vector<1xi32>
        %parallel_loop3A_257 = arith.constant 16 : i32
        %parallel_loop3A_258 = arith.muli %parallel_loop3A_114, %parallel_loop3A_257 : i32
        %parallel_loop3A_259 = arith.addi %multiple_of3A, %parallel_loop3A_258 : i32
        %parallel_loop3A_260 = arith.constant 5 : i32
        %parallel_loop3A_261 = arith.addi %parallel_loop3A_259, %parallel_loop3A_260 : i32
        %parallel_loop3A_262 = arith.cmpi slt, %parallel_loop3A_261, %squeeze3A_3 : i32
        %parallel_loop3A_263 = arith.cmpi sge, %parallel_loop3A_254, %squeeze3A_5 : i32
        %parallel_loop3A_264 = arith.andi %parallel_loop3A_262, %parallel_loop3A_263 : i1
        %parallel_loop3A_265 = arith.subi %parallel_loop3A_254, %squeeze3A_67 : i32
        %parallel_loop3A_266 = vector.broadcast %parallel_loop3A_265 : i32 to vector<16xi32>
        %parallel_loop3A_267 = arith.constant 16 : i32
        %parallel_loop3A_268 = arith.muli %parallel_loop3A_114, %parallel_loop3A_267 : i32
        %parallel_loop3A_269 = arith.constant 5 : i32
        %parallel_loop3A_270 = arith.addi %parallel_loop3A_268, %parallel_loop3A_269 : i32
        %parallel_loop3A_271 = vector.broadcast %parallel_loop3A_270 : i32 to vector<16xi32>
        %parallel_loop3A_272 = tpu.vector_load_idx %arg17[%parallel_loop3A_271, %iota3A] : memref<128x16xf32, #tpu.memory_space<vmem>>[vector<16xi32>, vector<16xi32>], vector<16xf32>,
        %parallel_loop3A_273 = arith.constant 37848152 : i32
        %parallel_loop3A_274 = arith.cmpi slt, %parallel_loop3A_256, %parallel_loop3A_273 : i32
        %parallel_loop3A_275 = arith.andi %parallel_loop3A_264, %parallel_loop3A_274 : i1
        %parallel_loop3A_276 = vector.broadcast %parallel_loop3A_275 : i1 to vector<16xi1>
        %parallel_loop3A_277 = vector.broadcast %parallel_loop3A_264 : i1 to vector<16xi1>
        tpu.vector_store_idx %arg18[%parallel_loop3A_266, %iota3A], %parallel_loop3A_272 masked %parallel_loop3A_276 {add = true} : memref<128x16xf32, #tpu.memory_space<vmem>>[vector<16xi32>, vector<16xi32>], vector<16xf32>, vector<16xi1>
        %parallel_loop3A_278 = vector.broadcast %parallel_loop3A_256 : i32 to vector<16xi32>
        tpu.vector_store_idx %arg19[%parallel_loop3A_266], %parallel_loop3A_278 masked %parallel_loop3A_277 : memref<128xi32, #tpu.memory_space<vmem>>[vector<16xi32>], vector<16xi32>, vector<16xi1>
        %parallel_loop3A_279 = vector.extract_strided_slice %parallel_loop3A_118 {offsets = [6], sizes = [1], strides = [1]} : vector<16xi32> to vector<1xi32>
        %parallel_loop3A_280 = vector.extract %parallel_loop3A_279[0] : i32 from vector<1xi32>
        %parallel_loop3A_281 = vector.extract_strided_slice %parallel_loop3A_122 {offsets = [6], sizes = [1], strides = [1]} : vector<16xi32> to vector<1xi32>
        %parallel_loop3A_282 = vector.extract %parallel_loop3A_281[0] : i32 from vector<1xi32>
        %parallel_loop3A_283 = arith.constant 16 : i32
        %parallel_loop3A_284 = arith.muli %parallel_loop3A_114, %parallel_loop3A_283 : i32
        %parallel_loop3A_285 = arith.addi %multiple_of3A, %parallel_loop3A_284 : i32
        %parallel_loop3A_286 = arith.constant 6 : i32
        %parallel_loop3A_287 = arith.addi %parallel_loop3A_285, %parallel_loop3A_286 : i32
        %parallel_loop3A_288 = arith.cmpi slt, %parallel_loop3A_287, %squeeze3A_3 : i32
        %parallel_loop3A_289 = arith.cmpi sge, %parallel_loop3A_280, %squeeze3A_5 : i32
        %parallel_loop3A_290 = arith.andi %parallel_loop3A_288, %parallel_loop3A_289 : i1
        %parallel_loop3A_291 = arith.subi %parallel_loop3A_280, %squeeze3A_67 : i32
        %parallel_loop3A_292 = vector.broadcast %parallel_loop3A_291 : i32 to vector<16xi32>
        %parallel_loop3A_293 = arith.constant 16 : i32
        %parallel_loop3A_294 = arith.muli %parallel_loop3A_114, %parallel_loop3A_293 : i32
        %parallel_loop3A_295 = arith.constant 6 : i32
        %parallel_loop3A_296 = arith.addi %parallel_loop3A_294, %parallel_loop3A_295 : i32
        %parallel_loop3A_297 = vector.broadcast %parallel_loop3A_296 : i32 to vector<16xi32>
        %parallel_loop3A_298 = tpu.vector_load_idx %arg17[%parallel_loop3A_297, %iota3A] : memref<128x16xf32, #tpu.memory_space<vmem>>[vector<16xi32>, vector<16xi32>], vector<16xf32>,
        %parallel_loop3A_299 = arith.constant 37848152 : i32
        %parallel_loop3A_300 = arith.cmpi slt, %parallel_loop3A_282, %parallel_loop3A_299 : i32
        %parallel_loop3A_301 = arith.andi %parallel_loop3A_290, %parallel_loop3A_300 : i1
        %parallel_loop3A_302 = vector.broadcast %parallel_loop3A_301 : i1 to vector<16xi1>
        %parallel_loop3A_303 = vector.broadcast %parallel_loop3A_290 : i1 to vector<16xi1>
        tpu.vector_store_idx %arg18[%parallel_loop3A_292, %iota3A], %parallel_loop3A_298 masked %parallel_loop3A_302 {add = true} : memref<128x16xf32, #tpu.memory_space<vmem>>[vector<16xi32>, vector<16xi32>], vector<16xf32>, vector<16xi1>
        %parallel_loop3A_304 = vector.broadcast %parallel_loop3A_282 : i32 to vector<16xi32>
        tpu.vector_store_idx %arg19[%parallel_loop3A_292], %parallel_loop3A_304 masked %parallel_loop3A_303 : memref<128xi32, #tpu.memory_space<vmem>>[vector<16xi32>], vector<16xi32>, vector<16xi1>
        %parallel_loop3A_305 = vector.extract_strided_slice %parallel_loop3A_118 {offsets = [7], sizes = [1], strides = [1]} : vector<16xi32> to vector<1xi32>
        %parallel_loop3A_306 = vector.extract %parallel_loop3A_305[0] : i32 from vector<1xi32>
        %parallel_loop3A_307 = vector.extract_strided_slice %parallel_loop3A_122 {offsets = [7], sizes = [1], strides = [1]} : vector<16xi32> to vector<1xi32>
        %parallel_loop3A_308 = vector.extract %parallel_loop3A_307[0] : i32 from vector<1xi32>
        %parallel_loop3A_309 = arith.constant 16 : i32
        %parallel_loop3A_310 = arith.muli %parallel_loop3A_114, %parallel_loop3A_309 : i32
        %parallel_loop3A_311 = arith.addi %multiple_of3A, %parallel_loop3A_310 : i32
        %parallel_loop3A_312 = arith.constant 7 : i32
        %parallel_loop3A_313 = arith.addi %parallel_loop3A_311, %parallel_loop3A_312 : i32
        %parallel_loop3A_314 = arith.cmpi slt, %parallel_loop3A_313, %squeeze3A_3 : i32
        %parallel_loop3A_315 = arith.cmpi sge, %parallel_loop3A_306, %squeeze3A_5 : i32
        %parallel_loop3A_316 = arith.andi %parallel_loop3A_314, %parallel_loop3A_315 : i1
        %parallel_loop3A_317 = arith.subi %parallel_loop3A_306, %squeeze3A_67 : i32
        %parallel_loop3A_318 = vector.broadcast %parallel_loop3A_317 : i32 to vector<16xi32>
        %parallel_loop3A_319 = arith.constant 16 : i32
        %parallel_loop3A_320 = arith.muli %parallel_loop3A_114, %parallel_loop3A_319 : i32
        %parallel_loop3A_321 = arith.constant 7 : i32
        %parallel_loop3A_322 = arith.addi %parallel_loop3A_320, %parallel_loop3A_321 : i32
        %parallel_loop3A_323 = vector.broadcast %parallel_loop3A_322 : i32 to vector<16xi32>
        %parallel_loop3A_324 = tpu.vector_load_idx %arg17[%parallel_loop3A_323, %iota3A] : memref<128x16xf32, #tpu.memory_space<vmem>>[vector<16xi32>, vector<16xi32>], vector<16xf32>,
        %parallel_loop3A_325 = arith.constant 37848152 : i32
        %parallel_loop3A_326 = arith.cmpi slt, %parallel_loop3A_308, %parallel_loop3A_325 : i32
        %parallel_loop3A_327 = arith.andi %parallel_loop3A_316, %parallel_loop3A_326 : i1
        %parallel_loop3A_328 = vector.broadcast %parallel_loop3A_327 : i1 to vector<16xi1>
        %parallel_loop3A_329 = vector.broadcast %parallel_loop3A_316 : i1 to vector<16xi1>
        tpu.vector_store_idx %arg18[%parallel_loop3A_318, %iota3A], %parallel_loop3A_324 masked %parallel_loop3A_328 {add = true} : memref<128x16xf32, #tpu.memory_space<vmem>>[vector<16xi32>, vector<16xi32>], vector<16xf32>, vector<16xi1>
        %parallel_loop3A_330 = vector.broadcast %parallel_loop3A_308 : i32 to vector<16xi32>
        tpu.vector_store_idx %arg19[%parallel_loop3A_318], %parallel_loop3A_330 masked %parallel_loop3A_329 : memref<128xi32, #tpu.memory_space<vmem>>[vector<16xi32>], vector<16xi32>, vector<16xi1>
        %parallel_loop3A_331 = vector.extract_strided_slice %parallel_loop3A_118 {offsets = [8], sizes = [1], strides = [1]} : vector<16xi32> to vector<1xi32>
        %parallel_loop3A_332 = vector.extract %parallel_loop3A_331[0] : i32 from vector<1xi32>
        %parallel_loop3A_333 = vector.extract_strided_slice %parallel_loop3A_122 {offsets = [8], sizes = [1], strides = [1]} : vector<16xi32> to vector<1xi32>
        %parallel_loop3A_334 = vector.extract %parallel_loop3A_333[0] : i32 from vector<1xi32>
        %parallel_loop3A_335 = arith.constant 16 : i32
        %parallel_loop3A_336 = arith.muli %parallel_loop3A_114, %parallel_loop3A_335 : i32
        %parallel_loop3A_337 = arith.addi %multiple_of3A, %parallel_loop3A_336 : i32
        %parallel_loop3A_338 = arith.constant 8 : i32
        %parallel_loop3A_339 = arith.addi %parallel_loop3A_337, %parallel_loop3A_338 : i32
        %parallel_loop3A_340 = arith.cmpi slt, %parallel_loop3A_339, %squeeze3A_3 : i32
        %parallel_loop3A_341 = arith.cmpi sge, %parallel_loop3A_332, %squeeze3A_5 : i32
        %parallel_loop3A_342 = arith.andi %parallel_loop3A_340, %parallel_loop3A_341 : i1
        %parallel_loop3A_343 = arith.subi %parallel_loop3A_332, %squeeze3A_67 : i32
        %parallel_loop3A_344 = vector.broadcast %parallel_loop3A_343 : i32 to vector<16xi32>
        %parallel_loop3A_345 = arith.constant 16 : i32
        %parallel_loop3A_346 = arith.muli %parallel_loop3A_114, %parallel_loop3A_345 : i32
        %parallel_loop3A_347 = arith.constant 8 : i32
        %parallel_loop3A_348 = arith.addi %parallel_loop3A_346, %parallel_loop3A_347 : i32
        %parallel_loop3A_349 = vector.broadcast %parallel_loop3A_348 : i32 to vector<16xi32>
        %parallel_loop3A_350 = tpu.vector_load_idx %arg17[%parallel_loop3A_349, %iota3A] : memref<128x16xf32, #tpu.memory_space<vmem>>[vector<16xi32>, vector<16xi32>], vector<16xf32>,
        %parallel_loop3A_351 = arith.constant 37848152 : i32
        %parallel_loop3A_352 = arith.cmpi slt, %parallel_loop3A_334, %parallel_loop3A_351 : i32
        %parallel_loop3A_353 = arith.andi %parallel_loop3A_342, %parallel_loop3A_352 : i1
        %parallel_loop3A_354 = vector.broadcast %parallel_loop3A_353 : i1 to vector<16xi1>
        %parallel_loop3A_355 = vector.broadcast %parallel_loop3A_342 : i1 to vector<16xi1>
        tpu.vector_store_idx %arg18[%parallel_loop3A_344, %iota3A], %parallel_loop3A_350 masked %parallel_loop3A_354 {add = true} : memref<128x16xf32, #tpu.memory_space<vmem>>[vector<16xi32>, vector<16xi32>], vector<16xf32>, vector<16xi1>
        %parallel_loop3A_356 = vector.broadcast %parallel_loop3A_334 : i32 to vector<16xi32>
        tpu.vector_store_idx %arg19[%parallel_loop3A_344], %parallel_loop3A_356 masked %parallel_loop3A_355 : memref<128xi32, #tpu.memory_space<vmem>>[vector<16xi32>], vector<16xi32>, vector<16xi1>
        %parallel_loop3A_357 = vector.extract_strided_slice %parallel_loop3A_118 {offsets = [9], sizes = [1], strides = [1]} : vector<16xi32> to vector<1xi32>
        %parallel_loop3A_358 = vector.extract %parallel_loop3A_357[0] : i32 from vector<1xi32>
        %parallel_loop3A_359 = vector.extract_strided_slice %parallel_loop3A_122 {offsets = [9], sizes = [1], strides = [1]} : vector<16xi32> to vector<1xi32>
        %parallel_loop3A_360 = vector.extract %parallel_loop3A_359[0] : i32 from vector<1xi32>
        %parallel_loop3A_361 = arith.constant 16 : i32
        %parallel_loop3A_362 = arith.muli %parallel_loop3A_114, %parallel_loop3A_361 : i32
        %parallel_loop3A_363 = arith.addi %multiple_of3A, %parallel_loop3A_362 : i32
        %parallel_loop3A_364 = arith.constant 9 : i32
        %parallel_loop3A_365 = arith.addi %parallel_loop3A_363, %parallel_loop3A_364 : i32
        %parallel_loop3A_366 = arith.cmpi slt, %parallel_loop3A_365, %squeeze3A_3 : i32
        %parallel_loop3A_367 = arith.cmpi sge, %parallel_loop3A_358, %squeeze3A_5 : i32
        %parallel_loop3A_368 = arith.andi %parallel_loop3A_366, %parallel_loop3A_367 : i1
        %parallel_loop3A_369 = arith.subi %parallel_loop3A_358, %squeeze3A_67 : i32
        %parallel_loop3A_370 = vector.broadcast %parallel_loop3A_369 : i32 to vector<16xi32>
        %parallel_loop3A_371 = arith.constant 16 : i32
        %parallel_loop3A_372 = arith.muli %parallel_loop3A_114, %parallel_loop3A_371 : i32
        %parallel_loop3A_373 = arith.constant 9 : i32
        %parallel_loop3A_374 = arith.addi %parallel_loop3A_372, %parallel_loop3A_373 : i32
        %parallel_loop3A_375 = vector.broadcast %parallel_loop3A_374 : i32 to vector<16xi32>
        %parallel_loop3A_376 = tpu.vector_load_idx %arg17[%parallel_loop3A_375, %iota3A] : memref<128x16xf32, #tpu.memory_space<vmem>>[vector<16xi32>, vector<16xi32>], vector<16xf32>,
        %parallel_loop3A_377 = arith.constant 37848152 : i32
        %parallel_loop3A_378 = arith.cmpi slt, %parallel_loop3A_360, %parallel_loop3A_377 : i32
        %parallel_loop3A_379 = arith.andi %parallel_loop3A_368, %parallel_loop3A_378 : i1
        %parallel_loop3A_380 = vector.broadcast %parallel_loop3A_379 : i1 to vector<16xi1>
        %parallel_loop3A_381 = vector.broadcast %parallel_loop3A_368 : i1 to vector<16xi1>
        tpu.vector_store_idx %arg18[%parallel_loop3A_370, %iota3A], %parallel_loop3A_376 masked %parallel_loop3A_380 {add = true} : memref<128x16xf32, #tpu.memory_space<vmem>>[vector<16xi32>, vector<16xi32>], vector<16xf32>, vector<16xi1>
        %parallel_loop3A_382 = vector.broadcast %parallel_loop3A_360 : i32 to vector<16xi32>
        tpu.vector_store_idx %arg19[%parallel_loop3A_370], %parallel_loop3A_382 masked %parallel_loop3A_381 : memref<128xi32, #tpu.memory_space<vmem>>[vector<16xi32>], vector<16xi32>, vector<16xi1>
        %parallel_loop3A_383 = vector.extract_strided_slice %parallel_loop3A_118 {offsets = [10], sizes = [1], strides = [1]} : vector<16xi32> to vector<1xi32>
        %parallel_loop3A_384 = vector.extract %parallel_loop3A_383[0] : i32 from vector<1xi32>
        %parallel_loop3A_385 = vector.extract_strided_slice %parallel_loop3A_122 {offsets = [10], sizes = [1], strides = [1]} : vector<16xi32> to vector<1xi32>
        %parallel_loop3A_386 = vector.extract %parallel_loop3A_385[0] : i32 from vector<1xi32>
        %parallel_loop3A_387 = arith.constant 16 : i32
        %parallel_loop3A_388 = arith.muli %parallel_loop3A_114, %parallel_loop3A_387 : i32
        %parallel_loop3A_389 = arith.addi %multiple_of3A, %parallel_loop3A_388 : i32
        %parallel_loop3A_390 = arith.constant 10 : i32
        %parallel_loop3A_391 = arith.addi %parallel_loop3A_389, %parallel_loop3A_390 : i32
        %parallel_loop3A_392 = arith.cmpi slt, %parallel_loop3A_391, %squeeze3A_3 : i32
        %parallel_loop3A_393 = arith.cmpi sge, %parallel_loop3A_384, %squeeze3A_5 : i32
        %parallel_loop3A_394 = arith.andi %parallel_loop3A_392, %parallel_loop3A_393 : i1
        %parallel_loop3A_395 = arith.subi %parallel_loop3A_384, %squeeze3A_67 : i32
        %parallel_loop3A_396 = vector.broadcast %parallel_loop3A_395 : i32 to vector<16xi32>
        %parallel_loop3A_397 = arith.constant 16 : i32
        %parallel_loop3A_398 = arith.muli %parallel_loop3A_114, %parallel_loop3A_397 : i32
        %parallel_loop3A_399 = arith.constant 10 : i32
        %parallel_loop3A_400 = arith.addi %parallel_loop3A_398, %parallel_loop3A_399 : i32
        %parallel_loop3A_401 = vector.broadcast %parallel_loop3A_400 : i32 to vector<16xi32>
        %parallel_loop3A_402 = tpu.vector_load_idx %arg17[%parallel_loop3A_401, %iota3A] : memref<128x16xf32, #tpu.memory_space<vmem>>[vector<16xi32>, vector<16xi32>], vector<16xf32>,
        %parallel_loop3A_403 = arith.constant 37848152 : i32
        %parallel_loop3A_404 = arith.cmpi slt, %parallel_loop3A_386, %parallel_loop3A_403 : i32
        %parallel_loop3A_405 = arith.andi %parallel_loop3A_394, %parallel_loop3A_404 : i1
        %parallel_loop3A_406 = vector.broadcast %parallel_loop3A_405 : i1 to vector<16xi1>
        %parallel_loop3A_407 = vector.broadcast %parallel_loop3A_394 : i1 to vector<16xi1>
        tpu.vector_store_idx %arg18[%parallel_loop3A_396, %iota3A], %parallel_loop3A_402 masked %parallel_loop3A_406 {add = true} : memref<128x16xf32, #tpu.memory_space<vmem>>[vector<16xi32>, vector<16xi32>], vector<16xf32>, vector<16xi1>
        %parallel_loop3A_408 = vector.broadcast %parallel_loop3A_386 : i32 to vector<16xi32>
        tpu.vector_store_idx %arg19[%parallel_loop3A_396], %parallel_loop3A_408 masked %parallel_loop3A_407 : memref<128xi32, #tpu.memory_space<vmem>>[vector<16xi32>], vector<16xi32>, vector<16xi1>
        %parallel_loop3A_409 = vector.extract_strided_slice %parallel_loop3A_118 {offsets = [11], sizes = [1], strides = [1]} : vector<16xi32> to vector<1xi32>
        %parallel_loop3A_410 = vector.extract %parallel_loop3A_409[0] : i32 from vector<1xi32>
        %parallel_loop3A_411 = vector.extract_strided_slice %parallel_loop3A_122 {offsets = [11], sizes = [1], strides = [1]} : vector<16xi32> to vector<1xi32>
        %parallel_loop3A_412 = vector.extract %parallel_loop3A_411[0] : i32 from vector<1xi32>
        %parallel_loop3A_413 = arith.constant 16 : i32
        %parallel_loop3A_414 = arith.muli %parallel_loop3A_114, %parallel_loop3A_413 : i32
        %parallel_loop3A_415 = arith.addi %multiple_of3A, %parallel_loop3A_414 : i32
        %parallel_loop3A_416 = arith.constant 11 : i32
        %parallel_loop3A_417 = arith.addi %parallel_loop3A_415, %parallel_loop3A_416 : i32
        %parallel_loop3A_418 = arith.cmpi slt, %parallel_loop3A_417, %squeeze3A_3 : i32
        %parallel_loop3A_419 = arith.cmpi sge, %parallel_loop3A_410, %squeeze3A_5 : i32
        %parallel_loop3A_420 = arith.andi %parallel_loop3A_418, %parallel_loop3A_419 : i1
        %parallel_loop3A_421 = arith.subi %parallel_loop3A_410, %squeeze3A_67 : i32
        %parallel_loop3A_422 = vector.broadcast %parallel_loop3A_421 : i32 to vector<16xi32>
        %parallel_loop3A_423 = arith.constant 16 : i32
        %parallel_loop3A_424 = arith.muli %parallel_loop3A_114, %parallel_loop3A_423 : i32
        %parallel_loop3A_425 = arith.constant 11 : i32
        %parallel_loop3A_426 = arith.addi %parallel_loop3A_424, %parallel_loop3A_425 : i32
        %parallel_loop3A_427 = vector.broadcast %parallel_loop3A_426 : i32 to vector<16xi32>
        %parallel_loop3A_428 = tpu.vector_load_idx %arg17[%parallel_loop3A_427, %iota3A] : memref<128x16xf32, #tpu.memory_space<vmem>>[vector<16xi32>, vector<16xi32>], vector<16xf32>,
        %parallel_loop3A_429 = arith.constant 37848152 : i32
        %parallel_loop3A_430 = arith.cmpi slt, %parallel_loop3A_412, %parallel_loop3A_429 : i32
        %parallel_loop3A_431 = arith.andi %parallel_loop3A_420, %parallel_loop3A_430 : i1
        %parallel_loop3A_432 = vector.broadcast %parallel_loop3A_431 : i1 to vector<16xi1>
        %parallel_loop3A_433 = vector.broadcast %parallel_loop3A_420 : i1 to vector<16xi1>
        tpu.vector_store_idx %arg18[%parallel_loop3A_422, %iota3A], %parallel_loop3A_428 masked %parallel_loop3A_432 {add = true} : memref<128x16xf32, #tpu.memory_space<vmem>>[vector<16xi32>, vector<16xi32>], vector<16xf32>, vector<16xi1>
        %parallel_loop3A_434 = vector.broadcast %parallel_loop3A_412 : i32 to vector<16xi32>
        tpu.vector_store_idx %arg19[%parallel_loop3A_422], %parallel_loop3A_434 masked %parallel_loop3A_433 : memref<128xi32, #tpu.memory_space<vmem>>[vector<16xi32>], vector<16xi32>, vector<16xi1>
        %parallel_loop3A_435 = vector.extract_strided_slice %parallel_loop3A_118 {offsets = [12], sizes = [1], strides = [1]} : vector<16xi32> to vector<1xi32>
        %parallel_loop3A_436 = vector.extract %parallel_loop3A_435[0] : i32 from vector<1xi32>
        %parallel_loop3A_437 = vector.extract_strided_slice %parallel_loop3A_122 {offsets = [12], sizes = [1], strides = [1]} : vector<16xi32> to vector<1xi32>
        %parallel_loop3A_438 = vector.extract %parallel_loop3A_437[0] : i32 from vector<1xi32>
        %parallel_loop3A_439 = arith.constant 16 : i32
        %parallel_loop3A_440 = arith.muli %parallel_loop3A_114, %parallel_loop3A_439 : i32
        %parallel_loop3A_441 = arith.addi %multiple_of3A, %parallel_loop3A_440 : i32
        %parallel_loop3A_442 = arith.constant 12 : i32
        %parallel_loop3A_443 = arith.addi %parallel_loop3A_441, %parallel_loop3A_442 : i32
        %parallel_loop3A_444 = arith.cmpi slt, %parallel_loop3A_443, %squeeze3A_3 : i32
        %parallel_loop3A_445 = arith.cmpi sge, %parallel_loop3A_436, %squeeze3A_5 : i32
        %parallel_loop3A_446 = arith.andi %parallel_loop3A_444, %parallel_loop3A_445 : i1
        %parallel_loop3A_447 = arith.subi %parallel_loop3A_436, %squeeze3A_67 : i32
        %parallel_loop3A_448 = vector.broadcast %parallel_loop3A_447 : i32 to vector<16xi32>
        %parallel_loop3A_449 = arith.constant 16 : i32
        %parallel_loop3A_450 = arith.muli %parallel_loop3A_114, %parallel_loop3A_449 : i32
        %parallel_loop3A_451 = arith.constant 12 : i32
        %parallel_loop3A_452 = arith.addi %parallel_loop3A_450, %parallel_loop3A_451 : i32
        %parallel_loop3A_453 = vector.broadcast %parallel_loop3A_452 : i32 to vector<16xi32>
        %parallel_loop3A_454 = tpu.vector_load_idx %arg17[%parallel_loop3A_453, %iota3A] : memref<128x16xf32, #tpu.memory_space<vmem>>[vector<16xi32>, vector<16xi32>], vector<16xf32>,
        %parallel_loop3A_455 = arith.constant 37848152 : i32
        %parallel_loop3A_456 = arith.cmpi slt, %parallel_loop3A_438, %parallel_loop3A_455 : i32
        %parallel_loop3A_457 = arith.andi %parallel_loop3A_446, %parallel_loop3A_456 : i1
        %parallel_loop3A_458 = vector.broadcast %parallel_loop3A_457 : i1 to vector<16xi1>
        %parallel_loop3A_459 = vector.broadcast %parallel_loop3A_446 : i1 to vector<16xi1>
        tpu.vector_store_idx %arg18[%parallel_loop3A_448, %iota3A], %parallel_loop3A_454 masked %parallel_loop3A_458 {add = true} : memref<128x16xf32, #tpu.memory_space<vmem>>[vector<16xi32>, vector<16xi32>], vector<16xf32>, vector<16xi1>
        %parallel_loop3A_460 = vector.broadcast %parallel_loop3A_438 : i32 to vector<16xi32>
        tpu.vector_store_idx %arg19[%parallel_loop3A_448], %parallel_loop3A_460 masked %parallel_loop3A_459 : memref<128xi32, #tpu.memory_space<vmem>>[vector<16xi32>], vector<16xi32>, vector<16xi1>
        %parallel_loop3A_461 = vector.extract_strided_slice %parallel_loop3A_118 {offsets = [13], sizes = [1], strides = [1]} : vector<16xi32> to vector<1xi32>
        %parallel_loop3A_462 = vector.extract %parallel_loop3A_461[0] : i32 from vector<1xi32>
        %parallel_loop3A_463 = vector.extract_strided_slice %parallel_loop3A_122 {offsets = [13], sizes = [1], strides = [1]} : vector<16xi32> to vector<1xi32>
        %parallel_loop3A_464 = vector.extract %parallel_loop3A_463[0] : i32 from vector<1xi32>
        %parallel_loop3A_465 = arith.constant 16 : i32
        %parallel_loop3A_466 = arith.muli %parallel_loop3A_114, %parallel_loop3A_465 : i32
        %parallel_loop3A_467 = arith.addi %multiple_of3A, %parallel_loop3A_466 : i32
        %parallel_loop3A_468 = arith.constant 13 : i32
        %parallel_loop3A_469 = arith.addi %parallel_loop3A_467, %parallel_loop3A_468 : i32
        %parallel_loop3A_470 = arith.cmpi slt, %parallel_loop3A_469, %squeeze3A_3 : i32
        %parallel_loop3A_471 = arith.cmpi sge, %parallel_loop3A_462, %squeeze3A_5 : i32
        %parallel_loop3A_472 = arith.andi %parallel_loop3A_470, %parallel_loop3A_471 : i1
        %parallel_loop3A_473 = arith.subi %parallel_loop3A_462, %squeeze3A_67 : i32
        %parallel_loop3A_474 = vector.broadcast %parallel_loop3A_473 : i32 to vector<16xi32>
        %parallel_loop3A_475 = arith.constant 16 : i32
        %parallel_loop3A_476 = arith.muli %parallel_loop3A_114, %parallel_loop3A_475 : i32
        %parallel_loop3A_477 = arith.constant 13 : i32
        %parallel_loop3A_478 = arith.addi %parallel_loop3A_476, %parallel_loop3A_477 : i32
        %parallel_loop3A_479 = vector.broadcast %parallel_loop3A_478 : i32 to vector<16xi32>
        %parallel_loop3A_480 = tpu.vector_load_idx %arg17[%parallel_loop3A_479, %iota3A] : memref<128x16xf32, #tpu.memory_space<vmem>>[vector<16xi32>, vector<16xi32>], vector<16xf32>,
        %parallel_loop3A_481 = arith.constant 37848152 : i32
        %parallel_loop3A_482 = arith.cmpi slt, %parallel_loop3A_464, %parallel_loop3A_481 : i32
        %parallel_loop3A_483 = arith.andi %parallel_loop3A_472, %parallel_loop3A_482 : i1
        %parallel_loop3A_484 = vector.broadcast %parallel_loop3A_483 : i1 to vector<16xi1>
        %parallel_loop3A_485 = vector.broadcast %parallel_loop3A_472 : i1 to vector<16xi1>
        tpu.vector_store_idx %arg18[%parallel_loop3A_474, %iota3A], %parallel_loop3A_480 masked %parallel_loop3A_484 {add = true} : memref<128x16xf32, #tpu.memory_space<vmem>>[vector<16xi32>, vector<16xi32>], vector<16xf32>, vector<16xi1>
        %parallel_loop3A_486 = vector.broadcast %parallel_loop3A_464 : i32 to vector<16xi32>
        tpu.vector_store_idx %arg19[%parallel_loop3A_474], %parallel_loop3A_486 masked %parallel_loop3A_485 : memref<128xi32, #tpu.memory_space<vmem>>[vector<16xi32>], vector<16xi32>, vector<16xi1>
        %parallel_loop3A_487 = vector.extract_strided_slice %parallel_loop3A_118 {offsets = [14], sizes = [1], strides = [1]} : vector<16xi32> to vector<1xi32>
        %parallel_loop3A_488 = vector.extract %parallel_loop3A_487[0] : i32 from vector<1xi32>
        %parallel_loop3A_489 = vector.extract_strided_slice %parallel_loop3A_122 {offsets = [14], sizes = [1], strides = [1]} : vector<16xi32> to vector<1xi32>
        %parallel_loop3A_490 = vector.extract %parallel_loop3A_489[0] : i32 from vector<1xi32>
        %parallel_loop3A_491 = arith.constant 16 : i32
        %parallel_loop3A_492 = arith.muli %parallel_loop3A_114, %parallel_loop3A_491 : i32
        %parallel_loop3A_493 = arith.addi %multiple_of3A, %parallel_loop3A_492 : i32
        %parallel_loop3A_494 = arith.constant 14 : i32
        %parallel_loop3A_495 = arith.addi %parallel_loop3A_493, %parallel_loop3A_494 : i32
        %parallel_loop3A_496 = arith.cmpi slt, %parallel_loop3A_495, %squeeze3A_3 : i32
        %parallel_loop3A_497 = arith.cmpi sge, %parallel_loop3A_488, %squeeze3A_5 : i32
        %parallel_loop3A_498 = arith.andi %parallel_loop3A_496, %parallel_loop3A_497 : i1
        %parallel_loop3A_499 = arith.subi %parallel_loop3A_488, %squeeze3A_67 : i32
        %parallel_loop3A_500 = vector.broadcast %parallel_loop3A_499 : i32 to vector<16xi32>
        %parallel_loop3A_501 = arith.constant 16 : i32
        %parallel_loop3A_502 = arith.muli %parallel_loop3A_114, %parallel_loop3A_501 : i32
        %parallel_loop3A_503 = arith.constant 14 : i32
        %parallel_loop3A_504 = arith.addi %parallel_loop3A_502, %parallel_loop3A_503 : i32
        %parallel_loop3A_505 = vector.broadcast %parallel_loop3A_504 : i32 to vector<16xi32>
        %parallel_loop3A_506 = tpu.vector_load_idx %arg17[%parallel_loop3A_505, %iota3A] : memref<128x16xf32, #tpu.memory_space<vmem>>[vector<16xi32>, vector<16xi32>], vector<16xf32>,
        %parallel_loop3A_507 = arith.constant 37848152 : i32
        %parallel_loop3A_508 = arith.cmpi slt, %parallel_loop3A_490, %parallel_loop3A_507 : i32
        %parallel_loop3A_509 = arith.andi %parallel_loop3A_498, %parallel_loop3A_508 : i1
        %parallel_loop3A_510 = vector.broadcast %parallel_loop3A_509 : i1 to vector<16xi1>
        %parallel_loop3A_511 = vector.broadcast %parallel_loop3A_498 : i1 to vector<16xi1>
        tpu.vector_store_idx %arg18[%parallel_loop3A_500, %iota3A], %parallel_loop3A_506 masked %parallel_loop3A_510 {add = true} : memref<128x16xf32, #tpu.memory_space<vmem>>[vector<16xi32>, vector<16xi32>], vector<16xf32>, vector<16xi1>
        %parallel_loop3A_512 = vector.broadcast %parallel_loop3A_490 : i32 to vector<16xi32>
        tpu.vector_store_idx %arg19[%parallel_loop3A_500], %parallel_loop3A_512 masked %parallel_loop3A_511 : memref<128xi32, #tpu.memory_space<vmem>>[vector<16xi32>], vector<16xi32>, vector<16xi1>
        %parallel_loop3A_513 = vector.extract_strided_slice %parallel_loop3A_118 {offsets = [15], sizes = [1], strides = [1]} : vector<16xi32> to vector<1xi32>
        %parallel_loop3A_514 = vector.extract %parallel_loop3A_513[0] : i32 from vector<1xi32>
        %parallel_loop3A_515 = vector.extract_strided_slice %parallel_loop3A_122 {offsets = [15], sizes = [1], strides = [1]} : vector<16xi32> to vector<1xi32>
        %parallel_loop3A_516 = vector.extract %parallel_loop3A_515[0] : i32 from vector<1xi32>
        %parallel_loop3A_517 = arith.constant 16 : i32
        %parallel_loop3A_518 = arith.muli %parallel_loop3A_114, %parallel_loop3A_517 : i32
        %parallel_loop3A_519 = arith.addi %multiple_of3A, %parallel_loop3A_518 : i32
        %parallel_loop3A_520 = arith.constant 15 : i32
        %parallel_loop3A_521 = arith.addi %parallel_loop3A_519, %parallel_loop3A_520 : i32
        %parallel_loop3A_522 = arith.cmpi slt, %parallel_loop3A_521, %squeeze3A_3 : i32
        %parallel_loop3A_523 = arith.cmpi sge, %parallel_loop3A_514, %squeeze3A_5 : i32
        %parallel_loop3A_524 = arith.andi %parallel_loop3A_522, %parallel_loop3A_523 : i1
        %parallel_loop3A_525 = arith.subi %parallel_loop3A_514, %squeeze3A_67 : i32
        %parallel_loop3A_526 = vector.broadcast %parallel_loop3A_525 : i32 to vector<16xi32>
        %parallel_loop3A_527 = arith.constant 16 : i32
        %parallel_loop3A_528 = arith.muli %parallel_loop3A_114, %parallel_loop3A_527 : i32
        %parallel_loop3A_529 = arith.constant 15 : i32
        %parallel_loop3A_530 = arith.addi %parallel_loop3A_528, %parallel_loop3A_529 : i32
        %parallel_loop3A_531 = vector.broadcast %parallel_loop3A_530 : i32 to vector<16xi32>
        %parallel_loop3A_532 = tpu.vector_load_idx %arg17[%parallel_loop3A_531, %iota3A] : memref<128x16xf32, #tpu.memory_space<vmem>>[vector<16xi32>, vector<16xi32>], vector<16xf32>,
        %parallel_loop3A_533 = arith.constant 37848152 : i32
        %parallel_loop3A_534 = arith.cmpi slt, %parallel_loop3A_516, %parallel_loop3A_533 : i32
        %parallel_loop3A_535 = arith.andi %parallel_loop3A_524, %parallel_loop3A_534 : i1
        %parallel_loop3A_536 = vector.broadcast %parallel_loop3A_535 : i1 to vector<16xi1>
        %parallel_loop3A_537 = vector.broadcast %parallel_loop3A_524 : i1 to vector<16xi1>
        tpu.vector_store_idx %arg18[%parallel_loop3A_526, %iota3A], %parallel_loop3A_532 masked %parallel_loop3A_536 {add = true} : memref<128x16xf32, #tpu.memory_space<vmem>>[vector<16xi32>, vector<16xi32>], vector<16xf32>, vector<16xi1>
        %parallel_loop3A_538 = vector.broadcast %parallel_loop3A_516 : i32 to vector<16xi32>
        tpu.vector_store_idx %arg19[%parallel_loop3A_526], %parallel_loop3A_538 masked %parallel_loop3A_537 : memref<128xi32, #tpu.memory_space<vmem>>[vector<16xi32>], vector<16xi32>, vector<16xi1>
      } {sc.loop_unroll_factor = 4 : i64, sc.parallel_access}
      %get3A_80 = arith.constant 127 : index
      %get3A_81 = tpu.vector_load %arg15[%get3A_80] {strides = array<i32>} : memref<144xi32, #tpu.memory_space<vmem>>, vector<16xi32>,
      %slice3A_82 = vector.extract_strided_slice %get3A_81 {offsets = [0], sizes = [1], strides = [1]} : vector<16xi32> to vector<1xi32>
      %squeeze3A_83 = vector.extract %slice3A_82[0] : i32 from vector<1xi32>
      %slice3A_84 = vector.extract_strided_slice %get3A_81 {offsets = [1], sizes = [1], strides = [1]} : vector<16xi32> to vector<1xi32>
      %squeeze3A_85 = vector.extract %slice3A_84[0] : i32 from vector<1xi32>
      %sub3A = arith.constant 1 : i32
      %sub3A_86 = arith.subi %squeeze3A_9, %sub3A : i32
      %eq3A_87 = arith.cmpi eq, %while3A_45, %sub3A_86 : i32
      %ne3A = arith.cmpi ne, %squeeze3A_85, %squeeze3A_83 : i32
      %add3A_88 = arith.constant 1 : i32
      %add3A_89 = arith.addi %squeeze3A_83, %add3A_88 : i32
      %select_n3A = arith.select %ne3A, %add3A_89, %squeeze3A_83 : i32
      %select_n3A_90 = arith.select %eq3A_87, %squeeze3A_7, %select_n3A : i32
      %sub3A_91 = arith.subi %squeeze3A_83, %squeeze3A_67 : i32
      %broadcast_in_dim3A_92 = vector.broadcast %sub3A_91 : i32 to vector<16xi32>
      %gather3A = tpu.vector_load_idx %arg18[%broadcast_in_dim3A_92, %iota3A] : memref<128x16xf32, #tpu.memory_space<vmem>>[vector<16xi32>, vector<16xi32>], vector<16xf32>,
      %scan3A_93 = arith.constant 0 : i32
      %scan3A_94 = arith.constant 0 : i32
      %scan3A_95 = arith.constant 8 : i32
      %scan3A_96 = arith.addi %scan3A_94, %scan3A_95 : i32
      %scan3A_97 = arith.constant 1 : i32
      %scan3A_98 = scf.for %scan3A_114 = %scan3A_94 to %scan3A_96 step %scan3A_97 iter_args(%scan3A_115 = %scan3A_93) -> (i32)  : i32 {
        %mul3A_116 = arith.constant 16 : i32
        %mul3A_117 = arith.muli %scan3A_114, %mul3A_116 : i32
        %add3A_118 = arith.addi %squeeze3A_67, %mul3A_117 : i32
        %add3A_119 = vector.broadcast %add3A_118 : i32 to vector<16xi32>
        %add3A_120 = arith.addi %add3A_119, %iota3A : vector<16xi32>
        %ge3A = vector.broadcast %squeeze3A_5 : i32 to vector<16xi32>
        %ge3A_121 = arith.cmpi sge, %add3A_120, %ge3A : vector<16xi32>
        %lt3A = vector.broadcast %select_n3A_90 : i32 to vector<16xi32>
        %lt3A_122 = arith.cmpi slt, %add3A_120, %lt3A : vector<16xi32>
        %and3A = arith.andi %ge3A_121, %lt3A_122 : vector<16xi1>
        %mul3A_123 = arith.constant 16 : i32
        %mul3A_124 = arith.muli %scan3A_114, %mul3A_123 : i32
        %add3A_125 = vector.broadcast %mul3A_124 : i32 to vector<16xi32>
        %add3A_126 = arith.addi %add3A_125, %iota3A : vector<16xi32>
        %broadcast_in_dim3A_127 = vector.broadcast %add3A_15 : i32 to vector<16xi32>
        %select_n3A_128 = arith.select %and3A, %add3A_120, %broadcast_in_dim3A_127 : vector<16xi1>, vector<16xi32>
        tpu.vector_store_idx %arg20[%add3A_126], %select_n3A_128 : memref<128xi32, #tpu.memory_space<vmem>>[vector<16xi32>], vector<16xi32>,
        %scan3A_129 = arith.constant 0 : i32
        scf.yield %scan3A_129 : i32
      }
      %scan3A_99 = arith.constant 8 : i32
      %ne3A_100 = arith.constant 0 : i32
      %ne3A_101 = arith.cmpi ne, %squeeze3A_13, %ne3A_100 : i32
      %convert_element_type3A_102 = arith.extui %ne3A_101 : i1 to i32
      %cond3A_103 = arith.constant 0 : i32
      %cond3A_104 = arith.cmpi ne, %convert_element_type3A_102, %cond3A_103 : i32
      scf.if %cond3A_104 {
        %parallel_loop3A_114 = arith.constant 0 : i32
        %parallel_loop3A_115 = arith.constant 8 : i32
        %parallel_loop3A_116 = arith.constant 1 : i32
        scf.for %parallel_loop3A_117 = %parallel_loop3A_114 to %parallel_loop3A_115 step %parallel_loop3A_116  : i32 {
          %parallel_loop3A_118 = arith.constant 16 : i32
          %parallel_loop3A_119 = arith.muli %parallel_loop3A_117, %parallel_loop3A_118 : i32
          %parallel_loop3A_120 = arith.constant 0 : i32
          %parallel_loop3A_121 = arith.addi %parallel_loop3A_119, %parallel_loop3A_120 : i32
          %parallel_loop3A_122 = vector.broadcast %parallel_loop3A_121 : i32 to vector<16xi32>
          tpu.vector_store_idx %arg18[%parallel_loop3A_122, %iota3A], %get3A_20 {add = true} : memref<128x16xf32, #tpu.memory_space<vmem>>[vector<16xi32>, vector<16xi32>], vector<16xf32>,
          %parallel_loop3A_123 = arith.constant 16 : i32
          %parallel_loop3A_124 = arith.muli %parallel_loop3A_117, %parallel_loop3A_123 : i32
          %parallel_loop3A_125 = arith.constant 1 : i32
          %parallel_loop3A_126 = arith.addi %parallel_loop3A_124, %parallel_loop3A_125 : i32
          %parallel_loop3A_127 = vector.broadcast %parallel_loop3A_126 : i32 to vector<16xi32>
          tpu.vector_store_idx %arg18[%parallel_loop3A_127, %iota3A], %get3A_20 {add = true} : memref<128x16xf32, #tpu.memory_space<vmem>>[vector<16xi32>, vector<16xi32>], vector<16xf32>,
          %parallel_loop3A_128 = arith.constant 16 : i32
          %parallel_loop3A_129 = arith.muli %parallel_loop3A_117, %parallel_loop3A_128 : i32
          %parallel_loop3A_130 = arith.constant 2 : i32
          %parallel_loop3A_131 = arith.addi %parallel_loop3A_129, %parallel_loop3A_130 : i32
          %parallel_loop3A_132 = vector.broadcast %parallel_loop3A_131 : i32 to vector<16xi32>
          tpu.vector_store_idx %arg18[%parallel_loop3A_132, %iota3A], %get3A_20 {add = true} : memref<128x16xf32, #tpu.memory_space<vmem>>[vector<16xi32>, vector<16xi32>], vector<16xf32>,
          %parallel_loop3A_133 = arith.constant 16 : i32
          %parallel_loop3A_134 = arith.muli %parallel_loop3A_117, %parallel_loop3A_133 : i32
          %parallel_loop3A_135 = arith.constant 3 : i32
          %parallel_loop3A_136 = arith.addi %parallel_loop3A_134, %parallel_loop3A_135 : i32
          %parallel_loop3A_137 = vector.broadcast %parallel_loop3A_136 : i32 to vector<16xi32>
          tpu.vector_store_idx %arg18[%parallel_loop3A_137, %iota3A], %get3A_20 {add = true} : memref<128x16xf32, #tpu.memory_space<vmem>>[vector<16xi32>, vector<16xi32>], vector<16xf32>,
          %parallel_loop3A_138 = arith.constant 16 : i32
          %parallel_loop3A_139 = arith.muli %parallel_loop3A_117, %parallel_loop3A_138 : i32
          %parallel_loop3A_140 = arith.constant 4 : i32
          %parallel_loop3A_141 = arith.addi %parallel_loop3A_139, %parallel_loop3A_140 : i32
          %parallel_loop3A_142 = vector.broadcast %parallel_loop3A_141 : i32 to vector<16xi32>
          tpu.vector_store_idx %arg18[%parallel_loop3A_142, %iota3A], %get3A_20 {add = true} : memref<128x16xf32, #tpu.memory_space<vmem>>[vector<16xi32>, vector<16xi32>], vector<16xf32>,
          %parallel_loop3A_143 = arith.constant 16 : i32
          %parallel_loop3A_144 = arith.muli %parallel_loop3A_117, %parallel_loop3A_143 : i32
          %parallel_loop3A_145 = arith.constant 5 : i32
          %parallel_loop3A_146 = arith.addi %parallel_loop3A_144, %parallel_loop3A_145 : i32
          %parallel_loop3A_147 = vector.broadcast %parallel_loop3A_146 : i32 to vector<16xi32>
          tpu.vector_store_idx %arg18[%parallel_loop3A_147, %iota3A], %get3A_20 {add = true} : memref<128x16xf32, #tpu.memory_space<vmem>>[vector<16xi32>, vector<16xi32>], vector<16xf32>,
          %parallel_loop3A_148 = arith.constant 16 : i32
          %parallel_loop3A_149 = arith.muli %parallel_loop3A_117, %parallel_loop3A_148 : i32
          %parallel_loop3A_150 = arith.constant 6 : i32
          %parallel_loop3A_151 = arith.addi %parallel_loop3A_149, %parallel_loop3A_150 : i32
          %parallel_loop3A_152 = vector.broadcast %parallel_loop3A_151 : i32 to vector<16xi32>
          tpu.vector_store_idx %arg18[%parallel_loop3A_152, %iota3A], %get3A_20 {add = true} : memref<128x16xf32, #tpu.memory_space<vmem>>[vector<16xi32>, vector<16xi32>], vector<16xf32>,
          %parallel_loop3A_153 = arith.constant 16 : i32
          %parallel_loop3A_154 = arith.muli %parallel_loop3A_117, %parallel_loop3A_153 : i32
          %parallel_loop3A_155 = arith.constant 7 : i32
          %parallel_loop3A_156 = arith.addi %parallel_loop3A_154, %parallel_loop3A_155 : i32
          %parallel_loop3A_157 = vector.broadcast %parallel_loop3A_156 : i32 to vector<16xi32>
          tpu.vector_store_idx %arg18[%parallel_loop3A_157, %iota3A], %get3A_20 {add = true} : memref<128x16xf32, #tpu.memory_space<vmem>>[vector<16xi32>, vector<16xi32>], vector<16xf32>,
          %parallel_loop3A_158 = arith.constant 16 : i32
          %parallel_loop3A_159 = arith.muli %parallel_loop3A_117, %parallel_loop3A_158 : i32
          %parallel_loop3A_160 = arith.constant 8 : i32
          %parallel_loop3A_161 = arith.addi %parallel_loop3A_159, %parallel_loop3A_160 : i32
          %parallel_loop3A_162 = vector.broadcast %parallel_loop3A_161 : i32 to vector<16xi32>
          tpu.vector_store_idx %arg18[%parallel_loop3A_162, %iota3A], %get3A_20 {add = true} : memref<128x16xf32, #tpu.memory_space<vmem>>[vector<16xi32>, vector<16xi32>], vector<16xf32>,
          %parallel_loop3A_163 = arith.constant 16 : i32
          %parallel_loop3A_164 = arith.muli %parallel_loop3A_117, %parallel_loop3A_163 : i32
          %parallel_loop3A_165 = arith.constant 9 : i32
          %parallel_loop3A_166 = arith.addi %parallel_loop3A_164, %parallel_loop3A_165 : i32
          %parallel_loop3A_167 = vector.broadcast %parallel_loop3A_166 : i32 to vector<16xi32>
          tpu.vector_store_idx %arg18[%parallel_loop3A_167, %iota3A], %get3A_20 {add = true} : memref<128x16xf32, #tpu.memory_space<vmem>>[vector<16xi32>, vector<16xi32>], vector<16xf32>,
          %parallel_loop3A_168 = arith.constant 16 : i32
          %parallel_loop3A_169 = arith.muli %parallel_loop3A_117, %parallel_loop3A_168 : i32
          %parallel_loop3A_170 = arith.constant 10 : i32
          %parallel_loop3A_171 = arith.addi %parallel_loop3A_169, %parallel_loop3A_170 : i32
          %parallel_loop3A_172 = vector.broadcast %parallel_loop3A_171 : i32 to vector<16xi32>
          tpu.vector_store_idx %arg18[%parallel_loop3A_172, %iota3A], %get3A_20 {add = true} : memref<128x16xf32, #tpu.memory_space<vmem>>[vector<16xi32>, vector<16xi32>], vector<16xf32>,
          %parallel_loop3A_173 = arith.constant 16 : i32
          %parallel_loop3A_174 = arith.muli %parallel_loop3A_117, %parallel_loop3A_173 : i32
          %parallel_loop3A_175 = arith.constant 11 : i32
          %parallel_loop3A_176 = arith.addi %parallel_loop3A_174, %parallel_loop3A_175 : i32
          %parallel_loop3A_177 = vector.broadcast %parallel_loop3A_176 : i32 to vector<16xi32>
          tpu.vector_store_idx %arg18[%parallel_loop3A_177, %iota3A], %get3A_20 {add = true} : memref<128x16xf32, #tpu.memory_space<vmem>>[vector<16xi32>, vector<16xi32>], vector<16xf32>,
          %parallel_loop3A_178 = arith.constant 16 : i32
          %parallel_loop3A_179 = arith.muli %parallel_loop3A_117, %parallel_loop3A_178 : i32
          %parallel_loop3A_180 = arith.constant 12 : i32
          %parallel_loop3A_181 = arith.addi %parallel_loop3A_179, %parallel_loop3A_180 : i32
          %parallel_loop3A_182 = vector.broadcast %parallel_loop3A_181 : i32 to vector<16xi32>
          tpu.vector_store_idx %arg18[%parallel_loop3A_182, %iota3A], %get3A_20 {add = true} : memref<128x16xf32, #tpu.memory_space<vmem>>[vector<16xi32>, vector<16xi32>], vector<16xf32>,
          %parallel_loop3A_183 = arith.constant 16 : i32
          %parallel_loop3A_184 = arith.muli %parallel_loop3A_117, %parallel_loop3A_183 : i32
          %parallel_loop3A_185 = arith.constant 13 : i32
          %parallel_loop3A_186 = arith.addi %parallel_loop3A_184, %parallel_loop3A_185 : i32
          %parallel_loop3A_187 = vector.broadcast %parallel_loop3A_186 : i32 to vector<16xi32>
          tpu.vector_store_idx %arg18[%parallel_loop3A_187, %iota3A], %get3A_20 {add = true} : memref<128x16xf32, #tpu.memory_space<vmem>>[vector<16xi32>, vector<16xi32>], vector<16xf32>,
          %parallel_loop3A_188 = arith.constant 16 : i32
          %parallel_loop3A_189 = arith.muli %parallel_loop3A_117, %parallel_loop3A_188 : i32
          %parallel_loop3A_190 = arith.constant 14 : i32
          %parallel_loop3A_191 = arith.addi %parallel_loop3A_189, %parallel_loop3A_190 : i32
          %parallel_loop3A_192 = vector.broadcast %parallel_loop3A_191 : i32 to vector<16xi32>
          tpu.vector_store_idx %arg18[%parallel_loop3A_192, %iota3A], %get3A_20 {add = true} : memref<128x16xf32, #tpu.memory_space<vmem>>[vector<16xi32>, vector<16xi32>], vector<16xf32>,
          %parallel_loop3A_193 = arith.constant 16 : i32
          %parallel_loop3A_194 = arith.muli %parallel_loop3A_117, %parallel_loop3A_193 : i32
          %parallel_loop3A_195 = arith.constant 15 : i32
          %parallel_loop3A_196 = arith.addi %parallel_loop3A_194, %parallel_loop3A_195 : i32
          %parallel_loop3A_197 = vector.broadcast %parallel_loop3A_196 : i32 to vector<16xi32>
          tpu.vector_store_idx %arg18[%parallel_loop3A_197, %iota3A], %get3A_20 {add = true} : memref<128x16xf32, #tpu.memory_space<vmem>>[vector<16xi32>, vector<16xi32>], vector<16xf32>,
        } {sc.loop_unroll_factor = 2 : i64, sc.parallel_access}
      } else {
      }
      %dma_start3A_105 = arith.constant 0 : i32
      %dma_start3A_106 = arith.constant 0 : i32
      %dma_start3A_107 = tpu.memref_slice %arg10[%dma_start3A_105, %dma_start3A_106] : memref<1350032x16xf32, #tpu.memory_space<hbm>> -> memref<1350032x16xf32, #tpu.memory_space<hbm>>
      tpu.enqueue_indirect_dma source(%arg18 : memref<128x16xf32, #tpu.memory_space<vmem>>) target(%dma_start3A_107 : memref<1350032x16xf32, #tpu.memory_space<hbm>>) offsets(%arg20 : memref<128xi32, #tpu.memory_space<vmem>>) semaphore(%arg24 : memref<!tpu.dma_semaphore, #tpu.memory_space<semaphore_mem>>)
      %dma_start3A_108 = arith.constant 0 : i32
      %dma_start3A_109 = tpu.memref_slice %arg11[%dma_start3A_108] : memref<1350032xi32, #tpu.memory_space<hbm>> -> memref<1350032xi32, #tpu.memory_space<hbm>>
      tpu.enqueue_indirect_dma source(%arg19 : memref<128xi32, #tpu.memory_space<vmem>>) target(%dma_start3A_109 : memref<1350032xi32, #tpu.memory_space<hbm>>) offsets(%arg20 : memref<128xi32, #tpu.memory_space<vmem>>) semaphore(%arg25 : memref<!tpu.dma_semaphore, #tpu.memory_space<semaphore_mem>>)
      %get3A_110 = arith.constant 127 : index
      %get3A_111 = tpu.vector_load %arg14[%get3A_110] {strides = array<i32>} : memref<144xi32, #tpu.memory_space<vmem>>, vector<16xi32>,
      %slice3A_112 = vector.extract_strided_slice %get3A_111 {offsets = [0], sizes = [1], strides = [1]} : vector<16xi32> to vector<1xi32>
      %squeeze3A_113 = vector.extract %slice3A_112[0] : i32 from vector<1xi32>
      scf.yield %gather3A, %squeeze3A_83, %squeeze3A_113 : vector<16xf32>, i32, i32
    }
    %gt3A = arith.constant 0 : i32
    %gt3A_35 = arith.cmpi sgt, %squeeze3A_9, %gt3A : i32
    %convert_element_type3A = arith.extui %gt3A_35 : i1 to i32
    %cond3A = arith.constant 0 : i32
    %cond3A_36 = arith.cmpi ne, %convert_element_type3A, %cond3A : i32
    scf.if %cond3A_36 {
      %dma_wait3A = arith.constant 0 : i32
      %dma_wait3A_45 = arith.constant 0 : i32
      %dma_wait3A_46 = tpu.memref_slice %arg10[%dma_wait3A, %dma_wait3A_45] : memref<1350032x16xf32, #tpu.memory_space<hbm>> -> memref<1350032x16xf32, #tpu.memory_space<hbm>>
      tpu.wait_indirect_dma semaphore(%arg24 : memref<!tpu.dma_semaphore, #tpu.memory_space<semaphore_mem>>) src(%arg18 : memref<128x16xf32, #tpu.memory_space<vmem>>) dst(%dma_wait3A_46 : memref<1350032x16xf32, #tpu.memory_space<hbm>>)
      %dma_wait3A_47 = arith.constant 0 : i32
      %dma_wait3A_48 = tpu.memref_slice %arg11[%dma_wait3A_47] : memref<1350032xi32, #tpu.memory_space<hbm>> -> memref<1350032xi32, #tpu.memory_space<hbm>>
      tpu.wait_indirect_dma semaphore(%arg25 : memref<!tpu.dma_semaphore, #tpu.memory_space<semaphore_mem>>) src(%arg19 : memref<128xi32, #tpu.memory_space<vmem>>) dst(%dma_wait3A_48 : memref<1350032xi32, #tpu.memory_space<hbm>>)
    } else {
    }
    %mul3A_37 = arith.constant 42240 : i32
    %mul3A_38 = arith.muli %add3A, %mul3A_37 : i32
    %scan3A = arith.constant 0 : i32
    %scan3A_39 = arith.constant 0 : i32
    %scan3A_40 = arith.constant 330 : i32
    %scan3A_41 = arith.addi %scan3A_39, %scan3A_40 : i32
    %scan3A_42 = arith.constant 1 : i32
    %scan3A_43 = scf.for %scan3A_45 = %scan3A_39 to %scan3A_41 step %scan3A_42 iter_args(%scan3A_46 = %scan3A) -> (i32)  : i32 {
      %mul3A_47 = arith.constant 128 : i32
      %mul3A_48 = arith.muli %scan3A_45, %mul3A_47 : i32
      %add3A_49 = arith.addi %mul3A_38, %mul3A_48 : i32
      %add3A_50 = arith.constant 128 : i32
      %add3A_51 = arith.addi %add3A_49, %add3A_50 : i32
      %le3A = arith.cmpi sle, %add3A_51, %squeeze3A_11 : i32
      %ge3A = arith.constant 1350000 : i32
      %ge3A_52 = arith.cmpi sge, %add3A_49, %ge3A : i32
      %or3A = arith.ori %le3A, %ge3A_52 : i1
      %not3A = arith.constant true
      %not3A_53 = arith.xori %or3A, %not3A : i1
      %convert_element_type3A_54 = arith.extui %not3A_53 : i1 to i32
      %cond3A_55 = arith.constant 0 : i32
      %cond3A_56 = arith.cmpi ne, %convert_element_type3A_54, %cond3A_55 : i32
      scf.if %cond3A_56 {
        %scan3A_58 = arith.constant 0 : i32
        %scan3A_59 = arith.constant 0 : i32
        %scan3A_60 = arith.constant 8 : i32
        %scan3A_61 = arith.addi %scan3A_59, %scan3A_60 : i32
        %scan3A_62 = arith.constant 1 : i32
        %scan3A_63 = scf.for %scan3A_73 = %scan3A_59 to %scan3A_61 step %scan3A_62 iter_args(%scan3A_74 = %scan3A_58) -> (i32)  : i32 {
          %mul3A_75 = arith.constant 16 : i32
          %mul3A_76 = arith.muli %scan3A_73, %mul3A_75 : i32
          %add3A_77 = arith.addi %add3A_49, %mul3A_76 : i32
          %add3A_78 = vector.broadcast %add3A_77 : i32 to vector<16xi32>
          %add3A_79 = arith.addi %add3A_78, %iota3A : vector<16xi32>
          %ge3A_80 = vector.broadcast %squeeze3A_11 : i32 to vector<16xi32>
          %ge3A_81 = arith.cmpi sge, %add3A_79, %ge3A_80 : vector<16xi32>
          %lt3A = arith.constant 1350000 : i32
          %lt3A_82 = vector.broadcast %lt3A : i32 to vector<16xi32>
          %lt3A_83 = arith.cmpi slt, %add3A_79, %lt3A_82 : vector<16xi32>
          %and3A = arith.andi %ge3A_81, %lt3A_83 : vector<16xi1>
          %mul3A_84 = arith.constant 16 : i32
          %mul3A_85 = arith.muli %scan3A_73, %mul3A_84 : i32
          %add3A_86 = vector.broadcast %mul3A_85 : i32 to vector<16xi32>
          %add3A_87 = arith.addi %add3A_86, %iota3A : vector<16xi32>
          %broadcast_in_dim3A_88 = vector.broadcast %add3A_15 : i32 to vector<16xi32>
          %select_n3A = arith.select %and3A, %add3A_79, %broadcast_in_dim3A_88 : vector<16xi1>, vector<16xi32>
          tpu.vector_store_idx %arg20[%add3A_87], %select_n3A : memref<128xi32, #tpu.memory_space<vmem>>[vector<16xi32>], vector<16xi32>,
          %scan3A_89 = arith.constant 0 : i32
          scf.yield %scan3A_89 : i32
        }
        %scan3A_64 = arith.constant 8 : i32
        %dma_start3A = arith.constant 0 : i32
        %dma_start3A_65 = arith.constant 0 : i32
        %dma_start3A_66 = tpu.memref_slice %arg10[%dma_start3A, %dma_start3A_65] : memref<1350032x16xf32, #tpu.memory_space<hbm>> -> memref<1350032x16xf32, #tpu.memory_space<hbm>>
        tpu.enqueue_indirect_dma source(%arg21 : memref<128x16xf32, #tpu.memory_space<vmem>>) target(%dma_start3A_66 : memref<1350032x16xf32, #tpu.memory_space<hbm>>) offsets(%arg20 : memref<128xi32, #tpu.memory_space<vmem>>) semaphore(%arg24 : memref<!tpu.dma_semaphore, #tpu.memory_space<semaphore_mem>>)
        %dma_start3A_67 = arith.constant 0 : i32
        %dma_start3A_68 = tpu.memref_slice %arg11[%dma_start3A_67] : memref<1350032xi32, #tpu.memory_space<hbm>> -> memref<1350032xi32, #tpu.memory_space<hbm>>
        tpu.enqueue_indirect_dma source(%arg22 : memref<128xi32, #tpu.memory_space<vmem>>) target(%dma_start3A_68 : memref<1350032xi32, #tpu.memory_space<hbm>>) offsets(%arg20 : memref<128xi32, #tpu.memory_space<vmem>>) semaphore(%arg25 : memref<!tpu.dma_semaphore, #tpu.memory_space<semaphore_mem>>)
        %dma_wait3A = arith.constant 0 : i32
        %dma_wait3A_69 = arith.constant 0 : i32
        %dma_wait3A_70 = tpu.memref_slice %arg10[%dma_wait3A, %dma_wait3A_69] : memref<1350032x16xf32, #tpu.memory_space<hbm>> -> memref<1350032x16xf32, #tpu.memory_space<hbm>>
        tpu.wait_indirect_dma semaphore(%arg24 : memref<!tpu.dma_semaphore, #tpu.memory_space<semaphore_mem>>) src(%arg21 : memref<128x16xf32, #tpu.memory_space<vmem>>) dst(%dma_wait3A_70 : memref<1350032x16xf32, #tpu.memory_space<hbm>>)
        %dma_wait3A_71 = arith.constant 0 : i32
        %dma_wait3A_72 = tpu.memref_slice %arg11[%dma_wait3A_71] : memref<1350032xi32, #tpu.memory_space<hbm>> -> memref<1350032xi32, #tpu.memory_space<hbm>>
        tpu.wait_indirect_dma semaphore(%arg25 : memref<!tpu.dma_semaphore, #tpu.memory_space<semaphore_mem>>) src(%arg22 : memref<128xi32, #tpu.memory_space<vmem>>) dst(%dma_wait3A_72 : memref<1350032xi32, #tpu.memory_space<hbm>>)
      } else {
      }
      %scan3A_57 = arith.constant 0 : i32
      scf.yield %scan3A_57 : i32
    }
    %scan3A_44 = arith.constant 330 : i32
    return
  }
}

module attributes {stable_mosaic.version = 14 : i64} {
  func.func @_mm_body(%arg0: i32, %arg1: memref<1000x128xf32, #tpu.memory_space<vmem>>, %arg2: memref<128x432xf32, #tpu.memory_space<vmem>>, %arg3: memref<1000x432xf32, #tpu.memory_space<vmem>>) attributes {dimension_semantics = [#tpu.dimension_semantics<arbitrary>], iteration_bounds = array<i64: 50>, scalar_prefetch = 0 : i64, scratch_operands = 0 : i64, tpu.core_type = #tpu.core_type<tc>, window_params = [{transform_indices = @transform_0, window_bounds = array<i64: 1000, 128>}, {pipeline_mode = #tpu.pipeline_mode<synchronous>, transform_indices = @transform_1, window_bounds = array<i64: 128, 432>}, {transform_indices = @transform_2, window_bounds = array<i64: 1000, 432>}]} {
    %get3A = arith.constant 0 : index
    %get3A_0 = arith.constant 0 : index
    %get3A_1 = vector.load %arg1[%get3A, %get3A_0] : memref<1000x128xf32, #tpu.memory_space<vmem>>, vector<1000x128xf32>
    %get3A_2 = arith.constant 0 : index
    %get3A_3 = arith.constant 0 : index
    %get3A_4 = vector.load %arg2[%get3A_2, %get3A_3] : memref<128x432xf32, #tpu.memory_space<vmem>>, vector<128x432xf32>
    %dot_general3A = arith.constant dense<0.000000e+00> : vector<1000x432xf32>
    %dot_general3A_5 = tpu.matmul %get3A_1, %get3A_4, %dot_general3A {dimension_numbers = #tpu.dot_dimension_numbers<[1], [0], [0], [1], [0, 0, 1, 1], [], []>, transpose_lhs_hint = false} : vector<1000x128xf32>, vector<128x432xf32>, vector<1000x432xf32> -> vector<1000x432xf32>
    %swap3A = arith.constant 0 : index
    %swap3A_6 = arith.constant 0 : index
    %swap3A_7 = vector.load %arg3[%swap3A, %swap3A_6] : memref<1000x432xf32, #tpu.memory_space<vmem>>, vector<1000x432xf32>
    tpu.vector_store %arg3[%swap3A, %swap3A_6], %dot_general3A_5 {strides = array<i32>} : memref<1000x432xf32, #tpu.memory_space<vmem>>, vector<1000x432xf32>,
    return
  }
  func.func @transform_0(%arg0: i32) -> (i32, i32) {
    %c0_i32 = arith.constant 0 : i32
    %c0_i32_0 = arith.constant 0 : i32
    return %arg0, %c0_i32 : i32, i32
  }
  func.func @transform_1(%arg0: i32) -> (i32, i32) {
    %c0_i32 = arith.constant 0 : i32
    %c0_i32_0 = arith.constant 0 : i32
    %c0_i32_1 = arith.constant 0 : i32
    return %c0_i32, %c0_i32_0 : i32, i32
  }
  func.func @transform_2(%arg0: i32) -> (i32, i32) {
    %c0_i32 = arith.constant 0 : i32
    %c0_i32_0 = arith.constant 0 : i32
    return %arg0, %c0_i32 : i32, i32
  }
}

</mosaic_0001>

<sc_bundles>
// kernel: kernel.4.cloned.1.call-start
scs
__scs_entry_jumppad:
0x0: {  	(pc) =	sbr.rel $0x88, $3  }
0x1: {  	(tag) =	ssettag $0x0;
	lr =	simm.s32 $0x1  }
0x2: {  	[smem:$0x3F9D] =	sst lr;
	_ =	strace $0xD0000000  }
0x3: {  	_ = 	snop  }
0x4: {  	_ = 	snop  }
0x5: {  	_ = 	snop  }
0x6: {  	_ = 	snop  }
0x7: {  	_ = 	snop  }
__scs_overlays_trampoline_lowered:
0x8: {  	[smem:$0x3FAC] =	sst s0  }
0x9: {  	[smem:$0x3FAD] =	sst s1  }
0xa: {  	[smem:$0x3FAE] =	sst s2  }
0xb: {  	[smem:$0x3FAF] =	sst s3  }
0xc: {  	[smem:$0x3FB0] =	sst s4  }
0xd: {  	[smem:$0x3FB1] =	sst s5  }
0xe: {  	[smem:$0x3FB2] =	sst s6  }
0xf: {  	[smem:$0x3FB3] =	sst s7  }
0x10: {  	[smem:$0x3FB4] =	sst s8  }
0x11: {  	[smem:$0x3FB5] =	sst s9;
	s0 =	simm.s32 @!p0 $0x0  }
0x12: {  	s1 =	sld [smem:$0x3F9B];
	s0 =	simm.s32 @p0 $0x1  }
0x13: {  	[smem:$0x3FB6] =	sst s0;
	s0 =	simm.s32 @!p1 $0x0  }
0x14: {  	s2 =	sld [smem:$0x3F9A];
	s0 =	simm.s32 @p1 $0x1  }
0x15: {  	[smem:$0x3FB7] =	sst s0;
	s0 =	simm.s32 @!p2 $0x0  }
0x16: {  	s3 =	sld [smem:$0x3FDB];
	s0 =	simm.s32 @p2 $0x1  }
0x17: {  	s4 =	simm.s32 $0x1BF5;
	[smem:$0x3FB9] =	sst s0  }
0x18: {  	s0 =	sld [smem:$0x3F9C];
	_ =	swait.ge [sflag:s4], $0x0  }
0x19: {  	s7 =	sld [smem:$0x3F9D]  }
0x1a: {  	s8 =	sadd.s32 $0xFFFFE003, lr  }
0x1b: {  	s9 =	sadd.s32 $0xFFFFFEF7, lr;
	s5 =	simm.s32 $0xFFFFFFFF;
	p2 =	slt.u32 s8, $0xFFFFF086  }
0x1c: {  	p1 =	slt.u32 s9, $0xF7A;
	s5 =	simm.s32 @!p2 $0x0  }
0x1d: {  	s5 =	simm.s32 @p1 $0x1;
	p0 =	seq.s32 s7, s2  }
0x1e: {  	s7 =	smul.u32 @!p0 $0xF7A, s2;
	p2 =	seq.s32 @!p0 s5, $0x0  }
0x1f: {  	s9 =	smul.u32 $0xF7A, s1;
	s8 =	simm.s32 @!p0 $0x1BF5;
	p2 =	por !p2, p0  }
0x20: {  	[sflag:s8] =	ssyncset.s32 @!p0 $0xFFFFF086;
	s6 =	sadd.s32 @!p0 s3, s7;
	s7 =	simm.s32 @!p0 $0x108  }
0x21: {  	s3 =	sadd.s32 s3, s9;
	s6 =	sadd.s32 @!p0 $0x88, s6;
	s7 =	simm.s32 @p2 $0x1082  }
0x22: {  	[simem:s7], [sflag:s8] =	dma.local @!p0 [hbm:s6], $0xF7A  }
0x23: {  	s9 =	sor.u32 $0xD0000000, s2;
	s6 =	simm.s32 $0x108;
	_ =	swait.ge @!p0 [sflag:s8], $0x0  }
0x24: {  	s3 =	sadd.s32 $0x88, s3;
	s6 =	simm.s32 @!p1 $0x1082;
	[sflag:s4] =	ssyncset.s32 $0xFFFFF086  }
0x25: {  	[simem:s6], [sflag:s4] =	dma.local [hbm:s3], $0xF7A  }
0x26: {  	[smem:$0x3F9D] =	sst s1;
	(tag) =	ssettag s2;
	_ =	strace s9  }
0x27: {  	s1 =	sld [smem:$0x3FAD]  }
0x28: {  	s2 =	sld [smem:$0x3FAE]  }
0x29: {  	s4 =	sld [smem:$0x3FB0]  }
0x2a: {  	p0 =	seq.s32 s5, $0x0;
	s5 =	sld [smem:$0x3FB1]  }
0x2b: {  	s6 =	sld [smem:$0x3FB2]  }
0x2c: {  	s7 =	sld [smem:$0x3FB3]  }
0x2d: {  	s3 =	simm.s32 $0x108;
	s8 =	sld [smem:$0x3FB4]  }
0x2e: {  	s3 =	simm.s32 @!p0 $0x1082;
	s9 =	sld [smem:$0x3FB5]  }
0x2f: {  	lr =	sadd.s32 s0, s3;
	s0 =	sld [smem:$0x3FAC]  }
0x30: {  	s3 =	sld [smem:$0x3FAF]  }
0x31: {  	[smem:$0x3FB8] =	sst s10  }
0x32: {  	s10 =	sld [smem:$0x3FB6];
	_ =	sdelay $0x3  }
0x33: {  	p0 =	seq.s32 s10, $0x1;
	s10 =	sld [smem:$0x3FB8];
	_ =	sdelay $0x3  }
0x34: {  	[smem:$0x3FB8] =	sst s10  }
0x35: {  	s10 =	sld [smem:$0x3FB7];
	_ =	sdelay $0x3  }
0x36: {  	p1 =	seq.s32 s10, $0x1;
	s10 =	sld [smem:$0x3FB8];
	_ =	sdelay $0x3  }
0x37: {  	[smem:$0x3FB8] =	sst s10  }
0x38: {  	s10 =	sld [smem:$0x3FB9]  }
0x39: {  	_ = 	snop;
	(pc) =	sbr.ind lr, $3  }
0x3a: {  	_ = 	snop  }
0x3b: {  	_ = 	snop  }
0x3c: {  	p2 =	seq.s32 s10, $0x1;
	s10 =	sld [smem:$0x3FB8]  }
0x3d: {  	_ =	shalt  }
0x3e: {  	_ =	shalt  }
0x3f: {  	_ =	shalt  }
0x40: {  	_ =	shalt  }
0x41: {  	_ =	shalt  }
0x42: {  	_ =	shalt  }
0x43: {  	_ =	shalt  }
0x44: {  	_ =	shalt  }
0x45: {  	_ =	shalt  }
0x46: {  	_ =	shalt  }
0x47: {  	_ =	shalt  }
0x48: {  	_ =	shalt  }
0x49: {  	_ =	shalt  }
0x4a: {  	_ =	shalt  }
0x4b: {  	_ =	shalt  }
0x4c: {  	_ =	shalt  }
0x4d: {  	_ =	shalt  }
0x4e: {  	_ =	shalt  }
0x4f: {  	_ =	shalt  }
0x50: {  	_ =	shalt  }
0x51: {  	_ =	shalt  }
0x52: {  	_ =	shalt  }
0x53: {  	_ =	shalt  }
0x54: {  	_ =	shalt  }
0x55: {  	_ =	shalt  }
0x56: {  	_ =	shalt  }
0x57: {  	_ =	shalt  }
0x58: {  	_ =	shalt  }
0x59: {  	_ =	shalt  }
0x5a: {  	_ =	shalt  }
0x5b: {  	_ =	shalt  }
0x5c: {  	_ =	shalt  }
0x5d: {  	_ =	shalt  }
0x5e: {  	_ =	shalt  }
0x5f: {  	_ =	shalt  }
0x60: {  	_ =	shalt  }
0x61: {  	_ =	shalt  }
0x62: {  	_ =	shalt  }
0x63: {  	_ =	shalt  }
0x64: {  	_ =	shalt  }
0x65: {  	_ =	shalt  }
0x66: {  	_ =	shalt  }
0x67: {  	_ =	shalt  }
0x68: {  	_ =	shalt  }
0x69: {  	_ =	shalt  }
0x6a: {  	_ =	shalt  }
0x6b: {  	_ =	shalt  }
0x6c: {  	_ =	shalt  }
0x6d: {  	_ =	shalt  }
0x6e: {  	_ =	shalt  }
0x6f: {  	_ =	shalt  }
0x70: {  	_ =	shalt  }
0x71: {  	_ =	shalt  }
0x72: {  	_ =	shalt  }
0x73: {  	_ =	shalt  }
0x74: {  	_ =	shalt  }
0x75: {  	_ =	shalt  }
0x76: {  	_ =	shalt  }
0x77: {  	_ =	shalt  }
0x78: {  	_ =	shalt  }
0x79: {  	_ =	shalt  }
0x7a: {  	_ =	shalt  }
0x7b: {  	_ =	shalt  }
0x7c: {  	_ =	shalt  }
0x7d: {  	_ =	shalt  }
0x7e: {  	_ =	shalt  }
0x7f: {  	_ =	shalt  }
0x80: {  	_ =	shalt  }
0x81: {  	_ =	shalt  }
0x82: {  	_ =	shalt  }
0x83: {  	_ =	shalt  }
0x84: {  	_ =	shalt  }
0x85: {  	_ =	shalt  }
0x86: {  	_ =	shalt  }
0x87: {  	_ =	shalt  }
.Lfunc_end0:
.L_simem_size_0:
called_computation.1_lowered:
.L_overlay_start_0:
0x88: {  	s2 =	sld [smem:$0x3FD9]  }
0x89: {  	s3 =	sld [smem:$0x3FFE];
	_ =	sdelay $0x1  }
0x8a: {  	s1 =	srdreg.scid  }
0x8b: {  	s0 =	sand.u32 $0x1, s1  }
0x8c: {  	s14 =	sshll.u32 s0, $0xA;
	s2 =	sadd.s32 s3, s2  }
0x8d: {  	s2 =	sadd.s32 s2, s14  }
0x8e: {  	[smem:$0x3FC4] =	sst s2  }
0x8f: {  	_ = 	snop  }
0x90: {  	s2 =	sld [smem:$0x3FD0];
	_ =	sdelay $0x2  }
0x91: {  	s4 =	simm.s32 $0xA;
	s5 =	simm.s32 $0x10;
	s15 =	sld [smem:$0x3FC6]  }
0x92: {  	[smem:s5], [sflag:s4] =	dma.local [hbm:s2], $0x1  }
0x93: {  	_ =	swait.eq [sflag:s4], $0x1  }
0x94: {  	[sflag:s4] =	ssyncset.done $0x0  }
0x95: {  	s16 =	sld [smem:$0x10];
	[sflag:s4] =	ssyncadd.s32 $0xFFFFFFFF  }
0x96: {  	s17 =	sld [smem:$0x11];
	(tm) =	ssettm $0x1  }
0x97: {  	s18 =	sld [smem:$0x3FFB];
	_ =	sdelay $0x3  }
0x98: {  	_ =	strace s18  }
0x99: {  	s5 =	sld [smem:$0x3FFC];
	_ =	sdelay $0x3  }
0x9a: {  	_ =	strace s5  }
0x9b: {  	s5 =	sld [smem:$0x3FFD];
	_ =	sdelay $0x3  }
0x9c: {  	_ =	strace s5  }
0x9d: {  	_ =	strace $0x8FFFFFFF  }
0x9e: {  	s19 =	sld [smem:$0x3FDB];
	_ =	sdelay $0x1  }
0x9f: {  	s6 =	simm.s32 $_scs_section_size  }
0xa0: {  	s7 =	simm.s32 $_size__tile_overlayer_lowered;
	s8 =	simm.s32 $_tile_overlayer_lowered  }
0xa1: {  	s22 =	simm.s32 $0x1BFF;
	s21 =	sshll.u32 s8, $0x1;
	s5 =	sadd.s32 s6, s19  }
0xa2: {  	s9 =	simm.s32 $0x0;
	s20 =	sshll.u32 s7, $0x1;
	s7 =	sadd.s32 s21, s5  }
0xa3: {  	[timem:s9], [sflag:s22] =	dma.local [hbm:s7], s20  }
0xa4: {  	_ =	swait.ge [sflag:s22], s20  }
0xa5: {  	s6 =	ssub.s32 $0x0, s20;
	[sflag:s22] =	ssyncset.done $0x0  }
0xa6: {  	[sflag:s22] =	ssyncadd.s32 s6;
	_ =	sdelay $0x1  }
0xa7: {  	s23 =	simm.s32 $0x1B8B  }
0xa8: {  	_ =	swait.ge [sflag:s23], $0x1  }
0xa9: {  	[sflag:s23] =	ssyncset.done $0x0  }
0xaa: {  	s25 =	simm.s32 $0x1B8E;
	s24 =	sld [smem:$0x3FFE];
	[sflag:s23] =	ssyncadd.s32 $0xFFFFFFFF  }
0xab: {  	s26 =	simm.s32 $execute0_lowered;
	[smem:$0x3FD2] =	sst s25  }
0xac: {  	s7 =	sshll.u32 s26, $0x1;
	_ =	strace $0x80000046;
	[dreg:$0x1] =	wrdreg $0xFFFFFFFF  }
0xad: {  	s28 =	simm.s32 $_size_execute0_lowered;
	s5 =	sadd.s32 s5, s7;
	[dreg:$0x0] =	wrdreg $0x0  }
0xae: {  	s7 =	sshll.u32 s28, $0x1;
	[dreg:$0x2] =	wrdreg s5  }
0xaf: {  	[dreg:$0x3] =	wrdreg s7  }
0xb0: {  	[dreg:$0x4] =	wrdreg $0xC0  }
0xb1: {  	_ =	task [dreg:s9], $0x5FFFF  }
0xb2: {  	[dreg:$0x1] =	wrdreg $0xFFFFFFFF  }
0xb3: {  	[dreg:$0x0] =	wrdreg $0x60  }
0xb4: {  	[dreg:$0x2] =	wrdreg s24  }
0xb5: {  	[dreg:$0x3] =	wrdreg s16  }
0xb6: {  	[dreg:$0x4] =	wrdreg s15  }
0xb7: {  	[dreg:$0x5] =	wrdreg s17  }
0xb8: {  	[dreg:$0x6] =	wrdreg $0x9  }
0xb9: {  	_ =	task.clear_ibuf [dreg:s9], $0x7FFFF;
	_ =	strace $0x90000046  }
0xba: {  	s29 =	simm.s32 $0x9;
	_ =	strace $0x80000048  }
0xbb: {  	_ =	swait.ge [sflag:s29], $0x1  }
0xbc: {  	[sflag:s29] =	ssyncadd.s32 $0xFFFFFFFF  }
0xbd: {  	_ =	strace $0x90000048  }
0xbe: {  	_ =	sfence  }
0xbf: {  	s30 =	sld [smem:$0x0];
	_ =	sdelay $0x2  }
0xc0: {  	s31 =	sshll.u32 s1, $0xD;
	s1 =	sshrl.u32 s1, $0x2  }
0xc1: {  	s3 =	sand.u32 $0x4000, s31;
	s1 =	sadd.s32 s1, s30  }
0xc2: {  	s0 =	sor.u32 s3, s0;
	s1 =	sshll.u32 s1, $0x11  }
0xc3: {  	s0 =	sor.u32 s1, s0  }
0xc4: {  	s0 =	sadd.s32 $0x8F2B, s0  }
0xc5: {  	[sflag:s0] =	ssyncadd.remote.s32 $0x1  }
0xc6: {  	_ =	sfence.sel $0xFFFF  }
0xc7: {  	[dreg:$0x0] =	wrdreg $0xFFFFFFFF;
	(pc) =	sbr.abs _section_cstart, $3  }
0xc8: {  	[dreg:$0x1] =	wrdreg $0xFFFFFFFF  }
0xc9: {  	_ =	task.clear_ibuf [dreg:s9], $0x2FFFF;
	_ =	strace $0x9FFFFFFF  }
0xca: {  	(tm) =	ssettm $0x7FFFFFFF  }
0xcb: {  	_ =	shalt  }
tec
execute0_lowered:
.L_overlay_start_1:
0x0: {  	(tag) =	ssettag $0x1  }
0x1: {  	s0 =	rddreg [dreg:$0x0]  }
0x2: {  	s7 =	rddreg [dreg:$0x3];
	s1 =	simm.s32 $0x0;
	s25 =	srdreg.scid  }
0x3: {  	s4 =	stileid.u32;
	s9 =	simm.s32 $0x12C0;
	s10 =	simm.s32 $0x1AC0  }
0x4: {  	s11 =	simm.s32 $0x80;
	s29 =	simm.s32 $0x9C0;
	s30 =	simm.s32 $0x11C0  }
0x5: {  	[smem:$0x7FF] =	sst s1;
	s20 =	sadd.s32 $0x1200, s0;
	s21 =	sadd.s32 $0x53E00, s0  }
0x6: {  	s22 =	sadd.s32 $0x2A800, s0;
	_ =	strace $0x80000047;
	[dreg:$0x5] =	wrdreg s20  }
0x7: {  	s23 =	sadd.s32 $0x400, s0;
	s24 =	sadd.s32 $0x200, s0;
	[dreg:$0x6] =	wrdreg s21  }
0x8: {  	s8 =	sadd.s32 $0x7D400, s0;
	s1 =	sand.u32 $0x1, s25;
	[dreg:$0x7] =	wrdreg s22  }
0x9: {  	s2 =	sshll.u32 s4, $0x1;
	s4 =	smul.u32 $0x14A00, s4;
	[dreg:$0x8] =	wrdreg s23  }
0xa: {  	[dreg:$0x9] =	wrdreg s24;
	s3 =	ssub.s32 $0x2, s1;
	s2 =	sor.u32 s1, s2  }
0xb: {  	s1 =	smul.u32 $0xA500, s1;
	[dreg:$0xa] =	wrdreg s8;
	s6 =	sshll.u32 s2, $0x1  }
.Ltmp0:
0xc: {  	s5 =	sshrl.u32 s3, $0x1;
	s0 =	sadd.s32 s0, s6;
	(pc) =	sbr.rel .LBB2_1-.Ltmp0, $4  }
0xd: {  	s3 =	ssub.s32 s3, s5;
	s1 =	sadd.s32 s1, s4;
	[dreg:$0xb] =	wrdreg s0  }
0xe: {  	s6 =	smul.u32 $0xA500, s2;
	s28 =	smax.u32 s3, $0x1;
	[dreg:$0xe] =	wrdreg s1  }
0xf: {  	v1 =	vlaneseq.u32;
	s31 =	simm.s32 $0x1240;
	v2 =	vimm.f32 $0.0e+00;
	s26 =	sadd.s32 $0x149970, s2;
	[dreg:$0xd] =	wrdreg s28  }
0x10: {  	vm0 =	vmxor vm0, vm0;
	v3 =	vimm.s32 $0x0;
	s25 =	simm.s32 $0x1C0;
	v0 =	vmov s26;
	s1 =	simm.s32 $0x0;
	[dreg:$0xc] =	wrdreg s6  }
.LBB2_21:
0x11: {  	s1 =	rddreg [dreg:$0xf]  }
0x12: {  	s0 =	rddreg [dreg:$0xd];
	s1 =	sadd.s32 $0x1, s1  }
0x13: {  	p0 =	sne.s32 s1, s0  }
.Ltmp1:
0x14: {  	_ = 	snop;
	(pc) =	sbr.rel @!p0 .LBB2_22-.Ltmp1, $1  }
0x15: {  	_ =	sdelay $0x3  }
.LBB2_1:
0x16: {  	[dreg:$0xf] =	wrdreg s1  }
0x17: {  	s20 =	simm.s32 $0x0;
	s0 =	rddreg [dreg:$0xb];
	s2 =	simm.s32 $0x6  }
0x18: {  	[tilespmem:s20], [sflag:$0x6] =	stream.linear.gather [hbm4b:s0+s20], $0x10, $0x38;
	[tilespmem:$0x1B40] =	vst v63  }
0x19: {  	_ =	swait.ge [sflag:s2], $0x10  }
0x1a: {  	[sflag:s2] =	ssyncset.done $0x0  }
0x1b: {  	[sflag:s2] =	ssyncadd.s32 $0xFFFFFFF0  }
0x1c: {  	s3 =	simm.s32 $0x10;
	s21 =	rddreg [dreg:$0x2]  }
0x1d: {  	[tilespmem:s3], [sflag:$0x6] =	stream.linear.gather [hbm4b:s21+s20], $0x10, $0x38;
	[tilespmem:$0x1B40] =	vst v63  }
0x1e: {  	_ =	swait.ge [sflag:s2], $0x10  }
0x1f: {  	[sflag:s2] =	ssyncset.done $0x0  }
0x20: {  	s22 =	rddreg [dreg:$0x8];
	[sflag:s2] =	ssyncadd.s32 $0xFFFFFFF0  }
0x21: {  	[tilespmem:s9], [sflag:$0x6] =	stream.linear.gather [hbm4b:s22+s20], $0x800, $0x38;
	[tilespmem:$0x1B40] =	vst v63  }
0x22: {  	_ =	swait.ge [sflag:s2], $0x800  }
0x23: {  	[sflag:s2] =	ssyncset.done $0x0  }
0x24: {  	s23 =	rddreg [dreg:$0x9];
	[sflag:s2] =	ssyncadd.s32 $0xFFFFF800  }
0x25: {  	[tilespmem:s10], [sflag:$0x6] =	stream.linear.gather [hbm4b:s23+s20], $0x80, $0x38;
	[tilespmem:$0x1B40] =	vst v63  }
0x26: {  	_ =	swait.ge [sflag:s2], $0x80  }
0x27: {  	[sflag:s2] =	ssyncset.done $0x0  }
0x28: {  	[sflag:s2] =	ssyncadd.s32 $0xFFFFFF80  }
0x29: {  	v4 =	vld [tilespmem:$0x0];
	_ =	sdelay $0x4  }
0x2a: {  	(v2sf) =	vpush v4, $0x0  }
0x2b: {  	(v2sf) =	vpush v4, $0x1  }
0x2c: {  	(v2sf) =	vpush v4, $0x2  }
0x2d: {  	(v2sf) =	vpush v4, $0x3  }
0x2e: {  	(v2sf) =	vpush v4, $0x4;
	_ =	sdelay $0x4  }
0x2f: {  	(v2sf) =	vpush v4, $0x5;
	_ =	sdelay $0x5  }
0x30: {  	s24 =	spop (v2sf)  }
0x31: {  	s10 =	spop (v2sf)  }
0x32: {  	s12 =	spop (v2sf)  }
0x33: {  	s26 =	spop (v2sf)  }
0x34: {  	s2 =	spop (v2sf)  }
0x35: {  	p0 =	slt.s32 s2, $0x1  }
.Ltmp2:
0x36: {  	_ = 	snop;
	(pc) =	sbr.rel @p0 .LBB2_15-.Ltmp2, $4  }
0x37: {  	_ = 	snop  }
0x38: {  	[dreg:$0x11] =	wrdreg s24  }
0x39: {  	[dreg:$0x12] =	wrdreg s26;
	s28 =	spop (v2sf)  }
0x3a: {  	[dreg:$0x10] =	wrdreg s28  }
0x3b: {  	(v2sf) =	vpush v4, $0x6;
	_ =	sdelay $0xb  }
.Ltmp3:
0x3c: {  	v5 =	vld [tilespmem:$0x10];
	(pc) =	sbr.rel .LBB2_3-.Ltmp3, $4  }
0x3d: {  	_ = 	snop  }
0x3e: {  	s28 =	sadd.s32 $0xFFFFFFFF, s2;
	[dreg:$0x13] =	wrdreg s2  }
0x3f: {  	s9 =	simm.s32 $0x0;
	[dreg:$0x15] =	wrdreg s28;
	s0 =	spop (v2sf)  }
0x40: {  	v6 =	vbroadcast v4, $0x2;
	v7 =	vimm.f32 $0.0e+00;
	s1 =	simm.s32 $0xFFFFFFFF;
	[dreg:$0x14] =	wrdreg s0;
	s0 =	simm.s32 $0xFFFFFFFF  }
.LBB2_13:
0x41: {  	[hbm4b:s8+s11] =	stream.indirect.scatter [tilespmem:s29], [sflag:$0x2], $0x10, s31, s11, $0xb8;
	[tilespmem:$0x1B40] =	vst v63  }
0x42: {  	_ = 	snop  }
0x43: {  	[hbm4b:s7+s11] =	stream.indirect.scatter [tilespmem:s30], [sflag:$0x3], $0x1, s31, s11, $0xb8;
	[tilespmem:$0x1B40] =	vst v63  }
0x44: {  	v8 =	vld [tilespmem:$0x9F];
	_ =	sdelay $0x4  }
0x45: {  	(v2sf) =	vpush v8, $0x0;
	_ =	sdelay $0x8  }
0x46: {  	s9 =	sadd.s32 $0x1, s9;
	s2 =	rddreg [dreg:$0x13]  }
0x47: {  	p0 =	sne.s32 s9, s2  }
.Ltmp4:
0x48: {  	_ = 	snop;
	(pc) =	sbr.rel @!p0 .LBB2_14-.Ltmp4, $2  }
0x49: {  	_ =	sdelay $0x2  }
0x4a: {  	s1 =	spop (v2sf)  }
.LBB2_3:
0x4b: {  	s2 =	sshll.u32 s9, $0x7;
	s3 =	rddreg [dreg:$0x11]  }
0x4c: {  	s24 =	sadd.s32 s3, s2  }
0x4d: {  	s23 =	rddreg [dreg:$0x5];
	s4 =	simm.s32 $0x0;
	s2 =	sshrl.u32 s24, $0x3  }
0x4e: {  	s5 =	simm.s32 $0x20;
	s26 =	rddreg [dreg:$0x6];
	s3 =	sadd.s32 s23, s2  }
0x4f: {  	[tilespmem:s5], [sflag:$0x4] =	stream.linear.gather [hbm4b:s3+s4], $0x90, $0x38;
	[tilespmem:$0x1B40] =	vst v63  }
0x50: {  	s28 =	simm.s32 $0xB0;
	s6 =	rddreg [dreg:$0x7];
	s3 =	sadd.s32 s26, s2  }
0x51: {  	[tilespmem:s28], [sflag:$0x5] =	stream.linear.gather [hbm4b:s3+s4], $0x90, $0x38;
	[tilespmem:$0x1B40] =	vst v63  }
0x52: {  	s7 =	simm.s32 $0x140;
	s8 =	simm.s32 $0x6;
	s2 =	sadd.s32 s6, s2  }
0x53: {  	[tilespmem:s7], [sflag:$0x6] =	stream.linear.gather [hbm4b:s2+s4], $0x80, $0x38;
	[tilespmem:$0x1B40] =	vst v63  }
0x54: {  	_ =	swait.ge [sflag:s8], $0x80  }
0x55: {  	[sflag:s8] =	ssyncset.done $0x0  }
0x56: {  	[sflag:s8] =	ssyncadd.s32 $0xFFFFFF80  }
0x57: {  	s2 =	rddreg [dreg:$0x1]  }
0x58: {  	[tilespmem:s25], [sflag:$0x1] =	stream.indirect.gather [hbm4b:s2+s11], $0x10, s7, s11, $0xb8;
	[tilespmem:$0x1B40] =	vst v63  }
0x59: {  	s11 =	simm.s32 $0x4  }
0x5a: {  	_ =	swait.ge [sflag:s11], $0x90  }
0x5b: {  	[sflag:s11] =	ssyncset.done $0x0  }
0x5c: {  	s13 =	simm.s32 $0x5;
	[sflag:s11] =	ssyncadd.s32 $0xFFFFFF70  }
0x5d: {  	_ =	swait.ge [sflag:s13], $0x90  }
0x5e: {  	[sflag:s13] =	ssyncset.done $0x0  }
0x5f: {  	s14 =	simm.s32 $0x1;
	[sflag:s13] =	ssyncadd.s32 $0xFFFFFF70  }
0x60: {  	_ =	swait.ge [sflag:s14], $0x800  }
0x61: {  	[sflag:s14] =	ssyncset.done $0x0  }
0x62: {  	[sflag:s14] =	ssyncadd.s32 $0xFFFFF800  }
0x63: {  	v8 =	vld [tilespmem:$0xB0];
	_ =	sdelay $0x4  }
0x64: {  	(v2sf) =	vpush v8, $0x0;
	_ =	sdelay $0xd  }
0x65: {  	p0 =	seq.s32 s9, $0x0  }
0x66: {  	s2 =	simm.s32 @!p0 $0x2;
	[dreg:$0x16] =	wrdreg s9;
	s21 =	spop (v2sf)  }
0x67: {  	s15 =	simm.s32 $0x100;
	_ =	swait.ge @!p0 [sflag:s2], $0x800  }
0x68: {  	s8 =	simm.s32 $0x0;
	v8 =	vor.u32 s15, v1;
	[sflag:s2] =	ssyncset.done @!p0 $0x0  }
0x69: {  	s16 =	simm.s32 $0x110;
	v13 =	vor.u32 s8, v1;
	[sflag:s2] =	ssyncadd.s32 @!p0 $0xFFFFF800;
	s2 =	simm.s32 @!p0 $0x3  }
0x6a: {  	s17 =	simm.s32 $0x120;
	v9 =	vor.u32 s16, v1;
	_ =	swait.ge @!p0 [sflag:s2], $0x80  }
0x6b: {  	s18 =	simm.s32 $0x130;
	v10 =	vor.u32 s17, v1;
	[sflag:s2] =	ssyncset.done @!p0 $0x0  }
0x6c: {  	s19 =	simm.s32 $0x140;
	v11 =	vor.u32 s18, v1;
	[sflag:s2] =	ssyncadd.s32 @!p0 $0xFFFFFF80  }
0x6d: {  	s20 =	simm.s32 $0x150;
	v12 =	vor.u32 s19, v1;
	[tilespmem:v8+s29+$0x0] =	vst.idx.msk $0xffff, v2  }
0x6e: {  	s22 =	simm.s32 $0x160;
	v8 =	vor.u32 s20, v1;
	[tilespmem:v13+s29+$0x0] =	vst.idx.msk $0xffff, v2  }
0x6f: {  	s23 =	simm.s32 $0x170;
	[tilespmem:v9+s29+$0x0] =	vst.idx.msk $0xffff, v2;
	v9 =	vor.u32 s22, v1  }
0x70: {  	s25 =	simm.s32 $0x180;
	[tilespmem:v10+s29+$0x0] =	vst.idx.msk $0xffff, v2;
	v10 =	vor.u32 s23, v1  }
0x71: {  	s26 =	simm.s32 $0x190;
	[tilespmem:v11+s29+$0x0] =	vst.idx.msk $0xffff, v2;
	v11 =	vor.u32 s25, v1  }
0x72: {  	s28 =	simm.s32 $0x1A0;
	[tilespmem:v12+s29+$0x0] =	vst.idx.msk $0xffff, v2;
	v12 =	vor.u32 s26, v1  }
0x73: {  	s3 =	simm.s32 $0x1B0;
	[tilespmem:v8+s29+$0x0] =	vst.idx.msk $0xffff, v2;
	v8 =	vor.u32 s28, v1  }
0x74: {  	s4 =	simm.s32 $0x1C0;
	[tilespmem:v9+s29+$0x0] =	vst.idx.msk $0xffff, v2;
	v9 =	vor.u32 s3, v1  }
0x75: {  	s5 =	simm.s32 $0x1D0;
	[tilespmem:v10+s29+$0x0] =	vst.idx.msk $0xffff, v2;
	v10 =	vor.u32 s4, v1  }
0x76: {  	s6 =	simm.s32 $0x1E0;
	[tilespmem:v11+s29+$0x0] =	vst.idx.msk $0xffff, v2;
	v11 =	vor.u32 s5, v1  }
0x77: {  	s7 =	simm.s32 $0x1F0;
	[tilespmem:v12+s29+$0x0] =	vst.idx.msk $0xffff, v2;
	v12 =	vor.u32 s6, v1  }
0x78: {  	s9 =	simm.s32 $0x10;
	[tilespmem:v8+s29+$0x0] =	vst.idx.msk $0xffff, v2;
	v8 =	vor.u32 s7, v1  }
0x79: {  	s11 =	simm.s32 $0x20;
	[tilespmem:v9+s29+$0x0] =	vst.idx.msk $0xffff, v2;
	v9 =	vor.u32 s9, v1  }
0x7a: {  	s13 =	simm.s32 $0x30;
	[tilespmem:v10+s29+$0x0] =	vst.idx.msk $0xffff, v2;
	v10 =	vor.u32 s11, v1  }
0x7b: {  	s14 =	simm.s32 $0x40;
	[tilespmem:v11+s29+$0x0] =	vst.idx.msk $0xffff, v2;
	v11 =	vor.u32 s13, v1  }
0x7c: {  	s15 =	simm.s32 $0x50;
	[tilespmem:v12+s29+$0x0] =	vst.idx.msk $0xffff, v2;
	v12 =	vor.u32 s14, v1  }
0x7d: {  	s16 =	simm.s32 $0x60;
	[tilespmem:v8+s29+$0x0] =	vst.idx.msk $0xffff, v2;
	v8 =	vor.u32 s15, v1  }
0x7e: {  	v14 =	vor.u32 s16, v1;
	[tilespmem:v9+s29+$0x0] =	vst.idx.msk $0xffff, v2  }
0x7f: {  	s17 =	simm.s32 $0x70;
	[tilespmem:v10+s29+$0x0] =	vst.idx.msk $0xffff, v2  }
0x80: {  	s18 =	simm.s32 $0x80;
	v9 =	vor.u32 s17, v1;
	[tilespmem:v11+s29+$0x0] =	vst.idx.msk $0xffff, v2  }
0x81: {  	s19 =	simm.s32 $0x90;
	v15 =	vor.u32 s18, v1;
	[tilespmem:v12+s29+$0x0] =	vst.idx.msk $0xffff, v2  }
0x82: {  	v13 =	vor.u32 s19, v1;
	s20 =	simm.s32 $0xA0;
	[tilespmem:v8+s29+$0x0] =	vst.idx.msk $0xffff, v2  }
0x83: {  	s22 =	simm.s32 $0xB0;
	[tilespmem:v14+s29+$0x0] =	vst.idx.msk $0xffff, v2;
	v14 =	vor.u32 s20, v1  }
0x84: {  	s23 =	simm.s32 $0xC0;
	v11 =	vor.u32 s22, v1  }
0x85: {  	s25 =	simm.s32 $0xD0;
	s26 =	simm.s32 $0xE0;
	s28 =	simm.s32 $0xF0;
	v12 =	vor.u32 s23, v1;
	[tilespmem:v9+s29+$0x0] =	vst.idx.msk $0xffff, v2  }
0x86: {  	s2 =	simm.s32 $0x0;
	s3 =	simm.s32 $0x3F;
	v10 =	vor.u32 s25, v1;
	v8 =	vor.u32 s28, v1;
	v9 =	vor.u32 s26, v1;
	[tilespmem:v15+s29+$0x0] =	vst.idx.msk $0xffff, v2  }
.LBB2_4:
0x87: {  	s4 =	sshll.u32 s3, $0x4;
	[tilespmem:v13+s29+$0x0] =	vst.idx.msk $0xffff, v2  }
0x88: {  	s5 =	sadd.s32 $0xFFFFFE10, s4;
	s6 =	sadd.s32 $0xFFFFFE20, s4;
	s7 =	sadd.s32 $0xFFFFFF10, s4;
	[tilespmem:v14+s29+$0x0] =	vst.idx.msk $0xffff, v2  }
0x89: {  	v15 =	vor.u32 s5, v1;
	v16 =	vor.u32 s6, v1;
	s5 =	sadd.s32 $0xFFFFFE30, s4;
	s6 =	sadd.s32 $0xFFFFFE40, s4;
	v17 =	vor.u32 s7, v1;
	s7 =	sadd.s32 $0xFFFFFF20, s4;
	[tilespmem:v11+s29+$0x0] =	vst.idx.msk $0xffff, v2  }
0x8a: {  	v18 =	vor.u32 s5, v1;
	v19 =	vor.u32 s6, v1;
	s5 =	sadd.s32 $0xFFFFFE50, s4;
	s6 =	sadd.s32 $0xFFFFFE60, s4;
	v20 =	vor.u32 s7, v1;
	s7 =	sadd.s32 $0xFFFFFF30, s4;
	[tilespmem:v12+s29+$0x0] =	vst.idx.msk $0xffff, v2  }
0x8b: {  	v21 =	vor.u32 s5, v1;
	v22 =	vor.u32 s6, v1;
	s5 =	sadd.s32 $0xFFFFFE70, s4;
	s6 =	sadd.s32 $0xFFFFFE80, s4;
	v23 =	vor.u32 s7, v1;
	s7 =	sadd.s32 $0xFFFFFF40, s4;
	[tilespmem:v10+s29+$0x0] =	vst.idx.msk $0xffff, v2  }
0x8c: {  	v24 =	vor.u32 s5, v1;
	v25 =	vor.u32 s6, v1;
	s5 =	sadd.s32 $0xFFFFFE90, s4;
	s6 =	sadd.s32 $0xFFFFFEA0, s4;
	v26 =	vor.u32 s7, v1;
	s7 =	sadd.s32 $0xFFFFFF50, s4;
	[tilespmem:v9+s29+$0x0] =	vst.idx.msk $0xffff, v2  }
0x8d: {  	v27 =	vor.u32 s5, v1;
	v13 =	vor.u32 s6, v1;
	s5 =	sadd.s32 $0xFFFFFEB0, s4;
	s6 =	sadd.s32 $0xFFFFFEC0, s4;
	v28 =	vor.u32 s7, v1;
	s7 =	sadd.s32 $0xFFFFFF60, s4;
	[tilespmem:v8+s29+$0x0] =	vst.idx.msk $0xffff, v2  }
0x8e: {  	v14 =	vor.u32 s5, v1;
	v11 =	vor.u32 s6, v1;
	s5 =	sadd.s32 $0xFFFFFED0, s4;
	s6 =	sadd.s32 $0xFFFFFEE0, s4;
	[tilespmem:v17+s29+$0x0] =	vst.idx.msk $0xffff, v2;
	v17 =	vor.u32 s7, v1;
	s7 =	sadd.s32 $0xFFFFFF70, s4  }
0x8f: {  	v12 =	vor.u32 s5, v1;
	v10 =	vor.u32 s6, v1;
	s5 =	sadd.s32 $0xFFFFFEF0, s4;
	s6 =	sadd.s32 $0xFFFFFF00, s4;
	[tilespmem:v20+s29+$0x0] =	vst.idx.msk $0xffff, v2;
	v20 =	vor.u32 s7, v1;
	s7 =	sadd.s32 $0xFFFFFF80, s4  }
0x90: {  	v9 =	vor.u32 s5, v1;
	v8 =	vor.u32 s6, v1;
	[tilespmem:v23+s29+$0x0] =	vst.idx.msk $0xffff, v2;
	v23 =	vor.u32 s7, v1;
	s5 =	sadd.s32 $0xFFFFFF90, s4  }
0x91: {  	[tilespmem:v26+s29+$0x0] =	vst.idx.msk $0xffff, v2;
	v26 =	vor.u32 s5, v1;
	s5 =	sadd.s32 $0xFFFFFFA0, s4  }
0x92: {  	[tilespmem:v28+s29+$0x0] =	vst.idx.msk $0xffff, v2;
	v28 =	vor.u32 s5, v1;
	s5 =	sadd.s32 $0xFFFFFFB0, s4  }
0x93: {  	[tilespmem:v17+s29+$0x0] =	vst.idx.msk $0xffff, v2;
	v17 =	vor.u32 s5, v1;
	s5 =	sadd.s32 $0xFFFFFFC0, s4  }
0x94: {  	[tilespmem:v20+s29+$0x0] =	vst.idx.msk $0xffff, v2;
	v20 =	vor.u32 s5, v1;
	s5 =	sadd.s32 $0xFFFFFFD0, s4  }
0x95: {  	[tilespmem:v23+s29+$0x0] =	vst.idx.msk $0xffff, v2;
	v23 =	vor.u32 s5, v1;
	s5 =	sadd.s32 $0xFFFFFFE0, s4  }
0x96: {  	s2 =	sadd.s32 $0x2, s2;
	[tilespmem:v26+s29+$0x0] =	vst.idx.msk $0xffff, v2;
	v26 =	vor.u32 s5, v1;
	s5 =	sadd.s32 $0xFFFFFFF0, s4  }
0x97: {  	p0 =	slt.u32 s2, $0x6;
	[tilespmem:v28+s29+$0x0] =	vst.idx.msk $0xffff, v2;
	v28 =	vor.u32 s5, v1  }
0x98: {  	[tilespmem:v17+s29+$0x0] =	vst.idx.msk $0xffff, v2;
	v17 =	vor.u32 s4, v1  }
0x99: {  	[tilespmem:v20+s29+$0x0] =	vst.idx.msk $0xffff, v2  }
0x9a: {  	[tilespmem:v23+s29+$0x0] =	vst.idx.msk $0xffff, v2  }
0x9b: {  	[tilespmem:v26+s29+$0x0] =	vst.idx.msk $0xffff, v2  }
0x9c: {  	[tilespmem:v28+s29+$0x0] =	vst.idx.msk $0xffff, v2  }
0x9d: {  	[tilespmem:v17+s29+$0x0] =	vst.idx.msk $0xffff, v2  }
0x9e: {  	[tilespmem:v15+s29+$0x0] =	vst.idx.msk $0xffff, v2  }
0x9f: {  	[tilespmem:v16+s29+$0x0] =	vst.idx.msk $0xffff, v2  }
0xa0: {  	[tilespmem:v18+s29+$0x0] =	vst.idx.msk $0xffff, v2  }
0xa1: {  	[tilespmem:v19+s29+$0x0] =	vst.idx.msk $0xffff, v2  }
.Ltmp5:
0xa2: {  	[tilespmem:v21+s29+$0x0] =	vst.idx.msk $0xffff, v2;
	(pc) =	sbr.rel @p0 .LBB2_4-.Ltmp5, $4  }
0xa3: {  	[tilespmem:v22+s29+$0x0] =	vst.idx.msk $0xffff, v2  }
0xa4: {  	[tilespmem:v24+s29+$0x0] =	vst.idx.msk $0xffff, v2  }
0xa5: {  	[tilespmem:v25+s29+$0x0] =	vst.idx.msk $0xffff, v2  }
0xa6: {  	s3 =	sadd.s32 $0x20, s3;
	[tilespmem:v27+s29+$0x0] =	vst.idx.msk $0xffff, v2  }
0xa7: {  	_ =	sdelay $0x3  }
0xa8: {  	[tilespmem:v13+s29+$0x0] =	vst.idx.msk $0xffff, v2;
	p0 =	seq.s32 s0, s21;
	vm1 =	vmmov vm0  }
0xa9: {  	[tilespmem:v14+s29+$0x0] =	vst.idx.msk $0xffff, v2;
	vm1 =	vmneg @p0 vm1  }
0xaa: {  	[tilespmem:v11+s29+$0x0] =	vst.idx.msk $0xffff, v2  }
0xab: {  	[tilespmem:v12+s29+$0x0] =	vst.idx.msk $0xffff, v2  }
0xac: {  	[tilespmem:v10+s29+$0x0] =	vst.idx.msk $0xffff, v2  }
0xad: {  	[tilespmem:v9+s29+$0x0] =	vst.idx.msk $0xffff, v2  }
0xae: {  	[tilespmem:v8+s29+$0x0] =	vst.idx.msk $0xffff, v2  }
0xaf: {  	[tilespmem:v1+s29+$0x0] =	vst.idx.msk vm1, v7;
	v7 =	vmov s1  }
0xb0: {  	s4 =	simm.s32 $0x0;
	p1 =	por $0x1, $0x1;
	[tilespmem:v3+s30+$0x0] =	vst.idx.msk vm1, v7  }
.LBB2_6:
0xb1: {  	v9 =	vld [tilespmem:s4+$0xB0]  }
0xb2: {  	v7 =	vld [tilespmem:s4+$0x20];
	_ =	sdelay $0x3  }
0xb3: {  	(v2sf) =	vpush v9, $0x0  }
0xb4: {  	(v2sf) =	vpush v7, $0x0  }
0xb5: {  	(v2sf) =	vpush v9, $0x1  }
0xb6: {  	(v2sf) =	vpush v7, $0x1  }
0xb7: {  	(v2sf) =	vpush v9, $0x2  }
0xb8: {  	(v2sf) =	vpush v7, $0x2  }
0xb9: {  	(v2sf) =	vpush v9, $0x3  }
0xba: {  	(v2sf) =	vpush v7, $0x3  }
0xbb: {  	(v2sf) =	vpush v9, $0x4  }
0xbc: {  	(v2sf) =	vpush v7, $0x4  }
0xbd: {  	(v2sf) =	vpush v9, $0x5  }
0xbe: {  	(v2sf) =	vpush v7, $0x5  }
0xbf: {  	(v2sf) =	vpush v9, $0x6  }
0xc0: {  	s0 =	simm.s32 @!p1 $0x0;
	(v2sf) =	vpush v7, $0x6  }
0xc1: {  	s0 =	simm.s32 @p1 $0x1;
	(v2sf) =	vpush v9, $0x7  }
0xc2: {  	[smem:$0x7FD] =	sst s0;
	s0 =	spop (v2sf);
	(v2sf) =	vpush v7, $0x7  }
0xc3: {  	s6 =	spop (v2sf);
	(v2sf) =	vpush v9, $0x8  }
0xc4: {  	s16 =	spop (v2sf)  }
0xc5: {  	s8 =	spop (v2sf)  }
0xc6: {  	s14 =	spop (v2sf)  }
0xc7: {  	s11 =	spop (v2sf)  }
0xc8: {  	(v2sf) =	vpush v7, $0x8;
	s3 =	spop (v2sf)  }
0xc9: {  	(v2sf) =	vpush v9, $0x9;
	s13 =	spop (v2sf)  }
0xca: {  	(v2sf) =	vpush v7, $0x9;
	s1 =	spop (v2sf)  }
0xcb: {  	(v2sf) =	vpush v9, $0xA;
	s17 =	spop (v2sf)  }
0xcc: {  	s2 =	spop (v2sf)  }
0xcd: {  	s19 =	spop (v2sf)  }
0xce: {  	s7 =	spop (v2sf)  }
0xcf: {  	s20 =	spop (v2sf)  }
0xd0: {  	[smem:$0x77B] =	sst s7;
	s7 =	spop (v2sf)  }
0xd1: {  	p4 =	slt.s32 s8, $0x2418458;
	s8 =	spop (v2sf)  }
0xd2: {  	s5 =	sadd.s32 s24, s4;
	p0 =	slt.s32 s11, $0x2418458;
	s9 =	spop (v2sf)  }
0xd3: {  	s22 =	sadd.s32 $0x3, s5;
	[smem:$0x780] =	sst s9;
	s9 =	simm.s32 @!p0 $0x0  }
0xd4: {  	s9 =	simm.s32 @p0 $0x1;
	p0 =	slt.s32 s22, s10  }
0xd5: {  	p2 =	slt.s32 s6, $0x2418458;
	s6 =	simm.s32 @!p0 $0x0  }
0xd6: {  	s6 =	simm.s32 @p0 $0x1  }
0xd7: {  	[smem:$0x775] =	sst s6;
	s6 =	spop (v2sf)  }
0xd8: {  	s18 =	sadd.s32 $0x2, s5;
	(v2sf) =	vpush v7, $0xA;
	s11 =	spop (v2sf)  }
0xd9: {  	s25 =	smov.u32 s24;
	p5 =	slt.s32 s18, s10;
	s24 =	spop (v2sf)  }
0xda: {  	(v2sf) =	vpush v9, $0xB;
	[smem:$0x774] =	sst s9;
	p0 =	slt.s32 s13, $0x2418458;
	s9 =	spop (v2sf)  }
0xdb: {  	s18 =	sadd.s32 $0x4, s5;
	[smem:$0x785] =	sst s9;
	s9 =	simm.s32 @!p0 $0x0  }
0xdc: {  	(v2sf) =	vpush v7, $0xB;
	s9 =	simm.s32 @p0 $0x1;
	p0 =	slt.s32 s18, s10  }
0xdd: {  	[smem:$0x776] =	sst s9;
	s9 =	simm.s32 @!p0 $0x0  }
0xde: {  	(v2sf) =	vpush v9, $0xC;
	s9 =	simm.s32 @p0 $0x1;
	p0 =	slt.s32 s17, $0x2418458  }
0xdf: {  	s22 =	sadd.s32 $0x5, s5;
	s17 =	simm.s32 @!p0 $0x0  }
0xe0: {  	s17 =	simm.s32 @p0 $0x1;
	p0 =	slt.s32 s22, s10  }
0xe1: {  	[smem:$0x778] =	sst s17;
	s17 =	simm.s32 @!p0 $0x0  }
0xe2: {  	(v2sf) =	vpush v7, $0xC;
	s17 =	simm.s32 @p0 $0x1;
	p0 =	slt.s32 s19, $0x2418458  }
0xe3: {  	s15 =	sadd.s32 $0x1, s5;
	s23 =	sadd.s32 $0x6, s5;
	s19 =	simm.s32 @!p0 $0x0  }
0xe4: {  	s28 =	sadd.s32 $0x7, s5;
	(v2sf) =	vpush v9, $0xD;
	s19 =	simm.s32 @p0 $0x1;
	p0 =	slt.s32 s23, s10  }
0xe5: {  	s26 =	sadd.s32 $0x8, s5;
	p1 =	slt.s32 s5, s10;
	s22 =	simm.s32 @!p0 $0x0  }
0xe6: {  	p3 =	slt.s32 s15, s10;
	s22 =	simm.s32 @p0 $0x1;
	p0 =	slt.s32 s20, $0x2418458  }
0xe7: {  	s15 =	sadd.s32 $0x9, s5;
	(v2sf) =	vpush v7, $0xD;
	s13 =	spop (v2sf);
	s20 =	simm.s32 @!p0 $0x0  }
0xe8: {  	(v2sf) =	vpush v9, $0xE;
	[smem:$0x777] =	sst s9;
	s20 =	simm.s32 @p0 $0x1;
	p0 =	slt.s32 s28, s10  }
0xe9: {  	(v2sf) =	vpush v7, $0xE;
	s18 =	spop (v2sf);
	[smem:$0x77C] =	sst s22;
	s22 =	simm.s32 @!p0 $0x0  }
0xea: {  	s9 =	sadd.s32 $0xA, s5;
	s22 =	simm.s32 @p0 $0x1;
	p0 =	slt.s32 s8, $0x2418458  }
0xeb: {  	(v2sf) =	vpush v9, $0xF;
	[smem:$0x779] =	sst s17;
	s17 =	spop (v2sf);
	s8 =	simm.s32 @!p0 $0x0  }
0xec: {  	[smem:$0x77A] =	sst s19;
	s8 =	simm.s32 @p0 $0x1;
	p0 =	slt.s32 s26, s10  }
0xed: {  	s23 =	spop (v2sf);
	[smem:$0x77F] =	sst s8;
	s8 =	simm.s32 @!p0 $0x0  }
0xee: {  	s19 =	sadd.s32 $0xB, s5;
	s8 =	simm.s32 @p0 $0x1;
	p0 =	slt.s32 s6, $0x2418458  }
0xef: {  	[smem:$0x790] =	sst s23;
	s23 =	sadd.s32 $0xD, s5;
	s6 =	simm.s32 @!p0 $0x0  }
0xf0: {  	[smem:$0x77D] =	sst s20;
	s6 =	simm.s32 @p0 $0x1;
	p0 =	slt.s32 s15, s10  }
0xf1: {  	s20 =	spop (v2sf);
	[smem:$0x783] =	sst s6;
	s6 =	simm.s32 @!p0 $0x0  }
0xf2: {  	[smem:$0x77E] =	sst s22;
	s6 =	simm.s32 @p0 $0x1;
	p0 =	slt.s32 s24, $0x2418458  }
0xf3: {  	v10 =	vld [tilespmem:s4+$0xC0];
	s28 =	spop (v2sf);
	[smem:$0x782] =	sst s6;
	s6 =	simm.s32 @!p0 $0x0  }
0xf4: {  	[smem:$0x781] =	sst s8;
	s6 =	simm.s32 @p0 $0x1;
	p0 =	slt.s32 s9, s10  }
0xf5: {  	v8 =	vld [tilespmem:s4+$0x30];
	s22 =	sadd.s32 $0xC, s5;
	[smem:$0x788] =	sst s6;
	s6 =	simm.s32 @!p0 $0x0  }
0xf6: {  	(v2sf) =	vpush v7, $0xF;
	s8 =	spop (v2sf);
	s6 =	simm.s32 @p0 $0x1;
	p0 =	slt.s32 s13, $0x2418458  }
0xf7: {  	s26 =	spop (v2sf);
	[smem:$0x786] =	sst s6;
	s6 =	simm.s32 @!p0 $0x0  }
0xf8: {  	(v2sf) =	vpush v10, $0x0;
	s15 =	spop (v2sf);
	s6 =	simm.s32 @p0 $0x1;
	p0 =	slt.s32 s19, s10  }
0xf9: {  	s9 =	sadd.s32 $0xE, s5;
	[smem:$0x78B] =	sst s6;
	s6 =	simm.s32 @!p0 $0x0  }
0xfa: {  	(v2sf) =	vpush v8, $0x0;
	s13 =	spop (v2sf);
	s6 =	simm.s32 @p0 $0x1;
	p0 =	slt.s32 s17, $0x2418458  }
0xfb: {  	[smem:$0x79F] =	sst s13;
	s13 =	sadd.s32 $0xF, s5;
	s5 =	simm.s32 @!p0 $0x0  }
0xfc: {  	s5 =	simm.s32 @p0 $0x1;
	p0 =	slt.s32 s22, s10  }
0xfd: {  	(v2sf) =	vpush v10, $0x1;
	[smem:$0x78D] =	sst s6;
	s6 =	simm.s32 @!p0 $0x0  }
0xfe: {  	(v2sf) =	vpush v8, $0x1;
	s6 =	simm.s32 @p0 $0x1;
	p0 =	slt.s32 s20, $0x2418458  }
0xff: {  	s17 =	simm.s32 @!p0 $0x0  }
0x100: {  	(v2sf) =	vpush v10, $0x2;
	s17 =	simm.s32 @p0 $0x1;
	p0 =	slt.s32 s23, s10  }
0x101: {  	s20 =	simm.s32 @!p0 $0x0  }
0x102: {  	(v2sf) =	vpush v8, $0x2;
	s20 =	simm.s32 @p0 $0x1;
	p0 =	slt.s32 s8, $0x2418458  }
0x103: {  	[smem:$0x796] =	sst s28;
	s24 =	smov.u32 s25;
	s8 =	simm.s32 @!p0 $0x0  }
0x104: {  	s25 =	simm.s32 $0x1C0;
	s8 =	simm.s32 @p0 $0x1;
	p0 =	slt.s32 s9, s10  }
0x105: {  	(v2sf) =	vpush v10, $0x3;
	s19 =	spop (v2sf);
	[smem:$0x78E] =	sst s5;
	s9 =	simm.s32 @!p0 $0x0  }
0x106: {  	s5 =	sor.u32 $0x10, s4;
	s9 =	simm.s32 @p0 $0x1;
	p0 =	slt.s32 s15, $0x2418458  }
0x107: {  	(v2sf) =	vpush v8, $0x3;
	[smem:$0x791] =	sst s6;
	s6 =	spop (v2sf);
	s15 =	simm.s32 @!p0 $0x0  }
0x108: {  	(v2sf) =	vpush v10, $0x4;
	[smem:$0x794] =	sst s17;
	s15 =	simm.s32 @p0 $0x1;
	p0 =	slt.s32 s13, s10  }
0x109: {  	s28 =	spop (v2sf);
	[smem:$0x797] =	sst s20;
	s13 =	simm.s32 @!p0 $0x0  }
0x10a: {  	s20 =	sadd.s32 s24, s5;
	s13 =	simm.s32 @p0 $0x1;
	p0 =	slt.s32 s19, $0x2418458  }
0x10b: {  	(v2sf) =	vpush v8, $0x4;
	s23 =	sadd.s32 $0x1, s20;
	[smem:$0x799] =	sst s8;
	s19 =	simm.s32 @!p0 $0x0  }
0x10c: {  	(v2sf) =	vpush v10, $0x5;
	s8 =	spop (v2sf);
	s19 =	simm.s32 @p0 $0x1;
	p0 =	slt.s32 s28, $0x2418458  }
0x10d: {  	(v2sf) =	vpush v8, $0x5;
	s22 =	spop (v2sf);
	[smem:$0x79B] =	sst s9;
	s17 =	simm.s32 @!p0 $0x0  }
0x10e: {  	[smem:$0x79D] =	sst s15;
	s17 =	simm.s32 @p0 $0x1;
	p0 =	slt.s32 s23, s10  }
0x10f: {  	[smem:$0x7A0] =	sst s13;
	s13 =	spop (v2sf);
	s15 =	simm.s32 @!p0 $0x0  }
0x110: {  	s28 =	sadd.s32 $0x2, s20;
	s15 =	simm.s32 @p0 $0x1;
	p0 =	slt.s32 s22, $0x2418458  }
0x111: {  	(v2sf) =	vpush v10, $0x6;
	[smem:$0x7A3] =	sst s19;
	s19 =	spop (v2sf);
	s9 =	simm.s32 @!p0 $0x0  }
0x112: {  	[smem:$0x784] =	sst s17;
	s9 =	simm.s32 @p0 $0x1;
	p0 =	slt.s32 s28, s10  }
0x113: {  	s23 =	sadd.s32 $0x3, s20;
	[smem:$0x787] =	sst s15;
	s15 =	simm.s32 @!p0 $0x0  }
0x114: {  	s17 =	spop (v2sf);
	s15 =	simm.s32 @p0 $0x1;
	p0 =	slt.s32 s19, $0x2418458  }
0x115: {  	(v2sf) =	vpush v8, $0x6;
	s28 =	sadd.s32 $0x4, s20;
	[smem:$0x789] =	sst s9;
	s19 =	simm.s32 @!p0 $0x0  }
0x116: {  	s9 =	spop (v2sf);
	s19 =	simm.s32 @p0 $0x1;
	p0 =	slt.s32 s23, s10  }
0x117: {  	(v2sf) =	vpush v10, $0x7;
	s22 =	spop (v2sf);
	[smem:$0x78A] =	sst s15;
	s15 =	simm.s32 @!p0 $0x0  }
0x118: {  	[smem:$0x78C] =	sst s19;
	s15 =	simm.s32 @p0 $0x1;
	p0 =	slt.s32 s9, $0x2418458  }
0x119: {  	(v2sf) =	vpush v8, $0x7;
	s19 =	sshll.u32 s4, $0x4;
	[smem:$0x78F] =	sst s15;
	s9 =	simm.s32 @!p0 $0x0  }
0x11a: {  	s15 =	spop (v2sf);
	s9 =	simm.s32 @p0 $0x1;
	p0 =	slt.s32 s28, s10  }
0x11b: {  	s23 =	spop (v2sf);
	[smem:$0x792] =	sst s9;
	s9 =	simm.s32 @!p0 $0x0  }
0x11c: {  	s28 =	spop (v2sf);
	s9 =	simm.s32 @p0 $0x1;
	p0 =	slt.s32 s15, $0x2418458  }
0x11d: {  	(v2sf) =	vpush v10, $0x8;
	s15 =	sadd.s32 $0x5, s20;
	[smem:$0x793] =	sst s9;
	s9 =	simm.s32 @!p0 $0x0  }
0x11e: {  	p6 =	slt.s32 s15, s10;
	s9 =	simm.s32 @p0 $0x1;
	p0 =	sge.s32 s0, s12  }
0x11f: {  	s0 =	ssub.s32 s0, s21;
	[smem:$0x795] =	sst s9;
	s9 =	simm.s32 @!p6 $0x0  }
0x120: {  	(v2sf) =	vpush v8, $0x8;
	p0 =	por !p1, !p0;
	p1 =	slt.s32 s28, $0x2418458;
	s28 =	spop (v2sf)  }
0x121: {  	v11 =	vmov s0;
	s0 =	sadd.s32 $0x6, s20;
	s9 =	simm.s32 @p6 $0x1;
	p0 =	por !p0, !p0  }
0x122: {  	(v2sf) =	vpush v10, $0x9;
	[smem:$0x798] =	sst s9;
	s9 =	simm.s32 @!p1 $0x0;
	p6 =	por !p0, !p2  }
0x123: {  	p2 =	slt.s32 s0, s10;
	s9 =	simm.s32 @p1 $0x1;
	p1 =	por !p6, !p6  }
0x124: {  	(v2sf) =	vpush v8, $0x9;
	s0 =	simm.s32 @!p2 $0x0;
	[smem:$0x79A] =	sst s9;
	s9 =	spop (v2sf)  }
0x125: {  	vm2 =	vmmov vm0;
	(v2sf) =	vpush v10, $0xA;
	s0 =	simm.s32 @p2 $0x1;
	p2 =	sge.s32 s16, s12;
	s16 =	ssub.s32 s16, s21  }
0x126: {  	vm1 =	vmmov vm0;
	vm2 =	vmneg @p1 vm2;
	s15 =	spop (v2sf);
	[smem:$0x79C] =	sst s0;
	p1 =	slt.s32 s9, $0x2418458  }
0x127: {  	(v2sf) =	vpush v8, $0xA;
	vm1 =	vmneg @p0 vm1;
	p0 =	por !p3, !p2;
	v16 =	vmov s16;
	s16 =	sadd.s32 $0x9, s20;
	[smem:$0x7A1] =	sst s15  }
0x128: {  	s0 =	spop (v2sf);
	s15 =	sadd.s32 $0x7, s20;
	s9 =	simm.s32 @!p1 $0x0  }
0x129: {  	(v2sf) =	vpush v10, $0xB;
	p0 =	por !p0, !p0;
	s9 =	simm.s32 @p1 $0x1;
	p1 =	slt.s32 s15, s10  }
0x12a: {  	v45 =	vor.u32 s19, v1;
	p2 =	slt.s32 s16, s10;
	[smem:$0x79E] =	sst s9;
	s9 =	simm.s32 @!p1 $0x0  }
0x12b: {  	s16 =	sadd.s32 $0xA, s20;
	s9 =	simm.s32 @p1 $0x1;
	p1 =	slt.s32 s0, $0x2418458  }
0x12c: {  	s15 =	spop (v2sf);
	p6 =	por !p0, !p4;
	s0 =	simm.s32 @!p1 $0x0  }
0x12d: {  	[smem:$0x7AA] =	sst s15;
	s15 =	sadd.s32 $0x8, s20;
	s0 =	simm.s32 @p1 $0x1  }
0x12e: {  	v46 =	vshll.u32 v11, $0x4;
	p1 =	slt.s32 s15, s10;
	[smem:$0x7A4] =	sst s0;
	s0 =	sor.u32 $0x10, s19  }
0x12f: {  	(v2sf) =	vpush v8, $0xB;
	v13 =	vld.idx.msk [tilespmem:v45+s25+$0x0], $0xffff;
	v14 =	vor.u32 v1, v46;
	[smem:$0x7A2] =	sst s9;
	s9 =	simm.s32 @!p1 $0x0;
	v15 =	vor.u32 s0, v1;
	s0 =	spop (v2sf)  }
0x130: {  	(v2sf) =	vpush v10, $0xC;
	p4 =	sge.s32 s3, s12;
	s9 =	simm.s32 @p1 $0x1;
	p1 =	slt.s32 s0, $0x2418458  }
0x131: {  	(v2sf) =	vpush v8, $0xC;
	[smem:$0x7AB] =	sst s9;
	s15 =	spop (v2sf);
	s0 =	simm.s32 @!p1 $0x0  }
0x132: {  	s9 =	simm.s32 @!p2 $0x0;
	[smem:$0x7B2] =	sst s15;
	s0 =	simm.s32 @p1 $0x1  }
0x133: {  	s9 =	simm.s32 @p2 $0x1;
	[smem:$0x7AF] =	sst s0;
	s0 =	spop (v2sf)  }
0x134: {  	(v2sf) =	vpush v10, $0xD;
	[tilespmem:v14+s29+$0x0] =	vst.idx.add.f32.msk vm2, v13;
	vm2 =	vmmov vm0;
	p1 =	por !p6, !p6;
	[smem:$0x7B3] =	sst s9;
	s15 =	spop (v2sf)  }
0x135: {  	p2 =	sge.s32 s14, s12;
	vm2 =	vmneg @p1 vm2;
	p1 =	slt.s32 s0, $0x2418458;
	[smem:$0x7B4] =	sst s15  }
0x136: {  	v47 =	vbroadcast v7, $0x0;
	(v2sf) =	vpush v8, $0xD;
	s0 =	simm.s32 @!p1 $0x0;
	s9 =	spop (v2sf);
	s15 =	sor.u32 $0x20, s19  }
0x137: {  	s0 =	simm.s32 @p1 $0x1;
	p1 =	slt.s32 s16, s10;
	v49 =	vor.u32 s15, v1;
	s15 =	sld [smem:$0x774]  }
0x138: {  	[tilespmem:v11+s30+$0x0] =	vst.idx.msk vm1, v47;
	vm1 =	vmmov vm0;
	s16 =	spop (v2sf);
	[smem:$0x7C1] =	sst s0;
	s0 =	simm.s32 @!p1 $0x0  }
0x139: {  	(v2sf) =	vpush v10, $0xE;
	vm1 =	vmneg @p0 vm1;
	p0 =	slt.s32 s9, $0x2418458;
	[smem:$0x7B8] =	sst s16;
	s0 =	simm.s32 @p1 $0x1  }
0x13a: {  	(v2sf) =	vpush v8, $0xE;
	s9 =	sadd.s32 $0xB, s20;
	[smem:$0x7B6] =	sst s0;
	s0 =	simm.s32 @!p0 $0x0  }
0x13b: {  	v12 =	vld [tilespmem:s4+$0xD0];
	p1 =	slt.s32 s9, s10;
	s9 =	ssub.s32 s14, s21;
	s0 =	simm.s32 @p0 $0x1  }
0x13c: {  	v9 =	vld [tilespmem:s4+$0x40];
	(v2sf) =	vpush v10, $0xF;
	p3 =	seq.s32 s15, $0x1;
	[smem:$0x7D5] =	sst s0;
	s0 =	simm.s32 @!p1 $0x0  }
0x13d: {  	(v2sf) =	vpush v8, $0xF;
	v51 =	vmov s9;
	s9 =	sor.u32 $0x30, s19;
	p0 =	por !p5, !p2;
	s0 =	simm.s32 @p1 $0x1  }
0x13e: {  	v53 =	vor.u32 s9, v1;
	s9 =	ssub.s32 s3, s21;
	[smem:$0x7B9] =	sst s0;
	s0 =	spop (v2sf)  }
0x13f: {  	s3 =	sadd.s32 $0xE, s20;
	p0 =	por !p0, !p0;
	s16 =	spop (v2sf)  }
0x140: {  	v48 =	vshll.u32 v16, $0x4;
	(v2sf) =	vpush v12, $0x0;
	p2 =	slt.s32 s0, $0x2418458;
	[smem:$0x7BC] =	sst s16;
	s15 =	spop (v2sf)  }
0x141: {  	v10 =	vor.u32 v1, v48;
	(v2sf) =	vpush v9, $0x0;
	v11 =	vld.idx.msk [tilespmem:v15+s25+$0x0], $0xffff;
	v55 =	vmov s9;
	s9 =	sadd.s32 $0xF, s20;
	s0 =	simm.s32 @!p2 $0x0;
	[dreg:$0x1b] =	wrdreg s15  }
0x142: {  	p1 =	por !p0, !p3;
	s0 =	simm.s32 @p2 $0x1;
	s15 =	sld [smem:$0x775]  }
0x143: {  	s16 =	sadd.s32 $0xC, s20;
	s14 =	spop (v2sf);
	[smem:$0x7E9] =	sst s0  }
0x144: {  	p3 =	slt.s32 s3, s10;
	p2 =	slt.s32 s16, s10;
	[smem:$0x7C4] =	sst s14  }
0x145: {  	v50 =	vbroadcast v7, $0x1;
	s0 =	simm.s32 @!p2 $0x0;
	s16 =	spop (v2sf);
	s14 =	sld [smem:$0x776]  }
0x146: {  	[tilespmem:v10+s29+$0x0] =	vst.idx.add.f32.msk vm2, v11;
	p1 =	por !p1, !p1;
	s0 =	simm.s32 @p2 $0x1;
	[dreg:$0x19] =	wrdreg s16  }
0x147: {  	vm2 =	vmmov vm0;
	[tilespmem:v16+s30+$0x0] =	vst.idx.msk vm1, v50;
	vm1 =	vmmov vm0;
	s16 =	sadd.s32 $0xD, s20;
	[smem:$0x7BD] =	sst s0;
	p5 =	seq.s32 s15, $0x1  }
0x148: {  	(v2sf) =	vpush v12, $0x1;
	vm1 =	vmneg @p0 vm1;
	vm2 =	vmneg @p1 vm2;
	s15 =	spop (v2sf);
	p1 =	slt.s32 s16, s10;
	p0 =	por !p5, !p4  }
0x149: {  	(v2sf) =	vpush v9, $0x1;
	[smem:$0x7C6] =	sst s15;
	s0 =	simm.s32 @!p1 $0x0;
	s16 =	spop (v2sf)  }
0x14a: {  	v52 =	vshll.u32 v51, $0x4;
	p6 =	seq.s32 s14, $0x1;
	s0 =	simm.s32 @p1 $0x1;
	[dreg:$0x18] =	wrdreg s16  }
0x14b: {  	v11 =	vld.idx.msk [tilespmem:v49+s25+$0x0], $0xffff;
	v10 =	vor.u32 v1, v52;
	p1 =	por !p0, !p0;
	s15 =	spop (v2sf);
	[smem:$0x7C5] =	sst s0  }
0x14c: {  	p0 =	por !p1, !p6;
	[smem:$0x7CB] =	sst s15;
	s16 =	spop (v2sf)  }
0x14d: {  	(v2sf) =	vpush v12, $0x2;
	s0 =	simm.s32 @!p3 $0x0;
	s15 =	sor.u32 $0x40, s19;
	[dreg:$0x17] =	wrdreg s16  }
0x14e: {  	(v2sf) =	vpush v9, $0x2;
	s0 =	simm.s32 @p3 $0x1;
	p3 =	slt.s32 s9, s10;
	s9 =	sld [smem:$0x777]  }
0x14f: {  	(v2sf) =	vpush v12, $0x3;
	s16 =	spop (v2sf);
	[smem:$0x7C7] =	sst s0;
	s0 =	simm.s32 @!p3 $0x0  }
0x150: {  	[tilespmem:v10+s29+$0x0] =	vst.idx.add.f32.msk vm2, v11;
	vm2 =	vmmov vm0;
	p2 =	por !p0, !p0;
	s14 =	spop (v2sf);
	s0 =	simm.s32 @p3 $0x1  }
0x151: {  	v54 =	vbroadcast v7, $0x2;
	vm2 =	vmneg @p2 vm2;
	p2 =	slt.s32 s14, $0x2418458;
	s14 =	sor.u32 $0x20, s4;
	[smem:$0x7CC] =	sst s0  }
0x152: {  	(v2sf) =	vpush v9, $0x3;
	s0 =	simm.s32 @!p2 $0x0;
	s3 =	sadd.s32 s24, s14;
	p3 =	seq.s32 s9, $0x1  }
0x153: {  	(v2sf) =	vpush v12, $0x4;
	[tilespmem:v51+s30+$0x0] =	vst.idx.msk vm1, v54;
	vm1 =	vmmov vm0;
	v57 =	vor.u32 s15, v1;
	s0 =	simm.s32 @p2 $0x1;
	p2 =	sge.s32 s1, s12;
	s15 =	sadd.s32 $0x1, s3  }
0x154: {  	(v2sf) =	vpush v9, $0x4;
	vm1 =	vmneg @p1 vm1;
	p1 =	por !p3, !p2;
	p2 =	slt.s32 s15, s10  }
0x155: {  	(v2sf) =	vpush v12, $0x5;
	s9 =	simm.s32 @!p2 $0x0  }
0x156: {  	v56 =	vshll.u32 v55, $0x4;
	(v2sf) =	vpush v9, $0x5;
	[smem:$0x7A5] =	sst s0;
	s9 =	simm.s32 @p2 $0x1  }
0x157: {  	(v2sf) =	vpush v12, $0x6;
	v10 =	vor.u32 v1, v56;
	v11 =	vld.idx.msk [tilespmem:v53+s25+$0x0], $0xffff;
	p0 =	slt.s32 s20, s10;
	s20 =	spop (v2sf);
	[smem:$0x7A7] =	sst s9  }
0x158: {  	(v2sf) =	vpush v9, $0x6;
	s0 =	spop (v2sf);
	s15 =	ssub.s32 s1, s21;
	s9 =	sld [smem:$0x778]  }
0x159: {  	p5 =	sge.s32 s2, s12;
	(v2sf) =	vpush v12, $0x7;
	v59 =	vmov s15;
	s15 =	sadd.s32 $0x2, s3;
	p2 =	slt.s32 s0, $0x2418458  }
0x15a: {  	(v2sf) =	vpush v9, $0x7;
	p1 =	por !p1, !p1;
	p3 =	slt.s32 s15, s10;
	s0 =	simm.s32 @!p2 $0x0  }
0x15b: {  	(v2sf) =	vpush v12, $0x8;
	s1 =	simm.s32 @!p3 $0x0;
	s0 =	simm.s32 @p2 $0x1;
	p4 =	seq.s32 s9, $0x1  }
0x15c: {  	[tilespmem:v10+s29+$0x0] =	vst.idx.add.f32.msk vm2, v11;
	[smem:$0x7A9] =	sst s0;
	s9 =	spop (v2sf);
	(v2sf) =	vpush v9, $0x8;
	p2 =	por !p1, !p4  }
0x15d: {  	vm2 =	vmmov vm0;
	s1 =	simm.s32 @p3 $0x1;
	s0 =	spop (v2sf);
	p2 =	por !p2, !p2  }
0x15e: {  	[smem:$0x7AD] =	sst s1;
	s15 =	spop (v2sf);
	vm2 =	vmneg @p2 vm2;
	p2 =	slt.s32 s0, $0x2418458  }
0x15f: {  	[smem:$0x7B5] =	sst s15;
	s15 =	sadd.s32 $0x3, s3;
	s0 =	simm.s32 @!p2 $0x0  }
0x160: {  	s1 =	sor.u32 $0x50, s19;
	s0 =	simm.s32 @p2 $0x1;
	p2 =	slt.s32 s15, s10  }
0x161: {  	vm3 =	vmmov vm0;
	s15 =	spop (v2sf);
	[smem:$0x7B0] =	sst s0;
	s0 =	simm.s32 @!p2 $0x0  }
0x162: {  	vm3 =	vmneg @p1 vm3;
	v62 =	vor.u32 s1, v1;
	p1 =	slt.s32 s15, $0x2418458;
	s15 =	sld [smem:$0x779];
	s1 =	spop (v2sf)  }
0x163: {  	s2 =	ssub.s32 s2, s21;
	s0 =	simm.s32 @p2 $0x1;
	[smem:$0x7BF] =	sst s1  }
0x164: {  	s1 =	spop (v2sf);
	[smem:$0x7B7] =	sst s0;
	s0 =	simm.s32 @!p1 $0x0  }
0x165: {  	v20 =	vmov s2;
	s2 =	spop (v2sf);
	s0 =	simm.s32 @p1 $0x1  }
0x166: {  	p6 =	seq.s32 s15, $0x1;
	s15 =	sadd.s32 $0x4, s3;
	[smem:$0x7C9] =	sst s2  }
0x167: {  	[smem:$0x7BA] =	sst s0;
	p2 =	slt.s32 s15, s10  }
0x168: {  	p1 =	por !p6, !p5;
	s15 =	sld [smem:$0x77A];
	s0 =	simm.s32 @!p2 $0x0  }
0x169: {  	p1 =	por !p1, !p1;
	s0 =	simm.s32 @p2 $0x1;
	p2 =	slt.s32 s1, $0x2418458  }
0x16a: {  	s1 =	spop (v2sf);
	[smem:$0x7C0] =	sst s0;
	s0 =	simm.s32 @!p2 $0x0  }
0x16b: {  	v58 =	vbroadcast v7, $0x3;
	p3 =	seq.s32 s15, $0x1;
	s15 =	sadd.s32 $0x5, s3;
	s0 =	simm.s32 @p2 $0x1  }
0x16c: {  	p2 =	por !p1, !p3;
	p3 =	slt.s32 s15, s10;
	s15 =	spop (v2sf)  }
0x16d: {  	[tilespmem:v55+s30+$0x0] =	vst.idx.msk vm1, v58;
	vm1 =	vmmov vm0;
	[smem:$0x7C2] =	sst s0;
	p2 =	por !p2, !p2;
	s0 =	simm.s32 @!p3 $0x0  }
0x16e: {  	[smem:$0x7CF] =	sst s15;
	s0 =	simm.s32 @p3 $0x1;
	vm1 =	vmneg @p2 vm1;
	p2 =	slt.s32 s1, $0x2418458  }
0x16f: {  	s2 =	sadd.s32 $0x6, s3;
	[smem:$0x7CA] =	sst s0;
	s0 =	simm.s32 @!p2 $0x0  }
0x170: {  	s15 =	spop (v2sf);
	s0 =	simm.s32 @p2 $0x1;
	p2 =	slt.s32 s2, s10  }
0x171: {  	v60 =	vshll.u32 v59, $0x4;
	s1 =	sor.u32 $0x60, s19;
	[smem:$0x7CE] =	sst s0;
	s0 =	simm.s32 @!p2 $0x0  }
0x172: {  	v10 =	vor.u32 v1, v60;
	v61 =	vld.idx.msk [tilespmem:v57+s25+$0x0], $0xffff;
	v22 =	vor.u32 s1, v1;
	s1 =	sld [smem:$0x77C];
	s0 =	simm.s32 @p2 $0x1;
	p2 =	slt.s32 s15, $0x2418458  }
0x173: {  	s15 =	sadd.s32 $0x7, s3;
	[smem:$0x7D0] =	sst s0;
	s0 =	simm.s32 @!p2 $0x0  }
0x174: {  	s2 =	sld [smem:$0x77B];
	s0 =	simm.s32 @p2 $0x1;
	p2 =	slt.s32 s15, s10  }
0x175: {  	[smem:$0x7D6] =	sst s0;
	s0 =	simm.s32 @!p2 $0x0  }
0x176: {  	v63 =	vbroadcast v7, $0x4;
	s0 =	simm.s32 @p2 $0x1  }
0x177: {  	[tilespmem:v10+s29+$0x0] =	vst.idx.add.f32.msk vm2, v61;
	p5 =	seq.s32 s1, $0x1;
	s1 =	spop (v2sf);
	[smem:$0x7D3] =	sst s0  }
0x178: {  	[tilespmem:v59+s30+$0x0] =	vst.idx.msk vm3, v63;
	vm3 =	vmmov vm0;
	p4 =	sge.s32 s2, s12;
	s0 =	ssub.s32 s2, s21;
	s2 =	sld [smem:$0x77D]  }
0x179: {  	s14 =	sshll.u32 s14, $0x4;
	vm3 =	vmneg @p1 vm3;
	p1 =	por !p5, !p4;
	s15 =	spop (v2sf)  }
0x17a: {  	[smem:$0x7D2] =	sst s1;
	p1 =	por !p1, !p1;
	p3 =	slt.s32 s15, $0x2418458  }
0x17b: {  	s1 =	spop (v2sf);
	s15 =	sadd.s32 $0x9, s3;
	p6 =	seq.s32 s2, $0x1  }
0x17c: {  	(v2sf) =	vpush v12, $0x9;
	[smem:$0x7D7] =	sst s1;
	v24 =	vmov s0;
	s0 =	simm.s32 @!p3 $0x0;
	p2 =	por !p1, !p6  }
0x17d: {  	vm2 =	vmmov vm0;
	s0 =	simm.s32 @p3 $0x1;
	s2 =	sadd.s32 $0x8, s3;
	p2 =	por !p2, !p2  }
0x17e: {  	p3 =	sge.s32 s7, s12;
	s7 =	ssub.s32 s7, s21;
	vm2 =	vmneg @p2 vm2;
	p2 =	slt.s32 s2, s10  }
0x17f: {  	[smem:$0x7E1] =	sst s0;
	s0 =	spop (v2sf);
	s1 =	simm.s32 @!p2 $0x0  }
0x180: {  	v21 =	vshll.u32 v20, $0x4;
	(v2sf) =	vpush v9, $0x9;
	v28 =	vmov s7;
	s7 =	sadd.s32 $0xE, s3;
	s1 =	simm.s32 @p2 $0x1;
	p2 =	slt.s32 s0, $0x2418458  }
0x181: {  	v10 =	vor.u32 v1, v21;
	v11 =	vld.idx.msk [tilespmem:v62+s25+$0x0], $0xffff;
	s2 =	sadd.s32 $0xA, s3;
	[smem:$0x7D9] =	sst s1;
	s0 =	simm.s32 @!p2 $0x0  }
0x182: {  	(v2sf) =	vpush v12, $0xA;
	s0 =	simm.s32 @p2 $0x1;
	p2 =	slt.s32 s15, s10;
	s15 =	sld [smem:$0x77E]  }
0x183: {  	s1 =	sor.u32 $0x70, s19;
	[smem:$0x7EB] =	sst s0;
	s0 =	simm.s32 @!p2 $0x0  }
0x184: {  	v27 =	vor.u32 s1, v1;
	s1 =	sadd.s32 $0xB, s3;
	s0 =	simm.s32 @p2 $0x1;
	p2 =	slt.s32 s2, s10  }
0x185: {  	s2 =	sadd.s32 $0xC, s3;
	[smem:$0x7DA] =	sst s0;
	s0 =	simm.s32 @!p2 $0x0  }
0x186: {  	(v2sf) =	vpush v9, $0xA;
	[tilespmem:v10+s29+$0x0] =	vst.idx.add.f32.msk vm1, v11;
	vm1 =	vmmov vm0;
	p4 =	seq.s32 s15, $0x1;
	s15 =	sld [smem:$0x77F];
	s0 =	simm.s32 @p2 $0x1  }
0x187: {  	vm1 =	vmneg @p1 vm1;
	p1 =	por !p4, !p3;
	p2 =	slt.s32 s1, s10;
	s1 =	sld [smem:$0x780]  }
0x188: {  	(v2sf) =	vpush v12, $0xB;
	p4 =	sge.s32 s11, s12;
	[smem:$0x7DD] =	sst s0;
	s0 =	simm.s32 @!p2 $0x0  }
0x189: {  	(v2sf) =	vpush v9, $0xB;
	s0 =	simm.s32 @p2 $0x1;
	p5 =	seq.s32 s15, $0x1;
	s15 =	sld [smem:$0x781]  }
0x18a: {  	(v2sf) =	vpush v12, $0xC;
	p2 =	slt.s32 s2, s10;
	s2 =	sadd.s32 $0xD, s3;
	[smem:$0x7DF] =	sst s0  }
0x18b: {  	v23 =	vbroadcast v7, $0x5;
	s0 =	simm.s32 @!p2 $0x0;
	p3 =	slt.s32 s2, s10;
	s2 =	spop (v2sf)  }
0x18c: {  	(v2sf) =	vpush v9, $0xC;
	p1 =	por !p1, !p1;
	s0 =	simm.s32 @p2 $0x1;
	[smem:$0x7D8] =	sst s2  }
0x18d: {  	[tilespmem:v20+s30+$0x0] =	vst.idx.msk vm3, v23;
	v25 =	vshll.u32 v24, $0x4;
	p6 =	sge.s32 s1, s12;
	[smem:$0x7E3] =	sst s0;
	s0 =	simm.s32 @!p3 $0x0  }
0x18e: {  	(v2sf) =	vpush v12, $0xD;
	v13 =	vld.idx.msk [tilespmem:v22+s25+$0x0], $0xffff;
	v26 =	vor.u32 v1, v25;
	p2 =	por !p1, !p5;
	s2 =	sld [smem:$0x782];
	s0 =	simm.s32 @p3 $0x1  }
0x18f: {  	(v2sf) =	vpush v9, $0xD;
	p3 =	slt.s32 s7, s10;
	s7 =	spop (v2sf);
	[smem:$0x7E6] =	sst s0  }
0x190: {  	p2 =	por !p2, !p2;
	s0 =	simm.s32 @!p3 $0x0;
	[smem:$0x7F0] =	sst s7  }
0x191: {  	p5 =	seq.s32 s2, $0x1;
	s7 =	spop (v2sf);
	s2 =	sld [smem:$0x783]  }
0x192: {  	(v2sf) =	vpush v12, $0xE;
	s0 =	simm.s32 @p3 $0x1;
	p3 =	seq.s32 s15, $0x1;
	[smem:$0x7DC] =	sst s7  }
0x193: {  	vm3 =	vmmov vm0;
	[tilespmem:v26+s29+$0x0] =	vst.idx.add.f32.msk vm2, v13;
	vm2 =	vmmov vm0;
	s15 =	sor.u32 $0x80, s19;
	s7 =	sshll.u32 s5, $0x4;
	s5 =	sld [smem:$0x785]  }
0x194: {  	v11 =	vld [tilespmem:s4+$0xE0];
	(v2sf) =	vpush v9, $0xE;
	vm3 =	vmneg @p1 vm3;
	vm2 =	vmneg @p2 vm2;
	p1 =	por !p5, !p4;
	[smem:$0x7ED] =	sst s0;
	p2 =	por !p3, !p6  }
0x195: {  	v10 =	vld [tilespmem:s4+$0x50];
	p6 =	sge.s32 s6, s12;
	v30 =	vor.u32 s15, v1;
	s0 =	ssub.s32 s1, s21;
	s15 =	spop (v2sf)  }
0x196: {  	v17 =	vbroadcast v7, $0x6;
	(v2sf) =	vpush v12, $0xF;
	p0 =	por !p0, !p6;
	[smem:$0x7F3] =	sst s15;
	p6 =	seq.s32 s2, $0x1  }
0x197: {  	(v2sf) =	vpush v9, $0xF;
	s15 =	spop (v2sf);
	s2 =	ssub.s32 s6, s21;
	s6 =	sld [smem:$0x784]  }
0x198: {  	v29 =	vshll.u32 v28, $0x4;
	[tilespmem:v24+s30+$0x0] =	vst.idx.msk vm1, v17;
	p2 =	por !p2, !p2;
	[smem:$0x7DE] =	sst s15;
	s1 =	spop (v2sf)  }
0x199: {  	(v2sf) =	vpush v11, $0x0;
	v13 =	vor.u32 v1, v29;
	v14 =	vld.idx.msk [tilespmem:v27+s25+$0x0], $0xffff;
	v18 =	vor.u32 s7, v1;
	p3 =	por !p2, !p6;
	[smem:$0x7F5] =	sst s1;
	s7 =	spop (v2sf)  }
0x19a: {  	(v2sf) =	vpush v10, $0x0;
	p0 =	por !p0, !p0;
	p5 =	sge.s32 s5, s12;
	[smem:$0x7E2] =	sst s7  }
0x19b: {  	p3 =	por !p3, !p3;
	s15 =	spop (v2sf);
	s7 =	sld [smem:$0x786]  }
0x19c: {  	vm1 =	vmmov vm0;
	(v2sf) =	vpush v11, $0x1;
	p4 =	seq.s32 s6, $0x1;
	s6 =	sor.u32 $0x90, s19;
	[dreg:$0x1f] =	wrdreg s15  }
0x19d: {  	v34 =	vmov s2;
	vm1 =	vmneg @p3 vm1;
	p3 =	por !p0, !p4;
	s2 =	spop (v2sf);
	s15 =	sld [smem:$0x787]  }
0x19e: {  	v31 =	vbroadcast v7, $0x7;
	(v2sf) =	vpush v10, $0x1;
	[tilespmem:v13+s29+$0x0] =	vst.idx.add.f32.msk vm2, v14;
	vm2 =	vmmov vm0;
	p4 =	sge.s32 s8, s12;
	[smem:$0x7E5] =	sst s2;
	s1 =	spop (v2sf)  }
0x19f: {  	v32 =	vmov s0;
	vm2 =	vmneg @p0 vm2;
	p0 =	por !p1, !p1;
	s8 =	ssub.s32 s8, s21;
	[dreg:$0x1e] =	wrdreg s1  }
0x1a0: {  	vm4 =	vmmov vm0;
	v33 =	vshll.u32 v32, $0x4;
	[tilespmem:v28+s30+$0x0] =	vst.idx.msk vm3, v31;
	v39 =	vmov s8;
	s8 =	ssub.s32 s5, s21;
	p6 =	seq.s32 s7, $0x1;
	s7 =	sld [smem:$0x788]  }
0x1a1: {  	v12 =	vor.u32 v1, v33;
	v13 =	vld.idx.msk [tilespmem:v30+s25+$0x0], $0xffff;
	v35 =	vor.u32 s6, v1;
	p3 =	por !p3, !p3;
	s6 =	spop (v2sf);
	v43 =	vmov s8;
	s8 =	sld [smem:$0x78C]  }
0x1a2: {  	vm4 =	vmneg @p2 vm4;
	s2 =	ssub.s32 s11, s21;
	p2 =	por !p6, !p5;
	[smem:$0x7EC] =	sst s6  }
0x1a3: {  	vm5 =	vmmov vm0;
	(v2sf) =	vpush v11, $0x2;
	p6 =	seq.s32 s15, $0x1;
	s11 =	spop (v2sf);
	s6 =	sld [smem:$0x789]  }
0x1a4: {  	vm5 =	vmneg @p3 vm5;
	s15 =	sor.u32 $0x110, s19;
	p3 =	por !p6, !p4;
	[dreg:$0x1c] =	wrdreg s11  }
0x1a5: {  	(v2sf) =	vpush v10, $0x2;
	v20 =	vmov s2;
	s2 =	spop (v2sf);
	p6 =	sge.s32 s13, s12;
	s11 =	sor.u32 $0xA0, s19  }
0x1a6: {  	p4 =	seq.s32 s7, $0x1;
	[tilespmem:v12+s29+$0x0] =	vst.idx.add.f32.msk vm1, v13;
	vm1 =	vmmov vm0;
	[dreg:$0x1d] =	wrdreg s2;
	s7 =	spop (v2sf)  }
0x1a7: {  	p1 =	por !p0, !p4;
	vm1 =	vmneg @p0 vm1;
	p0 =	por !p2, !p2;
	[dreg:$0x1a] =	wrdreg s7  }
0x1a8: {  	p5 =	seq.s32 s6, $0x1;
	s1 =	spop (v2sf);
	s6 =	sld [smem:$0x78A]  }
0x1a9: {  	vm3 =	vmmov vm0;
	v21 =	vor.u32 s15, v1;
	p4 =	por !p1, !p1;
	p1 =	por !p3, !p3;
	s15 =	spop (v2sf)  }
0x1aa: {  	v36 =	vshll.u32 v34, $0x4;
	s7 =	sld [smem:$0x78B];
	vm3 =	vmneg @p4 vm3;
	p2 =	por !p1, !p5;
	p4 =	slt.s32 s15, $0x2418458  }
0x1ab: {  	v19 =	vbroadcast v7, $0x8;
	v16 =	vor.u32 v1, v36;
	v18 =	vld.idx.msk [tilespmem:v18+s25+$0x0], $0xffff;
	v40 =	vor.u32 s11, v1;
	s15 =	sor.u32 $0x120, s19;
	s11 =	spop (v2sf);
	p2 =	por !p2, !p2  }
0x1ac: {  	s0 =	simm.s32 @!p4 $0x0;
	p5 =	seq.s32 s6, $0x1;
	s6 =	sor.u32 $0x30, s4  }
0x1ad: {  	[tilespmem:v32+s30+$0x0] =	vst.idx.msk vm4, v19;
	vm4 =	vmmov vm0;
	v44 =	vor.u32 s15, v1;
	s5 =	spop (v2sf);
	s15 =	ssub.s32 s13, s21;
	s0 =	simm.s32 @p4 $0x1  }
0x1ae: {  	vm4 =	vmneg @p2 vm4;
	p2 =	por !p5, !p6;
	p6 =	seq.s32 s7, $0x1;
	s4 =	sadd.s32 s24, s6  }
0x1af: {  	p4 =	seq.s32 s8, $0x1;
	v47 =	vmov s15;
	s8 =	sld [smem:$0x78D];
	s15 =	ssub.s32 s18, s21  }
0x1b0: {  	v38 =	vbroadcast v8, $0x0;
	[tilespmem:v16+s29+$0x0] =	vst.idx.add.f32.msk vm5, v18;
	vm5 =	vmmov vm0;
	[smem:$0x7A6] =	sst s0;
	p3 =	por !p0, !p6;
	s7 =	sadd.s32 $0x1, s4  }
0x1b1: {  	(v2sf) =	vpush v11, $0x3;
	vm5 =	vmneg @p1 vm5;
	p1 =	por !p2, !p2;
	v51 =	vmov s15;
	s15 =	sld [smem:$0x791];
	p2 =	slt.s32 s7, s10  }
0x1b2: {  	v37 =	vshll.u32 v20, $0x4;
	[tilespmem:v34+s30+$0x0] =	vst.idx.msk vm2, v38;
	vm2 =	vmmov vm0;
	p5 =	por !p3, !p3;
	s7 =	spop (v2sf);
	s2 =	simm.s32 @!p2 $0x0  }
0x1b3: {  	v12 =	vor.u32 v1, v37;
	(v2sf) =	vpush v10, $0x3;
	v13 =	vld.idx.msk [tilespmem:v35+s25+$0x0], $0xffff;
	vm2 =	vmneg @p5 vm2;
	p5 =	sge.s32 s18, s12;
	p6 =	seq.s32 s8, $0x1;
	s18 =	sld [smem:$0x78E]  }
0x1b4: {  	s13 =	spop (v2sf);
	s8 =	sld [smem:$0x78F];
	s2 =	simm.s32 @p2 $0x1  }
0x1b5: {  	v41 =	vshll.u32 v39, $0x4;
	(v2sf) =	vpush v11, $0x4;
	p2 =	slt.s32 s5, $0x2418458;
	s5 =	sadd.s32 $0x2, s4;
	[smem:$0x7A8] =	sst s2  }
0x1b6: {  	v14 =	vor.u32 v1, v41;
	v15 =	vld.idx.msk [tilespmem:v21+s25+$0x0], $0xffff;
	s0 =	simm.s32 @!p2 $0x0;
	s2 =	sor.u32 $0xB0, s19;
	p3 =	slt.s32 s5, s10  }
0x1b7: {  	s5 =	sor.u32 $0x130, s19;
	s0 =	simm.s32 @p2 $0x1;
	p2 =	por !p1, !p4  }
0x1b8: {  	[tilespmem:v12+s29+$0x0] =	vst.idx.add.f32.msk vm3, v13;
	vm3 =	vmmov vm0;
	v48 =	vor.u32 s2, v1;
	p4 =	seq.s32 s18, $0x1;
	s2 =	sld [smem:$0x790];
	s18 =	ssub.s32 s17, s21  }
0x1b9: {  	vm3 =	vmneg @p0 vm3;
	v52 =	vor.u32 s5, v1;
	s5 =	sor.u32 $0x140, s19;
	[smem:$0x7AC] =	sst s0;
	p0 =	por !p2, !p2  }
0x1ba: {  	v46 =	vbroadcast v8, $0x1;
	p2 =	por !p6, !p5;
	p6 =	seq.s32 s8, $0x1;
	s8 =	sld [smem:$0x792]  }
0x1bb: {  	(v2sf) =	vpush v10, $0x4;
	[tilespmem:v14+s29+$0x0] =	vst.idx.add.f32.msk vm4, v15;
	vm4 =	vmmov vm0;
	s0 =	simm.s32 @!p3 $0x0;
	p5 =	sge.s32 s17, s12;
	s17 =	sld [smem:$0x793]  }
0x1bc: {  	v42 =	vbroadcast v7, $0x9;
	[tilespmem:v39+s30+$0x0] =	vst.idx.msk vm5, v46;
	v55 =	vmov s18;
	s18 =	sld [smem:$0x794];
	s0 =	simm.s32 @p3 $0x1;
	vm4 =	vmneg @p0 vm4;
	p0 =	slt.s32 s13, $0x2418458  }
0x1bd: {  	v16 =	vld.idx.msk [tilespmem:v44+s25+$0x0], $0xffff;
	s13 =	sadd.s32 $0x3, s4;
	v44 =	vor.u32 s14, v1;
	s14 =	sadd.s32 $0x8, s4;
	[smem:$0x7AE] =	sst s0  }
0x1be: {  	v45 =	vshll.u32 v43, $0x4;
	(v2sf) =	vpush v11, $0x5;
	[tilespmem:v20+s30+$0x0] =	vst.idx.msk vm1, v42;
	s0 =	simm.s32 @!p0 $0x0;
	p3 =	slt.s32 s13, s10;
	s13 =	sor.u32 $0xC0, s19  }
0x1bf: {  	v12 =	vor.u32 v1, v45;
	v13 =	vld.idx.msk [tilespmem:v40+s25+$0x0], $0xffff;
	s0 =	simm.s32 @p0 $0x1;
	p0 =	por !p2, !p2;
	p2 =	por !p6, !p5  }
0x1c0: {  	vm5 =	vmmov vm0;
	p5 =	seq.s32 s8, $0x1;
	s8 =	spop (v2sf);
	p6 =	sge.s32 s22, s12  }
0x1c1: {  	vm5 =	vmneg @p1 vm5;
	v56 =	vor.u32 s13, v1;
	s13 =	sadd.s32 $0x4, s4;
	[smem:$0x7B1] =	sst s0;
	p1 =	por !p0, !p4  }
0x1c2: {  	s0 =	simm.s32 @!p3 $0x0;
	p4 =	seq.s32 s15, $0x1;
	s15 =	spop (v2sf)  }
0x1c3: {  	v49 =	vshll.u32 v47, $0x4;
	p1 =	por !p1, !p1;
	s0 =	simm.s32 @p3 $0x1;
	p3 =	sge.s32 s2, s12  }
0x1c4: {  	vm1 =	vmmov vm0;
	v60 =	vor.u32 s5, v1;
	[tilespmem:v12+s29+$0x0] =	vst.idx.add.f32.msk vm2, v13;
	vm2 =	vmmov vm0;
	s2 =	ssub.s32 s2, s21;
	s5 =	spop (v2sf);
	[smem:$0x7BB] =	sst s0  }
0x1c5: {  	v15 =	vor.u32 v1, v49;
	vm1 =	vmneg @p0 vm1;
	vm2 =	vmneg @p1 vm2;
	p1 =	por !p2, !p2;
	p0 =	por !p4, !p3;
	p3 =	slt.s32 s15, $0x2418458  }
0x1c6: {  	p4 =	seq.s32 s18, $0x1;
	s15 =	sld [smem:$0x795];
	s18 =	ssub.s32 s22, s21  }
0x1c7: {  	v50 =	vbroadcast v7, $0xA;
	v59 =	vmov s2;
	s22 =	sld [smem:$0x796];
	s2 =	sor.u32 $0xD0, s19;
	p2 =	por !p1, !p5  }
0x1c8: {  	p0 =	por !p0, !p0;
	s0 =	simm.s32 @!p3 $0x0;
	v63 =	vmov s18;
	s18 =	sld [smem:$0x798]  }
0x1c9: {  	(v2sf) =	vpush v10, $0x5;
	[tilespmem:v43+s30+$0x0] =	vst.idx.msk vm3, v50;
	vm3 =	vmmov vm0;
	p2 =	por !p2, !p2;
	s0 =	simm.s32 @p3 $0x1;
	p3 =	seq.s32 s17, $0x1  }
0x1ca: {  	v53 =	vshll.u32 v51, $0x4;
	[tilespmem:v15+s29+$0x0] =	vst.idx.add.f32.msk vm4, v16;
	vm4 =	vmmov vm0;
	vm3 =	vmneg @p1 vm3;
	s17 =	spop (v2sf);
	[smem:$0x7BE] =	sst s0;
	p1 =	por !p3, !p6  }
0x1cb: {  	v12 =	vor.u32 v1, v53;
	v13 =	vld.idx.msk [tilespmem:v48+s25+$0x0], $0xffff;
	vm4 =	vmneg @p2 vm4;
	p2 =	por !p0, !p4;
	p3 =	slt.s32 s13, s10;
	p5 =	seq.s32 s15, $0x1  }
0x1cc: {  	p6 =	sge.s32 s22, s12;
	s15 =	sadd.s32 $0x5, s4;
	s22 =	ssub.s32 s22, s21  }
0x1cd: {  	v54 =	vbroadcast v8, $0x2;
	v24 =	vor.u32 s2, v1;
	s13 =	sld [smem:$0x799];
	s2 =	spop (v2sf);
	p2 =	por !p2, !p2  }
0x1ce: {  	p1 =	por !p1, !p1;
	s0 =	simm.s32 @!p3 $0x0;
	v27 =	vmov s22;
	s22 =	sadd.s32 $0x6, s4  }
0x1cf: {  	vm6 =	vmmov vm0;
	[tilespmem:v47+s30+$0x0] =	vst.idx.msk vm5, v54;
	s0 =	simm.s32 @p3 $0x1;
	p3 =	slt.s32 s17, $0x2418458;
	s17 =	sld [smem:$0x797]  }
0x1d0: {  	v57 =	vshll.u32 v55, $0x4;
	vm6 =	vmneg @p2 vm6;
	p2 =	por !p1, !p5;
	[tilespmem:v12+s29+$0x0] =	vst.idx.add.f32.msk vm2, v13;
	[smem:$0x7C3] =	sst s0;
	vm2 =	vmmov vm0;
	s0 =	simm.s32 @!p3 $0x0  }
0x1d1: {  	v14 =	vor.u32 v1, v57;
	v16 =	vld.idx.msk [tilespmem:v52+s25+$0x0], $0xffff;
	p5 =	sge.s32 s23, s12;
	s0 =	simm.s32 @p3 $0x1;
	vm2 =	vmneg @p0 vm2;
	p0 =	por !p2, !p2  }
0x1d2: {  	(v2sf) =	vpush v11, $0x6;
	p3 =	slt.s32 s15, s10;
	s15 =	sor.u32 $0x150, s19;
	[smem:$0x7C8] =	sst s0  }
0x1d3: {  	(v2sf) =	vpush v10, $0x6;
	s0 =	simm.s32 @!p3 $0x0;
	p4 =	seq.s32 s17, $0x1;
	v28 =	vor.u32 s15, v1;
	s15 =	sor.u32 $0xE0, s19  }
0x1d4: {  	p2 =	por !p4, !p6;
	p6 =	seq.s32 s18, $0x1;
	s18 =	sld [smem:$0x79A]  }
0x1d5: {  	s0 =	simm.s32 @p3 $0x1;
	p3 =	seq.s32 s13, $0x1;
	v32 =	vor.u32 s15, v1;
	s15 =	sld [smem:$0x7A0]  }
0x1d6: {  	[tilespmem:v14+s29+$0x0] =	vst.idx.add.f32.msk vm4, v16;
	vm4 =	vmmov vm0;
	s13 =	ssub.s32 s23, s21;
	s23 =	ssub.s32 s26, s21;
	[smem:$0x7CD] =	sst s0  }
0x1d7: {  	vm5 =	vmmov vm0;
	vm4 =	vmneg @p0 vm4;
	p0 =	por !p6, !p5;
	p5 =	sge.s32 s26, s12;
	s26 =	sld [smem:$0x79D]  }
0x1d8: {  	v58 =	vbroadcast v7, $0xB;
	vm5 =	vmneg @p1 vm5;
	s17 =	spop (v2sf);
	p1 =	por !p2, !p2;
	v35 =	vmov s23;
	s23 =	sld [smem:$0x79F]  }
0x1d9: {  	v62 =	vbroadcast v8, $0x3;
	p2 =	por !p1, !p3;
	p0 =	por !p0, !p0;
	p3 =	slt.s32 s17, $0x2418458  }
0x1da: {  	v61 =	vshll.u32 v59, $0x4;
	[tilespmem:v51+s30+$0x0] =	vst.idx.msk vm1, v58;
	vm1 =	vmmov vm0;
	s17 =	sld [smem:$0x79B];
	s0 =	simm.s32 @!p3 $0x0;
	p4 =	seq.s32 s18, $0x1  }
0x1db: {  	v12 =	vor.u32 v1, v61;
	v13 =	vld.idx.msk [tilespmem:v56+s25+$0x0], $0xffff;
	[tilespmem:v55+s30+$0x0] =	vst.idx.msk vm3, v62;
	vm3 =	vmmov vm0;
	vm1 =	vmneg @p1 vm1;
	p2 =	por !p2, !p2;
	s0 =	simm.s32 @p3 $0x1;
	p1 =	por !p0, !p4  }
0x1dc: {  	v25 =	vshll.u32 v63, $0x4;
	vm3 =	vmneg @p2 vm3;
	p2 =	slt.s32 s22, s10;
	p4 =	sge.s32 s28, s12;
	s22 =	sld [smem:$0x79C]  }
0x1dd: {  	v15 =	vor.u32 v1, v25;
	v16 =	vld.idx.msk [tilespmem:v60+s25+$0x0], $0xffff;
	[smem:$0x7D1] =	sst s0;
	s0 =	simm.s32 @!p2 $0x0;
	p1 =	por !p1, !p1  }
0x1de: {  	p6 =	seq.s32 s17, $0x1;
	s17 =	sor.u32 $0x160, s19;
	s0 =	simm.s32 @p2 $0x1  }
0x1df: {  	v26 =	vbroadcast v7, $0xC;
	p2 =	por !p6, !p5;
	v36 =	vor.u32 s17, v1;
	s17 =	ssub.s32 s28, s21;
	s28 =	sld [smem:$0x7A3]  }
0x1e0: {  	[tilespmem:v12+s29+$0x0] =	vst.idx.add.f32.msk vm6, v13;
	p6 =	seq.s32 s26, $0x1;
	s26 =	sor.u32 $0x170, s19;
	[smem:$0x7D4] =	sst s0  }
0x1e1: {  	[tilespmem:v59+s30+$0x0] =	vst.idx.msk vm2, v26;
	vm2 =	vmmov vm0;
	s0 =	spop (v2sf);
	p5 =	seq.s32 s22, $0x1;
	s22 =	sld [smem:$0x79E]  }
0x1e2: {  	vm2 =	vmneg @p1 vm2;
	[tilespmem:v15+s29+$0x0] =	vst.idx.add.f32.msk vm4, v16;
	vm4 =	vmmov vm0;
	p1 =	por !p2, !p2;
	v39 =	vmov s17;
	s17 =	sld [smem:$0x7A1];
	s18 =	spop (v2sf)  }
0x1e3: {  	v30 =	vbroadcast v8, $0x4;
	vm4 =	vmneg @p0 vm4;
	p0 =	por !p5, !p4;
	p2 =	por !p1, !p6;
	p4 =	seq.s32 s15, $0x1  }
0x1e4: {  	p3 =	slt.s32 s18, $0x2418458;
	p2 =	por !p2, !p2;
	s18 =	sadd.s32 $0x7, s4  }
0x1e5: {  	v29 =	vshll.u32 v27, $0x4;
	v31 =	vmov s13;
	[tilespmem:v63+s30+$0x0] =	vst.idx.msk vm5, v30;
	vm5 =	vmmov vm0;
	p5 =	por !p0, !p0;
	s13 =	simm.s32 @!p3 $0x0;
	p0 =	slt.s32 s18, s10  }
0x1e6: {  	(v2sf) =	vpush v11, $0x7;
	v12 =	vor.u32 v1, v29;
	v13 =	vld.idx.msk [tilespmem:v24+s25+$0x0], $0xffff;
	vm5 =	vmneg @p2 vm5;
	p2 =	seq.s32 s22, $0x1;
	s18 =	sor.u32 $0xF0, s19;
	s22 =	sld [smem:$0x7A2]  }
0x1e7: {  	(v2sf) =	vpush v10, $0x7;
	s15 =	ssub.s32 s17, s21;
	s13 =	simm.s32 @p3 $0x1;
	p2 =	por !p5, !p2  }
0x1e8: {  	v33 =	vshll.u32 v31, $0x4;
	p3 =	sge.s32 s23, s12;
	v40 =	vor.u32 s18, v1;
	s18 =	ssub.s32 s16, s21;
	[smem:$0x7DB] =	sst s13  }
0x1e9: {  	v14 =	vor.u32 v1, v33;
	v16 =	vld.idx.msk [tilespmem:v28+s25+$0x0], $0xffff;
	p6 =	por !p4, !p3;
	p4 =	sge.s32 s17, s12;
	s17 =	sld [smem:$0x7A4]  }
0x1ea: {  	s23 =	ssub.s32 s23, s21;
	v47 =	vmov s15;
	s15 =	sor.u32 $0x210, s19;
	v22 =	vmov s18;
	s18 =	sld [smem:$0x7A8]  }
0x1eb: {  	v34 =	vbroadcast v7, $0xD;
	[tilespmem:v12+s29+$0x0] =	vst.idx.add.f32.msk vm3, v13;
	vm3 =	vmmov vm0;
	s13 =	simm.s32 @!p0 $0x0;
	p3 =	slt.s32 s3, s10;
	v23 =	vor.u32 s15, v1;
	s15 =	sld [smem:$0x7AC]  }
0x1ec: {  	(v2sf) =	vpush v11, $0x8;
	vm3 =	vmneg @p5 vm3;
	s13 =	simm.s32 @p0 $0x1;
	p5 =	seq.s32 s22, $0x1;
	s22 =	sld [smem:$0x7A5]  }
0x1ed: {  	(v2sf) =	vpush v10, $0x8;
	[tilespmem:v27+s30+$0x0] =	vst.idx.msk vm1, v34;
	vm1 =	vmmov vm0;
	p0 =	por !p2, !p2;
	p2 =	sge.s32 s16, s12;
	s16 =	sld [smem:$0x7A7]  }
0x1ee: {  	v37 =	vshll.u32 v35, $0x4;
	vm1 =	vmneg @p1 vm1;
	p1 =	slt.s32 s4, s10;
	[smem:$0x7E0] =	sst s13;
	[tilespmem:v14+s29+$0x0] =	vst.idx.add.f32.msk vm2, v16;
	vm2 =	vmmov vm0;
	p4 =	por !p5, !p4  }
0x1ef: {  	v12 =	vor.u32 v1, v37;
	v13 =	vld.idx.msk [tilespmem:v32+s25+$0x0], $0xffff;
	p3 =	por !p3, !p2;
	vm2 =	vmneg @p0 vm2;
	p0 =	sge.s32 s1, s12;
	p5 =	seq.s32 s17, $0x1  }
0x1f0: {  	s1 =	ssub.s32 s1, s21;
	p2 =	por !p1, !p0;
	p0 =	por !p6, !p6  }
0x1f1: {  	p6 =	seq.s32 s28, $0x1;
	p1 =	por !p4, !p4;
	s28 =	sld [smem:$0x7A6]  }
0x1f2: {  	s13 =	simm.s32 @!p0 $0x0;
	p4 =	por !p1, !p5;
	p2 =	por !p2, !p2  }
0x1f3: {  	p5 =	sge.s32 s20, s12;
	s13 =	simm.s32 @p0 $0x1;
	p0 =	por !p0, !p6  }
0x1f4: {  	v42 =	vbroadcast v7, $0xE;
	[tilespmem:v12+s29+$0x0] =	vst.idx.add.f32.msk vm5, v13;
	v12 =	vmov s23;
	p4 =	por !p4, !p4;
	p6 =	seq.s32 s22, $0x1;
	s23 =	sshll.u32 s6, $0x4  }
0x1f5: {  	v38 =	vbroadcast v8, $0x5;
	s6 =	spop (v2sf);
	s22 =	ssub.s32 s20, s21;
	s20 =	sld [smem:$0x7AE]  }
0x1f6: {  	v43 =	vor.u32 s26, v1;
	vm5 =	vmmov vm0;
	[smem:$0x7FC] =	sst s13;
	[tilespmem:v35+s30+$0x0] =	vst.idx.msk vm1, v42;
	p0 =	por !p0, !p0;
	vm1 =	vmmov vm0;
	s26 =	spop (v2sf)  }
0x1f7: {  	v48 =	vor.u32 s23, v1;
	vm5 =	vmneg @p4 vm5;
	s23 =	sld [smem:$0x7A9];
	vm1 =	vmneg @p0 vm1;
	p0 =	por !p3, !p3;
	p4 =	slt.s32 s26, $0x2418458  }
0x1f8: {  	s26 =	sor.u32 $0x310, s19;
	p3 =	por !p0, !p6;
	s13 =	simm.s32 @!p4 $0x0  }
0x1f9: {  	v41 =	vshll.u32 v39, $0x4;
	[tilespmem:v31+s30+$0x0] =	vst.idx.msk vm4, v38;
	p6 =	seq.s32 s16, $0x1;
	v55 =	vor.u32 s26, v1;
	s16 =	sor.u32 $0x180, s19;
	s26 =	sld [smem:$0x7B0]  }
0x1fa: {  	v15 =	vor.u32 v1, v41;
	v16 =	vld.idx.msk [tilespmem:v36+s25+$0x0], $0xffff;
	s13 =	simm.s32 @p4 $0x1;
	p4 =	seq.s32 s28, $0x1;
	s28 =	sld [smem:$0x7AA]  }
0x1fb: {  	vm6 =	vmmov vm0;
	v51 =	vmov s1;
	s1 =	spop (v2sf);
	p3 =	por !p3, !p3;
	v58 =	vor.u32 s16, v1;
	s16 =	sld [smem:$0x7B5]  }
0x1fc: {  	[smem:$0x7E4] =	sst s13;
	vm6 =	vmneg @p3 vm6;
	p3 =	por !p2, !p4;
	p4 =	slt.s32 s14, s10  }
0x1fd: {  	vm7 =	vmmov vm0;
	s17 =	spop (v2sf);
	s14 =	sld [smem:$0x7AB];
	s13 =	simm.s32 @!p4 $0x0  }
0x1fe: {  	v46 =	vbroadcast v8, $0x6;
	vm7 =	vmneg @p0 vm7;
	p0 =	por !p3, !p3;
	p3 =	por !p6, !p5;
	p5 =	sge.s32 s11, s12  }
0x1ff: {  	vm4 =	vmmov vm0;
	[tilespmem:v15+s29+$0x0] =	vst.idx.add.f32.msk vm2, v16;
	p6 =	seq.s32 s18, $0x1;
	s11 =	ssub.s32 s11, s21;
	s18 =	sld [smem:$0x7AD]  }
0x200: {  	[tilespmem:v39+s30+$0x0] =	vst.idx.msk vm3, v46;
	vm3 =	vmmov vm0;
	s13 =	simm.s32 @p4 $0x1;
	vm4 =	vmneg @p0 vm4;
	p4 =	slt.s32 s17, $0x2418458;
	p0 =	por !p6, !p5  }
0x201: {  	v50 =	vshll.u32 v22, $0x4;
	vm3 =	vmneg @p2 vm3;
	p2 =	por !p3, !p3;
	p5 =	sge.s32 s28, s12;
	s17 =	sor.u32 $0x220, s19  }
0x202: {  	v45 =	vshll.u32 v12, $0x4;
	v54 =	vmov s22;
	v24 =	vmov s11;
	s22 =	ssub.s32 s28, s21;
	s28 =	sor.u32 $0x320, s19;
	s11 =	sadd.s32 $0x9, s4  }
0x203: {  	v49 =	vshll.u32 v47, $0x4;
	v19 =	vor.u32 v1, v50;
	v14 =	vld.idx.msk [tilespmem:v40+s25+$0x0], $0xffff;
	v17 =	vor.u32 v1, v45;
	[smem:$0x7E8] =	sst s13;
	s13 =	simm.s32 @!p4 $0x0;
	p0 =	por !p0, !p0  }
0x204: {  	v16 =	vor.u32 v1, v49;
	vm2 =	vmmov vm0;
	v18 =	vld.idx.msk [tilespmem:v43+s25+$0x0], $0xffff;
	p6 =	seq.s32 s14, $0x1;
	v59 =	vor.u32 s17, v1;
	s14 =	sld [smem:$0x7B3];
	s17 =	sor.u32 $0x230, s19  }
0x205: {  	v13 =	vld.idx.msk [tilespmem:v44+s25+$0x0], $0xffff;
	vm2 =	vmneg @p1 vm2;
	v62 =	vmov s22;
	v26 =	vor.u32 s28, v1;
	s22 =	sld [smem:$0x7B9];
	s28 =	sor.u32 $0x330, s19;
	s13 =	simm.s32 @p4 $0x1  }
0x206: {  	p4 =	seq.s32 s23, $0x1;
	p1 =	por !p6, !p5;
	s23 =	sld [smem:$0x7AF]  }
0x207: {  	v15 =	vld.idx.msk [tilespmem:v48+s25+$0x0], $0xffff;
	p5 =	sge.s32 s9, s12;
	p6 =	seq.s32 s18, $0x1;
	s18 =	sld [smem:$0x7B6]  }
0x208: {  	v52 =	vshll.u32 v51, $0x4;
	[tilespmem:v17+s29+$0x0] =	vst.idx.add.f32.msk vm1, v14;
	s9 =	ssub.s32 s9, s21;
	v32 =	vor.u32 s17, v1;
	s17 =	ssub.s32 s8, s21;
	[smem:$0x7EF] =	sst s13  }
0x209: {  	v60 =	vbroadcast v8, $0x7;
	v14 =	vor.u32 v1, v52;
	[tilespmem:v16+s29+$0x0] =	vst.idx.add.f32.msk vm5, v18;
	p3 =	por !p2, !p4;
	p4 =	seq.s32 s15, $0x1;
	s13 =	sld [smem:$0x7B1]  }
0x20a: {  	p1 =	por !p1, !p1;
	s15 =	sld [smem:$0x7B2];
	v41 =	vmov s17;
	s17 =	sor.u32 $0x340, s19;
	[tilespmem:v19+s29+$0x0] =	vst.idx.add.f32.msk vm6, v13  }
0x20b: {  	vm1 =	vmmov vm0;
	p3 =	por !p3, !p3;
	vm6 =	vmmov vm0;
	p4 =	por !p0, !p4;
	[tilespmem:v47+s30+$0x0] =	vst.idx.msk vm2, v60;
	v47 =	vor.u32 s17, v1;
	s17 =	sld [smem:$0x7CD]  }
0x20c: {  	vm1 =	vmneg @p2 vm1;
	vm6 =	vmneg @p3 vm6;
	p3 =	por !p6, !p5;
	p2 =	por !p4, !p4;
	p6 =	seq.s32 s20, $0x1  }
0x20d: {  	v57 =	vbroadcast v10, $0x0;
	p4 =	seq.s32 s23, $0x1;
	s20 =	sld [smem:$0x7B7];
	s23 =	ssub.s32 s16, s21  }
0x20e: {  	v36 =	vor.u32 s28, v1;
	p5 =	sge.s32 s7, s12;
	[tilespmem:v14+s29+$0x0] =	vst.idx.add.f32.msk vm4, v15;
	vm4 =	vmmov vm0;
	v35 =	vmov s23;
	s23 =	sld [smem:$0x7BF];
	s28 =	ssub.s32 s15, s21  }
0x20f: {  	v53 =	vbroadcast v9, $0x0;
	vm4 =	vmneg @p2 vm4;
	p2 =	por !p6, !p5;
	[tilespmem:v51+s30+$0x0] =	vst.idx.msk vm3, v57;
	vm3 =	vmmov vm0;
	p6 =	seq.s32 s26, $0x1;
	s26 =	sld [smem:$0x7BA]  }
0x210: {  	p5 =	por !p1, !p4;
	v44 =	vmov s28;
	s28 =	sld [smem:$0x7C9];
	vm3 =	vmneg @p0 vm3;
	p0 =	por !p3, !p3  }
0x211: {  	v56 =	vshll.u32 v54, $0x4;
	vm5 =	vmmov vm0;
	[tilespmem:v22+s30+$0x0] =	vst.idx.msk vm7, v53;
	p3 =	por !p5, !p5;
	p5 =	sge.s32 s15, s12;
	s15 =	sld [smem:$0x7C1]  }
0x212: {  	v13 =	vor.u32 v1, v56;
	v16 =	vld.idx.msk [tilespmem:v23+s25+$0x0], $0xffff;
	p4 =	por !p0, !p6;
	vm5 =	vmneg @p3 vm5;
	p3 =	por !p2, !p2;
	p2 =	slt.s32 s11, s10  }
0x213: {  	v63 =	vmov s9;
	p6 =	seq.s32 s14, $0x1;
	s14 =	sld [smem:$0x7B4];
	s9 =	simm.s32 @!p2 $0x0  }
0x214: {  	v61 =	vshll.u32 v24, $0x4;
	s11 =	sld [smem:$0x7BB];
	s9 =	simm.s32 @p2 $0x1  }
0x215: {  	v15 =	vor.u32 v1, v61;
	v18 =	vld.idx.msk [tilespmem:v55+s25+$0x0], $0xffff;
	p2 =	por !p6, !p5;
	p5 =	sge.s32 s16, s12;
	s16 =	sld [smem:$0x7BD]  }
0x216: {  	v25 =	vbroadcast v9, $0x1;
	p6 =	seq.s32 s18, $0x1;
	s18 =	sld [smem:$0x7BE]  }
0x217: {  	p4 =	por !p4, !p4;
	[tilespmem:v13+s29+$0x0] =	vst.idx.add.f32.msk vm6, v16;
	vm6 =	vmmov vm0;
	[smem:$0x7EE] =	sst s9  }
0x218: {  	s7 =	ssub.s32 s7, s21;
	vm6 =	vmneg @p4 vm6;
	[tilespmem:v54+s30+$0x0] =	vst.idx.msk vm1, v25;
	vm1 =	vmmov vm0;
	p4 =	seq.s32 s13, $0x1;
	s13 =	sld [smem:$0x7B8]  }
0x219: {  	s9 =	sld [smem:$0x7C4];
	p4 =	por !p3, !p4;
	vm1 =	vmneg @p0 vm1;
	p0 =	sge.s32 s14, s12  }
0x21a: {  	[tilespmem:v15+s29+$0x0] =	vst.idx.add.f32.msk vm4, v18;
	vm4 =	vmmov vm0;
	p4 =	por !p4, !p4;
	p0 =	por !p6, !p0;
	p6 =	seq.s32 s20, $0x1  }
0x21b: {  	v30 =	vbroadcast v10, $0x1;
	s20 =	sor.u32 $0x190, s19;
	p5 =	por !p6, !p5;
	vm4 =	vmneg @p4 vm4;
	p4 =	sge.s32 s13, s12  }
0x21c: {  	p6 =	seq.s32 s22, $0x1;
	s22 =	sor.u32 $0x240, s19;
	v39 =	vor.u32 s20, v1;
	s20 =	sld [smem:$0x7C5]  }
0x21d: {  	v27 =	vshll.u32 v62, $0x4;
	[tilespmem:v24+s30+$0x0] =	vst.idx.msk vm3, v30;
	vm3 =	vmmov vm0;
	p4 =	por !p6, !p4;
	p6 =	seq.s32 s11, $0x1;
	s11 =	sld [smem:$0x7BC]  }
0x21e: {  	v28 =	vld.idx.msk [tilespmem:v58+s25+$0x0], $0xffff;
	v31 =	vmov s7;
	v13 =	vor.u32 v1, v27;
	vm3 =	vmneg @p3 vm3;
	p3 =	por !p5, !p5;
	p5 =	seq.s32 s26, $0x1;
	s26 =	sld [smem:$0x7C0]  }
0x21f: {  	v33 =	vshll.u32 v31, $0x4;
	v40 =	vor.u32 s22, v1;
	s22 =	sld [smem:$0x7C7];
	s7 =	simm.s32 @!p4 $0x0  }
0x220: {  	vm2 =	vmmov vm0;
	v18 =	vor.u32 v1, v33;
	v21 =	vld.idx.msk [tilespmem:v26+s25+$0x0], $0xffff;
	s7 =	simm.s32 @p4 $0x1;
	p4 =	por !p3, !p5;
	p5 =	sge.s32 s8, s12  }
0x221: {  	v29 =	vshll.u32 v63, $0x4;
	vm2 =	vmneg @p1 vm2;
	s8 =	ssub.s32 s23, s21;
	[smem:$0x7E7] =	sst s7;
	p1 =	por !p6, !p5  }
0x222: {  	v14 =	vor.u32 v1, v29;
	v17 =	vld.idx.msk [tilespmem:v59+s25+$0x0], $0xffff;
	p4 =	por !p4, !p4;
	p5 =	sge.s32 s11, s12;
	p6 =	seq.s32 s16, $0x1  }
0x223: {  	[tilespmem:v13+s29+$0x0] =	vst.idx.add.f32.msk vm5, v28;
	vm5 =	vmmov vm0;
	v45 =	vmov s8;
	s16 =	sld [smem:$0x7C2];
	s8 =	sor.u32 $0x250, s19;
	p5 =	por !p6, !p5  }
0x224: {  	v38 =	vbroadcast v10, $0x2;
	vm5 =	vmneg @p4 vm5;
	p4 =	seq.s32 s18, $0x1;
	s18 =	sld [smem:$0x7C3];
	s7 =	simm.s32 @!p5 $0x0  }
0x225: {  	v54 =	vor.u32 s8, v1;
	s8 =	sld [smem:$0x7CB];
	[tilespmem:v18+s29+$0x0] =	vst.idx.add.f32.msk vm4, v21;
	s7 =	simm.s32 @p5 $0x1  }
0x226: {  	v34 =	vbroadcast v9, $0x2;
	p5 =	por !p1, !p1;
	p1 =	por !p2, !p2;
	[tilespmem:v31+s30+$0x0] =	vst.idx.msk vm3, v38;
	vm3 =	vmmov vm0;
	[smem:$0x7F1] =	sst s7  }
0x227: {  	[tilespmem:v14+s29+$0x0] =	vst.idx.add.f32.msk vm6, v17;
	p6 =	por !p5, !p4;
	p4 =	sge.s32 s23, s12;
	vm3 =	vmneg @p5 vm3;
	p5 =	seq.s32 s16, $0x1  }
0x228: {  	v37 =	vshll.u32 v35, $0x4;
	[tilespmem:v63+s30+$0x0] =	vst.idx.msk vm1, v34;
	vm1 =	vmmov vm0;
	s23 =	sld [smem:$0x7C8];
	p2 =	por !p6, !p6;
	p6 =	seq.s32 s26, $0x1  }
0x229: {  	v13 =	vor.u32 v1, v37;
	vm6 =	vmmov vm0;
	vm1 =	vmneg @p3 vm1;
	v14 =	vld.idx.msk [tilespmem:v32+s25+$0x0], $0xffff;
	s16 =	sld [smem:$0x7CC];
	p3 =	por !p6, !p4;
	p4 =	seq.s32 s15, $0x1  }
0x22a: {  	s26 =	sld [smem:$0x7C6];
	vm6 =	vmneg @p2 vm6;
	p6 =	seq.s32 s18, $0x1;
	p2 =	por !p1, !p4  }
0x22b: {  	s15 =	sld [smem:$0x7CA];
	p4 =	por !p2, !p2;
	p2 =	por !p3, !p3  }
0x22c: {  	vm4 =	vmmov vm0;
	s18 =	ssub.s32 s28, s21;
	p3 =	por !p2, !p5;
	p5 =	sge.s32 s5, s12  }
0x22d: {  	v42 =	vbroadcast v8, $0x8;
	v57 =	vmov s18;
	s18 =	sld [smem:$0x7D3];
	vm4 =	vmneg @p4 vm4;
	p4 =	por !p6, !p5  }
0x22e: {  	[tilespmem:v13+s29+$0x0] =	vst.idx.add.f32.msk vm5, v14;
	vm5 =	vmmov vm0;
	p3 =	por !p3, !p3;
	p5 =	sge.s32 s9, s12;
	p6 =	seq.s32 s20, $0x1  }
0x22f: {  	v48 =	vshll.u32 v44, $0x4;
	[tilespmem:v62+s30+$0x0] =	vst.idx.msk vm2, v42;
	s20 =	sld [smem:$0x7CE];
	p5 =	por !p6, !p5;
	vm5 =	vmneg @p3 vm5;
	p3 =	por !p4, !p4  }
0x230: {  	v43 =	vshll.u32 v41, $0x4;
	v49 =	vld.idx.msk [tilespmem:v39+s25+$0x0], $0xffff;
	v13 =	vor.u32 v1, v48;
	p6 =	seq.s32 s22, $0x1;
	s22 =	sor.u32 $0x350, s19;
	s7 =	simm.s32 @!p5 $0x0  }
0x231: {  	v46 =	vbroadcast v9, $0x3;
	v15 =	vor.u32 v1, v43;
	v21 =	vld.idx.msk [tilespmem:v36+s25+$0x0], $0xffff;
	v58 =	vor.u32 s22, v1;
	s22 =	ssub.s32 s14, s21;
	s14 =	sld [smem:$0x7D9];
	s7 =	simm.s32 @p5 $0x1  }
0x232: {  	p5 =	sge.s32 s26, s12;
	v30 =	vmov s22;
	s22 =	sor.u32 $0x270, s19;
	[smem:$0x7F6] =	sst s7  }
0x233: {  	[tilespmem:v35+s30+$0x0] =	vst.idx.msk vm1, v46;
	p4 =	por !p6, !p5;
	p5 =	sge.s32 s28, s12;
	s28 =	sld [smem:$0x7D1]  }
0x234: {  	v51 =	vld.idx.msk [tilespmem:v40+s25+$0x0], $0xffff;
	p6 =	seq.s32 s15, $0x1;
	s15 =	sld [smem:$0x7D2];
	v40 =	vor.u32 s22, v1;
	s22 =	ssub.s32 s6, s21  }
0x235: {  	v52 =	vbroadcast v10, $0x3;
	s7 =	simm.s32 @!p4 $0x0;
	[tilespmem:v13+s29+$0x0] =	vst.idx.add.f32.msk vm4, v49;
	v49 =	vmov s22;
	s22 =	ssub.s32 s13, s21;
	s13 =	sld [smem:$0x7EB]  }
0x236: {  	[tilespmem:v15+s29+$0x0] =	vst.idx.add.f32.msk vm6, v21;
	s7 =	simm.s32 @p4 $0x1;
	p4 =	seq.s32 s23, $0x1;
	s23 =	sld [smem:$0x7D0]  }
0x237: {  	s3 =	sadd.s32 $0xF, s3;
	vm1 =	vmmov vm0;
	s5 =	ssub.s32 s5, s21;
	[tilespmem:v41+s30+$0x0] =	vst.idx.msk vm3, v52;
	v52 =	vmov s22;
	s22 =	sld [smem:$0x7EE]  }
0x238: {  	vm1 =	vmneg @p2 vm1;
	[smem:$0x7F9] =	sst s7;
	p2 =	por !p3, !p4;
	p4 =	por !p6, !p5  }
0x239: {  	vm6 =	vmmov vm0;
	vm3 =	vmmov vm0;
	p5 =	sge.s32 s2, s12;
	p6 =	seq.s32 s16, $0x1;
	p2 =	por !p2, !p2  }
0x23a: {  	vm3 =	vmneg @p3 vm3;
	p3 =	seq.s32 s17, $0x1;
	s16 =	sld [smem:$0x7CF];
	vm6 =	vmneg @p2 vm6;
	p2 =	sge.s32 s8, s12  }
0x23b: {  	v50 =	vshll.u32 v45, $0x4;
	s7 =	sor.u32 $0x1A0, s19;
	s17 =	sor.u32 $0x260, s19;
	p2 =	por !p6, !p2  }
0x23c: {  	v53 =	vmov s5;
	v61 =	vor.u32 s7, v1;
	v62 =	vor.u32 s17, v1;
	s7 =	sor.u32 $0x360, s19;
	s17 =	sld [smem:$0x7D8];
	s5 =	simm.s32 @!p2 $0x0  }
0x23d: {  	v16 =	vor.u32 v1, v50;
	v33 =	vor.u32 s7, v1;
	s7 =	sld [smem:$0x7DC];
	s5 =	simm.s32 @p2 $0x1;
	p2 =	por !p3, !p5  }
0x23e: {  	p3 =	por !p4, !p4;
	p5 =	seq.s32 s20, $0x1;
	s20 =	sld [smem:$0x7D4]  }
0x23f: {  	vm2 =	vmmov vm0;
	v55 =	vshll.u32 v53, $0x4;
	p6 =	sge.s32 s16, s12;
	[smem:$0x7FB] =	sst s5;
	p4 =	por !p3, !p5  }
0x240: {  	vm2 =	vmneg @p1 vm2;
	v18 =	vor.u32 v1, v55;
	v19 =	vld.idx.msk [tilespmem:v47+s25+$0x0], $0xffff;
	p1 =	por !p2, !p2;
	p5 =	seq.s32 s23, $0x1;
	s23 =	sld [smem:$0x7D5]  }
0x241: {  	v56 =	vbroadcast v9, $0x4;
	s5 =	sld [smem:$0x7D6];
	p4 =	por !p4, !p4;
	p2 =	por !p5, !p6  }
0x242: {  	[tilespmem:v16+s29+$0x0] =	vst.idx.add.f32.msk vm5, v51;
	vm5 =	vmmov vm0;
	p6 =	seq.s32 s28, $0x1;
	p5 =	sge.s32 s15, s12;
	s28 =	ssub.s32 s16, s21  }
0x243: {  	[tilespmem:v45+s30+$0x0] =	vst.idx.msk vm1, v56;
	s16 =	sld [smem:$0x7DA];
	vm5 =	vmneg @p4 vm5;
	p4 =	por !p1, !p6;
	p6 =	seq.s32 s18, $0x1  }
0x244: {  	v60 =	vbroadcast v10, $0x4;
	v59 =	vshll.u32 v57, $0x4;
	s2 =	ssub.s32 s2, s21;
	vm1 =	vmmov vm0;
	v15 =	vld.idx.msk [tilespmem:v54+s25+$0x0], $0xffff;
	s18 =	sld [smem:$0x7DB];
	p5 =	por !p6, !p5  }
0x245: {  	v13 =	vor.u32 v1, v59;
	vm4 =	vmmov vm0;
	vm1 =	vmneg @p3 vm1;
	[tilespmem:v18+s29+$0x0] =	vst.idx.add.f32.msk vm6, v19;
	p3 =	por !p4, !p4;
	p4 =	sge.s32 s0, s12;
	p6 =	seq.s32 s20, $0x1  }
0x246: {  	v31 =	vmov s28;
	s28 =	sld [smem:$0x7E0];
	[tilespmem:v53+s30+$0x0] =	vst.idx.msk vm3, v60;
	vm3 =	vmmov vm0;
	vm4 =	vmneg @p3 vm4;
	p3 =	por !p6, !p4;
	p4 =	por !p0, !p0  }
0x247: {  	v28 =	vbroadcast v8, $0x9;
	vm3 =	vmneg @p1 vm3;
	p1 =	seq.s32 s23, $0x1;
	p6 =	seq.s32 s5, $0x1;
	s5 =	sld [smem:$0x7D7]  }
0x248: {  	(v2sf) =	vpush v11, $0x9;
	s0 =	ssub.s32 s0, s21;
	p0 =	por !p4, !p1;
	p1 =	por !p2, !p2  }
0x249: {  	v32 =	vbroadcast v9, $0x5;
	[tilespmem:v44+s30+$0x0] =	vst.idx.msk vm2, v28;
	vm2 =	vmmov vm0;
	s20 =	sld [smem:$0x7DD];
	p0 =	por !p0, !p0;
	p2 =	por !p1, !p6  }
0x24a: {  	v63 =	vmov s2;
	s23 =	sld [smem:$0x7DF];
	vm2 =	vmneg @p0 vm2;
	p0 =	por !p2, !p2;
	p2 =	sge.s32 s5, s12;
	[tilespmem:v13+s29+$0x0] =	vst.idx.add.f32.msk vm5, v15;
	vm5 =	vmmov vm0  }
0x24b: {  	v29 =	vshll.u32 v63, $0x4;
	vm5 =	vmneg @p0 vm5;
	p0 =	seq.s32 s14, $0x1;
	s14 =	ssub.s32 s15, s21;
	s15 =	sor.u32 $0x370, s19  }
0x24c: {  	v16 =	vor.u32 v1, v29;
	v19 =	vld.idx.msk [tilespmem:v58+s25+$0x0], $0xffff;
	[tilespmem:v57+s30+$0x0] =	vst.idx.msk vm1, v32;
	vm1 =	vmmov vm0;
	p0 =	por !p0, !p2;
	p2 =	seq.s32 s16, $0x1;
	s16 =	sld [smem:$0x7DE]  }
0x24d: {  	p6 =	sge.s32 s17, s12;
	vm1 =	vmneg @p1 vm1;
	p1 =	seq.s32 s18, $0x1;
	v44 =	vor.u32 s15, v1;
	s15 =	sld [smem:$0x7E2]  }
0x24e: {  	v43 =	vmov s14;
	s18 =	sor.u32 $0x1B0, s19;
	s14 =	sld [smem:$0x7E5];
	s2 =	simm.s32 @!p0 $0x0  }
0x24f: {  	(v2sf) =	vpush v10, $0x9;
	p6 =	por !p2, !p6;
	p2 =	por !p3, !p3;
	v45 =	vor.u32 s18, v1;
	s18 =	sld [smem:$0x7E7]  }
0x250: {  	v38 =	vbroadcast v10, $0x5;
	s2 =	simm.s32 @p0 $0x1;
	p0 =	seq.s32 s20, $0x1;
	s20 =	sld [smem:$0x7E3]  }
0x251: {  	[tilespmem:v16+s29+$0x0] =	vst.idx.add.f32.msk vm4, v19;
	p3 =	sge.s32 s7, s12;
	p1 =	por !p2, !p1;
	[smem:$0x7EA] =	sst s2  }
0x252: {  	[tilespmem:v63+s30+$0x0] =	vst.idx.msk vm3, v38;
	vm3 =	vmmov vm0;
	p0 =	por !p0, !p3;
	p1 =	por !p1, !p1;
	s2 =	sld [smem:$0x7E1]  }
0x253: {  	vm4 =	vmmov vm0;
	vm3 =	vmneg @p4 vm3;
	p3 =	seq.s32 s23, $0x1;
	s23 =	sld [smem:$0x7E4];
	p4 =	sge.s32 s14, s12  }
0x254: {  	v39 =	vmov s0;
	s0 =	simm.s32 @!p0 $0x0;
	vm4 =	vmneg @p1 vm4;
	p1 =	por !p5, !p5;
	p5 =	sge.s32 s16, s12  }
0x255: {  	v36 =	vshll.u32 v31, $0x4;
	s0 =	simm.s32 @p0 $0x1;
	p0 =	sge.s32 s6, s12;
	s6 =	sld [smem:$0x7E6]  }
0x256: {  	v14 =	vor.u32 v1, v36;
	v37 =	vld.idx.msk [tilespmem:v62+s25+$0x0], $0xffff;
	s14 =	ssub.s32 s14, s21;
	p3 =	por !p3, !p5;
	[smem:$0x7F2] =	sst s0  }
0x257: {  	vm6 =	vmmov vm0;
	s0 =	simm.s32 @!p3 $0x0;
	p5 =	seq.s32 s2, $0x1;
	s2 =	spop (v2sf)  }
0x258: {  	vm6 =	vmneg @p2 vm6;
	s0 =	simm.s32 @p3 $0x1;
	p3 =	seq.s32 s28, $0x1;
	p2 =	por !p1, !p5  }
0x259: {  	p5 =	seq.s32 s20, $0x1;
	s28 =	sor.u32 $0x280, s19;
	s20 =	sld [smem:$0x7E8]  }
0x25a: {  	v34 =	vshll.u32 v30, $0x4;
	v35 =	vld.idx.msk [tilespmem:v61+s25+$0x0], $0xffff;
	[smem:$0x7F4] =	sst s0;
	p0 =	por !p3, !p0;
	p2 =	por !p2, !p2  }
0x25b: {  	v13 =	vor.u32 v1, v34;
	[tilespmem:v14+s29+$0x0] =	vst.idx.add.f32.msk vm5, v37;
	vm5 =	vmmov vm0;
	p3 =	sge.s32 s15, s12;
	v48 =	vor.u32 s28, v1;
	s28 =	sld [smem:$0x7EA];
	p0 =	por !p0, !p0  }
0x25c: {  	vm5 =	vmneg @p2 vm5;
	p2 =	por !p5, !p3;
	p3 =	seq.s32 s23, $0x1;
	p5 =	seq.s32 s6, $0x1  }
0x25d: {  	s23 =	sld [smem:$0x7E9];
	s6 =	ssub.s32 s5, s21;
	s5 =	sor.u32 $0x290, s19  }
0x25e: {  	s0 =	simm.s32 @!p2 $0x0;
	v53 =	vmov s6;
	s6 =	ssub.s32 s17, s21;
	s17 =	spop (v2sf)  }
0x25f: {  	v60 =	vor.u32 s5, v1;
	s5 =	sld [smem:$0x7F4];
	s0 =	simm.s32 @p2 $0x1;
	p2 =	por !p0, !p3  }
0x260: {  	[tilespmem:v13+s29+$0x0] =	vst.idx.add.f32.msk vm2, v35;
	vm2 =	vmmov vm0;
	p3 =	sge.s32 s1, s12;
	v63 =	vmov s6;
	s6 =	ssub.s32 s11, s21;
	s11 =	sor.u32 $0x2A0, s19  }
0x261: {  	v50 =	vbroadcast v8, $0xA;
	vm2 =	vmneg @p1 vm2;
	[smem:$0x7F7] =	sst s0;
	p1 =	por !p2, !p2;
	p2 =	por !p5, !p4  }
0x262: {  	p4 =	seq.s32 s20, $0x1;
	s20 =	sld [smem:$0x7ED];
	v35 =	vmov s6;
	s6 =	sor.u32 $0x2B0, s19  }
0x263: {  	[tilespmem:v30+s30+$0x0] =	vst.idx.msk vm3, v50;
	s0 =	simm.s32 @!p2 $0x0;
	p4 =	por !p4, !p3;
	p3 =	seq.s32 s23, $0x1  }
0x264: {  	v42 =	vbroadcast v9, $0x6;
	v41 =	vshll.u32 v39, $0x4;
	v14 =	vld.idx.msk [tilespmem:v45+s25+$0x0], $0xffff;
	s23 =	ssub.s32 s1, s21;
	s1 =	sld [smem:$0x7F0];
	v45 =	vor.u32 s6, v1;
	s6 =	ssub.s32 s9, s21  }
0x265: {  	(v2sf) =	vpush v11, $0xA;
	v18 =	vor.u32 v1, v41;
	v19 =	vld.idx.msk [tilespmem:v33+s25+$0x0], $0xffff;
	v57 =	vshll.u32 v53, $0x4;
	s9 =	sld [smem:$0x7F7];
	s0 =	simm.s32 @p2 $0x1;
	p2 =	seq.s32 s18, $0x1  }
0x266: {  	v46 =	vshll.u32 v43, $0x4;
	[tilespmem:v31+s30+$0x0] =	vst.idx.msk vm1, v42;
	v15 =	vor.u32 v1, v57;
	s18 =	sor.u32 $0x380, s19;
	p4 =	por !p4, !p4;
	v57 =	vmov s6;
	s6 =	rddreg [dreg:$0x1e]  }
0x267: {  	(v2sf) =	vpush v10, $0xA;
	v13 =	vor.u32 v1, v46;
	v16 =	vld.idx.msk [tilespmem:v40+s25+$0x0], $0xffff;
	v59 =	vmov s23;
	s23 =	sor.u32 $0x1C0, s19;
	[smem:$0x7F8] =	sst s0;
	p5 =	por !p2, !p2  }
0x268: {  	(v2sf) =	vpush v11, $0xB;
	vm1 =	vmmov vm0;
	p2 =	seq.s32 s13, $0x1;
	v55 =	vor.u32 s18, v1;
	s13 =	sld [smem:$0x7EC];
	s18 =	sor.u32 $0x390, s19  }
0x269: {  	v47 =	vbroadcast v10, $0x6;
	(v2sf) =	vpush v10, $0xB;
	vm1 =	vmneg @p1 vm1;
	p1 =	por !p5, !p3;
	p3 =	seq.s32 s28, $0x1;
	s28 =	sld [smem:$0x7EF]  }
0x26a: {  	[tilespmem:v18+s29+$0x0] =	vst.idx.add.f32.msk vm4, v19;
	vm4 =	vmmov vm0;
	v30 =	vor.u32 s23, v1;
	s23 =	sor.u32 $0x3A0, s19;
	v27 =	vor.u32 s18, v1;
	s18 =	sld [smem:$0x7F3];
	p3 =	por !p3, !p3  }
0x26b: {  	vm3 =	vmmov vm0;
	[tilespmem:v39+s30+$0x0] =	vst.idx.msk vm6, v47;
	vm4 =	vmneg @p0 vm4;
	v38 =	vor.u32 s23, v1;
	s23 =	sor.u32 $0x1D0, s19;
	p1 =	por !p1, !p1;
	p0 =	por !p3, !p2  }
0x26c: {  	vm6 =	vmmov vm0;
	[tilespmem:v13+s29+$0x0] =	vst.idx.add.f32.msk vm5, v16;
	vm5 =	vmmov vm0;
	vm3 =	vmneg @p1 vm3;
	p1 =	sge.s32 s13, s12;
	p2 =	por !p0, !p0;
	p0 =	sge.s32 s2, s12  }
0x26d: {  	v51 =	vshll.u32 v49, $0x4;
	vm5 =	vmneg @p3 vm5;
	p3 =	seq.s32 s28, $0x1;
	s2 =	ssub.s32 s2, s21;
	vm6 =	vmneg @p2 vm6;
	p2 =	seq.s32 s20, $0x1  }
0x26e: {  	v7 =	vbroadcast v7, $0xF;
	v17 =	vor.u32 v1, v51;
	(v2sf) =	vpush v11, $0xC;
	v19 =	vld.idx.msk [tilespmem:v44+s25+$0x0], $0xffff;
	s28 =	rddreg [dreg:$0x1b];
	s20 =	sadd.s32 $0xA, s4;
	p1 =	por !p2, !p1  }
0x26f: {  	v25 =	vbroadcast v10, $0xB;
	v54 =	vbroadcast v9, $0x7;
	p2 =	seq.s32 s22, $0x1;
	s22 =	sld [smem:$0x7F1];
	s0 =	simm.s32 @!p1 $0x0  }
0x270: {  	vm8 =	vmmov vm0;
	v51 =	vbroadcast v10, $0xA;
	v29 =	vbroadcast v10, $0x8;
	p0 =	por !p2, !p0;
	p2 =	por !p6, !p6;
	p6 =	slt.s32 s1, $0x2418458  }
0x271: {  	vm7 =	vmmov vm0;
	v58 =	vbroadcast v10, $0x7;
	v36 =	vbroadcast v9, $0x9;
	[tilespmem:v43+s30+$0x0] =	vst.idx.msk vm2, v54;
	s0 =	simm.s32 @p1 $0x1;
	p1 =	por !p4, !p3;
	p6 =	por !p2, !p6  }
0x272: {  	v56 =	vshll.u32 v52, $0x4;
	v32 =	vbroadcast v8, $0xB;
	v62 =	vbroadcast v9, $0x8;
	v16 =	vld.idx.msk [tilespmem:v48+s25+$0x0], $0xffff;
	p3 =	slt.s32 s20, s10;
	s20 =	ssub.s32 s7, s21;
	s7 =	sld [smem:$0x7F5]  }
0x273: {  	(v2sf) =	vpush v10, $0xC;
	v47 =	vbroadcast v9, $0xA;
	vm8 =	vmneg @p4 vm8;
	[tilespmem:v17+s29+$0x0] =	vst.idx.add.f32.msk vm1, v19;
	p4 =	por !p0, !p0;
	[smem:$0x7FA] =	sst s0;
	p1 =	por !p1, !p1  }
0x274: {  	v13 =	vor.u32 v1, v56;
	[tilespmem:v49+s30+$0x0] =	vst.idx.msk vm4, v58;
	vm4 =	vmmov vm0;
	p6 =	por !p6, !p6;
	s0 =	spop (v2sf);
	v37 =	vmov s20;
	s20 =	sadd.s32 $0xC, s4  }
0x275: {  	vm2 =	vmmov vm0;
	vm4 =	vmneg @p5 vm4;
	vm7 =	vmneg @p1 vm7;
	p1 =	slt.s32 s17, $0x2418458;
	p5 =	sge.s32 s0, s12;
	s17 =	sld [smem:$0x7F2]  }
0x276: {  	v28 =	vshll.u32 v63, $0x4;
	v61 =	vshll.u32 v59, $0x4;
	v19 =	vld.idx.msk [tilespmem:v55+s25+$0x0], $0xffff;
	vm2 =	vmneg @p2 vm2;
	s0 =	ssub.s32 s0, s21;
	p2 =	por !p3, !p5;
	p5 =	seq.s32 s22, $0x1  }
0x277: {  	v33 =	vor.u32 s11, v1;
	v18 =	vor.u32 v1, v61;
	[tilespmem:v15+s29+$0x0] =	vst.idx.add.f32.msk vm6, v16;
	vm6 =	vmmov vm0;
	p1 =	por !p4, !p1;
	s22 =	spop (v2sf);
	p0 =	por !p5, !p5  }
0x278: {  	v39 =	vshll.u32 v35, $0x4;
	v43 =	vbroadcast v10, $0x9;
	vm6 =	vmneg @p6 vm6;
	p1 =	por !p1, !p1;
	p6 =	slt.s32 s28, $0x2418458;
	p5 =	slt.s32 s18, $0x2418458  }
0x279: {  	v61 =	vshll.u32 v57, $0x4;
	vm1 =	vmmov vm0;
	v31 =	vmov s2;
	[tilespmem:v13+s29+$0x0] =	vst.idx.add.f32.msk vm3, v14;
	s1 =	spop (v2sf);
	s28 =	sadd.s32 $0xB, s4;
	s18 =	sor.u32 $0x3B0, s19  }
0x27a: {  	[tilespmem:v53+s30+$0x0] =	vst.idx.msk vm5, v62;
	vm5 =	vmmov vm0;
	v53 =	vor.u32 s23, v1;
	s23 =	sld [smem:$0x7F8];
	vm1 =	vmneg @p1 vm1;
	p1 =	por !p0, !p6;
	p3 =	seq.s32 s17, $0x1  }
0x27b: {  	v58 =	vbroadcast v9, $0xB;
	v13 =	vor.u32 v1, v28;
	v15 =	vld.idx.msk [tilespmem:v60+s25+$0x0], $0xffff;
	vm5 =	vmneg @p4 vm5;
	p4 =	por !p2, !p2;
	s11 =	spop (v2sf);
	s17 =	ssub.s32 s16, s21  }
0x27c: {  	v34 =	vshll.u32 v31, $0x4;
	(v2sf) =	vpush v11, $0xD;
	v49 =	vor.u32 s18, v1;
	s16 =	rddreg [dreg:$0x1f];
	s18 =	sor.u32 $0x3C0, s19;
	p6 =	por !p1, !p1;
	[tilespmem:v18+s29+$0x0] =	vst.idx.add.f32.msk vm7, v19  }
0x27d: {  	vm3 =	vmmov vm0;
	v44 =	vmov s0;
	p3 =	por !p3, !p3;
	s0 =	spop (v2sf);
	v48 =	vmov s17;
	s17 =	ssub.s32 s15, s21;
	[tilespmem:v59+s30+$0x0] =	vst.idx.msk vm8, v29  }
0x27e: {  	v16 =	vor.u32 v1, v34;
	(v2sf) =	vpush v10, $0xD;
	v60 =	vor.u32 s18, v1;
	s15 =	sor.u32 $0x3D0, s19;
	s18 =	sadd.s32 $0xE, s4;
	p1 =	por !p3, !p5;
	v20 =	vld.idx.msk [tilespmem:v27+s25+$0x0], $0xffff  }
0x27f: {  	v41 =	vshll.u32 v37, $0x4;
	[tilespmem:v52+s30+$0x0] =	vst.idx.msk vm4, v32;
	vm3 =	vmneg @p6 vm3;
	p5 =	slt.s32 s28, s10;
	p6 =	sge.s32 s1, s12;
	p1 =	por !p1, !p1;
	vm7 =	vmmov vm0  }
0x280: {  	v14 =	vor.u32 v1, v41;
	vm4 =	vmmov vm0;
	s28 =	rddreg [dreg:$0x19];
	vm7 =	vmneg @p1 vm7;
	p1 =	por !p5, !p6;
	p6 =	slt.s32 s22, $0x2418458;
	[tilespmem:v13+s29+$0x0] =	vst.idx.add.f32.msk vm6, v15  }
0x281: {  	v40 =	vld.idx.msk [tilespmem:v30+s25+$0x0], $0xffff;
	(v2sf) =	vpush v11, $0xE;
	s1 =	ssub.s32 s1, s21;
	s22 =	sld [smem:$0x7F6];
	v13 =	vor.u32 v1, v39;
	vm6 =	vmmov vm0;
	p5 =	por !p4, !p6;
	[tilespmem:v63+s30+$0x0] =	vst.idx.msk vm2, v36  }
0x282: {  	v46 =	vshll.u32 v44, $0x4;
	v30 =	vmov s14;
	p6 =	slt.s32 s7, $0x2418458;
	s7 =	sor.u32 $0x2C0, s19;
	vm6 =	vmneg @p3 vm6;
	p3 =	seq.s32 s5, $0x1;
	v42 =	vld.idx.msk [tilespmem:v33+s25+$0x0], $0xffff  }
0x283: {  	v52 =	vbroadcast v8, $0xC;
	v32 =	vshll.u32 v30, $0x4;
	v50 =	vshll.u32 v48, $0x4;
	s5 =	rddreg [dreg:$0x1c];
	p2 =	por !p3, !p3;
	p3 =	por !p5, !p5;
	[tilespmem:v16+s29+$0x0] =	vst.idx.add.f32.msk vm1, v20  }
0x284: {  	v54 =	vmov s1;
	vm8 =	vmmov vm0;
	vm4 =	vmneg @p3 vm4;
	p5 =	por !p2, !p6;
	p3 =	por !p1, !p1;
	p6 =	slt.s32 s11, $0x2418458;
	[tilespmem:v31+s30+$0x0] =	vst.idx.msk vm5, v43  }
0x285: {  	v18 =	vor.u32 v1, v46;
	v56 =	vshll.u32 v54, $0x4;
	vm8 =	vmneg @p4 vm8;
	s11 =	spop (v2sf);
	p4 =	por !p5, !p5;
	p1 =	por !p3, !p6;
	v21 =	vld.idx.msk [tilespmem:v38+s25+$0x0], $0xffff  }
0x286: {  	v59 =	vmov s17;
	vm2 =	vmmov vm0;
	p5 =	slt.s32 s20, s10;
	p6 =	sge.s32 s0, s12;
	s0 =	ssub.s32 s0, s21;
	[tilespmem:v13+s29+$0x0] =	vst.idx.add.f32.msk vm3, v40;
	vm5 =	vmmov vm0  }
0x287: {  	vm2 =	vmneg @p2 vm2;
	p2 =	por !p5, !p6;
	p6 =	seq.s32 s22, $0x1;
	p1 =	por !p1, !p1;
	vm5 =	vmneg @p0 vm5;
	[tilespmem:v14+s29+$0x0] =	vst.idx.add.f32.msk vm7, v42;
	vm7 =	vmmov vm0  }
0x288: {  	v29 =	vbroadcast v9, $0xC;
	v55 =	vor.u32 s7, v1;
	p5 =	seq.s32 s9, $0x1;
	s22 =	sadd.s32 $0xD, s4;
	s9 =	sld [smem:$0x7F9];
	vm7 =	vmneg @p4 vm7;
	[tilespmem:v37+s30+$0x0] =	vst.idx.msk vm6, v47  }
0x289: {  	v63 =	vshll.u32 v59, $0x4;
	v13 =	vor.u32 v1, v50;
	p5 =	por !p5, !p5;
	v31 =	vor.u32 s15, v1;
	s15 =	ssub.s32 s8, s21;
	p0 =	por !p6, !p6;
	v14 =	vld.idx.msk [tilespmem:v45+s25+$0x0], $0xffff  }
0x28a: {  	v36 =	vbroadcast v8, $0xD;
	v15 =	vor.u32 v1, v63;
	vm1 =	vmmov vm0;
	p6 =	slt.s32 s16, $0x2418458;
	s16 =	sor.u32 $0x2E0, s19;
	p4 =	slt.s32 s28, $0x2418458;
	[tilespmem:v18+s29+$0x0] =	vst.idx.add.f32.msk vm4, v21  }
0x28b: {  	v33 =	vbroadcast v10, $0xC;
	vm1 =	vmneg @p1 vm1;
	p6 =	por !p5, !p6;
	s20 =	spop (v2sf);
	s28 =	sor.u32 $0x2D0, s19;
	vm4 =	vmmov vm0;
	[tilespmem:v44+s30+$0x0] =	vst.idx.msk vm8, v51  }
0x28c: {  	v16 =	vor.u32 v1, v56;
	v37 =	vor.u32 s16, v1;
	s16 =	sor.u32 $0x2F0, s19;
	p1 =	por !p0, !p4;
	p4 =	slt.s32 s22, s10;
	vm4 =	vmneg @p3 vm4;
	v17 =	vld.idx.msk [tilespmem:v49+s25+$0x0], $0xffff  }
0x28d: {  	(v2sf) =	vpush v10, $0xE;
	vm3 =	vmmov vm0;
	v26 =	vmov s0;
	s7 =	spop (v2sf);
	s1 =	ssub.s32 s20, s21;
	p1 =	por !p1, !p1;
	[tilespmem:v35+s30+$0x0] =	vst.idx.msk vm5, v52  }
0x28e: {  	v27 =	vor.u32 s28, v1;
	s28 =	sor.u32 $0x3E0, s19;
	vm3 =	vmneg @p1 vm3;
	p1 =	por !p6, !p6;
	p6 =	sge.s32 s20, s12;
	[tilespmem:v13+s29+$0x0] =	vst.idx.add.f32.msk vm7, v14;
	vm7 =	vmmov vm0  }
0x28f: {  	p4 =	por !p4, !p6;
	p6 =	slt.s32 s11, $0x2418458;
	vm5 =	vmmov vm0;
	v62 =	vld.idx.msk [tilespmem:v53+s25+$0x0], $0xffff;
	v13 =	vor.u32 v1, v61;
	vm7 =	vmneg @p1 vm7;
	[tilespmem:v48+s30+$0x0] =	vst.idx.msk vm2, v58;
	p1 =	por !p2, !p2  }
0x290: {  	v40 =	vbroadcast v9, $0xD;
	v28 =	vshll.u32 v26, $0x4;
	s17 =	spop (v2sf);
	s20 =	rddreg [dreg:$0x18];
	vm5 =	vmneg @p5 vm5;
	v20 =	vld.idx.msk [tilespmem:v55+s25+$0x0], $0xffff;
	p2 =	por !p1, !p6  }
0x291: {  	vm6 =	vmmov vm0;
	(v2sf) =	vpush v11, $0xF;
	v47 =	vbroadcast v10, $0xD;
	s11 =	sor.u32 $0x1E0, s19;
	s0 =	ssub.s32 s17, s21;
	p2 =	por !p2, !p2;
	[tilespmem:v16+s29+$0x0] =	vst.idx.add.f32.msk vm1, v17  }
0x292: {  	p4 =	por !p4, !p4;
	v34 =	vor.u32 s11, v1;
	s11 =	rddreg [dreg:$0x17];
	p5 =	seq.s32 s23, $0x1;
	vm6 =	vmneg @p2 vm6;
	[tilespmem:v54+s30+$0x0] =	vst.idx.msk vm4, v25;
	vm4 =	vmmov vm0  }
0x293: {  	s23 =	ssub.s32 s26, s21;
	p3 =	por !p5, !p5;
	p5 =	slt.s32 s6, $0x2418458;
	vm2 =	vmmov vm0;
	v17 =	vor.u32 v1, v28;
	vm4 =	vmneg @p1 vm4;
	v18 =	vld.idx.msk [tilespmem:v60+s25+$0x0], $0xffff  }
0x294: {  	v41 =	vor.u32 s28, v1;
	(v2sf) =	vpush v10, $0xF;
	s26 =	sld [smem:$0x7FA];
	p6 =	seq.s32 s9, $0x1;
	p5 =	por !p3, !p5;
	vm2 =	vmneg @p0 vm2;
	[tilespmem:v13+s29+$0x0] =	vst.idx.add.f32.msk vm3, v62  }
0x295: {  	v35 =	vmov s1;
	v51 =	vbroadcast v8, $0xE;
	p2 =	por !p6, !p6;
	p6 =	slt.s32 s7, $0x2418458;
	vm3 =	vmmov vm0;
	p1 =	por !p5, !p5;
	[tilespmem:v15+s29+$0x0] =	vst.idx.add.f32.msk vm7, v20  }
0x296: {  	v52 =	vor.u32 s16, v1;
	s6 =	rddreg [dreg:$0x1d];
	s9 =	ssub.s32 s13, s21;
	p0 =	por !p4, !p6;
	vm3 =	vmneg @p1 vm3;
	[tilespmem:v59+s30+$0x0] =	vst.idx.msk vm5, v29;
	vm5 =	vmmov vm0  }
0x297: {  	s7 =	sld [smem:$0x7FB];
	v13 =	vor.u32 v1, v32;
	vm1 =	vmmov vm0;
	p6 =	sge.s32 s17, s12;
	p0 =	por !p0, !p0;
	vm5 =	vmneg @p3 vm5;
	v11 =	vld.idx.msk [tilespmem:v27+s25+$0x0], $0xffff  }
0x298: {  	v38 =	vshll.u32 v35, $0x4;
	v53 =	vmov s15;
	vm1 =	vmneg @p0 vm1;
	p0 =	sge.s32 s6, s12;
	p1 =	slt.s32 s20, $0x2418458;
	p3 =	slt.s32 s3, s10;
	[tilespmem:v17+s29+$0x0] =	vst.idx.add.f32.msk vm6, v18  }
0x299: {  	v39 =	vmov s23;
	v48 =	vmov s0;
	p5 =	slt.s32 s18, s10;
	p1 =	por !p2, !p1;
	p0 =	por !p3, !p0;
	vm6 =	vmmov vm0;
	[tilespmem:v26+s30+$0x0] =	vst.idx.msk vm4, v33  }
0x29a: {  	v16 =	vor.u32 v1, v38;
	[tilespmem:v57+s30+$0x0] =	vst.idx.msk vm2, v36;
	p3 =	por !p5, !p6;
	p1 =	por !p1, !p1;
	p5 =	seq.s32 s26, $0x1;
	vm6 =	vmneg @p4 vm6;
	vm4 =	vmmov vm0;
	v15 =	vld.idx.msk [tilespmem:v31+s25+$0x0], $0xffff  }
0x29b: {  	v42 =	vshll.u32 v39, $0x4;
	s13 =	sor.u32 $0x1F0, s19;
	v50 =	vshll.u32 v48, $0x4;
	v44 =	vld.idx.msk [tilespmem:v34+s25+$0x0], $0xffff;
	p4 =	por !p5, !p5;
	p5 =	slt.s32 s5, $0x2418458;
	vm4 =	vmneg @p1 vm4  }
0x29c: {  	v55 =	vshll.u32 v53, $0x4;
	s23 =	ssub.s32 s6, s21;
	v45 =	vor.u32 v1, v42;
	s22 =	spop (v2sf);
	vm2 =	vmmov vm0;
	[tilespmem:v13+s29+$0x0] =	vst.idx.add.f32.msk vm3, v11;
	p5 =	por !p4, !p5  }
0x29d: {  	v43 =	vmov s9;
	s18 =	sld [smem:$0x7FC];
	vm2 =	vmneg @p2 vm2;
	p6 =	seq.s32 s7, $0x1;
	[tilespmem:v30+s30+$0x0] =	vst.idx.msk vm5, v40;
	p5 =	por !p5, !p5;
	vm5 =	vmmov vm0  }
0x29e: {  	v46 =	vshll.u32 v43, $0x4;
	p2 =	por !p3, !p3;
	p1 =	por !p6, !p6;
	p6 =	slt.s32 s22, $0x2418458;
	vm3 =	vmmov vm0;
	vm5 =	vmneg @p5 vm5;
	v14 =	vld.idx.msk [tilespmem:v37+s25+$0x0], $0xffff  }
0x29f: {  	v49 =	vor.u32 s13, v1;
	s17 =	sadd.s32 $0xF, s4;
	s20 =	rddreg [dreg:$0x1a];
	v18 =	vor.u32 v1, v46;
	p3 =	por !p2, !p6;
	vm3 =	vmneg @p4 vm3;
	[tilespmem:v16+s29+$0x0] =	vst.idx.add.f32.msk vm1, v15  }
0x2a0: {  	v19 =	vor.u32 v1, v50;
	v54 =	vbroadcast v9, $0xE;
	vm7 =	vmmov vm0;
	s14 =	spop (v2sf);
	p6 =	slt.s32 s11, $0x2418458;
	p5 =	por !p3, !p3;
	[tilespmem:v35+s30+$0x0] =	vst.idx.msk vm6, v47  }
0x2a1: {  	p0 =	por !p0, !p0;
	p4 =	seq.s32 s18, $0x1;
	p6 =	por !p1, !p6;
	vm7 =	vmneg @p5 vm7;
	vm1 =	vmmov vm0;
	vm6 =	vmmov vm0;
	[tilespmem:v45+s29+$0x0] =	vst.idx.add.f32.msk vm4, v44  }
0x2a2: {  	v57 =	vmov s23;
	s22 =	sor.u32 $0x3F0, s19;
	p3 =	por !p6, !p6;
	vm1 =	vmneg @p4 vm1;
	p4 =	slt.s32 s20, $0x2418458;
	v20 =	vld.idx.msk [tilespmem:v41+s25+$0x0], $0xffff;
	vm6 =	vmneg @p2 vm6  }
0x2a3: {  	v56 =	vor.u32 s22, v1;
	p5 =	slt.s32 s17, s10;
	p6 =	sge.s32 s14, s12;
	vm4 =	vmmov vm0;
	[tilespmem:v39+s30+$0x0] =	vst.idx.msk vm2, v51;
	vm2 =	vmmov vm0;
	p4 =	por !p0, !p4  }
0x2a4: {  	s26 =	spop (v2sf);
	vm4 =	vmneg @p3 vm4;
	p2 =	por !p5, !p6;
	vm2 =	vmneg @p1 vm2;
	[tilespmem:v18+s29+$0x0] =	vst.idx.add.f32.msk vm5, v14;
	p1 =	por !p4, !p4;
	vm5 =	vmmov vm0  }
0x2a5: {  	v59 =	vbroadcast v10, $0xE;
	s0 =	ssub.s32 s14, s21;
	p5 =	slt.s32 s26, $0x2418458;
	v16 =	vld.idx.msk [tilespmem:v49+s25+$0x0], $0xffff;
	v14 =	vor.u32 v1, v55;
	[tilespmem:v43+s30+$0x0] =	vst.idx.msk vm3, v54;
	vm5 =	vmneg @p1 vm5;
	p1 =	por !p2, !p2  }
0x2a6: {  	v58 =	vshll.u32 v57, $0x4;
	v61 =	vmov s0;
	vm3 =	vmmov vm0;
	p6 =	por !p1, !p5;
	v60 =	vld.idx.msk [tilespmem:v52+s25+$0x0], $0xffff  }
0x2a7: {  	s28 =	sld [smem:$0x7FD];
	v17 =	vor.u32 v1, v58;
	vm3 =	vmneg @p0 vm3;
	p0 =	por !p6, !p6;
	[tilespmem:v19+s29+$0x0] =	vst.idx.add.f32.msk vm7, v20;
	vm7 =	vmmov vm0  }
0x2a8: {  	v62 =	vshll.u32 v61, $0x4;
	[tilespmem:v48+s30+$0x0] =	vst.idx.msk vm6, v59;
	vm7 =	vmneg @p0 vm7;
	vm6 =	vmmov vm0  }
0x2a9: {  	v63 =	vor.u32 v1, v62;
	[tilespmem:v12+s30+$0x0] =	vst.idx.msk vm1, v7;
	v7 =	vbroadcast v8, $0xF;
	v8 =	vld.idx.msk [tilespmem:v56+s25+$0x0], $0xffff;
	vm6 =	vmneg @p1 vm6  }
0x2aa: {  	[tilespmem:v14+s29+$0x0] =	vst.idx.add.f32.msk vm4, v16;
	p0 =	seq.s32 s28, $0x1  }
.Ltmp6:
0x2ab: {  	[tilespmem:v53+s30+$0x0] =	vst.idx.msk vm2, v7;
	v7 =	vbroadcast v9, $0xF;
	(pc) =	sbr.rel @p0 .LBB2_6-.Ltmp6, $4  }
0x2ac: {  	[tilespmem:v17+s29+$0x0] =	vst.idx.add.f32.msk vm5, v60  }
0x2ad: {  	[tilespmem:v57+s30+$0x0] =	vst.idx.msk vm3, v7;
	v7 =	vbroadcast v10, $0xF  }
0x2ae: {  	[tilespmem:v63+s29+$0x0] =	vst.idx.add.f32.msk vm7, v8  }
0x2af: {  	s4 =	simm.s32 $0x40;
	p1 =	por $0x0, $0x0;
	[tilespmem:v61+s30+$0x0] =	vst.idx.msk vm6, v7  }
0x2b0: {  	v7 =	vld [tilespmem:$0x12F];
	_ =	sdelay $0x4  }
0x2b1: {  	(v2sf) =	vpush v7, $0x0  }
0x2b2: {  	(v2sf) =	vpush v7, $0x1;
	_ =	sdelay $0xd  }
0x2b3: {  	s3 =	rddreg [dreg:$0x15];
	s0 =	spop (v2sf)  }
0x2b4: {  	s9 =	rddreg [dreg:$0x16];
	s1 =	spop (v2sf)  }
0x2b5: {  	s2 =	ssub.s32 s0, s21;
	p0 =	sne.s32 s1, s0;
	s1 =	simm.s32 $0x1  }
0x2b6: {  	s28 =	simm.s32 $0x0;
	s2 =	sshll.u32 s2, $0x4;
	s1 =	simm.s32 @!p0 $0x0  }
0x2b7: {  	p0 =	seq.s32 s9, s3;
	v7 =	vor.u32 s2, v1;
	s2 =	rddreg [dreg:$0x12];
	s1 =	sadd.s32 s1, s0  }
0x2b8: {  	s26 =	sadd.s32 $0x0, s21;
	v9 =	vor.u32 s28, v1;
	s1 =	smov.u32 @p0 s2  }
0x2b9: {  	v10 =	vadd.s32 s26, v1;
	v8 =	vmov s1  }
0x2ba: {  	vm1 =	vge.s32 v10, v6;
	vm2 =	vlt.s32 v10, v8  }
0x2bb: {  	vm1 =	vmand vm1, vm2  }
0x2bc: {  	s7 =	rddreg [dreg:$0x3];
	s1 =	simm.s32 $0x10;
	v7 =	vld.idx.msk [tilespmem:v7+s29+$0x0], $0xffff;
	v10 =	vsel vm1, v10, v0  }
.LBB2_8:
0x2bd: {  	p0 =	sne.s32 s1, $0x70;
	[tilespmem:v9+s31+$0x0] =	vst.idx.msk $0xffff, v10;
	s2 =	smov.u32 s1;
	s1 =	sadd.s32 $0x10, s1  }
.Ltmp7:
0x2be: {  	s3 =	sadd.s32 s2, s21;
	v9 =	vor.u32 s2, v1;
	(pc) =	sbr.rel @p0 .LBB2_8-.Ltmp7, $4  }
0x2bf: {  	v10 =	vadd.s32 s3, v1  }
0x2c0: {  	vm1 =	vge.s32 v10, v6;
	vm2 =	vlt.s32 v10, v8  }
0x2c1: {  	vm1 =	vmand vm1, vm2  }
0x2c2: {  	v10 =	vsel vm1, v10, v0  }
0x2c3: {  	s1 =	rddreg [dreg:$0x14]  }
0x2c4: {  	p0 =	seq.s32 s1, $0x0  }
.Ltmp8:
0x2c5: {  	_ = 	snop;
	(pc) =	sbr.rel @p0 .LBB2_13-.Ltmp8, $2  }
0x2c6: {  	_ =	sdelay $0x2  }
0x2c7: {  	[tilespmem:v9+s31+$0x0] =	vst.idx.msk $0xffff, v10;
	s8 =	rddreg [dreg:$0xa];
	s11 =	simm.s32 $0x80  }
0x2c8: {  	s1 =	simm.s32 $0x100  }
0x2c9: {  	s6 =	simm.s32 $0x0;
	v8 =	vor.u32 s1, v1  }
0x2ca: {  	s17 =	simm.s32 $0x110;
	v13 =	vor.u32 s6, v1  }
0x2cb: {  	s18 =	simm.s32 $0x120;
	v9 =	vor.u32 s17, v1  }
0x2cc: {  	s19 =	simm.s32 $0x130;
	v10 =	vor.u32 s18, v1  }
0x2cd: {  	s20 =	simm.s32 $0x140;
	v11 =	vor.u32 s19, v1  }
0x2ce: {  	s21 =	simm.s32 $0x150;
	v12 =	vor.u32 s20, v1;
	[tilespmem:v8+s29+$0x0] =	vst.idx.add.f32.msk $0xffff, v5  }
0x2cf: {  	s22 =	simm.s32 $0x160;
	v8 =	vor.u32 s21, v1;
	[tilespmem:v13+s29+$0x0] =	vst.idx.add.f32.msk $0xffff, v5  }
0x2d0: {  	s23 =	simm.s32 $0x170;
	[tilespmem:v9+s29+$0x0] =	vst.idx.add.f32.msk $0xffff, v5;
	v9 =	vor.u32 s22, v1  }
0x2d1: {  	s24 =	simm.s32 $0x180;
	[tilespmem:v10+s29+$0x0] =	vst.idx.add.f32.msk $0xffff, v5;
	v10 =	vor.u32 s23, v1  }
0x2d2: {  	s26 =	simm.s32 $0x190;
	[tilespmem:v11+s29+$0x0] =	vst.idx.add.f32.msk $0xffff, v5;
	v11 =	vor.u32 s24, v1  }
0x2d3: {  	s28 =	simm.s32 $0x1A0;
	[tilespmem:v12+s29+$0x0] =	vst.idx.add.f32.msk $0xffff, v5;
	v12 =	vor.u32 s26, v1  }
0x2d4: {  	s2 =	simm.s32 $0x1B0;
	[tilespmem:v8+s29+$0x0] =	vst.idx.add.f32.msk $0xffff, v5;
	v8 =	vor.u32 s28, v1  }
0x2d5: {  	s3 =	simm.s32 $0x1C0;
	[tilespmem:v9+s29+$0x0] =	vst.idx.add.f32.msk $0xffff, v5;
	v9 =	vor.u32 s2, v1  }
0x2d6: {  	s4 =	simm.s32 $0x1D0;
	[tilespmem:v10+s29+$0x0] =	vst.idx.add.f32.msk $0xffff, v5;
	v10 =	vor.u32 s3, v1  }
0x2d7: {  	s5 =	simm.s32 $0x1E0;
	[tilespmem:v11+s29+$0x0] =	vst.idx.add.f32.msk $0xffff, v5;
	v11 =	vor.u32 s4, v1  }
0x2d8: {  	s2 =	simm.s32 $0x1F0;
	[tilespmem:v12+s29+$0x0] =	vst.idx.add.f32.msk $0xffff, v5;
	v12 =	vor.u32 s5, v1  }
0x2d9: {  	s13 =	simm.s32 $0x10;
	[tilespmem:v8+s29+$0x0] =	vst.idx.add.f32.msk $0xffff, v5;
	v8 =	vor.u32 s2, v1  }
0x2da: {  	s14 =	simm.s32 $0x20;
	[tilespmem:v9+s29+$0x0] =	vst.idx.add.f32.msk $0xffff, v5;
	v9 =	vor.u32 s13, v1  }
0x2db: {  	s15 =	simm.s32 $0x30;
	[tilespmem:v10+s29+$0x0] =	vst.idx.add.f32.msk $0xffff, v5;
	v10 =	vor.u32 s14, v1  }
0x2dc: {  	s16 =	simm.s32 $0x40;
	[tilespmem:v11+s29+$0x0] =	vst.idx.add.f32.msk $0xffff, v5;
	v11 =	vor.u32 s15, v1  }
0x2dd: {  	s17 =	simm.s32 $0x50;
	[tilespmem:v12+s29+$0x0] =	vst.idx.add.f32.msk $0xffff, v5;
	v12 =	vor.u32 s16, v1  }
0x2de: {  	s18 =	simm.s32 $0x60;
	[tilespmem:v8+s29+$0x0] =	vst.idx.add.f32.msk $0xffff, v5;
	v8 =	vor.u32 s17, v1  }
0x2df: {  	v14 =	vor.u32 s18, v1;
	[tilespmem:v9+s29+$0x0] =	vst.idx.add.f32.msk $0xffff, v5  }
0x2e0: {  	s19 =	simm.s32 $0x70;
	[tilespmem:v10+s29+$0x0] =	vst.idx.add.f32.msk $0xffff, v5  }
0x2e1: {  	s20 =	simm.s32 $0x80;
	v9 =	vor.u32 s19, v1;
	[tilespmem:v11+s29+$0x0] =	vst.idx.add.f32.msk $0xffff, v5  }
0x2e2: {  	v15 =	vor.u32 s20, v1;
	s21 =	simm.s32 $0x90;
	[tilespmem:v12+s29+$0x0] =	vst.idx.add.f32.msk $0xffff, v5  }
0x2e3: {  	v13 =	vor.u32 s21, v1;
	s22 =	simm.s32 $0xA0;
	[tilespmem:v8+s29+$0x0] =	vst.idx.add.f32.msk $0xffff, v5  }
0x2e4: {  	s23 =	simm.s32 $0xB0;
	[tilespmem:v14+s29+$0x0] =	vst.idx.add.f32.msk $0xffff, v5;
	v14 =	vor.u32 s22, v1  }
0x2e5: {  	s3 =	simm.s32 $0xC0;
	v11 =	vor.u32 s23, v1  }
0x2e6: {  	s24 =	simm.s32 $0xD0;
	s26 =	simm.s32 $0xE0;
	s28 =	simm.s32 $0xF0;
	v12 =	vor.u32 s3, v1;
	[tilespmem:v9+s29+$0x0] =	vst.idx.add.f32.msk $0xffff, v5  }
0x2e7: {  	s1 =	simm.s32 $0x0;
	s2 =	simm.s32 $0x3F;
	v10 =	vor.u32 s24, v1;
	v8 =	vor.u32 s28, v1;
	v9 =	vor.u32 s26, v1;
	[tilespmem:v15+s29+$0x0] =	vst.idx.add.f32.msk $0xffff, v5  }
.LBB2_11:
0x2e8: {  	s3 =	sshll.u32 s2, $0x4;
	[tilespmem:v13+s29+$0x0] =	vst.idx.add.f32.msk $0xffff, v5  }
0x2e9: {  	s4 =	sadd.s32 $0xFFFFFE10, s3;
	s5 =	sadd.s32 $0xFFFFFE20, s3;
	s6 =	sadd.s32 $0xFFFFFF10, s3;
	[tilespmem:v14+s29+$0x0] =	vst.idx.add.f32.msk $0xffff, v5  }
0x2ea: {  	v15 =	vor.u32 s4, v1;
	v16 =	vor.u32 s5, v1;
	s4 =	sadd.s32 $0xFFFFFE30, s3;
	s5 =	sadd.s32 $0xFFFFFE40, s3;
	v17 =	vor.u32 s6, v1;
	s6 =	sadd.s32 $0xFFFFFF20, s3;
	[tilespmem:v11+s29+$0x0] =	vst.idx.add.f32.msk $0xffff, v5  }
0x2eb: {  	v18 =	vor.u32 s4, v1;
	v19 =	vor.u32 s5, v1;
	s4 =	sadd.s32 $0xFFFFFE50, s3;
	s5 =	sadd.s32 $0xFFFFFE60, s3;
	v20 =	vor.u32 s6, v1;
	s6 =	sadd.s32 $0xFFFFFF30, s3;
	[tilespmem:v12+s29+$0x0] =	vst.idx.add.f32.msk $0xffff, v5  }
0x2ec: {  	v21 =	vor.u32 s4, v1;
	v22 =	vor.u32 s5, v1;
	s4 =	sadd.s32 $0xFFFFFE70, s3;
	s5 =	sadd.s32 $0xFFFFFE80, s3;
	v23 =	vor.u32 s6, v1;
	s6 =	sadd.s32 $0xFFFFFF40, s3;
	[tilespmem:v10+s29+$0x0] =	vst.idx.add.f32.msk $0xffff, v5  }
0x2ed: {  	v24 =	vor.u32 s4, v1;
	v25 =	vor.u32 s5, v1;
	s4 =	sadd.s32 $0xFFFFFE90, s3;
	s5 =	sadd.s32 $0xFFFFFEA0, s3;
	v26 =	vor.u32 s6, v1;
	s6 =	sadd.s32 $0xFFFFFF50, s3;
	[tilespmem:v9+s29+$0x0] =	vst.idx.add.f32.msk $0xffff, v5  }
0x2ee: {  	v27 =	vor.u32 s4, v1;
	v13 =	vor.u32 s5, v1;
	s4 =	sadd.s32 $0xFFFFFEB0, s3;
	s5 =	sadd.s32 $0xFFFFFEC0, s3;
	v28 =	vor.u32 s6, v1;
	s6 =	sadd.s32 $0xFFFFFF60, s3;
	[tilespmem:v8+s29+$0x0] =	vst.idx.add.f32.msk $0xffff, v5  }
0x2ef: {  	v14 =	vor.u32 s4, v1;
	v11 =	vor.u32 s5, v1;
	s4 =	sadd.s32 $0xFFFFFED0, s3;
	s5 =	sadd.s32 $0xFFFFFEE0, s3;
	[tilespmem:v17+s29+$0x0] =	vst.idx.add.f32.msk $0xffff, v5;
	v17 =	vor.u32 s6, v1;
	s6 =	sadd.s32 $0xFFFFFF70, s3  }
0x2f0: {  	v12 =	vor.u32 s4, v1;
	v10 =	vor.u32 s5, v1;
	s4 =	sadd.s32 $0xFFFFFEF0, s3;
	s5 =	sadd.s32 $0xFFFFFF00, s3;
	[tilespmem:v20+s29+$0x0] =	vst.idx.add.f32.msk $0xffff, v5;
	v20 =	vor.u32 s6, v1;
	s6 =	sadd.s32 $0xFFFFFF80, s3  }
0x2f1: {  	v9 =	vor.u32 s4, v1;
	v8 =	vor.u32 s5, v1;
	[tilespmem:v23+s29+$0x0] =	vst.idx.add.f32.msk $0xffff, v5;
	v23 =	vor.u32 s6, v1;
	s4 =	sadd.s32 $0xFFFFFF90, s3  }
0x2f2: {  	[tilespmem:v26+s29+$0x0] =	vst.idx.add.f32.msk $0xffff, v5;
	v26 =	vor.u32 s4, v1;
	s4 =	sadd.s32 $0xFFFFFFA0, s3  }
0x2f3: {  	[tilespmem:v28+s29+$0x0] =	vst.idx.add.f32.msk $0xffff, v5;
	v28 =	vor.u32 s4, v1;
	s4 =	sadd.s32 $0xFFFFFFB0, s3  }
0x2f4: {  	[tilespmem:v17+s29+$0x0] =	vst.idx.add.f32.msk $0xffff, v5;
	v17 =	vor.u32 s4, v1;
	s4 =	sadd.s32 $0xFFFFFFC0, s3  }
0x2f5: {  	[tilespmem:v20+s29+$0x0] =	vst.idx.add.f32.msk $0xffff, v5;
	v20 =	vor.u32 s4, v1;
	s4 =	sadd.s32 $0xFFFFFFD0, s3  }
0x2f6: {  	[tilespmem:v23+s29+$0x0] =	vst.idx.add.f32.msk $0xffff, v5;
	v23 =	vor.u32 s4, v1;
	s4 =	sadd.s32 $0xFFFFFFE0, s3  }
0x2f7: {  	s1 =	sadd.s32 $0x2, s1;
	[tilespmem:v26+s29+$0x0] =	vst.idx.add.f32.msk $0xffff, v5;
	v26 =	vor.u32 s4, v1;
	s4 =	sadd.s32 $0xFFFFFFF0, s3  }
0x2f8: {  	p0 =	slt.u32 s1, $0x6;
	[tilespmem:v28+s29+$0x0] =	vst.idx.add.f32.msk $0xffff, v5;
	v28 =	vor.u32 s4, v1  }
0x2f9: {  	[tilespmem:v17+s29+$0x0] =	vst.idx.add.f32.msk $0xffff, v5;
	v17 =	vor.u32 s3, v1  }
0x2fa: {  	[tilespmem:v20+s29+$0x0] =	vst.idx.add.f32.msk $0xffff, v5  }
0x2fb: {  	[tilespmem:v23+s29+$0x0] =	vst.idx.add.f32.msk $0xffff, v5  }
0x2fc: {  	[tilespmem:v26+s29+$0x0] =	vst.idx.add.f32.msk $0xffff, v5  }
0x2fd: {  	[tilespmem:v28+s29+$0x0] =	vst.idx.add.f32.msk $0xffff, v5  }
0x2fe: {  	[tilespmem:v17+s29+$0x0] =	vst.idx.add.f32.msk $0xffff, v5  }
0x2ff: {  	[tilespmem:v15+s29+$0x0] =	vst.idx.add.f32.msk $0xffff, v5  }
0x300: {  	[tilespmem:v16+s29+$0x0] =	vst.idx.add.f32.msk $0xffff, v5  }
0x301: {  	[tilespmem:v18+s29+$0x0] =	vst.idx.add.f32.msk $0xffff, v5  }
0x302: {  	[tilespmem:v19+s29+$0x0] =	vst.idx.add.f32.msk $0xffff, v5  }
.Ltmp9:
0x303: {  	[tilespmem:v21+s29+$0x0] =	vst.idx.add.f32.msk $0xffff, v5;
	(pc) =	sbr.rel @p0 .LBB2_11-.Ltmp9, $4  }
0x304: {  	[tilespmem:v22+s29+$0x0] =	vst.idx.add.f32.msk $0xffff, v5  }
0x305: {  	[tilespmem:v24+s29+$0x0] =	vst.idx.add.f32.msk $0xffff, v5  }
0x306: {  	[tilespmem:v25+s29+$0x0] =	vst.idx.add.f32.msk $0xffff, v5  }
0x307: {  	s2 =	sadd.s32 $0x20, s2;
	[tilespmem:v27+s29+$0x0] =	vst.idx.add.f32.msk $0xffff, v5  }
0x308: {  	_ =	sdelay $0x3  }
0x309: {  	[tilespmem:v13+s29+$0x0] =	vst.idx.add.f32.msk $0xffff, v5  }
0x30a: {  	[tilespmem:v14+s29+$0x0] =	vst.idx.add.f32.msk $0xffff, v5  }
.Ltmp10:
0x30b: {  	[tilespmem:v11+s29+$0x0] =	vst.idx.add.f32.msk $0xffff, v5;
	(pc) =	sbr.rel .LBB2_13-.Ltmp10, $4  }
0x30c: {  	[tilespmem:v12+s29+$0x0] =	vst.idx.add.f32.msk $0xffff, v5  }
0x30d: {  	[tilespmem:v10+s29+$0x0] =	vst.idx.add.f32.msk $0xffff, v5  }
0x30e: {  	[tilespmem:v9+s29+$0x0] =	vst.idx.add.f32.msk $0xffff, v5  }
0x30f: {  	[tilespmem:v8+s29+$0x0] =	vst.idx.add.f32.msk $0xffff, v5  }
.LBB2_14:
0x310: {  	s0 =	simm.s32 $0x2  }
0x311: {  	_ =	swait.ge [sflag:s0], $0x800  }
0x312: {  	[sflag:s0] =	ssyncset.done $0x0  }
0x313: {  	s28 =	simm.s32 $0x3;
	[sflag:s0] =	ssyncadd.s32 $0xFFFFF800  }
0x314: {  	_ =	swait.ge [sflag:s28], $0x80  }
0x315: {  	[sflag:s28] =	ssyncset.done $0x0  }
0x316: {  	s6 =	rddreg [dreg:$0xc];
	[sflag:s28] =	ssyncadd.s32 $0xFFFFFF80  }
.LBB2_15:
.Ltmp11:
0x317: {  	(pc) =	sbr.rel .LBB2_16-.Ltmp11, $3  }
0x318: {  	_ =	sdelay $0x1  }
0x319: {  	s0 =	simm.s32 $0x0;
	s1 =	rddreg [dreg:$0xe];
	s2 =	simm.s32 $0x0  }
0x31a: {  	v4 =	vbroadcast v4, $0x5;
	s9 =	simm.s32 $0x12C0;
	s10 =	simm.s32 $0x1AC0;
	s12 =	simm.s32 $0x2  }
.LBB2_20:
0x31b: {  	s2 =	sadd.s32 $0x1, s2  }
0x31c: {  	p0 =	sne.s32 s2, $0x14A  }
.Ltmp12:
0x31d: {  	_ = 	snop;
	(pc) =	sbr.rel @!p0 .LBB2_21-.Ltmp12, $2  }
0x31e: {  	_ =	sdelay $0x2  }
0x31f: {  	s1 =	sadd.s32 $0x80, s1  }
.LBB2_16:
0x320: {  	s3 =	sshll.u32 s2, $0x7  }
0x321: {  	s3 =	sadd.s32 s6, s3  }
0x322: {  	s4 =	sadd.s32 $0x80, s3;
	p0 =	sgt.u32 s3, $0x14996F;
	s3 =	rddreg [dreg:$0x10]  }
0x323: {  	p1 =	sle.s32 @!p0 s4, s3  }
0x324: {  	p0 =	por p0, p1  }
.Ltmp13:
0x325: {  	_ = 	snop;
	(pc) =	sbr.rel @p0 .LBB2_20-.Ltmp13, $1  }
0x326: {  	_ =	sdelay $0x3  }
0x327: {  	s3 =	sadd.s32 $0x0, s1  }
0x328: {  	v5 =	vmov s3  }
0x329: {  	vm2 =	vlt.u32 v5, $0x149970;
	v5 =	vor.u32 s0, v1  }
0x32a: {  	v6 =	vor.u32 s3, v1  }
0x32b: {  	vm1 =	vge.s32 v6, v4  }
0x32c: {  	vm1 =	vmand vm2, vm1  }
0x32d: {  	s3 =	simm.s32 $0x10;
	v6 =	vsel vm1, v6, v0  }
.LBB2_18:
0x32e: {  	p0 =	sne.s32 s3, $0x70;
	[tilespmem:v5+s31+$0x0] =	vst.idx.msk $0xffff, v6;
	s4 =	smov.u32 s3;
	s3 =	sadd.s32 $0x10, s3  }
.Ltmp14:
0x32f: {  	s5 =	sadd.s32 s4, s1;
	v5 =	vor.u32 s4, v1;
	(pc) =	sbr.rel @p0 .LBB2_18-.Ltmp14, $4  }
0x330: {  	v6 =	vmov s5;
	v7 =	vor.u32 s5, v1  }
0x331: {  	vm1 =	vge.s32 v7, v4;
	vm2 =	vlt.u32 v6, $0x149970  }
0x332: {  	vm1 =	vmand vm2, vm1  }
0x333: {  	v6 =	vsel vm1, v7, v0  }
0x334: {  	_ =	sdelay $0x3  }
0x335: {  	[tilespmem:v5+s31+$0x0] =	vst.idx.msk $0xffff, v6  }
0x336: {  	[hbm4b:s8+s11] =	stream.indirect.scatter [tilespmem:s9], [sflag:$0x2], $0x10, s31, s11, $0xb8;
	[tilespmem:$0x1B40] =	vst v63  }
0x337: {  	_ = 	snop  }
0x338: {  	[hbm4b:s7+s11] =	stream.indirect.scatter [tilespmem:s10], [sflag:$0x3], $0x1, s31, s11, $0xb8;
	[tilespmem:$0x1B40] =	vst v63  }
0x339: {  	_ =	swait.ge [sflag:s12], $0x800  }
.Ltmp15:
0x33a: {  	[sflag:s12] =	ssyncset.done $0x0;
	(pc) =	sbr.rel .LBB2_20-.Ltmp15, $4  }
0x33b: {  	s3 =	simm.s32 $0x3;
	[sflag:s12] =	ssyncadd.s32 $0xFFFFF800  }
0x33c: {  	_ =	swait.ge [sflag:s3], $0x80  }
0x33d: {  	[sflag:s3] =	ssyncset.done $0x0  }
0x33e: {  	[sflag:s3] =	ssyncadd.s32 $0xFFFFFF80  }
.LBB2_22:
0x33f: {  	_ =	sfence.sel $0x180000  }
0x340: {  	[bflag:$0x0] =	sbarrier.arrive $0xFFFF  }
0x341: {  	_ =	strace $0x90000047  }
0x342: {  	s0 =	stileid.u32;
	[bflag:$0x2] =	sbarrier.arrive $0xFFFF  }
0x343: {  	p0 =	sne.s32 s0, $0x0;
	s0 =	rddreg [dreg:$0x4]  }
0x344: {  	s0 =	sadd.s32 @!p0 $0x100000, s0  }
0x345: {  	[sflag:s0] =	ssyncadd.tile.s32 @!p0 $0x1;
	_ =	shalt  }
.Lfunc_end2:
_tile_overlayer_lowered:
.L_overlay_start_2:
0x346: {  	(tag) =	ssettag $0x2  }
0x347: {  	s0 =	rddreg [dreg:$0x0];
	s2 =	stileid.u32  }
0x348: {  	s1 =	rddreg [dreg:$0x1];
	p0 =	sne.s32 s2, $0x0  }
0x349: {  	s3 =	rddreg [dreg:$0x2];
	[bflag:$0x3] =	sbarrier.arrive $0xFFFF;
	s2 =	simm.s32 @!p0 $0x1C06  }
0x34a: {  	[timem:s3], [sflag:s2] =	dma.local @!p0 [hbm:s0], s1  }
0x34b: {  	s0 =	simm.s32 @!p0 $0x6  }
0x34c: {  	_ =	swait.ge @!p0 [sflag:s0], s1  }
0x34d: {  	s1 =	ssub.s32 @!p0 $0x0, s1;
	[sflag:s0] =	ssyncset.done @!p0 $0x0  }
0x34e: {  	[sflag:s0] =	ssyncadd.s32 @!p0 s1  }
0x34f: {  	[bflag:$0x3] =	sbarrier.arrive $0xFFFF  }
0x350: {  	_ =	shalt  }

// kernel: sparse-core-data-format-call.cloned.1.call-start
scs
called_computation_lowered:
.L_overlay_start_0:
0x0: {  	s2 =	sld [smem:$0x3FD9]  }
0x1: {  	s3 =	sld [smem:$0x3FFE];
	_ =	sdelay $0x1  }
0x2: {  	s1 =	srdreg.scid  }
0x3: {  	s0 =	sand.u32 $0x1, s1  }
0x4: {  	s15 =	sshll.u32 s0, $0xA;
	s2 =	sadd.s32 s3, s2  }
0x5: {  	s2 =	sadd.s32 s2, s15  }
0x6: {  	[smem:$0x3FC4] =	sst s2  }
0x7: {  	_ = 	snop  }
0x8: {  	s2 =	sld [smem:$0x3FD0];
	_ =	sdelay $0x2  }
0x9: {  	s16 =	simm.s32 $0xA;
	s4 =	simm.s32 $0x10  }
0xa: {  	[smem:s4], [sflag:s16] =	dma.local [hbm:s2], $0x1  }
0xb: {  	_ =	swait.eq [sflag:s16], $0x1  }
0xc: {  	[sflag:s16] =	ssyncset.done $0x0  }
0xd: {  	[sflag:s16] =	ssyncadd.s32 $0xFFFFFFFF  }
0xe: {  	s17 =	sld [smem:$0x10];
	(tm) =	ssettm $0x1  }
0xf: {  	s18 =	sld [smem:$0x3FFB];
	_ =	sdelay $0x3  }
0x10: {  	_ =	strace s18  }
0x11: {  	s3 =	sld [smem:$0x3FFC];
	_ =	sdelay $0x3  }
0x12: {  	_ =	strace s3  }
0x13: {  	s3 =	sld [smem:$0x3FFD];
	_ =	sdelay $0x3  }
0x14: {  	_ =	strace s3  }
0x15: {  	_ =	strace $0x8FFFFFFF  }
0x16: {  	s19 =	sld [smem:$0x3FDB];
	_ =	sdelay $0x1  }
0x17: {  	s20 =	simm.s32 $_scs_section_size  }
0x18: {  	s5 =	simm.s32 $_size__tile_overlayer_lowered;
	s6 =	simm.s32 $_tile_overlayer_lowered  }
0x19: {  	s23 =	simm.s32 $0x1BFF;
	s22 =	sshll.u32 s6, $0x1;
	s3 =	sadd.s32 s20, s19  }
0x1a: {  	s7 =	simm.s32 $0x0;
	s21 =	sshll.u32 s5, $0x1;
	s5 =	sadd.s32 s22, s3  }
0x1b: {  	[timem:s7], [sflag:s23] =	dma.local [hbm:s5], s21  }
0x1c: {  	_ =	swait.ge [sflag:s23], s21  }
0x1d: {  	s4 =	ssub.s32 $0x0, s21;
	[sflag:s23] =	ssyncset.done $0x0  }
0x1e: {  	[sflag:s23] =	ssyncadd.s32 s4;
	_ =	sdelay $0x1  }
0x1f: {  	s24 =	simm.s32 $0x1B8B  }
0x20: {  	_ =	swait.ge [sflag:s24], $0x1  }
0x21: {  	[sflag:s24] =	ssyncset.done $0x0  }
0x22: {  	s26 =	simm.s32 $0x1B8E;
	s25 =	sld [smem:$0x3FFE];
	[sflag:s24] =	ssyncadd.s32 $0xFFFFFFFF  }
0x23: {  	s27 =	simm.s32 $execute0_lowered;
	[smem:$0x3FD2] =	sst s26  }
0x24: {  	s5 =	sshll.u32 s27, $0x1;
	_ =	strace $0x80000049;
	[dreg:$0x1] =	wrdreg $0xFFFFFFFF  }
0x25: {  	s28 =	simm.s32 $_size_execute0_lowered;
	s3 =	sadd.s32 s3, s5;
	[dreg:$0x0] =	wrdreg $0x0  }
0x26: {  	s5 =	sshll.u32 s28, $0x1;
	[dreg:$0x2] =	wrdreg s3  }
0x27: {  	[dreg:$0x3] =	wrdreg s5  }
0x28: {  	[dreg:$0x4] =	wrdreg $0xC0  }
0x29: {  	_ =	task [dreg:s7], $0x5FFFF  }
0x2a: {  	[dreg:$0x1] =	wrdreg $0xFFFFFFFF  }
0x2b: {  	[dreg:$0x0] =	wrdreg $0x60  }
0x2c: {  	[dreg:$0x2] =	wrdreg s25  }
0x2d: {  	[dreg:$0x3] =	wrdreg s17  }
0x2e: {  	[dreg:$0x4] =	wrdreg $0x9  }
0x2f: {  	_ =	task.clear_ibuf [dreg:s7], $0x5FFFF;
	_ =	strace $0x90000049  }
0x30: {  	s29 =	simm.s32 $0x9;
	_ =	strace $0x8000004B  }
0x31: {  	_ =	swait.ge [sflag:s29], $0x1  }
0x32: {  	[sflag:s29] =	ssyncadd.s32 $0xFFFFFFFF  }
0x33: {  	_ =	strace $0x9000004B  }
0x34: {  	_ =	sfence  }
0x35: {  	s30 =	sld [smem:$0x0];
	_ =	sdelay $0x2  }
0x36: {  	s31 =	sshll.u32 s1, $0xD;
	s1 =	sshrl.u32 s1, $0x2  }
0x37: {  	s3 =	sand.u32 $0x4000, s31;
	s1 =	sadd.s32 s1, s30  }
0x38: {  	s0 =	sor.u32 s3, s0;
	s1 =	sshll.u32 s1, $0x11  }
0x39: {  	s0 =	sor.u32 s1, s0  }
0x3a: {  	s0 =	sadd.s32 $0x8F2B, s0  }
0x3b: {  	[sflag:s0] =	ssyncadd.remote.s32 $0x1  }
0x3c: {  	_ =	sfence.sel $0xFFFF  }
0x3d: {  	[dreg:$0x0] =	wrdreg $0xFFFFFFFF;
	(pc) =	sbr.abs _section_cstart, $3  }
0x3e: {  	[dreg:$0x1] =	wrdreg $0xFFFFFFFF  }
0x3f: {  	_ =	task.clear_ibuf [dreg:s7], $0x2FFFF;
	_ =	strace $0x9FFFFFFF  }
0x40: {  	(tm) =	ssettm $0x7FFFFFFF  }
0x41: {  	_ =	shalt  }
tec
execute0_lowered:
.L_overlay_start_1:
0x0: {  	(tag) =	ssettag $0x1  }
0x1: {  	s4 =	rddreg [dreg:$0x0]  }
0x2: {  	s0 =	srdreg.scid;
	s2 =	rddreg [dreg:$0x1]  }
0x3: {  	s1 =	stileid.u32;
	s5 =	simm.s32 $0x1;
	s0 =	sshll.u32 s0, $0x4  }
0x4: {  	s7 =	simm.s32 $0x2;
	s11 =	simm.s32 $0x0;
	s3 =	sand.u32 $0x10, s0  }
.Ltmp0:
0x5: {  	p0 =	por $0x0, $0x0;
	s3 =	sor.u32 s1, s3;
	(pc) =	sbr.rel .LBB1_1-.Ltmp0, $4  }
0x6: {  	s8 =	simm.s32 $0xA4CC00;
	s10 =	simm.s32 $0x0;
	s3 =	sshll.u32 s3, $0x7  }
0x7: {  	s0 =	rddreg [dreg:$0x2];
	_ =	strace $0x8000004A;
	s6 =	ssub.s32 $0x149900, s3  }
0x8: {  	s4 =	sadd.s32 $0x17AA200, s4;
	[sflag:s5] =	ssyncpa.u1 $0x0;
	s6 =	sshrl.u32 s6, $0xC  }
0x9: {  	[sflag:s7] =	ssyncpa.u1 $0x0;
	s9 =	smov.u32 s3;
	s7 =	sor.u32 $0x2, s6  }
.LBB1_5:
0xa: {  	s13 =	sadd.s32 $0x1000, s9  }
0xb: {  	p2 =	sgt.s32 s13, $0x14996F  }
0xc: {  	s13 =	smov.u32 @p2 s3;
	p2 =	sne.s32 s10, s7  }
.Ltmp1:
0xd: {  	p1 =	slt.u32 s10, $0x2;
	(pc) =	sbr.rel @!p2 .LBB1_6-.Ltmp1, $4  }
0xe: {  	s12 =	simm.s32 @!p1 $0x2  }
0xf: {  	s14 =	sadd.s32 $0x1, s10;
	_ =	swait.ge @!p1 [sflag:s12], $0x800  }
0x10: {  	s11 =	smov.u32 s9;
	p0 =	por !p0, !p0;
	[sflag:s12] =	ssyncset.done @!p1 $0x0  }
0x11: {  	s10 =	smov.u32 s14;
	s9 =	smov.u32 s13;
	[sflag:s12] =	ssyncadd.s32 @!p1 $0xFFFFF800  }
.LBB1_1:
0x12: {  	p1 =	sgt.u32 s10, s6  }
0x13: {  	s13 =	smov.u32 s9;
	p2 =	sgt.s32 @!p1 s9, $0x1498F0  }
0x14: {  	s12 =	sand.u32 @!p1 $0x1FFFFFF, s9;
	s14 =	sshra.s32 @!p1 s9, $0x1F;
	p2 =	por !p2, p1  }
0x15: {  	s15 =	smulhi.u32 @!p1 $0xC6D751, s12;
	s14 =	sand.u32 @!p1 s14, s9;
	s13 =	simm.s32 @p2 $0x1498F0  }
0x16: {  	s13 =	ssub.s32 @!p1 s13, s14  }
0x17: {  	s14 =	sshrl.u32 @!p1 s15, $0xC;
	s13 =	sadd.s32 @!p1 $0xFFEB6710, s13  }
0x18: {  	s15 =	sxor.u32 @!p1 $0xFFFFFFFF, s10;
	s14 =	smul.u32 @!p1 $0x149970, s14;
	s16 =	sshll.u32 @!p1 s13, $0x6  }
0x19: {  	s15 =	sshll.u32 @!p1 s15, $0xB;
	p2 =	sgt.s32 @!p1 s13, $0x7F;
	s13 =	ssub.s32 @!p1 $0x2000, s16  }
0x1a: {  	s12 =	ssub.s32 @!p1 s12, s14;
	p2 =	por !p2, p1;
	s14 =	sand.u32 @!p1 $0x800, s15  }
0x1b: {  	s15 =	simm.s32 @!p1 $0x10;
	s13 =	sshrl.u32 @!p1 s13, $0x2;
	s12 =	sshll.u32 @!p1 s12, $0x4  }
0x1c: {  	s16 =	simm.s32 @!p1 $0x80;
	s13 =	simm.s32 @!p2 $0x0;
	s12 =	sadd.s32 @!p1 s4, s12  }
0x1d: {  	[tilespmem:s14], [sflag:$0x1] =	stream.strided.gather @!p1 [hbm4b:s12+s15], s13, s16, s15, $0x38;
	[tilespmem:$0x2020] =	vst v63  }
0x1e: {  	p1 =	seq.s32 s10, $0x0  }
0x1f: {  	p2 =	sge.u32 @!p1 s10, s7  }
0x20: {  	p1 =	por p1, p2  }
.Ltmp2:
0x21: {  	_ = 	snop;
	(pc) =	sbr.rel @p1 .LBB1_5-.Ltmp2, $1  }
0x22: {  	_ =	sdelay $0x3  }
0x23: {  	p1 =	sgt.s32 s11, $0x1498F0;
	s12 =	smov.u32 s11;
	s13 =	sshra.s32 s11, $0x1F  }
0x24: {  	s12 =	simm.s32 @!p1 $0x1498F0;
	s13 =	sand.u32 s13, s11  }
0x25: {  	s12 =	ssub.s32 s12, s13  }
0x26: {  	s12 =	sadd.s32 $0xFFEB6710, s12  }
0x27: {  	s29 =	sshll.u32 s12, $0x6  }
0x28: {  	s13 =	ssub.s32 $0x2000, s29  }
0x29: {  	p1 =	sgt.s32 s12, $0x7F;
	s12 =	sshrl.u32 s13, $0x2  }
0x2a: {  	s13 =	simm.s32 $0x1;
	s12 =	simm.s32 @p1 $0x0  }
0x2b: {  	s13 =	simm.s32 @!p0 $0x0;
	_ =	swait.ge [sflag:s5], s12  }
0x2c: {  	s14 =	sshll.u32 s13, $0xB;
	s12 =	ssub.s32 $0x0, s12;
	[sflag:s5] =	ssyncset.done $0x0  }
0x2d: {  	s15 =	sor.u32 $0x40, s14;
	[sflag:s5] =	ssyncadd.s32 s12  }
0x2e: {  	v1 =	vld [tilespmem:s15+$0x30]  }
0x2f: {  	s30 =	smul.u32 $0x2040, s13;
	v4 =	vld [tilespmem:s15+$0xFFFFFFD0]  }
0x30: {  	v5 =	vld [tilespmem:s15+$0xFFFFFFE0]  }
0x31: {  	s31 =	sand.u32 $0x1, s10;
	s12 =	sshrl.u32 s30, $0x2;
	v2 =	vld [tilespmem:s15+$0xFFFFFFF0]  }
0x32: {  	s13 =	smul.u32 $0x2040, s31;
	s12 =	sor.u32 $0x1007, s12;
	v3 =	vld [tilespmem:s15+$0x0]  }
0x33: {  	v0 =	vld [tilespmem:s15+$0x10];
	[tilespmem:s12+$0x0 ss:$0x81] =	vst.msk $0xffff, v1  }
0x34: {  	s13 =	sshrl.u32 s13, $0x2;
	[tilespmem:s12+$0xFFFFFFFA ss:$0x81] =	vst.msk $0xffff, v4;
	v4 =	vld [tilespmem:s15+$0x20]  }
0x35: {  	s14 =	simm.s32 $0x0;
	s13 =	sor.u32 $0x1000, s13;
	v1 =	vld [tilespmem:s15+$0xFFFFFFC0];
	[tilespmem:s12+$0xFFFFFFFB ss:$0x81] =	vst.msk $0xffff, v5;
	s15 =	sadd.s32 $0x80, s15  }
.LBB1_3:
0x36: {  	v5 =	vld [tilespmem:s15+$0x30];
	s14 =	sadd.s32 $0x8, s14;
	[tilespmem:s12+$0xFFFFFFFC ss:$0x81] =	vst.msk $0xffff, v2  }
0x37: {  	v6 =	vld [tilespmem:s15+$0xFFFFFFD0];
	p1 =	slt.u32 s14, $0x78;
	[tilespmem:s12+$0xFFFFFFFD ss:$0x81] =	vst.msk $0xffff, v3  }
0x38: {  	v7 =	vld [tilespmem:s15+$0xFFFFFFE0];
	[tilespmem:s12+$0xFFFFFFFE ss:$0x81] =	vst.msk $0xffff, v0  }
.Ltmp3:
0x39: {  	v2 =	vld [tilespmem:s15+$0xFFFFFFF0];
	[tilespmem:s12+$0xFFFFFFFF ss:$0x81] =	vst.msk $0xffff, v4;
	(pc) =	sbr.rel @p1 .LBB1_3-.Ltmp3, $4  }
0x3a: {  	v3 =	vld [tilespmem:s15+$0x0];
	[tilespmem:s12+$0xFFFFFFF9 ss:$0x81] =	vst.msk $0xffff, v1;
	s12 =	sadd.s32 $0x8, s12  }
0x3b: {  	v0 =	vld [tilespmem:s15+$0x10];
	[tilespmem:s12+$0x0 ss:$0x81] =	vst.msk $0xffff, v5  }
0x3c: {  	[tilespmem:s12+$0xFFFFFFFA ss:$0x81] =	vst.msk $0xffff, v6;
	v4 =	vld [tilespmem:s15+$0x20]  }
0x3d: {  	v1 =	vld [tilespmem:s15+$0xFFFFFFC0];
	[tilespmem:s12+$0xFFFFFFFB ss:$0x81] =	vst.msk $0xffff, v7;
	s15 =	sadd.s32 $0x80, s15  }
0x3e: {  	s14 =	sshll.u32 s11, $0x3  }
0x3f: {  	s30 =	sand.u32 $0x7F, s11;
	s14 =	sand.u32 $0xFFFFFC00, s14  }
0x40: {  	s11 =	sor.u32 s30, s14  }
0x41: {  	s15 =	smulhi.u32 $0xC6D6B67B, s11;
	_ =	sdelay $0x1  }
0x42: {  	s14 =	smulhi.u32 $0xC6D6B67B, s14;
	s15 =	sshrl.u32 s15, $0x14  }
0x43: {  	s15 =	smul.u32 $0x149980, s15  }
0x44: {  	[tilespmem:s12+$0xFFFFFFFC ss:$0x81] =	vst.msk $0xffff, v2;
	s14 =	sshrl.u32 s14, $0x14  }
.Ltmp4:
0x45: {  	[tilespmem:s12+$0xFFFFFFFD ss:$0x81] =	vst.msk $0xffff, v3;
	s14 =	sand.u32 $0xF, s14;
	s11 =	ssub.s32 s11, s15;
	(pc) =	sbr.rel .LBB1_5-.Ltmp4, $4  }
0x46: {  	[tilespmem:s12+$0xFFFFFFFE ss:$0x81] =	vst.msk $0xffff, v0;
	s14 =	smul.u32 $0x29330, s14;
	s15 =	sshrl.u32 s11, $0x3;
	s11 =	sand.u32 $0x7, s11  }
0x47: {  	[tilespmem:s12+$0xFFFFFFFF ss:$0x81] =	vst.msk $0xffff, v4;
	s15 =	sadd.s32 s2, s15;
	s11 =	sshll.u32 s11, $0x12  }
0x48: {  	[tilespmem:s12+$0xFFFFFFF9 ss:$0x81] =	vst.msk $0xffff, v1;
	s31 =	sadd.s32 s14, s15;
	s11 =	sor.u32 $0x400, s11  }
0x49: {  	[hbm4b:s31+s11] =	stream.strided.scatter [tilespmem:s13], [sflag:$0x2], $0x800, s8, s11, $0x20;
	[tilespmem:$0x2020] =	vst v63  }
.LBB1_6:
0x4a: {  	_ =	sfence.sel $0x180000  }
0x4b: {  	s2 =	simm.s32 $0x1;
	[bflag:$0x0] =	sbarrier.arrive $0xFFFF  }
0x4c: {  	s31 =	simm.s32 $0x2;
	[sflag:s2] =	ssyncpa.u1 $0x1  }
0x4d: {  	[sflag:s31] =	ssyncpa.u1 $0x1  }
0x4e: {  	p0 =	sne.s32 s1, $0x0;
	_ =	strace $0x9000004A  }
0x4f: {  	s0 =	sadd.s32 @!p0 $0x100000, s0;
	[bflag:$0x2] =	sbarrier.arrive $0xFFFF  }
0x50: {  	[sflag:s0] =	ssyncadd.tile.s32 @!p0 $0x1;
	_ =	shalt  }
.Lfunc_end1:
_tile_overlayer_lowered:
.L_overlay_start_2:
0x51: {  	(tag) =	ssettag $0x2  }
0x52: {  	s0 =	rddreg [dreg:$0x0];
	s2 =	stileid.u32  }
0x53: {  	s1 =	rddreg [dreg:$0x1];
	p0 =	sne.s32 s2, $0x0  }
0x54: {  	s3 =	rddreg [dreg:$0x2];
	[bflag:$0x3] =	sbarrier.arrive $0xFFFF;
	s2 =	simm.s32 @!p0 $0x1C01  }
0x55: {  	[timem:s3], [sflag:s2] =	dma.local @!p0 [hbm:s0], s1  }
0x56: {  	s0 =	simm.s32 @!p0 $0x1  }
0x57: {  	_ =	swait.ge @!p0 [sflag:s0], s1  }
0x58: {  	s1 =	ssub.s32 @!p0 $0x0, s1;
	[sflag:s0] =	ssyncset.done @!p0 $0x0  }
0x59: {  	[sflag:s0] =	ssyncadd.s32 @!p0 s1  }
0x5a: {  	[bflag:$0x3] =	sbarrier.arrive $0xFFFF  }
0x5b: {  	_ =	shalt  }

</sc_bundles>
